<compile_context>
chip_gen: v7x
topology: tpu7x:2x2x1
jax: 0.10.2.dev20260603
libtpu: 0.0.44.dev20260713+nightly
codegen_flags: <defaults>
</compile_context>

<pallas_src>
import functools

import jax
import jax.numpy as jnp
from jax import lax
from jax.experimental import pallas as pl
from jax.experimental.pallas import tpu as pltpu
from jax.experimental.pallas import tpu_sc as plsc

N, L, V, D = 16384, 200, 100000, 64
VP = 102400

_VBLK = 10240


def _scores_body(w_ref, embt_ref, t_ref):
    et = embt_ref[...]
    w = w_ref[...]
    s = lax.dot_general(w, et, (((1,), (0,)), ((), ())),
                        preferred_element_type=jnp.float32)
    t_ref[...] = jax.nn.sigmoid(s[0])


def _scores(embt, lin_w):
    return pl.pallas_call(
        _scores_body,
        grid=(VP // _VBLK,),
        in_specs=[
            pl.BlockSpec((1, D), lambda i: (0, 0)),
            pl.BlockSpec((D, _VBLK), lambda i: (0, i)),
        ],
        out_specs=pl.BlockSpec((_VBLK,), lambda i: (i,)),
        out_shape=jax.ShapeDtypeStruct((VP,), jnp.float32),
    )(lin_w.reshape(1, D), embt)


_NC, _NS = 2, 16
_NW = _NC * _NS
_RPW = N // _NW
_CBLK = 128
_NCB = _RPW // _CBLK
_LQ = 48
_LQ3 = L - 3 * _LQ


def _sc_body(t_hbm, xt_hbm, w_hbm, base_hbm, out_hbm, tb_hbm,
             t_v, xa, xb, out_v, w_v, base_v, tb_v, sem_a, sem_b):
    wid = lax.axis_index("s") * _NC + lax.axis_index("c")
    col0 = wid * _RPW

    def start_q(cb, q, buf, sem):
        nl = _LQ3 if q == 3 else _LQ
        pltpu.async_copy(
            xt_hbm.at[pl.ds(q * _LQ, nl), pl.ds(col0 + cb * _CBLK, _CBLK)],
            buf.at[pl.ds(0, nl), :], sem)

    def wait_q(q, buf, sem):
        nl = _LQ3 if q == 3 else _LQ
        pltpu.make_async_copy(
            xt_hbm.at[pl.ds(q * _LQ, nl), pl.ds(0, _CBLK)],
            buf.at[pl.ds(0, nl), :], sem).wait()

    start_q(0, 0, xa, sem_a)
    start_q(0, 1, xb, sem_b)
    with jax.named_scope("t_load"):
        pltpu.sync_copy(t_hbm.at[pl.ds(0, V)], t_v)
        pltpu.sync_copy(w_hbm, w_v)

    @pl.when(wid == 0)
    def _():
        pltpu.sync_copy(base_hbm, base_v)
        for c in range(12):
            idx = base_v[pl.ds(16 * c, 16)]
            tb_v[pl.ds(16 * c, 16)] = plsc.load_gather(t_v, [idx])
        idx = base_v[pl.ds(L - 16, 16)]
        tb_v[pl.ds(L - 16, 16)] = plsc.load_gather(t_v, [idx])
        pltpu.sync_copy(tb_v, tb_hbm)

    ngrp = _CBLK // 16

    def lanes(buf, row0, wv, ks, accs):
        accs = list(accs)
        for k in ks:
            wl = wv[k]
            for g in range(ngrp):
                idx = buf[row0 + (k - ks[0]), pl.ds(16 * g, 16)]
                val = plsc.load_gather(t_v, [idx])
                accs[g] = accs[g] + val * wl
        return tuple(accs)

    def half(buf, l0, nchunk, accs):
        def c_body(c, accs):
            lc = l0 + 8 * c
            wv = w_v[pl.ds(lc, 16)]
            return lanes(buf, 8 * c, wv, range(8), accs)

        return lax.fori_loop(0, nchunk, c_body, accs)

    def cb_body(cb, carry):
        zero = jnp.zeros((16,), jnp.float32)
        accs = tuple(zero for _ in range(ngrp))

        with jax.named_scope("wait0"):
            wait_q(0, xa, sem_a)
        accs = half(xa, 0, _LQ // 8, accs)
        start_q(cb, 2, xa, sem_a)

        with jax.named_scope("wait1"):
            wait_q(1, xb, sem_b)
        accs = half(xb, _LQ, _LQ // 8, accs)
        start_q(cb, 3, xb, sem_b)

        with jax.named_scope("wait2"):
            wait_q(2, xa, sem_a)
        accs = half(xa, 2 * _LQ, _LQ // 8, accs)

        @pl.when(cb < _NCB - 1)
        def _():
            start_q(cb + 1, 0, xa, sem_a)

        with jax.named_scope("wait3"):
            wait_q(3, xb, sem_b)
        accs = half(xb, 3 * _LQ, (_LQ3 - 8) // 8, accs)
        accs = lanes(xb, _LQ3 - 8, w_v[pl.ds(L - 16, 16)], range(8, 16), accs)

        @pl.when(cb < _NCB - 1)
        def _():
            start_q(cb + 1, 1, xb, sem_b)

        for g in range(ngrp):
            out_v[pl.ds(cb * _CBLK + 16 * g, 16)] = accs[g]
        return carry

    lax.fori_loop(0, _NCB, cb_body, 0)
    pltpu.sync_copy(out_v, out_hbm.at[pl.ds(col0, _RPW)])


_sc_call = functools.partial(
    pl.kernel,
    mesh=plsc.VectorSubcoreMesh(core_axis_name="c", subcore_axis_name="s"),
    out_type=[jax.ShapeDtypeStruct((N,), jnp.float32),
              jax.ShapeDtypeStruct((L,), jnp.float32)],
    compiler_params=pltpu.CompilerParams(needs_layout_passes=False),
    scratch_types=[
        pltpu.VMEM((V,), jnp.float32),
        pltpu.VMEM((_LQ3, _CBLK), jnp.int32),
        pltpu.VMEM((_LQ3, _CBLK), jnp.int32),
        pltpu.VMEM((_RPW,), jnp.float32),
        pltpu.VMEM((L,), jnp.float32),
        pltpu.VMEM((L,), jnp.int32),
        pltpu.VMEM((L,), jnp.float32),
        pltpu.SemaphoreType.DMA,
        pltpu.SemaphoreType.DMA,
    ],
)(_sc_body)


_CB = 4096


def _combine_body(xt_ref, base_ref, w_ref, b_ref, tb_ref, acc_ref, out_ref):
    xt = xt_ref[...]
    c = tb_ref[...] * w_ref[...] + b_ref[...]
    maskf = (xt == base_ref[...]).astype(jnp.float32)
    corr = lax.dot_general(c, maskf, (((0,), (0,)), ((), ())),
                           preferred_element_type=jnp.float32)
    bsum = jnp.sum(b_ref[...])
    out_ref[...] = acc_ref[...] + (bsum - corr[0])


def _combine(xt, base2, w2, b2, tb2, acc):
    return pl.pallas_call(
        _combine_body,
        grid=(N // _CB,),
        in_specs=[
            pl.BlockSpec((L, _CB), lambda i: (0, i)),
            pl.BlockSpec((L, 1), lambda i: (0, 0)),
            pl.BlockSpec((L, 1), lambda i: (0, 0)),
            pl.BlockSpec((L, 1), lambda i: (0, 0)),
            pl.BlockSpec((L, 1), lambda i: (0, 0)),
            pl.BlockSpec((_CB,), lambda i: (i,)),
        ],
        out_specs=pl.BlockSpec((_CB,), lambda i: (i,)),
        out_shape=jax.ShapeDtypeStruct((N,), jnp.float32),
    )(xt, base2, w2, b2, tb2, acc)


def kernel(x, emb, lin_w, weight_layer, bias_layer, base_seq):
    xt = x.astype(jnp.int32).T
    t = _scores(emb.astype(jnp.float32).T, lin_w.astype(jnp.float32))
    w = weight_layer.astype(jnp.float32)
    b = bias_layer.astype(jnp.float32)
    s = base_seq.astype(jnp.int32)
    acc, tb = _sc_call(t, xt, w, s)
    return _combine(xt, s.reshape(L, 1), w.reshape(L, 1), b.reshape(L, 1),
                    tb.reshape(L, 1), acc)

# --- scband reference (transcript-rebuilt; emitter-appended) ---
"""Pipeline reference for scband-fully-connected-activity-predictor-62036507623729 (READ-ONLY COPY).

The authoritative reference and input builder live on the scoring server;
editing this copy changes nothing except your own understanding.
"""

import jax, jax.numpy as jnp
import numpy as np

N, L, V, D = 16384, 200, 100000, 64


def setup_inputs(seed: int = 0) -> dict:
    key = jax.random.key(seed)
    k1, k2, k3, k4, k5, k6 = jax.random.split(key, 6)
    x = jax.random.randint(k1, (N, L), 0, V, dtype=jnp.int64) if jax.config.jax_enable_x64 else jax.random.randint(k1, (N, L), 0, V)
    emb = jax.random.normal(k2, (V, D), dtype=jnp.float32) * 0.02
    lin_w = jax.random.normal(k3, (D,), dtype=jnp.float32) * 0.1
    weight_layer = jax.random.normal(k4, (L,), dtype=jnp.float32) * 0.5
    bias_layer = jax.random.normal(k5, (L,), dtype=jnp.float32) * 0.5
    base_seq = jax.random.randint(k6, (L,), 0, V)
    return {"x": x, "emb": emb, "lin_w": lin_w, "weight_layer": weight_layer, "bias_layer": bias_layer, "base_seq": base_seq}


def reference(x, emb, lin_w, weight_layer, bias_layer, base_seq):
    # embedding lookup: (N, L) -> (N, L, D)
    out = jnp.take(emb, x, axis=0)
    # linear (D -> 1, no bias) then squeeze: (N, L)
    out = jnp.einsum('nld,d->nl', out, lin_w)
    out = jax.nn.sigmoid(out)
    # per-position affine
    out = out * weight_layer[None, :] + bias_layer[None, :]
    # zero out positions equal to base sequence
    mask = base_seq[None, :] == x
    out = jnp.where(mask, 0.0, out)
    # sum over sequence positions
    out = jnp.sum(out, axis=-1)
    return out

if __name__ == "__main__":
    import jax
    _d = setup_inputs()
    print(jax.jit(kernel)(*tuple(_d.values())))

</pallas_src>

<mosaic_0001>
#map = affine_map<(d0, d1) -> (0)>
#map1 = affine_map<(d0, d1) -> (0, 0)>
module attributes {stable_mosaic.version = 14 : i64} {
  func.func @_sc_body(%arg0: i32, %arg1: i32, %arg2: memref<102400xf32, #tpu.memory_space<hbm>>, %arg3: memref<200x16384xi32, #tpu.memory_space<hbm>>, %arg4: memref<200xf32, #tpu.memory_space<hbm>>, %arg5: memref<200xi32, #tpu.memory_space<hbm>>, %arg6: memref<16384xf32, #tpu.memory_space<hbm>>, %arg7: memref<200xf32, #tpu.memory_space<hbm>>, %arg8: memref<100000xf32, #tpu.memory_space<vmem>>, %arg9: memref<56x128xi32, #tpu.memory_space<vmem>>, %arg10: memref<56x128xi32, #tpu.memory_space<vmem>>, %arg11: memref<512xf32, #tpu.memory_space<vmem>>, %arg12: memref<200xf32, #tpu.memory_space<vmem>>, %arg13: memref<200xi32, #tpu.memory_space<vmem>>, %arg14: memref<200xf32, #tpu.memory_space<vmem>>, %arg15: memref<!tpu.dma_semaphore, #tpu.memory_space<semaphore_mem>>, %arg16: memref<!tpu.dma_semaphore, #tpu.memory_space<semaphore_mem>>) attributes {dimension_semantics = [#tpu.dimension_semantics<core_parallel>, #tpu.dimension_semantics<subcore_parallel>], iteration_bounds = array<i64: 2, 16>, scalar_prefetch = 0 : i64, scratch_operands = 9 : i64, tpu.core_type = #tpu.core_type<sc_vector_subcore>, window_params = [{transform_indices = #map}, {transform_indices = #map1}, {transform_indices = #map}, {transform_indices = #map}, {transform_indices = #map}, {transform_indices = #map}]} {
    %mul3A = arith.constant 2 : i32
    %mul3A_0 = arith.muli %arg1, %mul3A : i32
    %add3A = arith.addi %mul3A_0, %arg0 : i32
    %mul3A_1 = arith.constant 512 : i32
    %mul3A_2 = arith.muli %add3A, %mul3A_1 : i32
    %add3A_3 = arith.constant 0 : i32
    %add3A_4 = arith.addi %mul3A_2, %add3A_3 : i32
    %dma_start3A = arith.constant 0 : i32
    %dma_start3A_5 = arith.constant 0 : i32
    %dma_start3A_6 = tpu.memref_slice %arg9[%dma_start3A, %dma_start3A_5] : memref<56x128xi32, #tpu.memory_space<vmem>> -> memref<48x128xi32, #tpu.memory_space<vmem>>
    %dma_start3A_7 = arith.constant 0 : i32
    %dma_start3A_8 = tpu.memref_slice %arg3[%dma_start3A_7, %add3A_4] : memref<200x16384xi32, #tpu.memory_space<hbm>> -> memref<48x128xi32, #tpu.memory_space<hbm>>
    %dma_start3A_9 = arith.constant 0 : i32
    %dma_start3A_10 = arith.constant 0 : i32
    %dma_start3A_11 = tpu.memref_slice %arg9[%dma_start3A_9, %dma_start3A_10] : memref<56x128xi32, #tpu.memory_space<vmem>> -> memref<48x128xi32, #tpu.memory_space<vmem>>
    %dma_start3A_12 = arith.constant 0 : i32
    %dma_start3A_13 = tpu.memref_slice %arg3[%dma_start3A_12, %add3A_4] : memref<200x16384xi32, #tpu.memory_space<hbm>> -> memref<48x128xi32, #tpu.memory_space<hbm>>
    tpu.enqueue_dma source(%dma_start3A_13 : memref<48x128xi32, #tpu.memory_space<hbm>>) target(%dma_start3A_11 : memref<48x128xi32, #tpu.memory_space<vmem>>) target_semaphore(%arg15 : memref<!tpu.dma_semaphore, #tpu.memory_space<semaphore_mem>>)
    %add3A_14 = arith.constant 0 : i32
    %add3A_15 = arith.addi %mul3A_2, %add3A_14 : i32
    %dma_start3A_16 = arith.constant 0 : i32
    %dma_start3A_17 = arith.constant 0 : i32
    %dma_start3A_18 = tpu.memref_slice %arg10[%dma_start3A_16, %dma_start3A_17] : memref<56x128xi32, #tpu.memory_space<vmem>> -> memref<48x128xi32, #tpu.memory_space<vmem>>
    %dma_start3A_19 = arith.constant 48 : i32
    %dma_start3A_20 = tpu.memref_slice %arg3[%dma_start3A_19, %add3A_15] : memref<200x16384xi32, #tpu.memory_space<hbm>> -> memref<48x128xi32, #tpu.memory_space<hbm>>
    %dma_start3A_21 = arith.constant 0 : i32
    %dma_start3A_22 = arith.constant 0 : i32
    %dma_start3A_23 = tpu.memref_slice %arg10[%dma_start3A_21, %dma_start3A_22] : memref<56x128xi32, #tpu.memory_space<vmem>> -> memref<48x128xi32, #tpu.memory_space<vmem>>
    %dma_start3A_24 = arith.constant 48 : i32
    %dma_start3A_25 = tpu.memref_slice %arg3[%dma_start3A_24, %add3A_15] : memref<200x16384xi32, #tpu.memory_space<hbm>> -> memref<48x128xi32, #tpu.memory_space<hbm>>
    tpu.enqueue_dma source(%dma_start3A_25 : memref<48x128xi32, #tpu.memory_space<hbm>>) target(%dma_start3A_23 : memref<48x128xi32, #tpu.memory_space<vmem>>) target_semaphore(%arg16 : memref<!tpu.dma_semaphore, #tpu.memory_space<semaphore_mem>>)
    "tpu.trace_start"() <{level = 10 : i32, message = "t_load"}> : () -> ()
    "tpu.region"() ({
      %run_scoped3A = tpu.sem_alloc : memref<!tpu.dma_semaphore, #tpu.memory_space<semaphore_mem>>
      %dma_start3A_33 = arith.constant 0 : i32
      %dma_start3A_34 = tpu.memref_slice %arg2[%dma_start3A_33] : memref<102400xf32, #tpu.memory_space<hbm>> -> memref<100000xf32, #tpu.memory_space<hbm>>
      %dma_start3A_35 = arith.constant 0 : i32
      %dma_start3A_36 = tpu.memref_slice %arg2[%dma_start3A_35] : memref<102400xf32, #tpu.memory_space<hbm>> -> memref<100000xf32, #tpu.memory_space<hbm>>
      tpu.enqueue_dma source(%dma_start3A_36 : memref<100000xf32, #tpu.memory_space<hbm>>) target(%arg8 : memref<100000xf32, #tpu.memory_space<vmem>>) target_semaphore(%run_scoped3A : memref<!tpu.dma_semaphore, #tpu.memory_space<semaphore_mem>>)
      %dma_wait3A = arith.constant 0 : i32
      %dma_wait3A_37 = tpu.memref_slice %arg2[%dma_wait3A] : memref<102400xf32, #tpu.memory_space<hbm>> -> memref<100000xf32, #tpu.memory_space<hbm>>
      %dma_wait3A_38 = arith.constant 0 : i32
      %dma_wait3A_39 = tpu.memref_slice %arg2[%dma_wait3A_38] : memref<102400xf32, #tpu.memory_space<hbm>> -> memref<100000xf32, #tpu.memory_space<hbm>>
      tpu.wait_dma2 semaphore(%run_scoped3A : memref<!tpu.dma_semaphore, #tpu.memory_space<semaphore_mem>>) src(%dma_wait3A_39 : memref<100000xf32, #tpu.memory_space<hbm>>) dst(%arg8 : memref<100000xf32, #tpu.memory_space<vmem>>)
      tpu.yield
    }) : () -> ()
    "tpu.region"() ({
      %run_scoped3A = tpu.sem_alloc : memref<!tpu.dma_semaphore, #tpu.memory_space<semaphore_mem>>
      tpu.enqueue_dma source(%arg4 : memref<200xf32, #tpu.memory_space<hbm>>) target(%arg12 : memref<200xf32, #tpu.memory_space<vmem>>) target_semaphore(%run_scoped3A : memref<!tpu.dma_semaphore, #tpu.memory_space<semaphore_mem>>)
      tpu.wait_dma2 semaphore(%run_scoped3A : memref<!tpu.dma_semaphore, #tpu.memory_space<semaphore_mem>>) src(%arg4 : memref<200xf32, #tpu.memory_space<hbm>>) dst(%arg12 : memref<200xf32, #tpu.memory_space<vmem>>)
      tpu.yield
    }) : () -> ()
    %eq3A = arith.constant 0 : i32
    "tpu.trace_stop"() : () -> ()
    %eq3A_26 = arith.cmpi eq, %add3A, %eq3A : i32
    %convert_element_type3A = arith.extui %eq3A_26 : i1 to i32
    %cond3A = arith.constant 0 : i32
    %cond3A_27 = arith.cmpi ne, %convert_element_type3A, %cond3A : i32
    scf.if %cond3A_27 {
      "tpu.region"() ({
        %run_scoped3A = tpu.sem_alloc : memref<!tpu.dma_semaphore, #tpu.memory_space<semaphore_mem>>
        tpu.enqueue_dma source(%arg5 : memref<200xi32, #tpu.memory_space<hbm>>) target(%arg13 : memref<200xi32, #tpu.memory_space<vmem>>) target_semaphore(%run_scoped3A : memref<!tpu.dma_semaphore, #tpu.memory_space<semaphore_mem>>)
        tpu.wait_dma2 semaphore(%run_scoped3A : memref<!tpu.dma_semaphore, #tpu.memory_space<semaphore_mem>>) src(%arg5 : memref<200xi32, #tpu.memory_space<hbm>>) dst(%arg13 : memref<200xi32, #tpu.memory_space<vmem>>)
        tpu.yield
      }) : () -> ()
      %get3A = arith.constant 0 : index
      %get3A_33 = tpu.vector_load %arg13[%get3A] {strides = array<i32>} : memref<200xi32, #tpu.memory_space<vmem>>, vector<16xi32>,
      %gather3A = tpu.vector_load_idx %arg8[%get3A_33] : memref<100000xf32, #tpu.memory_space<vmem>>[vector<16xi32>], vector<16xf32>,
      %swap3A = arith.constant 0 : index
      %swap3A_34 = tpu.vector_load %arg14[%swap3A] {strides = array<i32>} : memref<200xf32, #tpu.memory_space<vmem>>, vector<16xf32>,
      tpu.vector_store %arg14[%swap3A], %gather3A {strides = array<i32>} : memref<200xf32, #tpu.memory_space<vmem>>, vector<16xf32>,
      %get3A_35 = arith.constant 16 : index
      %get3A_36 = tpu.vector_load %arg13[%get3A_35] {strides = array<i32>} : memref<200xi32, #tpu.memory_space<vmem>>, vector<16xi32>,
      %gather3A_37 = tpu.vector_load_idx %arg8[%get3A_36] : memref<100000xf32, #tpu.memory_space<vmem>>[vector<16xi32>], vector<16xf32>,
      %swap3A_38 = arith.constant 16 : index
      %swap3A_39 = tpu.vector_load %arg14[%swap3A_38] {strides = array<i32>} : memref<200xf32, #tpu.memory_space<vmem>>, vector<16xf32>,
      tpu.vector_store %arg14[%swap3A_38], %gather3A_37 {strides = array<i32>} : memref<200xf32, #tpu.memory_space<vmem>>, vector<16xf32>,
      %get3A_40 = arith.constant 32 : index
      %get3A_41 = tpu.vector_load %arg13[%get3A_40] {strides = array<i32>} : memref<200xi32, #tpu.memory_space<vmem>>, vector<16xi32>,
      %gather3A_42 = tpu.vector_load_idx %arg8[%get3A_41] : memref<100000xf32, #tpu.memory_space<vmem>>[vector<16xi32>], vector<16xf32>,
      %swap3A_43 = arith.constant 32 : index
      %swap3A_44 = tpu.vector_load %arg14[%swap3A_43] {strides = array<i32>} : memref<200xf32, #tpu.memory_space<vmem>>, vector<16xf32>,
      tpu.vector_store %arg14[%swap3A_43], %gather3A_42 {strides = array<i32>} : memref<200xf32, #tpu.memory_space<vmem>>, vector<16xf32>,
      %get3A_45 = arith.constant 48 : index
      %get3A_46 = tpu.vector_load %arg13[%get3A_45] {strides = array<i32>} : memref<200xi32, #tpu.memory_space<vmem>>, vector<16xi32>,
      %gather3A_47 = tpu.vector_load_idx %arg8[%get3A_46] : memref<100000xf32, #tpu.memory_space<vmem>>[vector<16xi32>], vector<16xf32>,
      %swap3A_48 = arith.constant 48 : index
      %swap3A_49 = tpu.vector_load %arg14[%swap3A_48] {strides = array<i32>} : memref<200xf32, #tpu.memory_space<vmem>>, vector<16xf32>,
      tpu.vector_store %arg14[%swap3A_48], %gather3A_47 {strides = array<i32>} : memref<200xf32, #tpu.memory_space<vmem>>, vector<16xf32>,
      %get3A_50 = arith.constant 64 : index
      %get3A_51 = tpu.vector_load %arg13[%get3A_50] {strides = array<i32>} : memref<200xi32, #tpu.memory_space<vmem>>, vector<16xi32>,
      %gather3A_52 = tpu.vector_load_idx %arg8[%get3A_51] : memref<100000xf32, #tpu.memory_space<vmem>>[vector<16xi32>], vector<16xf32>,
      %swap3A_53 = arith.constant 64 : index
      %swap3A_54 = tpu.vector_load %arg14[%swap3A_53] {strides = array<i32>} : memref<200xf32, #tpu.memory_space<vmem>>, vector<16xf32>,
      tpu.vector_store %arg14[%swap3A_53], %gather3A_52 {strides = array<i32>} : memref<200xf32, #tpu.memory_space<vmem>>, vector<16xf32>,
      %get3A_55 = arith.constant 80 : index
      %get3A_56 = tpu.vector_load %arg13[%get3A_55] {strides = array<i32>} : memref<200xi32, #tpu.memory_space<vmem>>, vector<16xi32>,
      %gather3A_57 = tpu.vector_load_idx %arg8[%get3A_56] : memref<100000xf32, #tpu.memory_space<vmem>>[vector<16xi32>], vector<16xf32>,
      %swap3A_58 = arith.constant 80 : index
      %swap3A_59 = tpu.vector_load %arg14[%swap3A_58] {strides = array<i32>} : memref<200xf32, #tpu.memory_space<vmem>>, vector<16xf32>,
      tpu.vector_store %arg14[%swap3A_58], %gather3A_57 {strides = array<i32>} : memref<200xf32, #tpu.memory_space<vmem>>, vector<16xf32>,
      %get3A_60 = arith.constant 96 : index
      %get3A_61 = tpu.vector_load %arg13[%get3A_60] {strides = array<i32>} : memref<200xi32, #tpu.memory_space<vmem>>, vector<16xi32>,
      %gather3A_62 = tpu.vector_load_idx %arg8[%get3A_61] : memref<100000xf32, #tpu.memory_space<vmem>>[vector<16xi32>], vector<16xf32>,
      %swap3A_63 = arith.constant 96 : index
      %swap3A_64 = tpu.vector_load %arg14[%swap3A_63] {strides = array<i32>} : memref<200xf32, #tpu.memory_space<vmem>>, vector<16xf32>,
      tpu.vector_store %arg14[%swap3A_63], %gather3A_62 {strides = array<i32>} : memref<200xf32, #tpu.memory_space<vmem>>, vector<16xf32>,
      %get3A_65 = arith.constant 112 : index
      %get3A_66 = tpu.vector_load %arg13[%get3A_65] {strides = array<i32>} : memref<200xi32, #tpu.memory_space<vmem>>, vector<16xi32>,
      %gather3A_67 = tpu.vector_load_idx %arg8[%get3A_66] : memref<100000xf32, #tpu.memory_space<vmem>>[vector<16xi32>], vector<16xf32>,
      %swap3A_68 = arith.constant 112 : index
      %swap3A_69 = tpu.vector_load %arg14[%swap3A_68] {strides = array<i32>} : memref<200xf32, #tpu.memory_space<vmem>>, vector<16xf32>,
      tpu.vector_store %arg14[%swap3A_68], %gather3A_67 {strides = array<i32>} : memref<200xf32, #tpu.memory_space<vmem>>, vector<16xf32>,
      %get3A_70 = arith.constant 128 : index
      %get3A_71 = tpu.vector_load %arg13[%get3A_70] {strides = array<i32>} : memref<200xi32, #tpu.memory_space<vmem>>, vector<16xi32>,
      %gather3A_72 = tpu.vector_load_idx %arg8[%get3A_71] : memref<100000xf32, #tpu.memory_space<vmem>>[vector<16xi32>], vector<16xf32>,
      %swap3A_73 = arith.constant 128 : index
      %swap3A_74 = tpu.vector_load %arg14[%swap3A_73] {strides = array<i32>} : memref<200xf32, #tpu.memory_space<vmem>>, vector<16xf32>,
      tpu.vector_store %arg14[%swap3A_73], %gather3A_72 {strides = array<i32>} : memref<200xf32, #tpu.memory_space<vmem>>, vector<16xf32>,
      %get3A_75 = arith.constant 144 : index
      %get3A_76 = tpu.vector_load %arg13[%get3A_75] {strides = array<i32>} : memref<200xi32, #tpu.memory_space<vmem>>, vector<16xi32>,
      %gather3A_77 = tpu.vector_load_idx %arg8[%get3A_76] : memref<100000xf32, #tpu.memory_space<vmem>>[vector<16xi32>], vector<16xf32>,
      %swap3A_78 = arith.constant 144 : index
      %swap3A_79 = tpu.vector_load %arg14[%swap3A_78] {strides = array<i32>} : memref<200xf32, #tpu.memory_space<vmem>>, vector<16xf32>,
      tpu.vector_store %arg14[%swap3A_78], %gather3A_77 {strides = array<i32>} : memref<200xf32, #tpu.memory_space<vmem>>, vector<16xf32>,
      %get3A_80 = arith.constant 160 : index
      %get3A_81 = tpu.vector_load %arg13[%get3A_80] {strides = array<i32>} : memref<200xi32, #tpu.memory_space<vmem>>, vector<16xi32>,
      %gather3A_82 = tpu.vector_load_idx %arg8[%get3A_81] : memref<100000xf32, #tpu.memory_space<vmem>>[vector<16xi32>], vector<16xf32>,
      %swap3A_83 = arith.constant 160 : index
      %swap3A_84 = tpu.vector_load %arg14[%swap3A_83] {strides = array<i32>} : memref<200xf32, #tpu.memory_space<vmem>>, vector<16xf32>,
      tpu.vector_store %arg14[%swap3A_83], %gather3A_82 {strides = array<i32>} : memref<200xf32, #tpu.memory_space<vmem>>, vector<16xf32>,
      %get3A_85 = arith.constant 176 : index
      %get3A_86 = tpu.vector_load %arg13[%get3A_85] {strides = array<i32>} : memref<200xi32, #tpu.memory_space<vmem>>, vector<16xi32>,
      %gather3A_87 = tpu.vector_load_idx %arg8[%get3A_86] : memref<100000xf32, #tpu.memory_space<vmem>>[vector<16xi32>], vector<16xf32>,
      %swap3A_88 = arith.constant 176 : index
      %swap3A_89 = tpu.vector_load %arg14[%swap3A_88] {strides = array<i32>} : memref<200xf32, #tpu.memory_space<vmem>>, vector<16xf32>,
      tpu.vector_store %arg14[%swap3A_88], %gather3A_87 {strides = array<i32>} : memref<200xf32, #tpu.memory_space<vmem>>, vector<16xf32>,
      %get3A_90 = arith.constant 184 : index
      %get3A_91 = tpu.vector_load %arg13[%get3A_90] {strides = array<i32>} : memref<200xi32, #tpu.memory_space<vmem>>, vector<16xi32>,
      %gather3A_92 = tpu.vector_load_idx %arg8[%get3A_91] : memref<100000xf32, #tpu.memory_space<vmem>>[vector<16xi32>], vector<16xf32>,
      %swap3A_93 = arith.constant 184 : index
      %swap3A_94 = tpu.vector_load %arg14[%swap3A_93] {strides = array<i32>} : memref<200xf32, #tpu.memory_space<vmem>>, vector<16xf32>,
      tpu.vector_store %arg14[%swap3A_93], %gather3A_92 {strides = array<i32>} : memref<200xf32, #tpu.memory_space<vmem>>, vector<16xf32>,
      "tpu.region"() ({
        %run_scoped3A = tpu.sem_alloc : memref<!tpu.dma_semaphore, #tpu.memory_space<semaphore_mem>>
        tpu.enqueue_dma source(%arg14 : memref<200xf32, #tpu.memory_space<vmem>>) target(%arg7 : memref<200xf32, #tpu.memory_space<hbm>>) target_semaphore(%run_scoped3A : memref<!tpu.dma_semaphore, #tpu.memory_space<semaphore_mem>>)
        tpu.wait_dma2 semaphore(%run_scoped3A : memref<!tpu.dma_semaphore, #tpu.memory_space<semaphore_mem>>) src(%arg14 : memref<200xf32, #tpu.memory_space<vmem>>) dst(%arg7 : memref<200xf32, #tpu.memory_space<hbm>>)
        tpu.yield
      }) : () -> ()
    } else {
    }
    %scan3A = arith.constant 0 : i32
    %scan3A_28 = arith.constant 0 : i32
    %scan3A_29 = arith.constant 4 : i32
    %scan3A_30 = arith.addi %scan3A_28, %scan3A_29 : i32
    %scan3A_31 = arith.constant 1 : i32
    scf.for %scan3A_33 = %scan3A_28 to %scan3A_30 step %scan3A_31  : i32 {
      %broadcast_in_dim3A = arith.constant 0.000000e+00 : f32
      %broadcast_in_dim3A_34 = vector.broadcast %broadcast_in_dim3A : f32 to vector<16xf32>
      "tpu.trace_start"() <{level = 10 : i32, message = "wait0"}> : () -> ()
      %dma_wait3A = arith.constant 0 : i32
      %dma_wait3A_35 = arith.constant 0 : i32
      %dma_wait3A_36 = tpu.memref_slice %arg9[%dma_wait3A, %dma_wait3A_35] : memref<56x128xi32, #tpu.memory_space<vmem>> -> memref<48x128xi32, #tpu.memory_space<vmem>>
      %dma_wait3A_37 = arith.constant 0 : i32
      %dma_wait3A_38 = arith.constant 0 : i32
      %dma_wait3A_39 = tpu.memref_slice %arg3[%dma_wait3A_37, %dma_wait3A_38] : memref<200x16384xi32, #tpu.memory_space<hbm>> -> memref<48x128xi32, #tpu.memory_space<hbm>>
      %dma_wait3A_40 = arith.constant 0 : i32
      %dma_wait3A_41 = arith.constant 0 : i32
      %dma_wait3A_42 = tpu.memref_slice %arg9[%dma_wait3A_40, %dma_wait3A_41] : memref<56x128xi32, #tpu.memory_space<vmem>> -> memref<48x128xi32, #tpu.memory_space<vmem>>
      %dma_wait3A_43 = arith.constant 0 : i32
      %dma_wait3A_44 = arith.constant 0 : i32
      %dma_wait3A_45 = tpu.memref_slice %arg3[%dma_wait3A_43, %dma_wait3A_44] : memref<200x16384xi32, #tpu.memory_space<hbm>> -> memref<48x128xi32, #tpu.memory_space<hbm>>
      tpu.wait_dma2 semaphore(%arg15 : memref<!tpu.dma_semaphore, #tpu.memory_space<semaphore_mem>>) src(%dma_wait3A_45 : memref<48x128xi32, #tpu.memory_space<hbm>>) dst(%dma_wait3A_42 : memref<48x128xi32, #tpu.memory_space<vmem>>)
      "tpu.trace_stop"() : () -> ()
      %scan3A_46 = arith.constant 0 : i32
      %scan3A_47 = arith.constant 6 : i32
      %scan3A_48 = arith.addi %scan3A_46, %scan3A_47 : i32
      %scan3A_49 = arith.constant 1 : i32
      %scan3A_50:8 = scf.for %scan3A_714 = %scan3A_46 to %scan3A_48 step %scan3A_49 iter_args(%scan3A_715 = %broadcast_in_dim3A_34, %scan3A_716 = %broadcast_in_dim3A_34, %scan3A_717 = %broadcast_in_dim3A_34, %scan3A_718 = %broadcast_in_dim3A_34, %scan3A_719 = %broadcast_in_dim3A_34, %scan3A_720 = %broadcast_in_dim3A_34, %scan3A_721 = %broadcast_in_dim3A_34, %scan3A_722 = %broadcast_in_dim3A_34) -> (vector<16xf32>, vector<16xf32>, vector<16xf32>, vector<16xf32>, vector<16xf32>, vector<16xf32>, vector<16xf32>, vector<16xf32>)  : i32 {
        %mul3A_723 = arith.constant 8 : i32
        %mul3A_724 = arith.muli %mul3A_723, %scan3A_714 : i32
        %add3A_725 = arith.constant 0 : i32
        %add3A_726 = arith.addi %add3A_725, %mul3A_724 : i32
        %get3A_727 = arith.index_cast %add3A_726 : i32 to index
        %get3A_728 = tpu.vector_load %arg12[%get3A_727] {strides = array<i32>} : memref<200xf32, #tpu.memory_space<vmem>>, vector<16xf32>,
        %mul3A_729 = arith.constant 8 : i32
        %mul3A_730 = arith.muli %mul3A_729, %scan3A_714 : i32
        %slice3A_731 = vector.extract_strided_slice %get3A_728 {offsets = [0], sizes = [1], strides = [1]} : vector<16xf32> to vector<1xf32>
        %squeeze3A_732 = vector.extract %slice3A_731[0] : f32 from vector<1xf32>
        %add3A_733 = arith.constant 0 : i32
        %add3A_734 = arith.addi %mul3A_730, %add3A_733 : i32
        %get3A_735 = arith.index_cast %add3A_734 : i32 to index
        %get3A_736 = arith.constant 0 : index
        %get3A_737 = tpu.vector_load %arg9[%get3A_735, %get3A_736] {strides = array<i32>} : memref<56x128xi32, #tpu.memory_space<vmem>>, vector<16xi32>,
        %gather3A_738 = tpu.vector_load_idx %arg8[%get3A_737] : memref<100000xf32, #tpu.memory_space<vmem>>[vector<16xi32>], vector<16xf32>,
        %mul3A_739 = vector.broadcast %squeeze3A_732 : f32 to vector<16xf32>
        %mul3A_740 = arith.mulf %gather3A_738, %mul3A_739 : vector<16xf32>
        %add3A_741 = arith.addf %scan3A_715, %mul3A_740 : vector<16xf32>
        %add3A_742 = arith.constant 0 : i32
        %add3A_743 = arith.addi %mul3A_730, %add3A_742 : i32
        %get3A_744 = arith.index_cast %add3A_743 : i32 to index
        %get3A_745 = arith.constant 16 : index
        %get3A_746 = tpu.vector_load %arg9[%get3A_744, %get3A_745] {strides = array<i32>} : memref<56x128xi32, #tpu.memory_space<vmem>>, vector<16xi32>,
        %gather3A_747 = tpu.vector_load_idx %arg8[%get3A_746] : memref<100000xf32, #tpu.memory_space<vmem>>[vector<16xi32>], vector<16xf32>,
        %mul3A_748 = vector.broadcast %squeeze3A_732 : f32 to vector<16xf32>
        %mul3A_749 = arith.mulf %gather3A_747, %mul3A_748 : vector<16xf32>
        %add3A_750 = arith.addf %scan3A_716, %mul3A_749 : vector<16xf32>
        %add3A_751 = arith.constant 0 : i32
        %add3A_752 = arith.addi %mul3A_730, %add3A_751 : i32
        %get3A_753 = arith.index_cast %add3A_752 : i32 to index
        %get3A_754 = arith.constant 32 : index
        %get3A_755 = tpu.vector_load %arg9[%get3A_753, %get3A_754] {strides = array<i32>} : memref<56x128xi32, #tpu.memory_space<vmem>>, vector<16xi32>,
        %gather3A_756 = tpu.vector_load_idx %arg8[%get3A_755] : memref<100000xf32, #tpu.memory_space<vmem>>[vector<16xi32>], vector<16xf32>,
        %mul3A_757 = vector.broadcast %squeeze3A_732 : f32 to vector<16xf32>
        %mul3A_758 = arith.mulf %gather3A_756, %mul3A_757 : vector<16xf32>
        %add3A_759 = arith.addf %scan3A_717, %mul3A_758 : vector<16xf32>
        %add3A_760 = arith.constant 0 : i32
        %add3A_761 = arith.addi %mul3A_730, %add3A_760 : i32
        %get3A_762 = arith.index_cast %add3A_761 : i32 to index
        %get3A_763 = arith.constant 48 : index
        %get3A_764 = tpu.vector_load %arg9[%get3A_762, %get3A_763] {strides = array<i32>} : memref<56x128xi32, #tpu.memory_space<vmem>>, vector<16xi32>,
        %gather3A_765 = tpu.vector_load_idx %arg8[%get3A_764] : memref<100000xf32, #tpu.memory_space<vmem>>[vector<16xi32>], vector<16xf32>,
        %mul3A_766 = vector.broadcast %squeeze3A_732 : f32 to vector<16xf32>
        %mul3A_767 = arith.mulf %gather3A_765, %mul3A_766 : vector<16xf32>
        %add3A_768 = arith.addf %scan3A_718, %mul3A_767 : vector<16xf32>
        %add3A_769 = arith.constant 0 : i32
        %add3A_770 = arith.addi %mul3A_730, %add3A_769 : i32
        %get3A_771 = arith.index_cast %add3A_770 : i32 to index
        %get3A_772 = arith.constant 64 : index
        %get3A_773 = tpu.vector_load %arg9[%get3A_771, %get3A_772] {strides = array<i32>} : memref<56x128xi32, #tpu.memory_space<vmem>>, vector<16xi32>,
        %gather3A_774 = tpu.vector_load_idx %arg8[%get3A_773] : memref<100000xf32, #tpu.memory_space<vmem>>[vector<16xi32>], vector<16xf32>,
        %mul3A_775 = vector.broadcast %squeeze3A_732 : f32 to vector<16xf32>
        %mul3A_776 = arith.mulf %gather3A_774, %mul3A_775 : vector<16xf32>
        %add3A_777 = arith.addf %scan3A_719, %mul3A_776 : vector<16xf32>
        %add3A_778 = arith.constant 0 : i32
        %add3A_779 = arith.addi %mul3A_730, %add3A_778 : i32
        %get3A_780 = arith.index_cast %add3A_779 : i32 to index
        %get3A_781 = arith.constant 80 : index
        %get3A_782 = tpu.vector_load %arg9[%get3A_780, %get3A_781] {strides = array<i32>} : memref<56x128xi32, #tpu.memory_space<vmem>>, vector<16xi32>,
        %gather3A_783 = tpu.vector_load_idx %arg8[%get3A_782] : memref<100000xf32, #tpu.memory_space<vmem>>[vector<16xi32>], vector<16xf32>,
        %mul3A_784 = vector.broadcast %squeeze3A_732 : f32 to vector<16xf32>
        %mul3A_785 = arith.mulf %gather3A_783, %mul3A_784 : vector<16xf32>
        %add3A_786 = arith.addf %scan3A_720, %mul3A_785 : vector<16xf32>
        %add3A_787 = arith.constant 0 : i32
        %add3A_788 = arith.addi %mul3A_730, %add3A_787 : i32
        %get3A_789 = arith.index_cast %add3A_788 : i32 to index
        %get3A_790 = arith.constant 96 : index
        %get3A_791 = tpu.vector_load %arg9[%get3A_789, %get3A_790] {strides = array<i32>} : memref<56x128xi32, #tpu.memory_space<vmem>>, vector<16xi32>,
        %gather3A_792 = tpu.vector_load_idx %arg8[%get3A_791] : memref<100000xf32, #tpu.memory_space<vmem>>[vector<16xi32>], vector<16xf32>,
        %mul3A_793 = vector.broadcast %squeeze3A_732 : f32 to vector<16xf32>
        %mul3A_794 = arith.mulf %gather3A_792, %mul3A_793 : vector<16xf32>
        %add3A_795 = arith.addf %scan3A_721, %mul3A_794 : vector<16xf32>
        %add3A_796 = arith.constant 0 : i32
        %add3A_797 = arith.addi %mul3A_730, %add3A_796 : i32
        %get3A_798 = arith.index_cast %add3A_797 : i32 to index
        %get3A_799 = arith.constant 112 : index
        %get3A_800 = tpu.vector_load %arg9[%get3A_798, %get3A_799] {strides = array<i32>} : memref<56x128xi32, #tpu.memory_space<vmem>>, vector<16xi32>,
        %gather3A_801 = tpu.vector_load_idx %arg8[%get3A_800] : memref<100000xf32, #tpu.memory_space<vmem>>[vector<16xi32>], vector<16xf32>,
        %mul3A_802 = vector.broadcast %squeeze3A_732 : f32 to vector<16xf32>
        %mul3A_803 = arith.mulf %gather3A_801, %mul3A_802 : vector<16xf32>
        %add3A_804 = arith.addf %scan3A_722, %mul3A_803 : vector<16xf32>
        %slice3A_805 = vector.extract_strided_slice %get3A_728 {offsets = [1], sizes = [1], strides = [1]} : vector<16xf32> to vector<1xf32>
        %squeeze3A_806 = vector.extract %slice3A_805[0] : f32 from vector<1xf32>
        %add3A_807 = arith.constant 1 : i32
        %add3A_808 = arith.addi %mul3A_730, %add3A_807 : i32
        %get3A_809 = arith.index_cast %add3A_808 : i32 to index
        %get3A_810 = arith.constant 0 : index
        %get3A_811 = tpu.vector_load %arg9[%get3A_809, %get3A_810] {strides = array<i32>} : memref<56x128xi32, #tpu.memory_space<vmem>>, vector<16xi32>,
        %gather3A_812 = tpu.vector_load_idx %arg8[%get3A_811] : memref<100000xf32, #tpu.memory_space<vmem>>[vector<16xi32>], vector<16xf32>,
        %mul3A_813 = vector.broadcast %squeeze3A_806 : f32 to vector<16xf32>
        %mul3A_814 = arith.mulf %gather3A_812, %mul3A_813 : vector<16xf32>
        %add3A_815 = arith.addf %add3A_741, %mul3A_814 : vector<16xf32>
        %add3A_816 = arith.constant 1 : i32
        %add3A_817 = arith.addi %mul3A_730, %add3A_816 : i32
        %get3A_818 = arith.index_cast %add3A_817 : i32 to index
        %get3A_819 = arith.constant 16 : index
        %get3A_820 = tpu.vector_load %arg9[%get3A_818, %get3A_819] {strides = array<i32>} : memref<56x128xi32, #tpu.memory_space<vmem>>, vector<16xi32>,
        %gather3A_821 = tpu.vector_load_idx %arg8[%get3A_820] : memref<100000xf32, #tpu.memory_space<vmem>>[vector<16xi32>], vector<16xf32>,
        %mul3A_822 = vector.broadcast %squeeze3A_806 : f32 to vector<16xf32>
        %mul3A_823 = arith.mulf %gather3A_821, %mul3A_822 : vector<16xf32>
        %add3A_824 = arith.addf %add3A_750, %mul3A_823 : vector<16xf32>
        %add3A_825 = arith.constant 1 : i32
        %add3A_826 = arith.addi %mul3A_730, %add3A_825 : i32
        %get3A_827 = arith.index_cast %add3A_826 : i32 to index
        %get3A_828 = arith.constant 32 : index
        %get3A_829 = tpu.vector_load %arg9[%get3A_827, %get3A_828] {strides = array<i32>} : memref<56x128xi32, #tpu.memory_space<vmem>>, vector<16xi32>,
        %gather3A_830 = tpu.vector_load_idx %arg8[%get3A_829] : memref<100000xf32, #tpu.memory_space<vmem>>[vector<16xi32>], vector<16xf32>,
        %mul3A_831 = vector.broadcast %squeeze3A_806 : f32 to vector<16xf32>
        %mul3A_832 = arith.mulf %gather3A_830, %mul3A_831 : vector<16xf32>
        %add3A_833 = arith.addf %add3A_759, %mul3A_832 : vector<16xf32>
        %add3A_834 = arith.constant 1 : i32
        %add3A_835 = arith.addi %mul3A_730, %add3A_834 : i32
        %get3A_836 = arith.index_cast %add3A_835 : i32 to index
        %get3A_837 = arith.constant 48 : index
        %get3A_838 = tpu.vector_load %arg9[%get3A_836, %get3A_837] {strides = array<i32>} : memref<56x128xi32, #tpu.memory_space<vmem>>, vector<16xi32>,
        %gather3A_839 = tpu.vector_load_idx %arg8[%get3A_838] : memref<100000xf32, #tpu.memory_space<vmem>>[vector<16xi32>], vector<16xf32>,
        %mul3A_840 = vector.broadcast %squeeze3A_806 : f32 to vector<16xf32>
        %mul3A_841 = arith.mulf %gather3A_839, %mul3A_840 : vector<16xf32>
        %add3A_842 = arith.addf %add3A_768, %mul3A_841 : vector<16xf32>
        %add3A_843 = arith.constant 1 : i32
        %add3A_844 = arith.addi %mul3A_730, %add3A_843 : i32
        %get3A_845 = arith.index_cast %add3A_844 : i32 to index
        %get3A_846 = arith.constant 64 : index
        %get3A_847 = tpu.vector_load %arg9[%get3A_845, %get3A_846] {strides = array<i32>} : memref<56x128xi32, #tpu.memory_space<vmem>>, vector<16xi32>,
        %gather3A_848 = tpu.vector_load_idx %arg8[%get3A_847] : memref<100000xf32, #tpu.memory_space<vmem>>[vector<16xi32>], vector<16xf32>,
        %mul3A_849 = vector.broadcast %squeeze3A_806 : f32 to vector<16xf32>
        %mul3A_850 = arith.mulf %gather3A_848, %mul3A_849 : vector<16xf32>
        %add3A_851 = arith.addf %add3A_777, %mul3A_850 : vector<16xf32>
        %add3A_852 = arith.constant 1 : i32
        %add3A_853 = arith.addi %mul3A_730, %add3A_852 : i32
        %get3A_854 = arith.index_cast %add3A_853 : i32 to index
        %get3A_855 = arith.constant 80 : index
        %get3A_856 = tpu.vector_load %arg9[%get3A_854, %get3A_855] {strides = array<i32>} : memref<56x128xi32, #tpu.memory_space<vmem>>, vector<16xi32>,
        %gather3A_857 = tpu.vector_load_idx %arg8[%get3A_856] : memref<100000xf32, #tpu.memory_space<vmem>>[vector<16xi32>], vector<16xf32>,
        %mul3A_858 = vector.broadcast %squeeze3A_806 : f32 to vector<16xf32>
        %mul3A_859 = arith.mulf %gather3A_857, %mul3A_858 : vector<16xf32>
        %add3A_860 = arith.addf %add3A_786, %mul3A_859 : vector<16xf32>
        %add3A_861 = arith.constant 1 : i32
        %add3A_862 = arith.addi %mul3A_730, %add3A_861 : i32
        %get3A_863 = arith.index_cast %add3A_862 : i32 to index
        %get3A_864 = arith.constant 96 : index
        %get3A_865 = tpu.vector_load %arg9[%get3A_863, %get3A_864] {strides = array<i32>} : memref<56x128xi32, #tpu.memory_space<vmem>>, vector<16xi32>,
        %gather3A_866 = tpu.vector_load_idx %arg8[%get3A_865] : memref<100000xf32, #tpu.memory_space<vmem>>[vector<16xi32>], vector<16xf32>,
        %mul3A_867 = vector.broadcast %squeeze3A_806 : f32 to vector<16xf32>
        %mul3A_868 = arith.mulf %gather3A_866, %mul3A_867 : vector<16xf32>
        %add3A_869 = arith.addf %add3A_795, %mul3A_868 : vector<16xf32>
        %add3A_870 = arith.constant 1 : i32
        %add3A_871 = arith.addi %mul3A_730, %add3A_870 : i32
        %get3A_872 = arith.index_cast %add3A_871 : i32 to index
        %get3A_873 = arith.constant 112 : index
        %get3A_874 = tpu.vector_load %arg9[%get3A_872, %get3A_873] {strides = array<i32>} : memref<56x128xi32, #tpu.memory_space<vmem>>, vector<16xi32>,
        %gather3A_875 = tpu.vector_load_idx %arg8[%get3A_874] : memref<100000xf32, #tpu.memory_space<vmem>>[vector<16xi32>], vector<16xf32>,
        %mul3A_876 = vector.broadcast %squeeze3A_806 : f32 to vector<16xf32>
        %mul3A_877 = arith.mulf %gather3A_875, %mul3A_876 : vector<16xf32>
        %add3A_878 = arith.addf %add3A_804, %mul3A_877 : vector<16xf32>
        %slice3A_879 = vector.extract_strided_slice %get3A_728 {offsets = [2], sizes = [1], strides = [1]} : vector<16xf32> to vector<1xf32>
        %squeeze3A_880 = vector.extract %slice3A_879[0] : f32 from vector<1xf32>
        %add3A_881 = arith.constant 2 : i32
        %add3A_882 = arith.addi %mul3A_730, %add3A_881 : i32
        %get3A_883 = arith.index_cast %add3A_882 : i32 to index
        %get3A_884 = arith.constant 0 : index
        %get3A_885 = tpu.vector_load %arg9[%get3A_883, %get3A_884] {strides = array<i32>} : memref<56x128xi32, #tpu.memory_space<vmem>>, vector<16xi32>,
        %gather3A_886 = tpu.vector_load_idx %arg8[%get3A_885] : memref<100000xf32, #tpu.memory_space<vmem>>[vector<16xi32>], vector<16xf32>,
        %mul3A_887 = vector.broadcast %squeeze3A_880 : f32 to vector<16xf32>
        %mul3A_888 = arith.mulf %gather3A_886, %mul3A_887 : vector<16xf32>
        %add3A_889 = arith.addf %add3A_815, %mul3A_888 : vector<16xf32>
        %add3A_890 = arith.constant 2 : i32
        %add3A_891 = arith.addi %mul3A_730, %add3A_890 : i32
        %get3A_892 = arith.index_cast %add3A_891 : i32 to index
        %get3A_893 = arith.constant 16 : index
        %get3A_894 = tpu.vector_load %arg9[%get3A_892, %get3A_893] {strides = array<i32>} : memref<56x128xi32, #tpu.memory_space<vmem>>, vector<16xi32>,
        %gather3A_895 = tpu.vector_load_idx %arg8[%get3A_894] : memref<100000xf32, #tpu.memory_space<vmem>>[vector<16xi32>], vector<16xf32>,
        %mul3A_896 = vector.broadcast %squeeze3A_880 : f32 to vector<16xf32>
        %mul3A_897 = arith.mulf %gather3A_895, %mul3A_896 : vector<16xf32>
        %add3A_898 = arith.addf %add3A_824, %mul3A_897 : vector<16xf32>
        %add3A_899 = arith.constant 2 : i32
        %add3A_900 = arith.addi %mul3A_730, %add3A_899 : i32
        %get3A_901 = arith.index_cast %add3A_900 : i32 to index
        %get3A_902 = arith.constant 32 : index
        %get3A_903 = tpu.vector_load %arg9[%get3A_901, %get3A_902] {strides = array<i32>} : memref<56x128xi32, #tpu.memory_space<vmem>>, vector<16xi32>,
        %gather3A_904 = tpu.vector_load_idx %arg8[%get3A_903] : memref<100000xf32, #tpu.memory_space<vmem>>[vector<16xi32>], vector<16xf32>,
        %mul3A_905 = vector.broadcast %squeeze3A_880 : f32 to vector<16xf32>
        %mul3A_906 = arith.mulf %gather3A_904, %mul3A_905 : vector<16xf32>
        %add3A_907 = arith.addf %add3A_833, %mul3A_906 : vector<16xf32>
        %add3A_908 = arith.constant 2 : i32
        %add3A_909 = arith.addi %mul3A_730, %add3A_908 : i32
        %get3A_910 = arith.index_cast %add3A_909 : i32 to index
        %get3A_911 = arith.constant 48 : index
        %get3A_912 = tpu.vector_load %arg9[%get3A_910, %get3A_911] {strides = array<i32>} : memref<56x128xi32, #tpu.memory_space<vmem>>, vector<16xi32>,
        %gather3A_913 = tpu.vector_load_idx %arg8[%get3A_912] : memref<100000xf32, #tpu.memory_space<vmem>>[vector<16xi32>], vector<16xf32>,
        %mul3A_914 = vector.broadcast %squeeze3A_880 : f32 to vector<16xf32>
        %mul3A_915 = arith.mulf %gather3A_913, %mul3A_914 : vector<16xf32>
        %add3A_916 = arith.addf %add3A_842, %mul3A_915 : vector<16xf32>
        %add3A_917 = arith.constant 2 : i32
        %add3A_918 = arith.addi %mul3A_730, %add3A_917 : i32
        %get3A_919 = arith.index_cast %add3A_918 : i32 to index
        %get3A_920 = arith.constant 64 : index
        %get3A_921 = tpu.vector_load %arg9[%get3A_919, %get3A_920] {strides = array<i32>} : memref<56x128xi32, #tpu.memory_space<vmem>>, vector<16xi32>,
        %gather3A_922 = tpu.vector_load_idx %arg8[%get3A_921] : memref<100000xf32, #tpu.memory_space<vmem>>[vector<16xi32>], vector<16xf32>,
        %mul3A_923 = vector.broadcast %squeeze3A_880 : f32 to vector<16xf32>
        %mul3A_924 = arith.mulf %gather3A_922, %mul3A_923 : vector<16xf32>
        %add3A_925 = arith.addf %add3A_851, %mul3A_924 : vector<16xf32>
        %add3A_926 = arith.constant 2 : i32
        %add3A_927 = arith.addi %mul3A_730, %add3A_926 : i32
        %get3A_928 = arith.index_cast %add3A_927 : i32 to index
        %get3A_929 = arith.constant 80 : index
        %get3A_930 = tpu.vector_load %arg9[%get3A_928, %get3A_929] {strides = array<i32>} : memref<56x128xi32, #tpu.memory_space<vmem>>, vector<16xi32>,
        %gather3A_931 = tpu.vector_load_idx %arg8[%get3A_930] : memref<100000xf32, #tpu.memory_space<vmem>>[vector<16xi32>], vector<16xf32>,
        %mul3A_932 = vector.broadcast %squeeze3A_880 : f32 to vector<16xf32>
        %mul3A_933 = arith.mulf %gather3A_931, %mul3A_932 : vector<16xf32>
        %add3A_934 = arith.addf %add3A_860, %mul3A_933 : vector<16xf32>
        %add3A_935 = arith.constant 2 : i32
        %add3A_936 = arith.addi %mul3A_730, %add3A_935 : i32
        %get3A_937 = arith.index_cast %add3A_936 : i32 to index
        %get3A_938 = arith.constant 96 : index
        %get3A_939 = tpu.vector_load %arg9[%get3A_937, %get3A_938] {strides = array<i32>} : memref<56x128xi32, #tpu.memory_space<vmem>>, vector<16xi32>,
        %gather3A_940 = tpu.vector_load_idx %arg8[%get3A_939] : memref<100000xf32, #tpu.memory_space<vmem>>[vector<16xi32>], vector<16xf32>,
        %mul3A_941 = vector.broadcast %squeeze3A_880 : f32 to vector<16xf32>
        %mul3A_942 = arith.mulf %gather3A_940, %mul3A_941 : vector<16xf32>
        %add3A_943 = arith.addf %add3A_869, %mul3A_942 : vector<16xf32>
        %add3A_944 = arith.constant 2 : i32
        %add3A_945 = arith.addi %mul3A_730, %add3A_944 : i32
        %get3A_946 = arith.index_cast %add3A_945 : i32 to index
        %get3A_947 = arith.constant 112 : index
        %get3A_948 = tpu.vector_load %arg9[%get3A_946, %get3A_947] {strides = array<i32>} : memref<56x128xi32, #tpu.memory_space<vmem>>, vector<16xi32>,
        %gather3A_949 = tpu.vector_load_idx %arg8[%get3A_948] : memref<100000xf32, #tpu.memory_space<vmem>>[vector<16xi32>], vector<16xf32>,
        %mul3A_950 = vector.broadcast %squeeze3A_880 : f32 to vector<16xf32>
        %mul3A_951 = arith.mulf %gather3A_949, %mul3A_950 : vector<16xf32>
        %add3A_952 = arith.addf %add3A_878, %mul3A_951 : vector<16xf32>
        %slice3A_953 = vector.extract_strided_slice %get3A_728 {offsets = [3], sizes = [1], strides = [1]} : vector<16xf32> to vector<1xf32>
        %squeeze3A_954 = vector.extract %slice3A_953[0] : f32 from vector<1xf32>
        %add3A_955 = arith.constant 3 : i32
        %add3A_956 = arith.addi %mul3A_730, %add3A_955 : i32
        %get3A_957 = arith.index_cast %add3A_956 : i32 to index
        %get3A_958 = arith.constant 0 : index
        %get3A_959 = tpu.vector_load %arg9[%get3A_957, %get3A_958] {strides = array<i32>} : memref<56x128xi32, #tpu.memory_space<vmem>>, vector<16xi32>,
        %gather3A_960 = tpu.vector_load_idx %arg8[%get3A_959] : memref<100000xf32, #tpu.memory_space<vmem>>[vector<16xi32>], vector<16xf32>,
        %mul3A_961 = vector.broadcast %squeeze3A_954 : f32 to vector<16xf32>
        %mul3A_962 = arith.mulf %gather3A_960, %mul3A_961 : vector<16xf32>
        %add3A_963 = arith.addf %add3A_889, %mul3A_962 : vector<16xf32>
        %add3A_964 = arith.constant 3 : i32
        %add3A_965 = arith.addi %mul3A_730, %add3A_964 : i32
        %get3A_966 = arith.index_cast %add3A_965 : i32 to index
        %get3A_967 = arith.constant 16 : index
        %get3A_968 = tpu.vector_load %arg9[%get3A_966, %get3A_967] {strides = array<i32>} : memref<56x128xi32, #tpu.memory_space<vmem>>, vector<16xi32>,
        %gather3A_969 = tpu.vector_load_idx %arg8[%get3A_968] : memref<100000xf32, #tpu.memory_space<vmem>>[vector<16xi32>], vector<16xf32>,
        %mul3A_970 = vector.broadcast %squeeze3A_954 : f32 to vector<16xf32>
        %mul3A_971 = arith.mulf %gather3A_969, %mul3A_970 : vector<16xf32>
        %add3A_972 = arith.addf %add3A_898, %mul3A_971 : vector<16xf32>
        %add3A_973 = arith.constant 3 : i32
        %add3A_974 = arith.addi %mul3A_730, %add3A_973 : i32
        %get3A_975 = arith.index_cast %add3A_974 : i32 to index
        %get3A_976 = arith.constant 32 : index
        %get3A_977 = tpu.vector_load %arg9[%get3A_975, %get3A_976] {strides = array<i32>} : memref<56x128xi32, #tpu.memory_space<vmem>>, vector<16xi32>,
        %gather3A_978 = tpu.vector_load_idx %arg8[%get3A_977] : memref<100000xf32, #tpu.memory_space<vmem>>[vector<16xi32>], vector<16xf32>,
        %mul3A_979 = vector.broadcast %squeeze3A_954 : f32 to vector<16xf32>
        %mul3A_980 = arith.mulf %gather3A_978, %mul3A_979 : vector<16xf32>
        %add3A_981 = arith.addf %add3A_907, %mul3A_980 : vector<16xf32>
        %add3A_982 = arith.constant 3 : i32
        %add3A_983 = arith.addi %mul3A_730, %add3A_982 : i32
        %get3A_984 = arith.index_cast %add3A_983 : i32 to index
        %get3A_985 = arith.constant 48 : index
        %get3A_986 = tpu.vector_load %arg9[%get3A_984, %get3A_985] {strides = array<i32>} : memref<56x128xi32, #tpu.memory_space<vmem>>, vector<16xi32>,
        %gather3A_987 = tpu.vector_load_idx %arg8[%get3A_986] : memref<100000xf32, #tpu.memory_space<vmem>>[vector<16xi32>], vector<16xf32>,
        %mul3A_988 = vector.broadcast %squeeze3A_954 : f32 to vector<16xf32>
        %mul3A_989 = arith.mulf %gather3A_987, %mul3A_988 : vector<16xf32>
        %add3A_990 = arith.addf %add3A_916, %mul3A_989 : vector<16xf32>
        %add3A_991 = arith.constant 3 : i32
        %add3A_992 = arith.addi %mul3A_730, %add3A_991 : i32
        %get3A_993 = arith.index_cast %add3A_992 : i32 to index
        %get3A_994 = arith.constant 64 : index
        %get3A_995 = tpu.vector_load %arg9[%get3A_993, %get3A_994] {strides = array<i32>} : memref<56x128xi32, #tpu.memory_space<vmem>>, vector<16xi32>,
        %gather3A_996 = tpu.vector_load_idx %arg8[%get3A_995] : memref<100000xf32, #tpu.memory_space<vmem>>[vector<16xi32>], vector<16xf32>,
        %mul3A_997 = vector.broadcast %squeeze3A_954 : f32 to vector<16xf32>
        %mul3A_998 = arith.mulf %gather3A_996, %mul3A_997 : vector<16xf32>
        %add3A_999 = arith.addf %add3A_925, %mul3A_998 : vector<16xf32>
        %add3A_1000 = arith.constant 3 : i32
        %add3A_1001 = arith.addi %mul3A_730, %add3A_1000 : i32
        %get3A_1002 = arith.index_cast %add3A_1001 : i32 to index
        %get3A_1003 = arith.constant 80 : index
        %get3A_1004 = tpu.vector_load %arg9[%get3A_1002, %get3A_1003] {strides = array<i32>} : memref<56x128xi32, #tpu.memory_space<vmem>>, vector<16xi32>,
        %gather3A_1005 = tpu.vector_load_idx %arg8[%get3A_1004] : memref<100000xf32, #tpu.memory_space<vmem>>[vector<16xi32>], vector<16xf32>,
        %mul3A_1006 = vector.broadcast %squeeze3A_954 : f32 to vector<16xf32>
        %mul3A_1007 = arith.mulf %gather3A_1005, %mul3A_1006 : vector<16xf32>
        %add3A_1008 = arith.addf %add3A_934, %mul3A_1007 : vector<16xf32>
        %add3A_1009 = arith.constant 3 : i32
        %add3A_1010 = arith.addi %mul3A_730, %add3A_1009 : i32
        %get3A_1011 = arith.index_cast %add3A_1010 : i32 to index
        %get3A_1012 = arith.constant 96 : index
        %get3A_1013 = tpu.vector_load %arg9[%get3A_1011, %get3A_1012] {strides = array<i32>} : memref<56x128xi32, #tpu.memory_space<vmem>>, vector<16xi32>,
        %gather3A_1014 = tpu.vector_load_idx %arg8[%get3A_1013] : memref<100000xf32, #tpu.memory_space<vmem>>[vector<16xi32>], vector<16xf32>,
        %mul3A_1015 = vector.broadcast %squeeze3A_954 : f32 to vector<16xf32>
        %mul3A_1016 = arith.mulf %gather3A_1014, %mul3A_1015 : vector<16xf32>
        %add3A_1017 = arith.addf %add3A_943, %mul3A_1016 : vector<16xf32>
        %add3A_1018 = arith.constant 3 : i32
        %add3A_1019 = arith.addi %mul3A_730, %add3A_1018 : i32
        %get3A_1020 = arith.index_cast %add3A_1019 : i32 to index
        %get3A_1021 = arith.constant 112 : index
        %get3A_1022 = tpu.vector_load %arg9[%get3A_1020, %get3A_1021] {strides = array<i32>} : memref<56x128xi32, #tpu.memory_space<vmem>>, vector<16xi32>,
        %gather3A_1023 = tpu.vector_load_idx %arg8[%get3A_1022] : memref<100000xf32, #tpu.memory_space<vmem>>[vector<16xi32>], vector<16xf32>,
        %mul3A_1024 = vector.broadcast %squeeze3A_954 : f32 to vector<16xf32>
        %mul3A_1025 = arith.mulf %gather3A_1023, %mul3A_1024 : vector<16xf32>
        %add3A_1026 = arith.addf %add3A_952, %mul3A_1025 : vector<16xf32>
        %slice3A_1027 = vector.extract_strided_slice %get3A_728 {offsets = [4], sizes = [1], strides = [1]} : vector<16xf32> to vector<1xf32>
        %squeeze3A_1028 = vector.extract %slice3A_1027[0] : f32 from vector<1xf32>
        %add3A_1029 = arith.constant 4 : i32
        %add3A_1030 = arith.addi %mul3A_730, %add3A_1029 : i32
        %get3A_1031 = arith.index_cast %add3A_1030 : i32 to index
        %get3A_1032 = arith.constant 0 : index
        %get3A_1033 = tpu.vector_load %arg9[%get3A_1031, %get3A_1032] {strides = array<i32>} : memref<56x128xi32, #tpu.memory_space<vmem>>, vector<16xi32>,
        %gather3A_1034 = tpu.vector_load_idx %arg8[%get3A_1033] : memref<100000xf32, #tpu.memory_space<vmem>>[vector<16xi32>], vector<16xf32>,
        %mul3A_1035 = vector.broadcast %squeeze3A_1028 : f32 to vector<16xf32>
        %mul3A_1036 = arith.mulf %gather3A_1034, %mul3A_1035 : vector<16xf32>
        %add3A_1037 = arith.addf %add3A_963, %mul3A_1036 : vector<16xf32>
        %add3A_1038 = arith.constant 4 : i32
        %add3A_1039 = arith.addi %mul3A_730, %add3A_1038 : i32
        %get3A_1040 = arith.index_cast %add3A_1039 : i32 to index
        %get3A_1041 = arith.constant 16 : index
        %get3A_1042 = tpu.vector_load %arg9[%get3A_1040, %get3A_1041] {strides = array<i32>} : memref<56x128xi32, #tpu.memory_space<vmem>>, vector<16xi32>,
        %gather3A_1043 = tpu.vector_load_idx %arg8[%get3A_1042] : memref<100000xf32, #tpu.memory_space<vmem>>[vector<16xi32>], vector<16xf32>,
        %mul3A_1044 = vector.broadcast %squeeze3A_1028 : f32 to vector<16xf32>
        %mul3A_1045 = arith.mulf %gather3A_1043, %mul3A_1044 : vector<16xf32>
        %add3A_1046 = arith.addf %add3A_972, %mul3A_1045 : vector<16xf32>
        %add3A_1047 = arith.constant 4 : i32
        %add3A_1048 = arith.addi %mul3A_730, %add3A_1047 : i32
        %get3A_1049 = arith.index_cast %add3A_1048 : i32 to index
        %get3A_1050 = arith.constant 32 : index
        %get3A_1051 = tpu.vector_load %arg9[%get3A_1049, %get3A_1050] {strides = array<i32>} : memref<56x128xi32, #tpu.memory_space<vmem>>, vector<16xi32>,
        %gather3A_1052 = tpu.vector_load_idx %arg8[%get3A_1051] : memref<100000xf32, #tpu.memory_space<vmem>>[vector<16xi32>], vector<16xf32>,
        %mul3A_1053 = vector.broadcast %squeeze3A_1028 : f32 to vector<16xf32>
        %mul3A_1054 = arith.mulf %gather3A_1052, %mul3A_1053 : vector<16xf32>
        %add3A_1055 = arith.addf %add3A_981, %mul3A_1054 : vector<16xf32>
        %add3A_1056 = arith.constant 4 : i32
        %add3A_1057 = arith.addi %mul3A_730, %add3A_1056 : i32
        %get3A_1058 = arith.index_cast %add3A_1057 : i32 to index
        %get3A_1059 = arith.constant 48 : index
        %get3A_1060 = tpu.vector_load %arg9[%get3A_1058, %get3A_1059] {strides = array<i32>} : memref<56x128xi32, #tpu.memory_space<vmem>>, vector<16xi32>,
        %gather3A_1061 = tpu.vector_load_idx %arg8[%get3A_1060] : memref<100000xf32, #tpu.memory_space<vmem>>[vector<16xi32>], vector<16xf32>,
        %mul3A_1062 = vector.broadcast %squeeze3A_1028 : f32 to vector<16xf32>
        %mul3A_1063 = arith.mulf %gather3A_1061, %mul3A_1062 : vector<16xf32>
        %add3A_1064 = arith.addf %add3A_990, %mul3A_1063 : vector<16xf32>
        %add3A_1065 = arith.constant 4 : i32
        %add3A_1066 = arith.addi %mul3A_730, %add3A_1065 : i32
        %get3A_1067 = arith.index_cast %add3A_1066 : i32 to index
        %get3A_1068 = arith.constant 64 : index
        %get3A_1069 = tpu.vector_load %arg9[%get3A_1067, %get3A_1068] {strides = array<i32>} : memref<56x128xi32, #tpu.memory_space<vmem>>, vector<16xi32>,
        %gather3A_1070 = tpu.vector_load_idx %arg8[%get3A_1069] : memref<100000xf32, #tpu.memory_space<vmem>>[vector<16xi32>], vector<16xf32>,
        %mul3A_1071 = vector.broadcast %squeeze3A_1028 : f32 to vector<16xf32>
        %mul3A_1072 = arith.mulf %gather3A_1070, %mul3A_1071 : vector<16xf32>
        %add3A_1073 = arith.addf %add3A_999, %mul3A_1072 : vector<16xf32>
        %add3A_1074 = arith.constant 4 : i32
        %add3A_1075 = arith.addi %mul3A_730, %add3A_1074 : i32
        %get3A_1076 = arith.index_cast %add3A_1075 : i32 to index
        %get3A_1077 = arith.constant 80 : index
        %get3A_1078 = tpu.vector_load %arg9[%get3A_1076, %get3A_1077] {strides = array<i32>} : memref<56x128xi32, #tpu.memory_space<vmem>>, vector<16xi32>,
        %gather3A_1079 = tpu.vector_load_idx %arg8[%get3A_1078] : memref<100000xf32, #tpu.memory_space<vmem>>[vector<16xi32>], vector<16xf32>,
        %mul3A_1080 = vector.broadcast %squeeze3A_1028 : f32 to vector<16xf32>
        %mul3A_1081 = arith.mulf %gather3A_1079, %mul3A_1080 : vector<16xf32>
        %add3A_1082 = arith.addf %add3A_1008, %mul3A_1081 : vector<16xf32>
        %add3A_1083 = arith.constant 4 : i32
        %add3A_1084 = arith.addi %mul3A_730, %add3A_1083 : i32
        %get3A_1085 = arith.index_cast %add3A_1084 : i32 to index
        %get3A_1086 = arith.constant 96 : index
        %get3A_1087 = tpu.vector_load %arg9[%get3A_1085, %get3A_1086] {strides = array<i32>} : memref<56x128xi32, #tpu.memory_space<vmem>>, vector<16xi32>,
        %gather3A_1088 = tpu.vector_load_idx %arg8[%get3A_1087] : memref<100000xf32, #tpu.memory_space<vmem>>[vector<16xi32>], vector<16xf32>,
        %mul3A_1089 = vector.broadcast %squeeze3A_1028 : f32 to vector<16xf32>
        %mul3A_1090 = arith.mulf %gather3A_1088, %mul3A_1089 : vector<16xf32>
        %add3A_1091 = arith.addf %add3A_1017, %mul3A_1090 : vector<16xf32>
        %add3A_1092 = arith.constant 4 : i32
        %add3A_1093 = arith.addi %mul3A_730, %add3A_1092 : i32
        %get3A_1094 = arith.index_cast %add3A_1093 : i32 to index
        %get3A_1095 = arith.constant 112 : index
        %get3A_1096 = tpu.vector_load %arg9[%get3A_1094, %get3A_1095] {strides = array<i32>} : memref<56x128xi32, #tpu.memory_space<vmem>>, vector<16xi32>,
        %gather3A_1097 = tpu.vector_load_idx %arg8[%get3A_1096] : memref<100000xf32, #tpu.memory_space<vmem>>[vector<16xi32>], vector<16xf32>,
        %mul3A_1098 = vector.broadcast %squeeze3A_1028 : f32 to vector<16xf32>
        %mul3A_1099 = arith.mulf %gather3A_1097, %mul3A_1098 : vector<16xf32>
        %add3A_1100 = arith.addf %add3A_1026, %mul3A_1099 : vector<16xf32>
        %slice3A_1101 = vector.extract_strided_slice %get3A_728 {offsets = [5], sizes = [1], strides = [1]} : vector<16xf32> to vector<1xf32>
        %squeeze3A_1102 = vector.extract %slice3A_1101[0] : f32 from vector<1xf32>
        %add3A_1103 = arith.constant 5 : i32
        %add3A_1104 = arith.addi %mul3A_730, %add3A_1103 : i32
        %get3A_1105 = arith.index_cast %add3A_1104 : i32 to index
        %get3A_1106 = arith.constant 0 : index
        %get3A_1107 = tpu.vector_load %arg9[%get3A_1105, %get3A_1106] {strides = array<i32>} : memref<56x128xi32, #tpu.memory_space<vmem>>, vector<16xi32>,
        %gather3A_1108 = tpu.vector_load_idx %arg8[%get3A_1107] : memref<100000xf32, #tpu.memory_space<vmem>>[vector<16xi32>], vector<16xf32>,
        %mul3A_1109 = vector.broadcast %squeeze3A_1102 : f32 to vector<16xf32>
        %mul3A_1110 = arith.mulf %gather3A_1108, %mul3A_1109 : vector<16xf32>
        %add3A_1111 = arith.addf %add3A_1037, %mul3A_1110 : vector<16xf32>
        %add3A_1112 = arith.constant 5 : i32
        %add3A_1113 = arith.addi %mul3A_730, %add3A_1112 : i32
        %get3A_1114 = arith.index_cast %add3A_1113 : i32 to index
        %get3A_1115 = arith.constant 16 : index
        %get3A_1116 = tpu.vector_load %arg9[%get3A_1114, %get3A_1115] {strides = array<i32>} : memref<56x128xi32, #tpu.memory_space<vmem>>, vector<16xi32>,
        %gather3A_1117 = tpu.vector_load_idx %arg8[%get3A_1116] : memref<100000xf32, #tpu.memory_space<vmem>>[vector<16xi32>], vector<16xf32>,
        %mul3A_1118 = vector.broadcast %squeeze3A_1102 : f32 to vector<16xf32>
        %mul3A_1119 = arith.mulf %gather3A_1117, %mul3A_1118 : vector<16xf32>
        %add3A_1120 = arith.addf %add3A_1046, %mul3A_1119 : vector<16xf32>
        %add3A_1121 = arith.constant 5 : i32
        %add3A_1122 = arith.addi %mul3A_730, %add3A_1121 : i32
        %get3A_1123 = arith.index_cast %add3A_1122 : i32 to index
        %get3A_1124 = arith.constant 32 : index
        %get3A_1125 = tpu.vector_load %arg9[%get3A_1123, %get3A_1124] {strides = array<i32>} : memref<56x128xi32, #tpu.memory_space<vmem>>, vector<16xi32>,
        %gather3A_1126 = tpu.vector_load_idx %arg8[%get3A_1125] : memref<100000xf32, #tpu.memory_space<vmem>>[vector<16xi32>], vector<16xf32>,
        %mul3A_1127 = vector.broadcast %squeeze3A_1102 : f32 to vector<16xf32>
        %mul3A_1128 = arith.mulf %gather3A_1126, %mul3A_1127 : vector<16xf32>
        %add3A_1129 = arith.addf %add3A_1055, %mul3A_1128 : vector<16xf32>
        %add3A_1130 = arith.constant 5 : i32
        %add3A_1131 = arith.addi %mul3A_730, %add3A_1130 : i32
        %get3A_1132 = arith.index_cast %add3A_1131 : i32 to index
        %get3A_1133 = arith.constant 48 : index
        %get3A_1134 = tpu.vector_load %arg9[%get3A_1132, %get3A_1133] {strides = array<i32>} : memref<56x128xi32, #tpu.memory_space<vmem>>, vector<16xi32>,
        %gather3A_1135 = tpu.vector_load_idx %arg8[%get3A_1134] : memref<100000xf32, #tpu.memory_space<vmem>>[vector<16xi32>], vector<16xf32>,
        %mul3A_1136 = vector.broadcast %squeeze3A_1102 : f32 to vector<16xf32>
        %mul3A_1137 = arith.mulf %gather3A_1135, %mul3A_1136 : vector<16xf32>
        %add3A_1138 = arith.addf %add3A_1064, %mul3A_1137 : vector<16xf32>
        %add3A_1139 = arith.constant 5 : i32
        %add3A_1140 = arith.addi %mul3A_730, %add3A_1139 : i32
        %get3A_1141 = arith.index_cast %add3A_1140 : i32 to index
        %get3A_1142 = arith.constant 64 : index
        %get3A_1143 = tpu.vector_load %arg9[%get3A_1141, %get3A_1142] {strides = array<i32>} : memref<56x128xi32, #tpu.memory_space<vmem>>, vector<16xi32>,
        %gather3A_1144 = tpu.vector_load_idx %arg8[%get3A_1143] : memref<100000xf32, #tpu.memory_space<vmem>>[vector<16xi32>], vector<16xf32>,
        %mul3A_1145 = vector.broadcast %squeeze3A_1102 : f32 to vector<16xf32>
        %mul3A_1146 = arith.mulf %gather3A_1144, %mul3A_1145 : vector<16xf32>
        %add3A_1147 = arith.addf %add3A_1073, %mul3A_1146 : vector<16xf32>
        %add3A_1148 = arith.constant 5 : i32
        %add3A_1149 = arith.addi %mul3A_730, %add3A_1148 : i32
        %get3A_1150 = arith.index_cast %add3A_1149 : i32 to index
        %get3A_1151 = arith.constant 80 : index
        %get3A_1152 = tpu.vector_load %arg9[%get3A_1150, %get3A_1151] {strides = array<i32>} : memref<56x128xi32, #tpu.memory_space<vmem>>, vector<16xi32>,
        %gather3A_1153 = tpu.vector_load_idx %arg8[%get3A_1152] : memref<100000xf32, #tpu.memory_space<vmem>>[vector<16xi32>], vector<16xf32>,
        %mul3A_1154 = vector.broadcast %squeeze3A_1102 : f32 to vector<16xf32>
        %mul3A_1155 = arith.mulf %gather3A_1153, %mul3A_1154 : vector<16xf32>
        %add3A_1156 = arith.addf %add3A_1082, %mul3A_1155 : vector<16xf32>
        %add3A_1157 = arith.constant 5 : i32
        %add3A_1158 = arith.addi %mul3A_730, %add3A_1157 : i32
        %get3A_1159 = arith.index_cast %add3A_1158 : i32 to index
        %get3A_1160 = arith.constant 96 : index
        %get3A_1161 = tpu.vector_load %arg9[%get3A_1159, %get3A_1160] {strides = array<i32>} : memref<56x128xi32, #tpu.memory_space<vmem>>, vector<16xi32>,
        %gather3A_1162 = tpu.vector_load_idx %arg8[%get3A_1161] : memref<100000xf32, #tpu.memory_space<vmem>>[vector<16xi32>], vector<16xf32>,
        %mul3A_1163 = vector.broadcast %squeeze3A_1102 : f32 to vector<16xf32>
        %mul3A_1164 = arith.mulf %gather3A_1162, %mul3A_1163 : vector<16xf32>
        %add3A_1165 = arith.addf %add3A_1091, %mul3A_1164 : vector<16xf32>
        %add3A_1166 = arith.constant 5 : i32
        %add3A_1167 = arith.addi %mul3A_730, %add3A_1166 : i32
        %get3A_1168 = arith.index_cast %add3A_1167 : i32 to index
        %get3A_1169 = arith.constant 112 : index
        %get3A_1170 = tpu.vector_load %arg9[%get3A_1168, %get3A_1169] {strides = array<i32>} : memref<56x128xi32, #tpu.memory_space<vmem>>, vector<16xi32>,
        %gather3A_1171 = tpu.vector_load_idx %arg8[%get3A_1170] : memref<100000xf32, #tpu.memory_space<vmem>>[vector<16xi32>], vector<16xf32>,
        %mul3A_1172 = vector.broadcast %squeeze3A_1102 : f32 to vector<16xf32>
        %mul3A_1173 = arith.mulf %gather3A_1171, %mul3A_1172 : vector<16xf32>
        %add3A_1174 = arith.addf %add3A_1100, %mul3A_1173 : vector<16xf32>
        %slice3A_1175 = vector.extract_strided_slice %get3A_728 {offsets = [6], sizes = [1], strides = [1]} : vector<16xf32> to vector<1xf32>
        %squeeze3A_1176 = vector.extract %slice3A_1175[0] : f32 from vector<1xf32>
        %add3A_1177 = arith.constant 6 : i32
        %add3A_1178 = arith.addi %mul3A_730, %add3A_1177 : i32
        %get3A_1179 = arith.index_cast %add3A_1178 : i32 to index
        %get3A_1180 = arith.constant 0 : index
        %get3A_1181 = tpu.vector_load %arg9[%get3A_1179, %get3A_1180] {strides = array<i32>} : memref<56x128xi32, #tpu.memory_space<vmem>>, vector<16xi32>,
        %gather3A_1182 = tpu.vector_load_idx %arg8[%get3A_1181] : memref<100000xf32, #tpu.memory_space<vmem>>[vector<16xi32>], vector<16xf32>,
        %mul3A_1183 = vector.broadcast %squeeze3A_1176 : f32 to vector<16xf32>
        %mul3A_1184 = arith.mulf %gather3A_1182, %mul3A_1183 : vector<16xf32>
        %add3A_1185 = arith.addf %add3A_1111, %mul3A_1184 : vector<16xf32>
        %add3A_1186 = arith.constant 6 : i32
        %add3A_1187 = arith.addi %mul3A_730, %add3A_1186 : i32
        %get3A_1188 = arith.index_cast %add3A_1187 : i32 to index
        %get3A_1189 = arith.constant 16 : index
        %get3A_1190 = tpu.vector_load %arg9[%get3A_1188, %get3A_1189] {strides = array<i32>} : memref<56x128xi32, #tpu.memory_space<vmem>>, vector<16xi32>,
        %gather3A_1191 = tpu.vector_load_idx %arg8[%get3A_1190] : memref<100000xf32, #tpu.memory_space<vmem>>[vector<16xi32>], vector<16xf32>,
        %mul3A_1192 = vector.broadcast %squeeze3A_1176 : f32 to vector<16xf32>
        %mul3A_1193 = arith.mulf %gather3A_1191, %mul3A_1192 : vector<16xf32>
        %add3A_1194 = arith.addf %add3A_1120, %mul3A_1193 : vector<16xf32>
        %add3A_1195 = arith.constant 6 : i32
        %add3A_1196 = arith.addi %mul3A_730, %add3A_1195 : i32
        %get3A_1197 = arith.index_cast %add3A_1196 : i32 to index
        %get3A_1198 = arith.constant 32 : index
        %get3A_1199 = tpu.vector_load %arg9[%get3A_1197, %get3A_1198] {strides = array<i32>} : memref<56x128xi32, #tpu.memory_space<vmem>>, vector<16xi32>,
        %gather3A_1200 = tpu.vector_load_idx %arg8[%get3A_1199] : memref<100000xf32, #tpu.memory_space<vmem>>[vector<16xi32>], vector<16xf32>,
        %mul3A_1201 = vector.broadcast %squeeze3A_1176 : f32 to vector<16xf32>
        %mul3A_1202 = arith.mulf %gather3A_1200, %mul3A_1201 : vector<16xf32>
        %add3A_1203 = arith.addf %add3A_1129, %mul3A_1202 : vector<16xf32>
        %add3A_1204 = arith.constant 6 : i32
        %add3A_1205 = arith.addi %mul3A_730, %add3A_1204 : i32
        %get3A_1206 = arith.index_cast %add3A_1205 : i32 to index
        %get3A_1207 = arith.constant 48 : index
        %get3A_1208 = tpu.vector_load %arg9[%get3A_1206, %get3A_1207] {strides = array<i32>} : memref<56x128xi32, #tpu.memory_space<vmem>>, vector<16xi32>,
        %gather3A_1209 = tpu.vector_load_idx %arg8[%get3A_1208] : memref<100000xf32, #tpu.memory_space<vmem>>[vector<16xi32>], vector<16xf32>,
        %mul3A_1210 = vector.broadcast %squeeze3A_1176 : f32 to vector<16xf32>
        %mul3A_1211 = arith.mulf %gather3A_1209, %mul3A_1210 : vector<16xf32>
        %add3A_1212 = arith.addf %add3A_1138, %mul3A_1211 : vector<16xf32>
        %add3A_1213 = arith.constant 6 : i32
        %add3A_1214 = arith.addi %mul3A_730, %add3A_1213 : i32
        %get3A_1215 = arith.index_cast %add3A_1214 : i32 to index
        %get3A_1216 = arith.constant 64 : index
        %get3A_1217 = tpu.vector_load %arg9[%get3A_1215, %get3A_1216] {strides = array<i32>} : memref<56x128xi32, #tpu.memory_space<vmem>>, vector<16xi32>,
        %gather3A_1218 = tpu.vector_load_idx %arg8[%get3A_1217] : memref<100000xf32, #tpu.memory_space<vmem>>[vector<16xi32>], vector<16xf32>,
        %mul3A_1219 = vector.broadcast %squeeze3A_1176 : f32 to vector<16xf32>
        %mul3A_1220 = arith.mulf %gather3A_1218, %mul3A_1219 : vector<16xf32>
        %add3A_1221 = arith.addf %add3A_1147, %mul3A_1220 : vector<16xf32>
        %add3A_1222 = arith.constant 6 : i32
        %add3A_1223 = arith.addi %mul3A_730, %add3A_1222 : i32
        %get3A_1224 = arith.index_cast %add3A_1223 : i32 to index
        %get3A_1225 = arith.constant 80 : index
        %get3A_1226 = tpu.vector_load %arg9[%get3A_1224, %get3A_1225] {strides = array<i32>} : memref<56x128xi32, #tpu.memory_space<vmem>>, vector<16xi32>,
        %gather3A_1227 = tpu.vector_load_idx %arg8[%get3A_1226] : memref<100000xf32, #tpu.memory_space<vmem>>[vector<16xi32>], vector<16xf32>,
        %mul3A_1228 = vector.broadcast %squeeze3A_1176 : f32 to vector<16xf32>
        %mul3A_1229 = arith.mulf %gather3A_1227, %mul3A_1228 : vector<16xf32>
        %add3A_1230 = arith.addf %add3A_1156, %mul3A_1229 : vector<16xf32>
        %add3A_1231 = arith.constant 6 : i32
        %add3A_1232 = arith.addi %mul3A_730, %add3A_1231 : i32
        %get3A_1233 = arith.index_cast %add3A_1232 : i32 to index
        %get3A_1234 = arith.constant 96 : index
        %get3A_1235 = tpu.vector_load %arg9[%get3A_1233, %get3A_1234] {strides = array<i32>} : memref<56x128xi32, #tpu.memory_space<vmem>>, vector<16xi32>,
        %gather3A_1236 = tpu.vector_load_idx %arg8[%get3A_1235] : memref<100000xf32, #tpu.memory_space<vmem>>[vector<16xi32>], vector<16xf32>,
        %mul3A_1237 = vector.broadcast %squeeze3A_1176 : f32 to vector<16xf32>
        %mul3A_1238 = arith.mulf %gather3A_1236, %mul3A_1237 : vector<16xf32>
        %add3A_1239 = arith.addf %add3A_1165, %mul3A_1238 : vector<16xf32>
        %add3A_1240 = arith.constant 6 : i32
        %add3A_1241 = arith.addi %mul3A_730, %add3A_1240 : i32
        %get3A_1242 = arith.index_cast %add3A_1241 : i32 to index
        %get3A_1243 = arith.constant 112 : index
        %get3A_1244 = tpu.vector_load %arg9[%get3A_1242, %get3A_1243] {strides = array<i32>} : memref<56x128xi32, #tpu.memory_space<vmem>>, vector<16xi32>,
        %gather3A_1245 = tpu.vector_load_idx %arg8[%get3A_1244] : memref<100000xf32, #tpu.memory_space<vmem>>[vector<16xi32>], vector<16xf32>,
        %mul3A_1246 = vector.broadcast %squeeze3A_1176 : f32 to vector<16xf32>
        %mul3A_1247 = arith.mulf %gather3A_1245, %mul3A_1246 : vector<16xf32>
        %add3A_1248 = arith.addf %add3A_1174, %mul3A_1247 : vector<16xf32>
        %slice3A_1249 = vector.extract_strided_slice %get3A_728 {offsets = [7], sizes = [1], strides = [1]} : vector<16xf32> to vector<1xf32>
        %squeeze3A_1250 = vector.extract %slice3A_1249[0] : f32 from vector<1xf32>
        %add3A_1251 = arith.constant 7 : i32
        %add3A_1252 = arith.addi %mul3A_730, %add3A_1251 : i32
        %get3A_1253 = arith.index_cast %add3A_1252 : i32 to index
        %get3A_1254 = arith.constant 0 : index
        %get3A_1255 = tpu.vector_load %arg9[%get3A_1253, %get3A_1254] {strides = array<i32>} : memref<56x128xi32, #tpu.memory_space<vmem>>, vector<16xi32>,
        %gather3A_1256 = tpu.vector_load_idx %arg8[%get3A_1255] : memref<100000xf32, #tpu.memory_space<vmem>>[vector<16xi32>], vector<16xf32>,
        %mul3A_1257 = vector.broadcast %squeeze3A_1250 : f32 to vector<16xf32>
        %mul3A_1258 = arith.mulf %gather3A_1256, %mul3A_1257 : vector<16xf32>
        %add3A_1259 = arith.addf %add3A_1185, %mul3A_1258 : vector<16xf32>
        %add3A_1260 = arith.constant 7 : i32
        %add3A_1261 = arith.addi %mul3A_730, %add3A_1260 : i32
        %get3A_1262 = arith.index_cast %add3A_1261 : i32 to index
        %get3A_1263 = arith.constant 16 : index
        %get3A_1264 = tpu.vector_load %arg9[%get3A_1262, %get3A_1263] {strides = array<i32>} : memref<56x128xi32, #tpu.memory_space<vmem>>, vector<16xi32>,
        %gather3A_1265 = tpu.vector_load_idx %arg8[%get3A_1264] : memref<100000xf32, #tpu.memory_space<vmem>>[vector<16xi32>], vector<16xf32>,
        %mul3A_1266 = vector.broadcast %squeeze3A_1250 : f32 to vector<16xf32>
        %mul3A_1267 = arith.mulf %gather3A_1265, %mul3A_1266 : vector<16xf32>
        %add3A_1268 = arith.addf %add3A_1194, %mul3A_1267 : vector<16xf32>
        %add3A_1269 = arith.constant 7 : i32
        %add3A_1270 = arith.addi %mul3A_730, %add3A_1269 : i32
        %get3A_1271 = arith.index_cast %add3A_1270 : i32 to index
        %get3A_1272 = arith.constant 32 : index
        %get3A_1273 = tpu.vector_load %arg9[%get3A_1271, %get3A_1272] {strides = array<i32>} : memref<56x128xi32, #tpu.memory_space<vmem>>, vector<16xi32>,
        %gather3A_1274 = tpu.vector_load_idx %arg8[%get3A_1273] : memref<100000xf32, #tpu.memory_space<vmem>>[vector<16xi32>], vector<16xf32>,
        %mul3A_1275 = vector.broadcast %squeeze3A_1250 : f32 to vector<16xf32>
        %mul3A_1276 = arith.mulf %gather3A_1274, %mul3A_1275 : vector<16xf32>
        %add3A_1277 = arith.addf %add3A_1203, %mul3A_1276 : vector<16xf32>
        %add3A_1278 = arith.constant 7 : i32
        %add3A_1279 = arith.addi %mul3A_730, %add3A_1278 : i32
        %get3A_1280 = arith.index_cast %add3A_1279 : i32 to index
        %get3A_1281 = arith.constant 48 : index
        %get3A_1282 = tpu.vector_load %arg9[%get3A_1280, %get3A_1281] {strides = array<i32>} : memref<56x128xi32, #tpu.memory_space<vmem>>, vector<16xi32>,
        %gather3A_1283 = tpu.vector_load_idx %arg8[%get3A_1282] : memref<100000xf32, #tpu.memory_space<vmem>>[vector<16xi32>], vector<16xf32>,
        %mul3A_1284 = vector.broadcast %squeeze3A_1250 : f32 to vector<16xf32>
        %mul3A_1285 = arith.mulf %gather3A_1283, %mul3A_1284 : vector<16xf32>
        %add3A_1286 = arith.addf %add3A_1212, %mul3A_1285 : vector<16xf32>
        %add3A_1287 = arith.constant 7 : i32
        %add3A_1288 = arith.addi %mul3A_730, %add3A_1287 : i32
        %get3A_1289 = arith.index_cast %add3A_1288 : i32 to index
        %get3A_1290 = arith.constant 64 : index
        %get3A_1291 = tpu.vector_load %arg9[%get3A_1289, %get3A_1290] {strides = array<i32>} : memref<56x128xi32, #tpu.memory_space<vmem>>, vector<16xi32>,
        %gather3A_1292 = tpu.vector_load_idx %arg8[%get3A_1291] : memref<100000xf32, #tpu.memory_space<vmem>>[vector<16xi32>], vector<16xf32>,
        %mul3A_1293 = vector.broadcast %squeeze3A_1250 : f32 to vector<16xf32>
        %mul3A_1294 = arith.mulf %gather3A_1292, %mul3A_1293 : vector<16xf32>
        %add3A_1295 = arith.addf %add3A_1221, %mul3A_1294 : vector<16xf32>
        %add3A_1296 = arith.constant 7 : i32
        %add3A_1297 = arith.addi %mul3A_730, %add3A_1296 : i32
        %get3A_1298 = arith.index_cast %add3A_1297 : i32 to index
        %get3A_1299 = arith.constant 80 : index
        %get3A_1300 = tpu.vector_load %arg9[%get3A_1298, %get3A_1299] {strides = array<i32>} : memref<56x128xi32, #tpu.memory_space<vmem>>, vector<16xi32>,
        %gather3A_1301 = tpu.vector_load_idx %arg8[%get3A_1300] : memref<100000xf32, #tpu.memory_space<vmem>>[vector<16xi32>], vector<16xf32>,
        %mul3A_1302 = vector.broadcast %squeeze3A_1250 : f32 to vector<16xf32>
        %mul3A_1303 = arith.mulf %gather3A_1301, %mul3A_1302 : vector<16xf32>
        %add3A_1304 = arith.addf %add3A_1230, %mul3A_1303 : vector<16xf32>
        %add3A_1305 = arith.constant 7 : i32
        %add3A_1306 = arith.addi %mul3A_730, %add3A_1305 : i32
        %get3A_1307 = arith.index_cast %add3A_1306 : i32 to index
        %get3A_1308 = arith.constant 96 : index
        %get3A_1309 = tpu.vector_load %arg9[%get3A_1307, %get3A_1308] {strides = array<i32>} : memref<56x128xi32, #tpu.memory_space<vmem>>, vector<16xi32>,
        %gather3A_1310 = tpu.vector_load_idx %arg8[%get3A_1309] : memref<100000xf32, #tpu.memory_space<vmem>>[vector<16xi32>], vector<16xf32>,
        %mul3A_1311 = vector.broadcast %squeeze3A_1250 : f32 to vector<16xf32>
        %mul3A_1312 = arith.mulf %gather3A_1310, %mul3A_1311 : vector<16xf32>
        %add3A_1313 = arith.addf %add3A_1239, %mul3A_1312 : vector<16xf32>
        %add3A_1314 = arith.constant 7 : i32
        %add3A_1315 = arith.addi %mul3A_730, %add3A_1314 : i32
        %get3A_1316 = arith.index_cast %add3A_1315 : i32 to index
        %get3A_1317 = arith.constant 112 : index
        %get3A_1318 = tpu.vector_load %arg9[%get3A_1316, %get3A_1317] {strides = array<i32>} : memref<56x128xi32, #tpu.memory_space<vmem>>, vector<16xi32>,
        %gather3A_1319 = tpu.vector_load_idx %arg8[%get3A_1318] : memref<100000xf32, #tpu.memory_space<vmem>>[vector<16xi32>], vector<16xf32>,
        %mul3A_1320 = vector.broadcast %squeeze3A_1250 : f32 to vector<16xf32>
        %mul3A_1321 = arith.mulf %gather3A_1319, %mul3A_1320 : vector<16xf32>
        %add3A_1322 = arith.addf %add3A_1248, %mul3A_1321 : vector<16xf32>
        scf.yield %add3A_1259, %add3A_1268, %add3A_1277, %add3A_1286, %add3A_1295, %add3A_1304, %add3A_1313, %add3A_1322 : vector<16xf32>, vector<16xf32>, vector<16xf32>, vector<16xf32>, vector<16xf32>, vector<16xf32>, vector<16xf32>, vector<16xf32>
      }
      %scan3A_51 = arith.constant 6 : i32
      %mul3A_52 = arith.constant 128 : i32
      %mul3A_53 = arith.muli %scan3A_33, %mul3A_52 : i32
      %add3A_54 = arith.addi %mul3A_2, %mul3A_53 : i32
      %dma_start3A_55 = arith.constant 0 : i32
      %dma_start3A_56 = arith.constant 0 : i32
      %dma_start3A_57 = tpu.memref_slice %arg9[%dma_start3A_55, %dma_start3A_56] : memref<56x128xi32, #tpu.memory_space<vmem>> -> memref<48x128xi32, #tpu.memory_space<vmem>>
      %dma_start3A_58 = arith.constant 96 : i32
      %dma_start3A_59 = tpu.memref_slice %arg3[%dma_start3A_58, %add3A_54] : memref<200x16384xi32, #tpu.memory_space<hbm>> -> memref<48x128xi32, #tpu.memory_space<hbm>>
      %dma_start3A_60 = arith.constant 0 : i32
      %dma_start3A_61 = arith.constant 0 : i32
      %dma_start3A_62 = tpu.memref_slice %arg9[%dma_start3A_60, %dma_start3A_61] : memref<56x128xi32, #tpu.memory_space<vmem>> -> memref<48x128xi32, #tpu.memory_space<vmem>>
      %dma_start3A_63 = arith.constant 96 : i32
      %dma_start3A_64 = tpu.memref_slice %arg3[%dma_start3A_63, %add3A_54] : memref<200x16384xi32, #tpu.memory_space<hbm>> -> memref<48x128xi32, #tpu.memory_space<hbm>>
      tpu.enqueue_dma source(%dma_start3A_64 : memref<48x128xi32, #tpu.memory_space<hbm>>) target(%dma_start3A_62 : memref<48x128xi32, #tpu.memory_space<vmem>>) target_semaphore(%arg15 : memref<!tpu.dma_semaphore, #tpu.memory_space<semaphore_mem>>)
      "tpu.trace_start"() <{level = 10 : i32, message = "wait1"}> : () -> ()
      %dma_wait3A_65 = arith.constant 0 : i32
      %dma_wait3A_66 = arith.constant 0 : i32
      %dma_wait3A_67 = tpu.memref_slice %arg10[%dma_wait3A_65, %dma_wait3A_66] : memref<56x128xi32, #tpu.memory_space<vmem>> -> memref<48x128xi32, #tpu.memory_space<vmem>>
      %dma_wait3A_68 = arith.constant 48 : i32
      %dma_wait3A_69 = arith.constant 0 : i32
      %dma_wait3A_70 = tpu.memref_slice %arg3[%dma_wait3A_68, %dma_wait3A_69] : memref<200x16384xi32, #tpu.memory_space<hbm>> -> memref<48x128xi32, #tpu.memory_space<hbm>>
      %dma_wait3A_71 = arith.constant 0 : i32
      %dma_wait3A_72 = arith.constant 0 : i32
      %dma_wait3A_73 = tpu.memref_slice %arg10[%dma_wait3A_71, %dma_wait3A_72] : memref<56x128xi32, #tpu.memory_space<vmem>> -> memref<48x128xi32, #tpu.memory_space<vmem>>
      %dma_wait3A_74 = arith.constant 48 : i32
      %dma_wait3A_75 = arith.constant 0 : i32
      %dma_wait3A_76 = tpu.memref_slice %arg3[%dma_wait3A_74, %dma_wait3A_75] : memref<200x16384xi32, #tpu.memory_space<hbm>> -> memref<48x128xi32, #tpu.memory_space<hbm>>
      tpu.wait_dma2 semaphore(%arg16 : memref<!tpu.dma_semaphore, #tpu.memory_space<semaphore_mem>>) src(%dma_wait3A_76 : memref<48x128xi32, #tpu.memory_space<hbm>>) dst(%dma_wait3A_73 : memref<48x128xi32, #tpu.memory_space<vmem>>)
      "tpu.trace_stop"() : () -> ()
      %scan3A_77 = arith.constant 0 : i32
      %scan3A_78 = arith.constant 6 : i32
      %scan3A_79 = arith.addi %scan3A_77, %scan3A_78 : i32
      %scan3A_80 = arith.constant 1 : i32
      %scan3A_81:8 = scf.for %scan3A_714 = %scan3A_77 to %scan3A_79 step %scan3A_80 iter_args(%scan3A_715 = %scan3A_50#0, %scan3A_716 = %scan3A_50#1, %scan3A_717 = %scan3A_50#2, %scan3A_718 = %scan3A_50#3, %scan3A_719 = %scan3A_50#4, %scan3A_720 = %scan3A_50#5, %scan3A_721 = %scan3A_50#6, %scan3A_722 = %scan3A_50#7) -> (vector<16xf32>, vector<16xf32>, vector<16xf32>, vector<16xf32>, vector<16xf32>, vector<16xf32>, vector<16xf32>, vector<16xf32>)  : i32 {
        %mul3A_723 = arith.constant 8 : i32
        %mul3A_724 = arith.muli %mul3A_723, %scan3A_714 : i32
        %add3A_725 = arith.constant 48 : i32
        %add3A_726 = arith.addi %add3A_725, %mul3A_724 : i32
        %get3A_727 = arith.index_cast %add3A_726 : i32 to index
        %get3A_728 = tpu.vector_load %arg12[%get3A_727] {strides = array<i32>} : memref<200xf32, #tpu.memory_space<vmem>>, vector<16xf32>,
        %mul3A_729 = arith.constant 8 : i32
        %mul3A_730 = arith.muli %mul3A_729, %scan3A_714 : i32
        %slice3A_731 = vector.extract_strided_slice %get3A_728 {offsets = [0], sizes = [1], strides = [1]} : vector<16xf32> to vector<1xf32>
        %squeeze3A_732 = vector.extract %slice3A_731[0] : f32 from vector<1xf32>
        %add3A_733 = arith.constant 0 : i32
        %add3A_734 = arith.addi %mul3A_730, %add3A_733 : i32
        %get3A_735 = arith.index_cast %add3A_734 : i32 to index
        %get3A_736 = arith.constant 0 : index
        %get3A_737 = tpu.vector_load %arg10[%get3A_735, %get3A_736] {strides = array<i32>} : memref<56x128xi32, #tpu.memory_space<vmem>>, vector<16xi32>,
        %gather3A_738 = tpu.vector_load_idx %arg8[%get3A_737] : memref<100000xf32, #tpu.memory_space<vmem>>[vector<16xi32>], vector<16xf32>,
        %mul3A_739 = vector.broadcast %squeeze3A_732 : f32 to vector<16xf32>
        %mul3A_740 = arith.mulf %gather3A_738, %mul3A_739 : vector<16xf32>
        %add3A_741 = arith.addf %scan3A_715, %mul3A_740 : vector<16xf32>
        %add3A_742 = arith.constant 0 : i32
        %add3A_743 = arith.addi %mul3A_730, %add3A_742 : i32
        %get3A_744 = arith.index_cast %add3A_743 : i32 to index
        %get3A_745 = arith.constant 16 : index
        %get3A_746 = tpu.vector_load %arg10[%get3A_744, %get3A_745] {strides = array<i32>} : memref<56x128xi32, #tpu.memory_space<vmem>>, vector<16xi32>,
        %gather3A_747 = tpu.vector_load_idx %arg8[%get3A_746] : memref<100000xf32, #tpu.memory_space<vmem>>[vector<16xi32>], vector<16xf32>,
        %mul3A_748 = vector.broadcast %squeeze3A_732 : f32 to vector<16xf32>
        %mul3A_749 = arith.mulf %gather3A_747, %mul3A_748 : vector<16xf32>
        %add3A_750 = arith.addf %scan3A_716, %mul3A_749 : vector<16xf32>
        %add3A_751 = arith.constant 0 : i32
        %add3A_752 = arith.addi %mul3A_730, %add3A_751 : i32
        %get3A_753 = arith.index_cast %add3A_752 : i32 to index
        %get3A_754 = arith.constant 32 : index
        %get3A_755 = tpu.vector_load %arg10[%get3A_753, %get3A_754] {strides = array<i32>} : memref<56x128xi32, #tpu.memory_space<vmem>>, vector<16xi32>,
        %gather3A_756 = tpu.vector_load_idx %arg8[%get3A_755] : memref<100000xf32, #tpu.memory_space<vmem>>[vector<16xi32>], vector<16xf32>,
        %mul3A_757 = vector.broadcast %squeeze3A_732 : f32 to vector<16xf32>
        %mul3A_758 = arith.mulf %gather3A_756, %mul3A_757 : vector<16xf32>
        %add3A_759 = arith.addf %scan3A_717, %mul3A_758 : vector<16xf32>
        %add3A_760 = arith.constant 0 : i32
        %add3A_761 = arith.addi %mul3A_730, %add3A_760 : i32
        %get3A_762 = arith.index_cast %add3A_761 : i32 to index
        %get3A_763 = arith.constant 48 : index
        %get3A_764 = tpu.vector_load %arg10[%get3A_762, %get3A_763] {strides = array<i32>} : memref<56x128xi32, #tpu.memory_space<vmem>>, vector<16xi32>,
        %gather3A_765 = tpu.vector_load_idx %arg8[%get3A_764] : memref<100000xf32, #tpu.memory_space<vmem>>[vector<16xi32>], vector<16xf32>,
        %mul3A_766 = vector.broadcast %squeeze3A_732 : f32 to vector<16xf32>
        %mul3A_767 = arith.mulf %gather3A_765, %mul3A_766 : vector<16xf32>
        %add3A_768 = arith.addf %scan3A_718, %mul3A_767 : vector<16xf32>
        %add3A_769 = arith.constant 0 : i32
        %add3A_770 = arith.addi %mul3A_730, %add3A_769 : i32
        %get3A_771 = arith.index_cast %add3A_770 : i32 to index
        %get3A_772 = arith.constant 64 : index
        %get3A_773 = tpu.vector_load %arg10[%get3A_771, %get3A_772] {strides = array<i32>} : memref<56x128xi32, #tpu.memory_space<vmem>>, vector<16xi32>,
        %gather3A_774 = tpu.vector_load_idx %arg8[%get3A_773] : memref<100000xf32, #tpu.memory_space<vmem>>[vector<16xi32>], vector<16xf32>,
        %mul3A_775 = vector.broadcast %squeeze3A_732 : f32 to vector<16xf32>
        %mul3A_776 = arith.mulf %gather3A_774, %mul3A_775 : vector<16xf32>
        %add3A_777 = arith.addf %scan3A_719, %mul3A_776 : vector<16xf32>
        %add3A_778 = arith.constant 0 : i32
        %add3A_779 = arith.addi %mul3A_730, %add3A_778 : i32
        %get3A_780 = arith.index_cast %add3A_779 : i32 to index
        %get3A_781 = arith.constant 80 : index
        %get3A_782 = tpu.vector_load %arg10[%get3A_780, %get3A_781] {strides = array<i32>} : memref<56x128xi32, #tpu.memory_space<vmem>>, vector<16xi32>,
        %gather3A_783 = tpu.vector_load_idx %arg8[%get3A_782] : memref<100000xf32, #tpu.memory_space<vmem>>[vector<16xi32>], vector<16xf32>,
        %mul3A_784 = vector.broadcast %squeeze3A_732 : f32 to vector<16xf32>
        %mul3A_785 = arith.mulf %gather3A_783, %mul3A_784 : vector<16xf32>
        %add3A_786 = arith.addf %scan3A_720, %mul3A_785 : vector<16xf32>
        %add3A_787 = arith.constant 0 : i32
        %add3A_788 = arith.addi %mul3A_730, %add3A_787 : i32
        %get3A_789 = arith.index_cast %add3A_788 : i32 to index
        %get3A_790 = arith.constant 96 : index
        %get3A_791 = tpu.vector_load %arg10[%get3A_789, %get3A_790] {strides = array<i32>} : memref<56x128xi32, #tpu.memory_space<vmem>>, vector<16xi32>,
        %gather3A_792 = tpu.vector_load_idx %arg8[%get3A_791] : memref<100000xf32, #tpu.memory_space<vmem>>[vector<16xi32>], vector<16xf32>,
        %mul3A_793 = vector.broadcast %squeeze3A_732 : f32 to vector<16xf32>
        %mul3A_794 = arith.mulf %gather3A_792, %mul3A_793 : vector<16xf32>
        %add3A_795 = arith.addf %scan3A_721, %mul3A_794 : vector<16xf32>
        %add3A_796 = arith.constant 0 : i32
        %add3A_797 = arith.addi %mul3A_730, %add3A_796 : i32
        %get3A_798 = arith.index_cast %add3A_797 : i32 to index
        %get3A_799 = arith.constant 112 : index
        %get3A_800 = tpu.vector_load %arg10[%get3A_798, %get3A_799] {strides = array<i32>} : memref<56x128xi32, #tpu.memory_space<vmem>>, vector<16xi32>,
        %gather3A_801 = tpu.vector_load_idx %arg8[%get3A_800] : memref<100000xf32, #tpu.memory_space<vmem>>[vector<16xi32>], vector<16xf32>,
        %mul3A_802 = vector.broadcast %squeeze3A_732 : f32 to vector<16xf32>
        %mul3A_803 = arith.mulf %gather3A_801, %mul3A_802 : vector<16xf32>
        %add3A_804 = arith.addf %scan3A_722, %mul3A_803 : vector<16xf32>
        %slice3A_805 = vector.extract_strided_slice %get3A_728 {offsets = [1], sizes = [1], strides = [1]} : vector<16xf32> to vector<1xf32>
        %squeeze3A_806 = vector.extract %slice3A_805[0] : f32 from vector<1xf32>
        %add3A_807 = arith.constant 1 : i32
        %add3A_808 = arith.addi %mul3A_730, %add3A_807 : i32
        %get3A_809 = arith.index_cast %add3A_808 : i32 to index
        %get3A_810 = arith.constant 0 : index
        %get3A_811 = tpu.vector_load %arg10[%get3A_809, %get3A_810] {strides = array<i32>} : memref<56x128xi32, #tpu.memory_space<vmem>>, vector<16xi32>,
        %gather3A_812 = tpu.vector_load_idx %arg8[%get3A_811] : memref<100000xf32, #tpu.memory_space<vmem>>[vector<16xi32>], vector<16xf32>,
        %mul3A_813 = vector.broadcast %squeeze3A_806 : f32 to vector<16xf32>
        %mul3A_814 = arith.mulf %gather3A_812, %mul3A_813 : vector<16xf32>
        %add3A_815 = arith.addf %add3A_741, %mul3A_814 : vector<16xf32>
        %add3A_816 = arith.constant 1 : i32
        %add3A_817 = arith.addi %mul3A_730, %add3A_816 : i32
        %get3A_818 = arith.index_cast %add3A_817 : i32 to index
        %get3A_819 = arith.constant 16 : index
        %get3A_820 = tpu.vector_load %arg10[%get3A_818, %get3A_819] {strides = array<i32>} : memref<56x128xi32, #tpu.memory_space<vmem>>, vector<16xi32>,
        %gather3A_821 = tpu.vector_load_idx %arg8[%get3A_820] : memref<100000xf32, #tpu.memory_space<vmem>>[vector<16xi32>], vector<16xf32>,
        %mul3A_822 = vector.broadcast %squeeze3A_806 : f32 to vector<16xf32>
        %mul3A_823 = arith.mulf %gather3A_821, %mul3A_822 : vector<16xf32>
        %add3A_824 = arith.addf %add3A_750, %mul3A_823 : vector<16xf32>
        %add3A_825 = arith.constant 1 : i32
        %add3A_826 = arith.addi %mul3A_730, %add3A_825 : i32
        %get3A_827 = arith.index_cast %add3A_826 : i32 to index
        %get3A_828 = arith.constant 32 : index
        %get3A_829 = tpu.vector_load %arg10[%get3A_827, %get3A_828] {strides = array<i32>} : memref<56x128xi32, #tpu.memory_space<vmem>>, vector<16xi32>,
        %gather3A_830 = tpu.vector_load_idx %arg8[%get3A_829] : memref<100000xf32, #tpu.memory_space<vmem>>[vector<16xi32>], vector<16xf32>,
        %mul3A_831 = vector.broadcast %squeeze3A_806 : f32 to vector<16xf32>
        %mul3A_832 = arith.mulf %gather3A_830, %mul3A_831 : vector<16xf32>
        %add3A_833 = arith.addf %add3A_759, %mul3A_832 : vector<16xf32>
        %add3A_834 = arith.constant 1 : i32
        %add3A_835 = arith.addi %mul3A_730, %add3A_834 : i32
        %get3A_836 = arith.index_cast %add3A_835 : i32 to index
        %get3A_837 = arith.constant 48 : index
        %get3A_838 = tpu.vector_load %arg10[%get3A_836, %get3A_837] {strides = array<i32>} : memref<56x128xi32, #tpu.memory_space<vmem>>, vector<16xi32>,
        %gather3A_839 = tpu.vector_load_idx %arg8[%get3A_838] : memref<100000xf32, #tpu.memory_space<vmem>>[vector<16xi32>], vector<16xf32>,
        %mul3A_840 = vector.broadcast %squeeze3A_806 : f32 to vector<16xf32>
        %mul3A_841 = arith.mulf %gather3A_839, %mul3A_840 : vector<16xf32>
        %add3A_842 = arith.addf %add3A_768, %mul3A_841 : vector<16xf32>
        %add3A_843 = arith.constant 1 : i32
        %add3A_844 = arith.addi %mul3A_730, %add3A_843 : i32
        %get3A_845 = arith.index_cast %add3A_844 : i32 to index
        %get3A_846 = arith.constant 64 : index
        %get3A_847 = tpu.vector_load %arg10[%get3A_845, %get3A_846] {strides = array<i32>} : memref<56x128xi32, #tpu.memory_space<vmem>>, vector<16xi32>,
        %gather3A_848 = tpu.vector_load_idx %arg8[%get3A_847] : memref<100000xf32, #tpu.memory_space<vmem>>[vector<16xi32>], vector<16xf32>,
        %mul3A_849 = vector.broadcast %squeeze3A_806 : f32 to vector<16xf32>
        %mul3A_850 = arith.mulf %gather3A_848, %mul3A_849 : vector<16xf32>
        %add3A_851 = arith.addf %add3A_777, %mul3A_850 : vector<16xf32>
        %add3A_852 = arith.constant 1 : i32
        %add3A_853 = arith.addi %mul3A_730, %add3A_852 : i32
        %get3A_854 = arith.index_cast %add3A_853 : i32 to index
        %get3A_855 = arith.constant 80 : index
        %get3A_856 = tpu.vector_load %arg10[%get3A_854, %get3A_855] {strides = array<i32>} : memref<56x128xi32, #tpu.memory_space<vmem>>, vector<16xi32>,
        %gather3A_857 = tpu.vector_load_idx %arg8[%get3A_856] : memref<100000xf32, #tpu.memory_space<vmem>>[vector<16xi32>], vector<16xf32>,
        %mul3A_858 = vector.broadcast %squeeze3A_806 : f32 to vector<16xf32>
        %mul3A_859 = arith.mulf %gather3A_857, %mul3A_858 : vector<16xf32>
        %add3A_860 = arith.addf %add3A_786, %mul3A_859 : vector<16xf32>
        %add3A_861 = arith.constant 1 : i32
        %add3A_862 = arith.addi %mul3A_730, %add3A_861 : i32
        %get3A_863 = arith.index_cast %add3A_862 : i32 to index
        %get3A_864 = arith.constant 96 : index
        %get3A_865 = tpu.vector_load %arg10[%get3A_863, %get3A_864] {strides = array<i32>} : memref<56x128xi32, #tpu.memory_space<vmem>>, vector<16xi32>,
        %gather3A_866 = tpu.vector_load_idx %arg8[%get3A_865] : memref<100000xf32, #tpu.memory_space<vmem>>[vector<16xi32>], vector<16xf32>,
        %mul3A_867 = vector.broadcast %squeeze3A_806 : f32 to vector<16xf32>
        %mul3A_868 = arith.mulf %gather3A_866, %mul3A_867 : vector<16xf32>
        %add3A_869 = arith.addf %add3A_795, %mul3A_868 : vector<16xf32>
        %add3A_870 = arith.constant 1 : i32
        %add3A_871 = arith.addi %mul3A_730, %add3A_870 : i32
        %get3A_872 = arith.index_cast %add3A_871 : i32 to index
        %get3A_873 = arith.constant 112 : index
        %get3A_874 = tpu.vector_load %arg10[%get3A_872, %get3A_873] {strides = array<i32>} : memref<56x128xi32, #tpu.memory_space<vmem>>, vector<16xi32>,
        %gather3A_875 = tpu.vector_load_idx %arg8[%get3A_874] : memref<100000xf32, #tpu.memory_space<vmem>>[vector<16xi32>], vector<16xf32>,
        %mul3A_876 = vector.broadcast %squeeze3A_806 : f32 to vector<16xf32>
        %mul3A_877 = arith.mulf %gather3A_875, %mul3A_876 : vector<16xf32>
        %add3A_878 = arith.addf %add3A_804, %mul3A_877 : vector<16xf32>
        %slice3A_879 = vector.extract_strided_slice %get3A_728 {offsets = [2], sizes = [1], strides = [1]} : vector<16xf32> to vector<1xf32>
        %squeeze3A_880 = vector.extract %slice3A_879[0] : f32 from vector<1xf32>
        %add3A_881 = arith.constant 2 : i32
        %add3A_882 = arith.addi %mul3A_730, %add3A_881 : i32
        %get3A_883 = arith.index_cast %add3A_882 : i32 to index
        %get3A_884 = arith.constant 0 : index
        %get3A_885 = tpu.vector_load %arg10[%get3A_883, %get3A_884] {strides = array<i32>} : memref<56x128xi32, #tpu.memory_space<vmem>>, vector<16xi32>,
        %gather3A_886 = tpu.vector_load_idx %arg8[%get3A_885] : memref<100000xf32, #tpu.memory_space<vmem>>[vector<16xi32>], vector<16xf32>,
        %mul3A_887 = vector.broadcast %squeeze3A_880 : f32 to vector<16xf32>
        %mul3A_888 = arith.mulf %gather3A_886, %mul3A_887 : vector<16xf32>
        %add3A_889 = arith.addf %add3A_815, %mul3A_888 : vector<16xf32>
        %add3A_890 = arith.constant 2 : i32
        %add3A_891 = arith.addi %mul3A_730, %add3A_890 : i32
        %get3A_892 = arith.index_cast %add3A_891 : i32 to index
        %get3A_893 = arith.constant 16 : index
        %get3A_894 = tpu.vector_load %arg10[%get3A_892, %get3A_893] {strides = array<i32>} : memref<56x128xi32, #tpu.memory_space<vmem>>, vector<16xi32>,
        %gather3A_895 = tpu.vector_load_idx %arg8[%get3A_894] : memref<100000xf32, #tpu.memory_space<vmem>>[vector<16xi32>], vector<16xf32>,
        %mul3A_896 = vector.broadcast %squeeze3A_880 : f32 to vector<16xf32>
        %mul3A_897 = arith.mulf %gather3A_895, %mul3A_896 : vector<16xf32>
        %add3A_898 = arith.addf %add3A_824, %mul3A_897 : vector<16xf32>
        %add3A_899 = arith.constant 2 : i32
        %add3A_900 = arith.addi %mul3A_730, %add3A_899 : i32
        %get3A_901 = arith.index_cast %add3A_900 : i32 to index
        %get3A_902 = arith.constant 32 : index
        %get3A_903 = tpu.vector_load %arg10[%get3A_901, %get3A_902] {strides = array<i32>} : memref<56x128xi32, #tpu.memory_space<vmem>>, vector<16xi32>,
        %gather3A_904 = tpu.vector_load_idx %arg8[%get3A_903] : memref<100000xf32, #tpu.memory_space<vmem>>[vector<16xi32>], vector<16xf32>,
        %mul3A_905 = vector.broadcast %squeeze3A_880 : f32 to vector<16xf32>
        %mul3A_906 = arith.mulf %gather3A_904, %mul3A_905 : vector<16xf32>
        %add3A_907 = arith.addf %add3A_833, %mul3A_906 : vector<16xf32>
        %add3A_908 = arith.constant 2 : i32
        %add3A_909 = arith.addi %mul3A_730, %add3A_908 : i32
        %get3A_910 = arith.index_cast %add3A_909 : i32 to index
        %get3A_911 = arith.constant 48 : index
        %get3A_912 = tpu.vector_load %arg10[%get3A_910, %get3A_911] {strides = array<i32>} : memref<56x128xi32, #tpu.memory_space<vmem>>, vector<16xi32>,
        %gather3A_913 = tpu.vector_load_idx %arg8[%get3A_912] : memref<100000xf32, #tpu.memory_space<vmem>>[vector<16xi32>], vector<16xf32>,
        %mul3A_914 = vector.broadcast %squeeze3A_880 : f32 to vector<16xf32>
        %mul3A_915 = arith.mulf %gather3A_913, %mul3A_914 : vector<16xf32>
        %add3A_916 = arith.addf %add3A_842, %mul3A_915 : vector<16xf32>
        %add3A_917 = arith.constant 2 : i32
        %add3A_918 = arith.addi %mul3A_730, %add3A_917 : i32
        %get3A_919 = arith.index_cast %add3A_918 : i32 to index
        %get3A_920 = arith.constant 64 : index
        %get3A_921 = tpu.vector_load %arg10[%get3A_919, %get3A_920] {strides = array<i32>} : memref<56x128xi32, #tpu.memory_space<vmem>>, vector<16xi32>,
        %gather3A_922 = tpu.vector_load_idx %arg8[%get3A_921] : memref<100000xf32, #tpu.memory_space<vmem>>[vector<16xi32>], vector<16xf32>,
        %mul3A_923 = vector.broadcast %squeeze3A_880 : f32 to vector<16xf32>
        %mul3A_924 = arith.mulf %gather3A_922, %mul3A_923 : vector<16xf32>
        %add3A_925 = arith.addf %add3A_851, %mul3A_924 : vector<16xf32>
        %add3A_926 = arith.constant 2 : i32
        %add3A_927 = arith.addi %mul3A_730, %add3A_926 : i32
        %get3A_928 = arith.index_cast %add3A_927 : i32 to index
        %get3A_929 = arith.constant 80 : index
        %get3A_930 = tpu.vector_load %arg10[%get3A_928, %get3A_929] {strides = array<i32>} : memref<56x128xi32, #tpu.memory_space<vmem>>, vector<16xi32>,
        %gather3A_931 = tpu.vector_load_idx %arg8[%get3A_930] : memref<100000xf32, #tpu.memory_space<vmem>>[vector<16xi32>], vector<16xf32>,
        %mul3A_932 = vector.broadcast %squeeze3A_880 : f32 to vector<16xf32>
        %mul3A_933 = arith.mulf %gather3A_931, %mul3A_932 : vector<16xf32>
        %add3A_934 = arith.addf %add3A_860, %mul3A_933 : vector<16xf32>
        %add3A_935 = arith.constant 2 : i32
        %add3A_936 = arith.addi %mul3A_730, %add3A_935 : i32
        %get3A_937 = arith.index_cast %add3A_936 : i32 to index
        %get3A_938 = arith.constant 96 : index
        %get3A_939 = tpu.vector_load %arg10[%get3A_937, %get3A_938] {strides = array<i32>} : memref<56x128xi32, #tpu.memory_space<vmem>>, vector<16xi32>,
        %gather3A_940 = tpu.vector_load_idx %arg8[%get3A_939] : memref<100000xf32, #tpu.memory_space<vmem>>[vector<16xi32>], vector<16xf32>,
        %mul3A_941 = vector.broadcast %squeeze3A_880 : f32 to vector<16xf32>
        %mul3A_942 = arith.mulf %gather3A_940, %mul3A_941 : vector<16xf32>
        %add3A_943 = arith.addf %add3A_869, %mul3A_942 : vector<16xf32>
        %add3A_944 = arith.constant 2 : i32
        %add3A_945 = arith.addi %mul3A_730, %add3A_944 : i32
        %get3A_946 = arith.index_cast %add3A_945 : i32 to index
        %get3A_947 = arith.constant 112 : index
        %get3A_948 = tpu.vector_load %arg10[%get3A_946, %get3A_947] {strides = array<i32>} : memref<56x128xi32, #tpu.memory_space<vmem>>, vector<16xi32>,
        %gather3A_949 = tpu.vector_load_idx %arg8[%get3A_948] : memref<100000xf32, #tpu.memory_space<vmem>>[vector<16xi32>], vector<16xf32>,
        %mul3A_950 = vector.broadcast %squeeze3A_880 : f32 to vector<16xf32>
        %mul3A_951 = arith.mulf %gather3A_949, %mul3A_950 : vector<16xf32>
        %add3A_952 = arith.addf %add3A_878, %mul3A_951 : vector<16xf32>
        %slice3A_953 = vector.extract_strided_slice %get3A_728 {offsets = [3], sizes = [1], strides = [1]} : vector<16xf32> to vector<1xf32>
        %squeeze3A_954 = vector.extract %slice3A_953[0] : f32 from vector<1xf32>
        %add3A_955 = arith.constant 3 : i32
        %add3A_956 = arith.addi %mul3A_730, %add3A_955 : i32
        %get3A_957 = arith.index_cast %add3A_956 : i32 to index
        %get3A_958 = arith.constant 0 : index
        %get3A_959 = tpu.vector_load %arg10[%get3A_957, %get3A_958] {strides = array<i32>} : memref<56x128xi32, #tpu.memory_space<vmem>>, vector<16xi32>,
        %gather3A_960 = tpu.vector_load_idx %arg8[%get3A_959] : memref<100000xf32, #tpu.memory_space<vmem>>[vector<16xi32>], vector<16xf32>,
        %mul3A_961 = vector.broadcast %squeeze3A_954 : f32 to vector<16xf32>
        %mul3A_962 = arith.mulf %gather3A_960, %mul3A_961 : vector<16xf32>
        %add3A_963 = arith.addf %add3A_889, %mul3A_962 : vector<16xf32>
        %add3A_964 = arith.constant 3 : i32
        %add3A_965 = arith.addi %mul3A_730, %add3A_964 : i32
        %get3A_966 = arith.index_cast %add3A_965 : i32 to index
        %get3A_967 = arith.constant 16 : index
        %get3A_968 = tpu.vector_load %arg10[%get3A_966, %get3A_967] {strides = array<i32>} : memref<56x128xi32, #tpu.memory_space<vmem>>, vector<16xi32>,
        %gather3A_969 = tpu.vector_load_idx %arg8[%get3A_968] : memref<100000xf32, #tpu.memory_space<vmem>>[vector<16xi32>], vector<16xf32>,
        %mul3A_970 = vector.broadcast %squeeze3A_954 : f32 to vector<16xf32>
        %mul3A_971 = arith.mulf %gather3A_969, %mul3A_970 : vector<16xf32>
        %add3A_972 = arith.addf %add3A_898, %mul3A_971 : vector<16xf32>
        %add3A_973 = arith.constant 3 : i32
        %add3A_974 = arith.addi %mul3A_730, %add3A_973 : i32
        %get3A_975 = arith.index_cast %add3A_974 : i32 to index
        %get3A_976 = arith.constant 32 : index
        %get3A_977 = tpu.vector_load %arg10[%get3A_975, %get3A_976] {strides = array<i32>} : memref<56x128xi32, #tpu.memory_space<vmem>>, vector<16xi32>,
        %gather3A_978 = tpu.vector_load_idx %arg8[%get3A_977] : memref<100000xf32, #tpu.memory_space<vmem>>[vector<16xi32>], vector<16xf32>,
        %mul3A_979 = vector.broadcast %squeeze3A_954 : f32 to vector<16xf32>
        %mul3A_980 = arith.mulf %gather3A_978, %mul3A_979 : vector<16xf32>
        %add3A_981 = arith.addf %add3A_907, %mul3A_980 : vector<16xf32>
        %add3A_982 = arith.constant 3 : i32
        %add3A_983 = arith.addi %mul3A_730, %add3A_982 : i32
        %get3A_984 = arith.index_cast %add3A_983 : i32 to index
        %get3A_985 = arith.constant 48 : index
        %get3A_986 = tpu.vector_load %arg10[%get3A_984, %get3A_985] {strides = array<i32>} : memref<56x128xi32, #tpu.memory_space<vmem>>, vector<16xi32>,
        %gather3A_987 = tpu.vector_load_idx %arg8[%get3A_986] : memref<100000xf32, #tpu.memory_space<vmem>>[vector<16xi32>], vector<16xf32>,
        %mul3A_988 = vector.broadcast %squeeze3A_954 : f32 to vector<16xf32>
        %mul3A_989 = arith.mulf %gather3A_987, %mul3A_988 : vector<16xf32>
        %add3A_990 = arith.addf %add3A_916, %mul3A_989 : vector<16xf32>
        %add3A_991 = arith.constant 3 : i32
        %add3A_992 = arith.addi %mul3A_730, %add3A_991 : i32
        %get3A_993 = arith.index_cast %add3A_992 : i32 to index
        %get3A_994 = arith.constant 64 : index
        %get3A_995 = tpu.vector_load %arg10[%get3A_993, %get3A_994] {strides = array<i32>} : memref<56x128xi32, #tpu.memory_space<vmem>>, vector<16xi32>,
        %gather3A_996 = tpu.vector_load_idx %arg8[%get3A_995] : memref<100000xf32, #tpu.memory_space<vmem>>[vector<16xi32>], vector<16xf32>,
        %mul3A_997 = vector.broadcast %squeeze3A_954 : f32 to vector<16xf32>
        %mul3A_998 = arith.mulf %gather3A_996, %mul3A_997 : vector<16xf32>
        %add3A_999 = arith.addf %add3A_925, %mul3A_998 : vector<16xf32>
        %add3A_1000 = arith.constant 3 : i32
        %add3A_1001 = arith.addi %mul3A_730, %add3A_1000 : i32
        %get3A_1002 = arith.index_cast %add3A_1001 : i32 to index
        %get3A_1003 = arith.constant 80 : index
        %get3A_1004 = tpu.vector_load %arg10[%get3A_1002, %get3A_1003] {strides = array<i32>} : memref<56x128xi32, #tpu.memory_space<vmem>>, vector<16xi32>,
        %gather3A_1005 = tpu.vector_load_idx %arg8[%get3A_1004] : memref<100000xf32, #tpu.memory_space<vmem>>[vector<16xi32>], vector<16xf32>,
        %mul3A_1006 = vector.broadcast %squeeze3A_954 : f32 to vector<16xf32>
        %mul3A_1007 = arith.mulf %gather3A_1005, %mul3A_1006 : vector<16xf32>
        %add3A_1008 = arith.addf %add3A_934, %mul3A_1007 : vector<16xf32>
        %add3A_1009 = arith.constant 3 : i32
        %add3A_1010 = arith.addi %mul3A_730, %add3A_1009 : i32
        %get3A_1011 = arith.index_cast %add3A_1010 : i32 to index
        %get3A_1012 = arith.constant 96 : index
        %get3A_1013 = tpu.vector_load %arg10[%get3A_1011, %get3A_1012] {strides = array<i32>} : memref<56x128xi32, #tpu.memory_space<vmem>>, vector<16xi32>,
        %gather3A_1014 = tpu.vector_load_idx %arg8[%get3A_1013] : memref<100000xf32, #tpu.memory_space<vmem>>[vector<16xi32>], vector<16xf32>,
        %mul3A_1015 = vector.broadcast %squeeze3A_954 : f32 to vector<16xf32>
        %mul3A_1016 = arith.mulf %gather3A_1014, %mul3A_1015 : vector<16xf32>
        %add3A_1017 = arith.addf %add3A_943, %mul3A_1016 : vector<16xf32>
        %add3A_1018 = arith.constant 3 : i32
        %add3A_1019 = arith.addi %mul3A_730, %add3A_1018 : i32
        %get3A_1020 = arith.index_cast %add3A_1019 : i32 to index
        %get3A_1021 = arith.constant 112 : index
        %get3A_1022 = tpu.vector_load %arg10[%get3A_1020, %get3A_1021] {strides = array<i32>} : memref<56x128xi32, #tpu.memory_space<vmem>>, vector<16xi32>,
        %gather3A_1023 = tpu.vector_load_idx %arg8[%get3A_1022] : memref<100000xf32, #tpu.memory_space<vmem>>[vector<16xi32>], vector<16xf32>,
        %mul3A_1024 = vector.broadcast %squeeze3A_954 : f32 to vector<16xf32>
        %mul3A_1025 = arith.mulf %gather3A_1023, %mul3A_1024 : vector<16xf32>
        %add3A_1026 = arith.addf %add3A_952, %mul3A_1025 : vector<16xf32>
        %slice3A_1027 = vector.extract_strided_slice %get3A_728 {offsets = [4], sizes = [1], strides = [1]} : vector<16xf32> to vector<1xf32>
        %squeeze3A_1028 = vector.extract %slice3A_1027[0] : f32 from vector<1xf32>
        %add3A_1029 = arith.constant 4 : i32
        %add3A_1030 = arith.addi %mul3A_730, %add3A_1029 : i32
        %get3A_1031 = arith.index_cast %add3A_1030 : i32 to index
        %get3A_1032 = arith.constant 0 : index
        %get3A_1033 = tpu.vector_load %arg10[%get3A_1031, %get3A_1032] {strides = array<i32>} : memref<56x128xi32, #tpu.memory_space<vmem>>, vector<16xi32>,
        %gather3A_1034 = tpu.vector_load_idx %arg8[%get3A_1033] : memref<100000xf32, #tpu.memory_space<vmem>>[vector<16xi32>], vector<16xf32>,
        %mul3A_1035 = vector.broadcast %squeeze3A_1028 : f32 to vector<16xf32>
        %mul3A_1036 = arith.mulf %gather3A_1034, %mul3A_1035 : vector<16xf32>
        %add3A_1037 = arith.addf %add3A_963, %mul3A_1036 : vector<16xf32>
        %add3A_1038 = arith.constant 4 : i32
        %add3A_1039 = arith.addi %mul3A_730, %add3A_1038 : i32
        %get3A_1040 = arith.index_cast %add3A_1039 : i32 to index
        %get3A_1041 = arith.constant 16 : index
        %get3A_1042 = tpu.vector_load %arg10[%get3A_1040, %get3A_1041] {strides = array<i32>} : memref<56x128xi32, #tpu.memory_space<vmem>>, vector<16xi32>,
        %gather3A_1043 = tpu.vector_load_idx %arg8[%get3A_1042] : memref<100000xf32, #tpu.memory_space<vmem>>[vector<16xi32>], vector<16xf32>,
        %mul3A_1044 = vector.broadcast %squeeze3A_1028 : f32 to vector<16xf32>
        %mul3A_1045 = arith.mulf %gather3A_1043, %mul3A_1044 : vector<16xf32>
        %add3A_1046 = arith.addf %add3A_972, %mul3A_1045 : vector<16xf32>
        %add3A_1047 = arith.constant 4 : i32
        %add3A_1048 = arith.addi %mul3A_730, %add3A_1047 : i32
        %get3A_1049 = arith.index_cast %add3A_1048 : i32 to index
        %get3A_1050 = arith.constant 32 : index
        %get3A_1051 = tpu.vector_load %arg10[%get3A_1049, %get3A_1050] {strides = array<i32>} : memref<56x128xi32, #tpu.memory_space<vmem>>, vector<16xi32>,
        %gather3A_1052 = tpu.vector_load_idx %arg8[%get3A_1051] : memref<100000xf32, #tpu.memory_space<vmem>>[vector<16xi32>], vector<16xf32>,
        %mul3A_1053 = vector.broadcast %squeeze3A_1028 : f32 to vector<16xf32>
        %mul3A_1054 = arith.mulf %gather3A_1052, %mul3A_1053 : vector<16xf32>
        %add3A_1055 = arith.addf %add3A_981, %mul3A_1054 : vector<16xf32>
        %add3A_1056 = arith.constant 4 : i32
        %add3A_1057 = arith.addi %mul3A_730, %add3A_1056 : i32
        %get3A_1058 = arith.index_cast %add3A_1057 : i32 to index
        %get3A_1059 = arith.constant 48 : index
        %get3A_1060 = tpu.vector_load %arg10[%get3A_1058, %get3A_1059] {strides = array<i32>} : memref<56x128xi32, #tpu.memory_space<vmem>>, vector<16xi32>,
        %gather3A_1061 = tpu.vector_load_idx %arg8[%get3A_1060] : memref<100000xf32, #tpu.memory_space<vmem>>[vector<16xi32>], vector<16xf32>,
        %mul3A_1062 = vector.broadcast %squeeze3A_1028 : f32 to vector<16xf32>
        %mul3A_1063 = arith.mulf %gather3A_1061, %mul3A_1062 : vector<16xf32>
        %add3A_1064 = arith.addf %add3A_990, %mul3A_1063 : vector<16xf32>
        %add3A_1065 = arith.constant 4 : i32
        %add3A_1066 = arith.addi %mul3A_730, %add3A_1065 : i32
        %get3A_1067 = arith.index_cast %add3A_1066 : i32 to index
        %get3A_1068 = arith.constant 64 : index
        %get3A_1069 = tpu.vector_load %arg10[%get3A_1067, %get3A_1068] {strides = array<i32>} : memref<56x128xi32, #tpu.memory_space<vmem>>, vector<16xi32>,
        %gather3A_1070 = tpu.vector_load_idx %arg8[%get3A_1069] : memref<100000xf32, #tpu.memory_space<vmem>>[vector<16xi32>], vector<16xf32>,
        %mul3A_1071 = vector.broadcast %squeeze3A_1028 : f32 to vector<16xf32>
        %mul3A_1072 = arith.mulf %gather3A_1070, %mul3A_1071 : vector<16xf32>
        %add3A_1073 = arith.addf %add3A_999, %mul3A_1072 : vector<16xf32>
        %add3A_1074 = arith.constant 4 : i32
        %add3A_1075 = arith.addi %mul3A_730, %add3A_1074 : i32
        %get3A_1076 = arith.index_cast %add3A_1075 : i32 to index
        %get3A_1077 = arith.constant 80 : index
        %get3A_1078 = tpu.vector_load %arg10[%get3A_1076, %get3A_1077] {strides = array<i32>} : memref<56x128xi32, #tpu.memory_space<vmem>>, vector<16xi32>,
        %gather3A_1079 = tpu.vector_load_idx %arg8[%get3A_1078] : memref<100000xf32, #tpu.memory_space<vmem>>[vector<16xi32>], vector<16xf32>,
        %mul3A_1080 = vector.broadcast %squeeze3A_1028 : f32 to vector<16xf32>
        %mul3A_1081 = arith.mulf %gather3A_1079, %mul3A_1080 : vector<16xf32>
        %add3A_1082 = arith.addf %add3A_1008, %mul3A_1081 : vector<16xf32>
        %add3A_1083 = arith.constant 4 : i32
        %add3A_1084 = arith.addi %mul3A_730, %add3A_1083 : i32
        %get3A_1085 = arith.index_cast %add3A_1084 : i32 to index
        %get3A_1086 = arith.constant 96 : index
        %get3A_1087 = tpu.vector_load %arg10[%get3A_1085, %get3A_1086] {strides = array<i32>} : memref<56x128xi32, #tpu.memory_space<vmem>>, vector<16xi32>,
        %gather3A_1088 = tpu.vector_load_idx %arg8[%get3A_1087] : memref<100000xf32, #tpu.memory_space<vmem>>[vector<16xi32>], vector<16xf32>,
        %mul3A_1089 = vector.broadcast %squeeze3A_1028 : f32 to vector<16xf32>
        %mul3A_1090 = arith.mulf %gather3A_1088, %mul3A_1089 : vector<16xf32>
        %add3A_1091 = arith.addf %add3A_1017, %mul3A_1090 : vector<16xf32>
        %add3A_1092 = arith.constant 4 : i32
        %add3A_1093 = arith.addi %mul3A_730, %add3A_1092 : i32
        %get3A_1094 = arith.index_cast %add3A_1093 : i32 to index
        %get3A_1095 = arith.constant 112 : index
        %get3A_1096 = tpu.vector_load %arg10[%get3A_1094, %get3A_1095] {strides = array<i32>} : memref<56x128xi32, #tpu.memory_space<vmem>>, vector<16xi32>,
        %gather3A_1097 = tpu.vector_load_idx %arg8[%get3A_1096] : memref<100000xf32, #tpu.memory_space<vmem>>[vector<16xi32>], vector<16xf32>,
        %mul3A_1098 = vector.broadcast %squeeze3A_1028 : f32 to vector<16xf32>
        %mul3A_1099 = arith.mulf %gather3A_1097, %mul3A_1098 : vector<16xf32>
        %add3A_1100 = arith.addf %add3A_1026, %mul3A_1099 : vector<16xf32>
        %slice3A_1101 = vector.extract_strided_slice %get3A_728 {offsets = [5], sizes = [1], strides = [1]} : vector<16xf32> to vector<1xf32>
        %squeeze3A_1102 = vector.extract %slice3A_1101[0] : f32 from vector<1xf32>
        %add3A_1103 = arith.constant 5 : i32
        %add3A_1104 = arith.addi %mul3A_730, %add3A_1103 : i32
        %get3A_1105 = arith.index_cast %add3A_1104 : i32 to index
        %get3A_1106 = arith.constant 0 : index
        %get3A_1107 = tpu.vector_load %arg10[%get3A_1105, %get3A_1106] {strides = array<i32>} : memref<56x128xi32, #tpu.memory_space<vmem>>, vector<16xi32>,
        %gather3A_1108 = tpu.vector_load_idx %arg8[%get3A_1107] : memref<100000xf32, #tpu.memory_space<vmem>>[vector<16xi32>], vector<16xf32>,
        %mul3A_1109 = vector.broadcast %squeeze3A_1102 : f32 to vector<16xf32>
        %mul3A_1110 = arith.mulf %gather3A_1108, %mul3A_1109 : vector<16xf32>
        %add3A_1111 = arith.addf %add3A_1037, %mul3A_1110 : vector<16xf32>
        %add3A_1112 = arith.constant 5 : i32
        %add3A_1113 = arith.addi %mul3A_730, %add3A_1112 : i32
        %get3A_1114 = arith.index_cast %add3A_1113 : i32 to index
        %get3A_1115 = arith.constant 16 : index
        %get3A_1116 = tpu.vector_load %arg10[%get3A_1114, %get3A_1115] {strides = array<i32>} : memref<56x128xi32, #tpu.memory_space<vmem>>, vector<16xi32>,
        %gather3A_1117 = tpu.vector_load_idx %arg8[%get3A_1116] : memref<100000xf32, #tpu.memory_space<vmem>>[vector<16xi32>], vector<16xf32>,
        %mul3A_1118 = vector.broadcast %squeeze3A_1102 : f32 to vector<16xf32>
        %mul3A_1119 = arith.mulf %gather3A_1117, %mul3A_1118 : vector<16xf32>
        %add3A_1120 = arith.addf %add3A_1046, %mul3A_1119 : vector<16xf32>
        %add3A_1121 = arith.constant 5 : i32
        %add3A_1122 = arith.addi %mul3A_730, %add3A_1121 : i32
        %get3A_1123 = arith.index_cast %add3A_1122 : i32 to index
        %get3A_1124 = arith.constant 32 : index
        %get3A_1125 = tpu.vector_load %arg10[%get3A_1123, %get3A_1124] {strides = array<i32>} : memref<56x128xi32, #tpu.memory_space<vmem>>, vector<16xi32>,
        %gather3A_1126 = tpu.vector_load_idx %arg8[%get3A_1125] : memref<100000xf32, #tpu.memory_space<vmem>>[vector<16xi32>], vector<16xf32>,
        %mul3A_1127 = vector.broadcast %squeeze3A_1102 : f32 to vector<16xf32>
        %mul3A_1128 = arith.mulf %gather3A_1126, %mul3A_1127 : vector<16xf32>
        %add3A_1129 = arith.addf %add3A_1055, %mul3A_1128 : vector<16xf32>
        %add3A_1130 = arith.constant 5 : i32
        %add3A_1131 = arith.addi %mul3A_730, %add3A_1130 : i32
        %get3A_1132 = arith.index_cast %add3A_1131 : i32 to index
        %get3A_1133 = arith.constant 48 : index
        %get3A_1134 = tpu.vector_load %arg10[%get3A_1132, %get3A_1133] {strides = array<i32>} : memref<56x128xi32, #tpu.memory_space<vmem>>, vector<16xi32>,
        %gather3A_1135 = tpu.vector_load_idx %arg8[%get3A_1134] : memref<100000xf32, #tpu.memory_space<vmem>>[vector<16xi32>], vector<16xf32>,
        %mul3A_1136 = vector.broadcast %squeeze3A_1102 : f32 to vector<16xf32>
        %mul3A_1137 = arith.mulf %gather3A_1135, %mul3A_1136 : vector<16xf32>
        %add3A_1138 = arith.addf %add3A_1064, %mul3A_1137 : vector<16xf32>
        %add3A_1139 = arith.constant 5 : i32
        %add3A_1140 = arith.addi %mul3A_730, %add3A_1139 : i32
        %get3A_1141 = arith.index_cast %add3A_1140 : i32 to index
        %get3A_1142 = arith.constant 64 : index
        %get3A_1143 = tpu.vector_load %arg10[%get3A_1141, %get3A_1142] {strides = array<i32>} : memref<56x128xi32, #tpu.memory_space<vmem>>, vector<16xi32>,
        %gather3A_1144 = tpu.vector_load_idx %arg8[%get3A_1143] : memref<100000xf32, #tpu.memory_space<vmem>>[vector<16xi32>], vector<16xf32>,
        %mul3A_1145 = vector.broadcast %squeeze3A_1102 : f32 to vector<16xf32>
        %mul3A_1146 = arith.mulf %gather3A_1144, %mul3A_1145 : vector<16xf32>
        %add3A_1147 = arith.addf %add3A_1073, %mul3A_1146 : vector<16xf32>
        %add3A_1148 = arith.constant 5 : i32
        %add3A_1149 = arith.addi %mul3A_730, %add3A_1148 : i32
        %get3A_1150 = arith.index_cast %add3A_1149 : i32 to index
        %get3A_1151 = arith.constant 80 : index
        %get3A_1152 = tpu.vector_load %arg10[%get3A_1150, %get3A_1151] {strides = array<i32>} : memref<56x128xi32, #tpu.memory_space<vmem>>, vector<16xi32>,
        %gather3A_1153 = tpu.vector_load_idx %arg8[%get3A_1152] : memref<100000xf32, #tpu.memory_space<vmem>>[vector<16xi32>], vector<16xf32>,
        %mul3A_1154 = vector.broadcast %squeeze3A_1102 : f32 to vector<16xf32>
        %mul3A_1155 = arith.mulf %gather3A_1153, %mul3A_1154 : vector<16xf32>
        %add3A_1156 = arith.addf %add3A_1082, %mul3A_1155 : vector<16xf32>
        %add3A_1157 = arith.constant 5 : i32
        %add3A_1158 = arith.addi %mul3A_730, %add3A_1157 : i32
        %get3A_1159 = arith.index_cast %add3A_1158 : i32 to index
        %get3A_1160 = arith.constant 96 : index
        %get3A_1161 = tpu.vector_load %arg10[%get3A_1159, %get3A_1160] {strides = array<i32>} : memref<56x128xi32, #tpu.memory_space<vmem>>, vector<16xi32>,
        %gather3A_1162 = tpu.vector_load_idx %arg8[%get3A_1161] : memref<100000xf32, #tpu.memory_space<vmem>>[vector<16xi32>], vector<16xf32>,
        %mul3A_1163 = vector.broadcast %squeeze3A_1102 : f32 to vector<16xf32>
        %mul3A_1164 = arith.mulf %gather3A_1162, %mul3A_1163 : vector<16xf32>
        %add3A_1165 = arith.addf %add3A_1091, %mul3A_1164 : vector<16xf32>
        %add3A_1166 = arith.constant 5 : i32
        %add3A_1167 = arith.addi %mul3A_730, %add3A_1166 : i32
        %get3A_1168 = arith.index_cast %add3A_1167 : i32 to index
        %get3A_1169 = arith.constant 112 : index
        %get3A_1170 = tpu.vector_load %arg10[%get3A_1168, %get3A_1169] {strides = array<i32>} : memref<56x128xi32, #tpu.memory_space<vmem>>, vector<16xi32>,
        %gather3A_1171 = tpu.vector_load_idx %arg8[%get3A_1170] : memref<100000xf32, #tpu.memory_space<vmem>>[vector<16xi32>], vector<16xf32>,
        %mul3A_1172 = vector.broadcast %squeeze3A_1102 : f32 to vector<16xf32>
        %mul3A_1173 = arith.mulf %gather3A_1171, %mul3A_1172 : vector<16xf32>
        %add3A_1174 = arith.addf %add3A_1100, %mul3A_1173 : vector<16xf32>
        %slice3A_1175 = vector.extract_strided_slice %get3A_728 {offsets = [6], sizes = [1], strides = [1]} : vector<16xf32> to vector<1xf32>
        %squeeze3A_1176 = vector.extract %slice3A_1175[0] : f32 from vector<1xf32>
        %add3A_1177 = arith.constant 6 : i32
        %add3A_1178 = arith.addi %mul3A_730, %add3A_1177 : i32
        %get3A_1179 = arith.index_cast %add3A_1178 : i32 to index
        %get3A_1180 = arith.constant 0 : index
        %get3A_1181 = tpu.vector_load %arg10[%get3A_1179, %get3A_1180] {strides = array<i32>} : memref<56x128xi32, #tpu.memory_space<vmem>>, vector<16xi32>,
        %gather3A_1182 = tpu.vector_load_idx %arg8[%get3A_1181] : memref<100000xf32, #tpu.memory_space<vmem>>[vector<16xi32>], vector<16xf32>,
        %mul3A_1183 = vector.broadcast %squeeze3A_1176 : f32 to vector<16xf32>
        %mul3A_1184 = arith.mulf %gather3A_1182, %mul3A_1183 : vector<16xf32>
        %add3A_1185 = arith.addf %add3A_1111, %mul3A_1184 : vector<16xf32>
        %add3A_1186 = arith.constant 6 : i32
        %add3A_1187 = arith.addi %mul3A_730, %add3A_1186 : i32
        %get3A_1188 = arith.index_cast %add3A_1187 : i32 to index
        %get3A_1189 = arith.constant 16 : index
        %get3A_1190 = tpu.vector_load %arg10[%get3A_1188, %get3A_1189] {strides = array<i32>} : memref<56x128xi32, #tpu.memory_space<vmem>>, vector<16xi32>,
        %gather3A_1191 = tpu.vector_load_idx %arg8[%get3A_1190] : memref<100000xf32, #tpu.memory_space<vmem>>[vector<16xi32>], vector<16xf32>,
        %mul3A_1192 = vector.broadcast %squeeze3A_1176 : f32 to vector<16xf32>
        %mul3A_1193 = arith.mulf %gather3A_1191, %mul3A_1192 : vector<16xf32>
        %add3A_1194 = arith.addf %add3A_1120, %mul3A_1193 : vector<16xf32>
        %add3A_1195 = arith.constant 6 : i32
        %add3A_1196 = arith.addi %mul3A_730, %add3A_1195 : i32
        %get3A_1197 = arith.index_cast %add3A_1196 : i32 to index
        %get3A_1198 = arith.constant 32 : index
        %get3A_1199 = tpu.vector_load %arg10[%get3A_1197, %get3A_1198] {strides = array<i32>} : memref<56x128xi32, #tpu.memory_space<vmem>>, vector<16xi32>,
        %gather3A_1200 = tpu.vector_load_idx %arg8[%get3A_1199] : memref<100000xf32, #tpu.memory_space<vmem>>[vector<16xi32>], vector<16xf32>,
        %mul3A_1201 = vector.broadcast %squeeze3A_1176 : f32 to vector<16xf32>
        %mul3A_1202 = arith.mulf %gather3A_1200, %mul3A_1201 : vector<16xf32>
        %add3A_1203 = arith.addf %add3A_1129, %mul3A_1202 : vector<16xf32>
        %add3A_1204 = arith.constant 6 : i32
        %add3A_1205 = arith.addi %mul3A_730, %add3A_1204 : i32
        %get3A_1206 = arith.index_cast %add3A_1205 : i32 to index
        %get3A_1207 = arith.constant 48 : index
        %get3A_1208 = tpu.vector_load %arg10[%get3A_1206, %get3A_1207] {strides = array<i32>} : memref<56x128xi32, #tpu.memory_space<vmem>>, vector<16xi32>,
        %gather3A_1209 = tpu.vector_load_idx %arg8[%get3A_1208] : memref<100000xf32, #tpu.memory_space<vmem>>[vector<16xi32>], vector<16xf32>,
        %mul3A_1210 = vector.broadcast %squeeze3A_1176 : f32 to vector<16xf32>
        %mul3A_1211 = arith.mulf %gather3A_1209, %mul3A_1210 : vector<16xf32>
        %add3A_1212 = arith.addf %add3A_1138, %mul3A_1211 : vector<16xf32>
        %add3A_1213 = arith.constant 6 : i32
        %add3A_1214 = arith.addi %mul3A_730, %add3A_1213 : i32
        %get3A_1215 = arith.index_cast %add3A_1214 : i32 to index
        %get3A_1216 = arith.constant 64 : index
        %get3A_1217 = tpu.vector_load %arg10[%get3A_1215, %get3A_1216] {strides = array<i32>} : memref<56x128xi32, #tpu.memory_space<vmem>>, vector<16xi32>,
        %gather3A_1218 = tpu.vector_load_idx %arg8[%get3A_1217] : memref<100000xf32, #tpu.memory_space<vmem>>[vector<16xi32>], vector<16xf32>,
        %mul3A_1219 = vector.broadcast %squeeze3A_1176 : f32 to vector<16xf32>
        %mul3A_1220 = arith.mulf %gather3A_1218, %mul3A_1219 : vector<16xf32>
        %add3A_1221 = arith.addf %add3A_1147, %mul3A_1220 : vector<16xf32>
        %add3A_1222 = arith.constant 6 : i32
        %add3A_1223 = arith.addi %mul3A_730, %add3A_1222 : i32
        %get3A_1224 = arith.index_cast %add3A_1223 : i32 to index
        %get3A_1225 = arith.constant 80 : index
        %get3A_1226 = tpu.vector_load %arg10[%get3A_1224, %get3A_1225] {strides = array<i32>} : memref<56x128xi32, #tpu.memory_space<vmem>>, vector<16xi32>,
        %gather3A_1227 = tpu.vector_load_idx %arg8[%get3A_1226] : memref<100000xf32, #tpu.memory_space<vmem>>[vector<16xi32>], vector<16xf32>,
        %mul3A_1228 = vector.broadcast %squeeze3A_1176 : f32 to vector<16xf32>
        %mul3A_1229 = arith.mulf %gather3A_1227, %mul3A_1228 : vector<16xf32>
        %add3A_1230 = arith.addf %add3A_1156, %mul3A_1229 : vector<16xf32>
        %add3A_1231 = arith.constant 6 : i32
        %add3A_1232 = arith.addi %mul3A_730, %add3A_1231 : i32
        %get3A_1233 = arith.index_cast %add3A_1232 : i32 to index
        %get3A_1234 = arith.constant 96 : index
        %get3A_1235 = tpu.vector_load %arg10[%get3A_1233, %get3A_1234] {strides = array<i32>} : memref<56x128xi32, #tpu.memory_space<vmem>>, vector<16xi32>,
        %gather3A_1236 = tpu.vector_load_idx %arg8[%get3A_1235] : memref<100000xf32, #tpu.memory_space<vmem>>[vector<16xi32>], vector<16xf32>,
        %mul3A_1237 = vector.broadcast %squeeze3A_1176 : f32 to vector<16xf32>
        %mul3A_1238 = arith.mulf %gather3A_1236, %mul3A_1237 : vector<16xf32>
        %add3A_1239 = arith.addf %add3A_1165, %mul3A_1238 : vector<16xf32>
        %add3A_1240 = arith.constant 6 : i32
        %add3A_1241 = arith.addi %mul3A_730, %add3A_1240 : i32
        %get3A_1242 = arith.index_cast %add3A_1241 : i32 to index
        %get3A_1243 = arith.constant 112 : index
        %get3A_1244 = tpu.vector_load %arg10[%get3A_1242, %get3A_1243] {strides = array<i32>} : memref<56x128xi32, #tpu.memory_space<vmem>>, vector<16xi32>,
        %gather3A_1245 = tpu.vector_load_idx %arg8[%get3A_1244] : memref<100000xf32, #tpu.memory_space<vmem>>[vector<16xi32>], vector<16xf32>,
        %mul3A_1246 = vector.broadcast %squeeze3A_1176 : f32 to vector<16xf32>
        %mul3A_1247 = arith.mulf %gather3A_1245, %mul3A_1246 : vector<16xf32>
        %add3A_1248 = arith.addf %add3A_1174, %mul3A_1247 : vector<16xf32>
        %slice3A_1249 = vector.extract_strided_slice %get3A_728 {offsets = [7], sizes = [1], strides = [1]} : vector<16xf32> to vector<1xf32>
        %squeeze3A_1250 = vector.extract %slice3A_1249[0] : f32 from vector<1xf32>
        %add3A_1251 = arith.constant 7 : i32
        %add3A_1252 = arith.addi %mul3A_730, %add3A_1251 : i32
        %get3A_1253 = arith.index_cast %add3A_1252 : i32 to index
        %get3A_1254 = arith.constant 0 : index
        %get3A_1255 = tpu.vector_load %arg10[%get3A_1253, %get3A_1254] {strides = array<i32>} : memref<56x128xi32, #tpu.memory_space<vmem>>, vector<16xi32>,
        %gather3A_1256 = tpu.vector_load_idx %arg8[%get3A_1255] : memref<100000xf32, #tpu.memory_space<vmem>>[vector<16xi32>], vector<16xf32>,
        %mul3A_1257 = vector.broadcast %squeeze3A_1250 : f32 to vector<16xf32>
        %mul3A_1258 = arith.mulf %gather3A_1256, %mul3A_1257 : vector<16xf32>
        %add3A_1259 = arith.addf %add3A_1185, %mul3A_1258 : vector<16xf32>
        %add3A_1260 = arith.constant 7 : i32
        %add3A_1261 = arith.addi %mul3A_730, %add3A_1260 : i32
        %get3A_1262 = arith.index_cast %add3A_1261 : i32 to index
        %get3A_1263 = arith.constant 16 : index
        %get3A_1264 = tpu.vector_load %arg10[%get3A_1262, %get3A_1263] {strides = array<i32>} : memref<56x128xi32, #tpu.memory_space<vmem>>, vector<16xi32>,
        %gather3A_1265 = tpu.vector_load_idx %arg8[%get3A_1264] : memref<100000xf32, #tpu.memory_space<vmem>>[vector<16xi32>], vector<16xf32>,
        %mul3A_1266 = vector.broadcast %squeeze3A_1250 : f32 to vector<16xf32>
        %mul3A_1267 = arith.mulf %gather3A_1265, %mul3A_1266 : vector<16xf32>
        %add3A_1268 = arith.addf %add3A_1194, %mul3A_1267 : vector<16xf32>
        %add3A_1269 = arith.constant 7 : i32
        %add3A_1270 = arith.addi %mul3A_730, %add3A_1269 : i32
        %get3A_1271 = arith.index_cast %add3A_1270 : i32 to index
        %get3A_1272 = arith.constant 32 : index
        %get3A_1273 = tpu.vector_load %arg10[%get3A_1271, %get3A_1272] {strides = array<i32>} : memref<56x128xi32, #tpu.memory_space<vmem>>, vector<16xi32>,
        %gather3A_1274 = tpu.vector_load_idx %arg8[%get3A_1273] : memref<100000xf32, #tpu.memory_space<vmem>>[vector<16xi32>], vector<16xf32>,
        %mul3A_1275 = vector.broadcast %squeeze3A_1250 : f32 to vector<16xf32>
        %mul3A_1276 = arith.mulf %gather3A_1274, %mul3A_1275 : vector<16xf32>
        %add3A_1277 = arith.addf %add3A_1203, %mul3A_1276 : vector<16xf32>
        %add3A_1278 = arith.constant 7 : i32
        %add3A_1279 = arith.addi %mul3A_730, %add3A_1278 : i32
        %get3A_1280 = arith.index_cast %add3A_1279 : i32 to index
        %get3A_1281 = arith.constant 48 : index
        %get3A_1282 = tpu.vector_load %arg10[%get3A_1280, %get3A_1281] {strides = array<i32>} : memref<56x128xi32, #tpu.memory_space<vmem>>, vector<16xi32>,
        %gather3A_1283 = tpu.vector_load_idx %arg8[%get3A_1282] : memref<100000xf32, #tpu.memory_space<vmem>>[vector<16xi32>], vector<16xf32>,
        %mul3A_1284 = vector.broadcast %squeeze3A_1250 : f32 to vector<16xf32>
        %mul3A_1285 = arith.mulf %gather3A_1283, %mul3A_1284 : vector<16xf32>
        %add3A_1286 = arith.addf %add3A_1212, %mul3A_1285 : vector<16xf32>
        %add3A_1287 = arith.constant 7 : i32
        %add3A_1288 = arith.addi %mul3A_730, %add3A_1287 : i32
        %get3A_1289 = arith.index_cast %add3A_1288 : i32 to index
        %get3A_1290 = arith.constant 64 : index
        %get3A_1291 = tpu.vector_load %arg10[%get3A_1289, %get3A_1290] {strides = array<i32>} : memref<56x128xi32, #tpu.memory_space<vmem>>, vector<16xi32>,
        %gather3A_1292 = tpu.vector_load_idx %arg8[%get3A_1291] : memref<100000xf32, #tpu.memory_space<vmem>>[vector<16xi32>], vector<16xf32>,
        %mul3A_1293 = vector.broadcast %squeeze3A_1250 : f32 to vector<16xf32>
        %mul3A_1294 = arith.mulf %gather3A_1292, %mul3A_1293 : vector<16xf32>
        %add3A_1295 = arith.addf %add3A_1221, %mul3A_1294 : vector<16xf32>
        %add3A_1296 = arith.constant 7 : i32
        %add3A_1297 = arith.addi %mul3A_730, %add3A_1296 : i32
        %get3A_1298 = arith.index_cast %add3A_1297 : i32 to index
        %get3A_1299 = arith.constant 80 : index
        %get3A_1300 = tpu.vector_load %arg10[%get3A_1298, %get3A_1299] {strides = array<i32>} : memref<56x128xi32, #tpu.memory_space<vmem>>, vector<16xi32>,
        %gather3A_1301 = tpu.vector_load_idx %arg8[%get3A_1300] : memref<100000xf32, #tpu.memory_space<vmem>>[vector<16xi32>], vector<16xf32>,
        %mul3A_1302 = vector.broadcast %squeeze3A_1250 : f32 to vector<16xf32>
        %mul3A_1303 = arith.mulf %gather3A_1301, %mul3A_1302 : vector<16xf32>
        %add3A_1304 = arith.addf %add3A_1230, %mul3A_1303 : vector<16xf32>
        %add3A_1305 = arith.constant 7 : i32
        %add3A_1306 = arith.addi %mul3A_730, %add3A_1305 : i32
        %get3A_1307 = arith.index_cast %add3A_1306 : i32 to index
        %get3A_1308 = arith.constant 96 : index
        %get3A_1309 = tpu.vector_load %arg10[%get3A_1307, %get3A_1308] {strides = array<i32>} : memref<56x128xi32, #tpu.memory_space<vmem>>, vector<16xi32>,
        %gather3A_1310 = tpu.vector_load_idx %arg8[%get3A_1309] : memref<100000xf32, #tpu.memory_space<vmem>>[vector<16xi32>], vector<16xf32>,
        %mul3A_1311 = vector.broadcast %squeeze3A_1250 : f32 to vector<16xf32>
        %mul3A_1312 = arith.mulf %gather3A_1310, %mul3A_1311 : vector<16xf32>
        %add3A_1313 = arith.addf %add3A_1239, %mul3A_1312 : vector<16xf32>
        %add3A_1314 = arith.constant 7 : i32
        %add3A_1315 = arith.addi %mul3A_730, %add3A_1314 : i32
        %get3A_1316 = arith.index_cast %add3A_1315 : i32 to index
        %get3A_1317 = arith.constant 112 : index
        %get3A_1318 = tpu.vector_load %arg10[%get3A_1316, %get3A_1317] {strides = array<i32>} : memref<56x128xi32, #tpu.memory_space<vmem>>, vector<16xi32>,
        %gather3A_1319 = tpu.vector_load_idx %arg8[%get3A_1318] : memref<100000xf32, #tpu.memory_space<vmem>>[vector<16xi32>], vector<16xf32>,
        %mul3A_1320 = vector.broadcast %squeeze3A_1250 : f32 to vector<16xf32>
        %mul3A_1321 = arith.mulf %gather3A_1319, %mul3A_1320 : vector<16xf32>
        %add3A_1322 = arith.addf %add3A_1248, %mul3A_1321 : vector<16xf32>
        scf.yield %add3A_1259, %add3A_1268, %add3A_1277, %add3A_1286, %add3A_1295, %add3A_1304, %add3A_1313, %add3A_1322 : vector<16xf32>, vector<16xf32>, vector<16xf32>, vector<16xf32>, vector<16xf32>, vector<16xf32>, vector<16xf32>, vector<16xf32>
      }
      %scan3A_82 = arith.constant 6 : i32
      %mul3A_83 = arith.constant 128 : i32
      %mul3A_84 = arith.muli %scan3A_33, %mul3A_83 : i32
      %add3A_85 = arith.addi %mul3A_2, %mul3A_84 : i32
      %dma_start3A_86 = arith.constant 0 : i32
      %dma_start3A_87 = arith.constant 0 : i32
      %dma_start3A_88 = tpu.memref_slice %arg10[%dma_start3A_86, %dma_start3A_87] : memref<56x128xi32, #tpu.memory_space<vmem>> -> memref<56x128xi32, #tpu.memory_space<vmem>>
      %dma_start3A_89 = arith.constant 144 : i32
      %dma_start3A_90 = tpu.memref_slice %arg3[%dma_start3A_89, %add3A_85] : memref<200x16384xi32, #tpu.memory_space<hbm>> -> memref<56x128xi32, #tpu.memory_space<hbm>>
      %dma_start3A_91 = arith.constant 0 : i32
      %dma_start3A_92 = arith.constant 0 : i32
      %dma_start3A_93 = tpu.memref_slice %arg10[%dma_start3A_91, %dma_start3A_92] : memref<56x128xi32, #tpu.memory_space<vmem>> -> memref<56x128xi32, #tpu.memory_space<vmem>>
      %dma_start3A_94 = arith.constant 144 : i32
      %dma_start3A_95 = tpu.memref_slice %arg3[%dma_start3A_94, %add3A_85] : memref<200x16384xi32, #tpu.memory_space<hbm>> -> memref<56x128xi32, #tpu.memory_space<hbm>>
      tpu.enqueue_dma source(%dma_start3A_95 : memref<56x128xi32, #tpu.memory_space<hbm>>) target(%dma_start3A_93 : memref<56x128xi32, #tpu.memory_space<vmem>>) target_semaphore(%arg16 : memref<!tpu.dma_semaphore, #tpu.memory_space<semaphore_mem>>)
      "tpu.trace_start"() <{level = 10 : i32, message = "wait2"}> : () -> ()
      %dma_wait3A_96 = arith.constant 0 : i32
      %dma_wait3A_97 = arith.constant 0 : i32
      %dma_wait3A_98 = tpu.memref_slice %arg9[%dma_wait3A_96, %dma_wait3A_97] : memref<56x128xi32, #tpu.memory_space<vmem>> -> memref<48x128xi32, #tpu.memory_space<vmem>>
      %dma_wait3A_99 = arith.constant 96 : i32
      %dma_wait3A_100 = arith.constant 0 : i32
      %dma_wait3A_101 = tpu.memref_slice %arg3[%dma_wait3A_99, %dma_wait3A_100] : memref<200x16384xi32, #tpu.memory_space<hbm>> -> memref<48x128xi32, #tpu.memory_space<hbm>>
      %dma_wait3A_102 = arith.constant 0 : i32
      %dma_wait3A_103 = arith.constant 0 : i32
      %dma_wait3A_104 = tpu.memref_slice %arg9[%dma_wait3A_102, %dma_wait3A_103] : memref<56x128xi32, #tpu.memory_space<vmem>> -> memref<48x128xi32, #tpu.memory_space<vmem>>
      %dma_wait3A_105 = arith.constant 96 : i32
      %dma_wait3A_106 = arith.constant 0 : i32
      %dma_wait3A_107 = tpu.memref_slice %arg3[%dma_wait3A_105, %dma_wait3A_106] : memref<200x16384xi32, #tpu.memory_space<hbm>> -> memref<48x128xi32, #tpu.memory_space<hbm>>
      tpu.wait_dma2 semaphore(%arg15 : memref<!tpu.dma_semaphore, #tpu.memory_space<semaphore_mem>>) src(%dma_wait3A_107 : memref<48x128xi32, #tpu.memory_space<hbm>>) dst(%dma_wait3A_104 : memref<48x128xi32, #tpu.memory_space<vmem>>)
      "tpu.trace_stop"() : () -> ()
      %scan3A_108 = arith.constant 0 : i32
      %scan3A_109 = arith.constant 6 : i32
      %scan3A_110 = arith.addi %scan3A_108, %scan3A_109 : i32
      %scan3A_111 = arith.constant 1 : i32
      %scan3A_112:8 = scf.for %scan3A_714 = %scan3A_108 to %scan3A_110 step %scan3A_111 iter_args(%scan3A_715 = %scan3A_81#0, %scan3A_716 = %scan3A_81#1, %scan3A_717 = %scan3A_81#2, %scan3A_718 = %scan3A_81#3, %scan3A_719 = %scan3A_81#4, %scan3A_720 = %scan3A_81#5, %scan3A_721 = %scan3A_81#6, %scan3A_722 = %scan3A_81#7) -> (vector<16xf32>, vector<16xf32>, vector<16xf32>, vector<16xf32>, vector<16xf32>, vector<16xf32>, vector<16xf32>, vector<16xf32>)  : i32 {
        %mul3A_723 = arith.constant 8 : i32
        %mul3A_724 = arith.muli %mul3A_723, %scan3A_714 : i32
        %add3A_725 = arith.constant 96 : i32
        %add3A_726 = arith.addi %add3A_725, %mul3A_724 : i32
        %get3A_727 = arith.index_cast %add3A_726 : i32 to index
        %get3A_728 = tpu.vector_load %arg12[%get3A_727] {strides = array<i32>} : memref<200xf32, #tpu.memory_space<vmem>>, vector<16xf32>,
        %mul3A_729 = arith.constant 8 : i32
        %mul3A_730 = arith.muli %mul3A_729, %scan3A_714 : i32
        %slice3A_731 = vector.extract_strided_slice %get3A_728 {offsets = [0], sizes = [1], strides = [1]} : vector<16xf32> to vector<1xf32>
        %squeeze3A_732 = vector.extract %slice3A_731[0] : f32 from vector<1xf32>
        %add3A_733 = arith.constant 0 : i32
        %add3A_734 = arith.addi %mul3A_730, %add3A_733 : i32
        %get3A_735 = arith.index_cast %add3A_734 : i32 to index
        %get3A_736 = arith.constant 0 : index
        %get3A_737 = tpu.vector_load %arg9[%get3A_735, %get3A_736] {strides = array<i32>} : memref<56x128xi32, #tpu.memory_space<vmem>>, vector<16xi32>,
        %gather3A_738 = tpu.vector_load_idx %arg8[%get3A_737] : memref<100000xf32, #tpu.memory_space<vmem>>[vector<16xi32>], vector<16xf32>,
        %mul3A_739 = vector.broadcast %squeeze3A_732 : f32 to vector<16xf32>
        %mul3A_740 = arith.mulf %gather3A_738, %mul3A_739 : vector<16xf32>
        %add3A_741 = arith.addf %scan3A_715, %mul3A_740 : vector<16xf32>
        %add3A_742 = arith.constant 0 : i32
        %add3A_743 = arith.addi %mul3A_730, %add3A_742 : i32
        %get3A_744 = arith.index_cast %add3A_743 : i32 to index
        %get3A_745 = arith.constant 16 : index
        %get3A_746 = tpu.vector_load %arg9[%get3A_744, %get3A_745] {strides = array<i32>} : memref<56x128xi32, #tpu.memory_space<vmem>>, vector<16xi32>,
        %gather3A_747 = tpu.vector_load_idx %arg8[%get3A_746] : memref<100000xf32, #tpu.memory_space<vmem>>[vector<16xi32>], vector<16xf32>,
        %mul3A_748 = vector.broadcast %squeeze3A_732 : f32 to vector<16xf32>
        %mul3A_749 = arith.mulf %gather3A_747, %mul3A_748 : vector<16xf32>
        %add3A_750 = arith.addf %scan3A_716, %mul3A_749 : vector<16xf32>
        %add3A_751 = arith.constant 0 : i32
        %add3A_752 = arith.addi %mul3A_730, %add3A_751 : i32
        %get3A_753 = arith.index_cast %add3A_752 : i32 to index
        %get3A_754 = arith.constant 32 : index
        %get3A_755 = tpu.vector_load %arg9[%get3A_753, %get3A_754] {strides = array<i32>} : memref<56x128xi32, #tpu.memory_space<vmem>>, vector<16xi32>,
        %gather3A_756 = tpu.vector_load_idx %arg8[%get3A_755] : memref<100000xf32, #tpu.memory_space<vmem>>[vector<16xi32>], vector<16xf32>,
        %mul3A_757 = vector.broadcast %squeeze3A_732 : f32 to vector<16xf32>
        %mul3A_758 = arith.mulf %gather3A_756, %mul3A_757 : vector<16xf32>
        %add3A_759 = arith.addf %scan3A_717, %mul3A_758 : vector<16xf32>
        %add3A_760 = arith.constant 0 : i32
        %add3A_761 = arith.addi %mul3A_730, %add3A_760 : i32
        %get3A_762 = arith.index_cast %add3A_761 : i32 to index
        %get3A_763 = arith.constant 48 : index
        %get3A_764 = tpu.vector_load %arg9[%get3A_762, %get3A_763] {strides = array<i32>} : memref<56x128xi32, #tpu.memory_space<vmem>>, vector<16xi32>,
        %gather3A_765 = tpu.vector_load_idx %arg8[%get3A_764] : memref<100000xf32, #tpu.memory_space<vmem>>[vector<16xi32>], vector<16xf32>,
        %mul3A_766 = vector.broadcast %squeeze3A_732 : f32 to vector<16xf32>
        %mul3A_767 = arith.mulf %gather3A_765, %mul3A_766 : vector<16xf32>
        %add3A_768 = arith.addf %scan3A_718, %mul3A_767 : vector<16xf32>
        %add3A_769 = arith.constant 0 : i32
        %add3A_770 = arith.addi %mul3A_730, %add3A_769 : i32
        %get3A_771 = arith.index_cast %add3A_770 : i32 to index
        %get3A_772 = arith.constant 64 : index
        %get3A_773 = tpu.vector_load %arg9[%get3A_771, %get3A_772] {strides = array<i32>} : memref<56x128xi32, #tpu.memory_space<vmem>>, vector<16xi32>,
        %gather3A_774 = tpu.vector_load_idx %arg8[%get3A_773] : memref<100000xf32, #tpu.memory_space<vmem>>[vector<16xi32>], vector<16xf32>,
        %mul3A_775 = vector.broadcast %squeeze3A_732 : f32 to vector<16xf32>
        %mul3A_776 = arith.mulf %gather3A_774, %mul3A_775 : vector<16xf32>
        %add3A_777 = arith.addf %scan3A_719, %mul3A_776 : vector<16xf32>
        %add3A_778 = arith.constant 0 : i32
        %add3A_779 = arith.addi %mul3A_730, %add3A_778 : i32
        %get3A_780 = arith.index_cast %add3A_779 : i32 to index
        %get3A_781 = arith.constant 80 : index
        %get3A_782 = tpu.vector_load %arg9[%get3A_780, %get3A_781] {strides = array<i32>} : memref<56x128xi32, #tpu.memory_space<vmem>>, vector<16xi32>,
        %gather3A_783 = tpu.vector_load_idx %arg8[%get3A_782] : memref<100000xf32, #tpu.memory_space<vmem>>[vector<16xi32>], vector<16xf32>,
        %mul3A_784 = vector.broadcast %squeeze3A_732 : f32 to vector<16xf32>
        %mul3A_785 = arith.mulf %gather3A_783, %mul3A_784 : vector<16xf32>
        %add3A_786 = arith.addf %scan3A_720, %mul3A_785 : vector<16xf32>
        %add3A_787 = arith.constant 0 : i32
        %add3A_788 = arith.addi %mul3A_730, %add3A_787 : i32
        %get3A_789 = arith.index_cast %add3A_788 : i32 to index
        %get3A_790 = arith.constant 96 : index
        %get3A_791 = tpu.vector_load %arg9[%get3A_789, %get3A_790] {strides = array<i32>} : memref<56x128xi32, #tpu.memory_space<vmem>>, vector<16xi32>,
        %gather3A_792 = tpu.vector_load_idx %arg8[%get3A_791] : memref<100000xf32, #tpu.memory_space<vmem>>[vector<16xi32>], vector<16xf32>,
        %mul3A_793 = vector.broadcast %squeeze3A_732 : f32 to vector<16xf32>
        %mul3A_794 = arith.mulf %gather3A_792, %mul3A_793 : vector<16xf32>
        %add3A_795 = arith.addf %scan3A_721, %mul3A_794 : vector<16xf32>
        %add3A_796 = arith.constant 0 : i32
        %add3A_797 = arith.addi %mul3A_730, %add3A_796 : i32
        %get3A_798 = arith.index_cast %add3A_797 : i32 to index
        %get3A_799 = arith.constant 112 : index
        %get3A_800 = tpu.vector_load %arg9[%get3A_798, %get3A_799] {strides = array<i32>} : memref<56x128xi32, #tpu.memory_space<vmem>>, vector<16xi32>,
        %gather3A_801 = tpu.vector_load_idx %arg8[%get3A_800] : memref<100000xf32, #tpu.memory_space<vmem>>[vector<16xi32>], vector<16xf32>,
        %mul3A_802 = vector.broadcast %squeeze3A_732 : f32 to vector<16xf32>
        %mul3A_803 = arith.mulf %gather3A_801, %mul3A_802 : vector<16xf32>
        %add3A_804 = arith.addf %scan3A_722, %mul3A_803 : vector<16xf32>
        %slice3A_805 = vector.extract_strided_slice %get3A_728 {offsets = [1], sizes = [1], strides = [1]} : vector<16xf32> to vector<1xf32>
        %squeeze3A_806 = vector.extract %slice3A_805[0] : f32 from vector<1xf32>
        %add3A_807 = arith.constant 1 : i32
        %add3A_808 = arith.addi %mul3A_730, %add3A_807 : i32
        %get3A_809 = arith.index_cast %add3A_808 : i32 to index
        %get3A_810 = arith.constant 0 : index
        %get3A_811 = tpu.vector_load %arg9[%get3A_809, %get3A_810] {strides = array<i32>} : memref<56x128xi32, #tpu.memory_space<vmem>>, vector<16xi32>,
        %gather3A_812 = tpu.vector_load_idx %arg8[%get3A_811] : memref<100000xf32, #tpu.memory_space<vmem>>[vector<16xi32>], vector<16xf32>,
        %mul3A_813 = vector.broadcast %squeeze3A_806 : f32 to vector<16xf32>
        %mul3A_814 = arith.mulf %gather3A_812, %mul3A_813 : vector<16xf32>
        %add3A_815 = arith.addf %add3A_741, %mul3A_814 : vector<16xf32>
        %add3A_816 = arith.constant 1 : i32
        %add3A_817 = arith.addi %mul3A_730, %add3A_816 : i32
        %get3A_818 = arith.index_cast %add3A_817 : i32 to index
        %get3A_819 = arith.constant 16 : index
        %get3A_820 = tpu.vector_load %arg9[%get3A_818, %get3A_819] {strides = array<i32>} : memref<56x128xi32, #tpu.memory_space<vmem>>, vector<16xi32>,
        %gather3A_821 = tpu.vector_load_idx %arg8[%get3A_820] : memref<100000xf32, #tpu.memory_space<vmem>>[vector<16xi32>], vector<16xf32>,
        %mul3A_822 = vector.broadcast %squeeze3A_806 : f32 to vector<16xf32>
        %mul3A_823 = arith.mulf %gather3A_821, %mul3A_822 : vector<16xf32>
        %add3A_824 = arith.addf %add3A_750, %mul3A_823 : vector<16xf32>
        %add3A_825 = arith.constant 1 : i32
        %add3A_826 = arith.addi %mul3A_730, %add3A_825 : i32
        %get3A_827 = arith.index_cast %add3A_826 : i32 to index
        %get3A_828 = arith.constant 32 : index
        %get3A_829 = tpu.vector_load %arg9[%get3A_827, %get3A_828] {strides = array<i32>} : memref<56x128xi32, #tpu.memory_space<vmem>>, vector<16xi32>,
        %gather3A_830 = tpu.vector_load_idx %arg8[%get3A_829] : memref<100000xf32, #tpu.memory_space<vmem>>[vector<16xi32>], vector<16xf32>,
        %mul3A_831 = vector.broadcast %squeeze3A_806 : f32 to vector<16xf32>
        %mul3A_832 = arith.mulf %gather3A_830, %mul3A_831 : vector<16xf32>
        %add3A_833 = arith.addf %add3A_759, %mul3A_832 : vector<16xf32>
        %add3A_834 = arith.constant 1 : i32
        %add3A_835 = arith.addi %mul3A_730, %add3A_834 : i32
        %get3A_836 = arith.index_cast %add3A_835 : i32 to index
        %get3A_837 = arith.constant 48 : index
        %get3A_838 = tpu.vector_load %arg9[%get3A_836, %get3A_837] {strides = array<i32>} : memref<56x128xi32, #tpu.memory_space<vmem>>, vector<16xi32>,
        %gather3A_839 = tpu.vector_load_idx %arg8[%get3A_838] : memref<100000xf32, #tpu.memory_space<vmem>>[vector<16xi32>], vector<16xf32>,
        %mul3A_840 = vector.broadcast %squeeze3A_806 : f32 to vector<16xf32>
        %mul3A_841 = arith.mulf %gather3A_839, %mul3A_840 : vector<16xf32>
        %add3A_842 = arith.addf %add3A_768, %mul3A_841 : vector<16xf32>
        %add3A_843 = arith.constant 1 : i32
        %add3A_844 = arith.addi %mul3A_730, %add3A_843 : i32
        %get3A_845 = arith.index_cast %add3A_844 : i32 to index
        %get3A_846 = arith.constant 64 : index
        %get3A_847 = tpu.vector_load %arg9[%get3A_845, %get3A_846] {strides = array<i32>} : memref<56x128xi32, #tpu.memory_space<vmem>>, vector<16xi32>,
        %gather3A_848 = tpu.vector_load_idx %arg8[%get3A_847] : memref<100000xf32, #tpu.memory_space<vmem>>[vector<16xi32>], vector<16xf32>,
        %mul3A_849 = vector.broadcast %squeeze3A_806 : f32 to vector<16xf32>
        %mul3A_850 = arith.mulf %gather3A_848, %mul3A_849 : vector<16xf32>
        %add3A_851 = arith.addf %add3A_777, %mul3A_850 : vector<16xf32>
        %add3A_852 = arith.constant 1 : i32
        %add3A_853 = arith.addi %mul3A_730, %add3A_852 : i32
        %get3A_854 = arith.index_cast %add3A_853 : i32 to index
        %get3A_855 = arith.constant 80 : index
        %get3A_856 = tpu.vector_load %arg9[%get3A_854, %get3A_855] {strides = array<i32>} : memref<56x128xi32, #tpu.memory_space<vmem>>, vector<16xi32>,
        %gather3A_857 = tpu.vector_load_idx %arg8[%get3A_856] : memref<100000xf32, #tpu.memory_space<vmem>>[vector<16xi32>], vector<16xf32>,
        %mul3A_858 = vector.broadcast %squeeze3A_806 : f32 to vector<16xf32>
        %mul3A_859 = arith.mulf %gather3A_857, %mul3A_858 : vector<16xf32>
        %add3A_860 = arith.addf %add3A_786, %mul3A_859 : vector<16xf32>
        %add3A_861 = arith.constant 1 : i32
        %add3A_862 = arith.addi %mul3A_730, %add3A_861 : i32
        %get3A_863 = arith.index_cast %add3A_862 : i32 to index
        %get3A_864 = arith.constant 96 : index
        %get3A_865 = tpu.vector_load %arg9[%get3A_863, %get3A_864] {strides = array<i32>} : memref<56x128xi32, #tpu.memory_space<vmem>>, vector<16xi32>,
        %gather3A_866 = tpu.vector_load_idx %arg8[%get3A_865] : memref<100000xf32, #tpu.memory_space<vmem>>[vector<16xi32>], vector<16xf32>,
        %mul3A_867 = vector.broadcast %squeeze3A_806 : f32 to vector<16xf32>
        %mul3A_868 = arith.mulf %gather3A_866, %mul3A_867 : vector<16xf32>
        %add3A_869 = arith.addf %add3A_795, %mul3A_868 : vector<16xf32>
        %add3A_870 = arith.constant 1 : i32
        %add3A_871 = arith.addi %mul3A_730, %add3A_870 : i32
        %get3A_872 = arith.index_cast %add3A_871 : i32 to index
        %get3A_873 = arith.constant 112 : index
        %get3A_874 = tpu.vector_load %arg9[%get3A_872, %get3A_873] {strides = array<i32>} : memref<56x128xi32, #tpu.memory_space<vmem>>, vector<16xi32>,
        %gather3A_875 = tpu.vector_load_idx %arg8[%get3A_874] : memref<100000xf32, #tpu.memory_space<vmem>>[vector<16xi32>], vector<16xf32>,
        %mul3A_876 = vector.broadcast %squeeze3A_806 : f32 to vector<16xf32>
        %mul3A_877 = arith.mulf %gather3A_875, %mul3A_876 : vector<16xf32>
        %add3A_878 = arith.addf %add3A_804, %mul3A_877 : vector<16xf32>
        %slice3A_879 = vector.extract_strided_slice %get3A_728 {offsets = [2], sizes = [1], strides = [1]} : vector<16xf32> to vector<1xf32>
        %squeeze3A_880 = vector.extract %slice3A_879[0] : f32 from vector<1xf32>
        %add3A_881 = arith.constant 2 : i32
        %add3A_882 = arith.addi %mul3A_730, %add3A_881 : i32
        %get3A_883 = arith.index_cast %add3A_882 : i32 to index
        %get3A_884 = arith.constant 0 : index
        %get3A_885 = tpu.vector_load %arg9[%get3A_883, %get3A_884] {strides = array<i32>} : memref<56x128xi32, #tpu.memory_space<vmem>>, vector<16xi32>,
        %gather3A_886 = tpu.vector_load_idx %arg8[%get3A_885] : memref<100000xf32, #tpu.memory_space<vmem>>[vector<16xi32>], vector<16xf32>,
        %mul3A_887 = vector.broadcast %squeeze3A_880 : f32 to vector<16xf32>
        %mul3A_888 = arith.mulf %gather3A_886, %mul3A_887 : vector<16xf32>
        %add3A_889 = arith.addf %add3A_815, %mul3A_888 : vector<16xf32>
        %add3A_890 = arith.constant 2 : i32
        %add3A_891 = arith.addi %mul3A_730, %add3A_890 : i32
        %get3A_892 = arith.index_cast %add3A_891 : i32 to index
        %get3A_893 = arith.constant 16 : index
        %get3A_894 = tpu.vector_load %arg9[%get3A_892, %get3A_893] {strides = array<i32>} : memref<56x128xi32, #tpu.memory_space<vmem>>, vector<16xi32>,
        %gather3A_895 = tpu.vector_load_idx %arg8[%get3A_894] : memref<100000xf32, #tpu.memory_space<vmem>>[vector<16xi32>], vector<16xf32>,
        %mul3A_896 = vector.broadcast %squeeze3A_880 : f32 to vector<16xf32>
        %mul3A_897 = arith.mulf %gather3A_895, %mul3A_896 : vector<16xf32>
        %add3A_898 = arith.addf %add3A_824, %mul3A_897 : vector<16xf32>
        %add3A_899 = arith.constant 2 : i32
        %add3A_900 = arith.addi %mul3A_730, %add3A_899 : i32
        %get3A_901 = arith.index_cast %add3A_900 : i32 to index
        %get3A_902 = arith.constant 32 : index
        %get3A_903 = tpu.vector_load %arg9[%get3A_901, %get3A_902] {strides = array<i32>} : memref<56x128xi32, #tpu.memory_space<vmem>>, vector<16xi32>,
        %gather3A_904 = tpu.vector_load_idx %arg8[%get3A_903] : memref<100000xf32, #tpu.memory_space<vmem>>[vector<16xi32>], vector<16xf32>,
        %mul3A_905 = vector.broadcast %squeeze3A_880 : f32 to vector<16xf32>
        %mul3A_906 = arith.mulf %gather3A_904, %mul3A_905 : vector<16xf32>
        %add3A_907 = arith.addf %add3A_833, %mul3A_906 : vector<16xf32>
        %add3A_908 = arith.constant 2 : i32
        %add3A_909 = arith.addi %mul3A_730, %add3A_908 : i32
        %get3A_910 = arith.index_cast %add3A_909 : i32 to index
        %get3A_911 = arith.constant 48 : index
        %get3A_912 = tpu.vector_load %arg9[%get3A_910, %get3A_911] {strides = array<i32>} : memref<56x128xi32, #tpu.memory_space<vmem>>, vector<16xi32>,
        %gather3A_913 = tpu.vector_load_idx %arg8[%get3A_912] : memref<100000xf32, #tpu.memory_space<vmem>>[vector<16xi32>], vector<16xf32>,
        %mul3A_914 = vector.broadcast %squeeze3A_880 : f32 to vector<16xf32>
        %mul3A_915 = arith.mulf %gather3A_913, %mul3A_914 : vector<16xf32>
        %add3A_916 = arith.addf %add3A_842, %mul3A_915 : vector<16xf32>
        %add3A_917 = arith.constant 2 : i32
        %add3A_918 = arith.addi %mul3A_730, %add3A_917 : i32
        %get3A_919 = arith.index_cast %add3A_918 : i32 to index
        %get3A_920 = arith.constant 64 : index
        %get3A_921 = tpu.vector_load %arg9[%get3A_919, %get3A_920] {strides = array<i32>} : memref<56x128xi32, #tpu.memory_space<vmem>>, vector<16xi32>,
        %gather3A_922 = tpu.vector_load_idx %arg8[%get3A_921] : memref<100000xf32, #tpu.memory_space<vmem>>[vector<16xi32>], vector<16xf32>,
        %mul3A_923 = vector.broadcast %squeeze3A_880 : f32 to vector<16xf32>
        %mul3A_924 = arith.mulf %gather3A_922, %mul3A_923 : vector<16xf32>
        %add3A_925 = arith.addf %add3A_851, %mul3A_924 : vector<16xf32>
        %add3A_926 = arith.constant 2 : i32
        %add3A_927 = arith.addi %mul3A_730, %add3A_926 : i32
        %get3A_928 = arith.index_cast %add3A_927 : i32 to index
        %get3A_929 = arith.constant 80 : index
        %get3A_930 = tpu.vector_load %arg9[%get3A_928, %get3A_929] {strides = array<i32>} : memref<56x128xi32, #tpu.memory_space<vmem>>, vector<16xi32>,
        %gather3A_931 = tpu.vector_load_idx %arg8[%get3A_930] : memref<100000xf32, #tpu.memory_space<vmem>>[vector<16xi32>], vector<16xf32>,
        %mul3A_932 = vector.broadcast %squeeze3A_880 : f32 to vector<16xf32>
        %mul3A_933 = arith.mulf %gather3A_931, %mul3A_932 : vector<16xf32>
        %add3A_934 = arith.addf %add3A_860, %mul3A_933 : vector<16xf32>
        %add3A_935 = arith.constant 2 : i32
        %add3A_936 = arith.addi %mul3A_730, %add3A_935 : i32
        %get3A_937 = arith.index_cast %add3A_936 : i32 to index
        %get3A_938 = arith.constant 96 : index
        %get3A_939 = tpu.vector_load %arg9[%get3A_937, %get3A_938] {strides = array<i32>} : memref<56x128xi32, #tpu.memory_space<vmem>>, vector<16xi32>,
        %gather3A_940 = tpu.vector_load_idx %arg8[%get3A_939] : memref<100000xf32, #tpu.memory_space<vmem>>[vector<16xi32>], vector<16xf32>,
        %mul3A_941 = vector.broadcast %squeeze3A_880 : f32 to vector<16xf32>
        %mul3A_942 = arith.mulf %gather3A_940, %mul3A_941 : vector<16xf32>
        %add3A_943 = arith.addf %add3A_869, %mul3A_942 : vector<16xf32>
        %add3A_944 = arith.constant 2 : i32
        %add3A_945 = arith.addi %mul3A_730, %add3A_944 : i32
        %get3A_946 = arith.index_cast %add3A_945 : i32 to index
        %get3A_947 = arith.constant 112 : index
        %get3A_948 = tpu.vector_load %arg9[%get3A_946, %get3A_947] {strides = array<i32>} : memref<56x128xi32, #tpu.memory_space<vmem>>, vector<16xi32>,
        %gather3A_949 = tpu.vector_load_idx %arg8[%get3A_948] : memref<100000xf32, #tpu.memory_space<vmem>>[vector<16xi32>], vector<16xf32>,
        %mul3A_950 = vector.broadcast %squeeze3A_880 : f32 to vector<16xf32>
        %mul3A_951 = arith.mulf %gather3A_949, %mul3A_950 : vector<16xf32>
        %add3A_952 = arith.addf %add3A_878, %mul3A_951 : vector<16xf32>
        %slice3A_953 = vector.extract_strided_slice %get3A_728 {offsets = [3], sizes = [1], strides = [1]} : vector<16xf32> to vector<1xf32>
        %squeeze3A_954 = vector.extract %slice3A_953[0] : f32 from vector<1xf32>
        %add3A_955 = arith.constant 3 : i32
        %add3A_956 = arith.addi %mul3A_730, %add3A_955 : i32
        %get3A_957 = arith.index_cast %add3A_956 : i32 to index
        %get3A_958 = arith.constant 0 : index
        %get3A_959 = tpu.vector_load %arg9[%get3A_957, %get3A_958] {strides = array<i32>} : memref<56x128xi32, #tpu.memory_space<vmem>>, vector<16xi32>,
        %gather3A_960 = tpu.vector_load_idx %arg8[%get3A_959] : memref<100000xf32, #tpu.memory_space<vmem>>[vector<16xi32>], vector<16xf32>,
        %mul3A_961 = vector.broadcast %squeeze3A_954 : f32 to vector<16xf32>
        %mul3A_962 = arith.mulf %gather3A_960, %mul3A_961 : vector<16xf32>
        %add3A_963 = arith.addf %add3A_889, %mul3A_962 : vector<16xf32>
        %add3A_964 = arith.constant 3 : i32
        %add3A_965 = arith.addi %mul3A_730, %add3A_964 : i32
        %get3A_966 = arith.index_cast %add3A_965 : i32 to index
        %get3A_967 = arith.constant 16 : index
        %get3A_968 = tpu.vector_load %arg9[%get3A_966, %get3A_967] {strides = array<i32>} : memref<56x128xi32, #tpu.memory_space<vmem>>, vector<16xi32>,
        %gather3A_969 = tpu.vector_load_idx %arg8[%get3A_968] : memref<100000xf32, #tpu.memory_space<vmem>>[vector<16xi32>], vector<16xf32>,
        %mul3A_970 = vector.broadcast %squeeze3A_954 : f32 to vector<16xf32>
        %mul3A_971 = arith.mulf %gather3A_969, %mul3A_970 : vector<16xf32>
        %add3A_972 = arith.addf %add3A_898, %mul3A_971 : vector<16xf32>
        %add3A_973 = arith.constant 3 : i32
        %add3A_974 = arith.addi %mul3A_730, %add3A_973 : i32
        %get3A_975 = arith.index_cast %add3A_974 : i32 to index
        %get3A_976 = arith.constant 32 : index
        %get3A_977 = tpu.vector_load %arg9[%get3A_975, %get3A_976] {strides = array<i32>} : memref<56x128xi32, #tpu.memory_space<vmem>>, vector<16xi32>,
        %gather3A_978 = tpu.vector_load_idx %arg8[%get3A_977] : memref<100000xf32, #tpu.memory_space<vmem>>[vector<16xi32>], vector<16xf32>,
        %mul3A_979 = vector.broadcast %squeeze3A_954 : f32 to vector<16xf32>
        %mul3A_980 = arith.mulf %gather3A_978, %mul3A_979 : vector<16xf32>
        %add3A_981 = arith.addf %add3A_907, %mul3A_980 : vector<16xf32>
        %add3A_982 = arith.constant 3 : i32
        %add3A_983 = arith.addi %mul3A_730, %add3A_982 : i32
        %get3A_984 = arith.index_cast %add3A_983 : i32 to index
        %get3A_985 = arith.constant 48 : index
        %get3A_986 = tpu.vector_load %arg9[%get3A_984, %get3A_985] {strides = array<i32>} : memref<56x128xi32, #tpu.memory_space<vmem>>, vector<16xi32>,
        %gather3A_987 = tpu.vector_load_idx %arg8[%get3A_986] : memref<100000xf32, #tpu.memory_space<vmem>>[vector<16xi32>], vector<16xf32>,
        %mul3A_988 = vector.broadcast %squeeze3A_954 : f32 to vector<16xf32>
        %mul3A_989 = arith.mulf %gather3A_987, %mul3A_988 : vector<16xf32>
        %add3A_990 = arith.addf %add3A_916, %mul3A_989 : vector<16xf32>
        %add3A_991 = arith.constant 3 : i32
        %add3A_992 = arith.addi %mul3A_730, %add3A_991 : i32
        %get3A_993 = arith.index_cast %add3A_992 : i32 to index
        %get3A_994 = arith.constant 64 : index
        %get3A_995 = tpu.vector_load %arg9[%get3A_993, %get3A_994] {strides = array<i32>} : memref<56x128xi32, #tpu.memory_space<vmem>>, vector<16xi32>,
        %gather3A_996 = tpu.vector_load_idx %arg8[%get3A_995] : memref<100000xf32, #tpu.memory_space<vmem>>[vector<16xi32>], vector<16xf32>,
        %mul3A_997 = vector.broadcast %squeeze3A_954 : f32 to vector<16xf32>
        %mul3A_998 = arith.mulf %gather3A_996, %mul3A_997 : vector<16xf32>
        %add3A_999 = arith.addf %add3A_925, %mul3A_998 : vector<16xf32>
        %add3A_1000 = arith.constant 3 : i32
        %add3A_1001 = arith.addi %mul3A_730, %add3A_1000 : i32
        %get3A_1002 = arith.index_cast %add3A_1001 : i32 to index
        %get3A_1003 = arith.constant 80 : index
        %get3A_1004 = tpu.vector_load %arg9[%get3A_1002, %get3A_1003] {strides = array<i32>} : memref<56x128xi32, #tpu.memory_space<vmem>>, vector<16xi32>,
        %gather3A_1005 = tpu.vector_load_idx %arg8[%get3A_1004] : memref<100000xf32, #tpu.memory_space<vmem>>[vector<16xi32>], vector<16xf32>,
        %mul3A_1006 = vector.broadcast %squeeze3A_954 : f32 to vector<16xf32>
        %mul3A_1007 = arith.mulf %gather3A_1005, %mul3A_1006 : vector<16xf32>
        %add3A_1008 = arith.addf %add3A_934, %mul3A_1007 : vector<16xf32>
        %add3A_1009 = arith.constant 3 : i32
        %add3A_1010 = arith.addi %mul3A_730, %add3A_1009 : i32
        %get3A_1011 = arith.index_cast %add3A_1010 : i32 to index
        %get3A_1012 = arith.constant 96 : index
        %get3A_1013 = tpu.vector_load %arg9[%get3A_1011, %get3A_1012] {strides = array<i32>} : memref<56x128xi32, #tpu.memory_space<vmem>>, vector<16xi32>,
        %gather3A_1014 = tpu.vector_load_idx %arg8[%get3A_1013] : memref<100000xf32, #tpu.memory_space<vmem>>[vector<16xi32>], vector<16xf32>,
        %mul3A_1015 = vector.broadcast %squeeze3A_954 : f32 to vector<16xf32>
        %mul3A_1016 = arith.mulf %gather3A_1014, %mul3A_1015 : vector<16xf32>
        %add3A_1017 = arith.addf %add3A_943, %mul3A_1016 : vector<16xf32>
        %add3A_1018 = arith.constant 3 : i32
        %add3A_1019 = arith.addi %mul3A_730, %add3A_1018 : i32
        %get3A_1020 = arith.index_cast %add3A_1019 : i32 to index
        %get3A_1021 = arith.constant 112 : index
        %get3A_1022 = tpu.vector_load %arg9[%get3A_1020, %get3A_1021] {strides = array<i32>} : memref<56x128xi32, #tpu.memory_space<vmem>>, vector<16xi32>,
        %gather3A_1023 = tpu.vector_load_idx %arg8[%get3A_1022] : memref<100000xf32, #tpu.memory_space<vmem>>[vector<16xi32>], vector<16xf32>,
        %mul3A_1024 = vector.broadcast %squeeze3A_954 : f32 to vector<16xf32>
        %mul3A_1025 = arith.mulf %gather3A_1023, %mul3A_1024 : vector<16xf32>
        %add3A_1026 = arith.addf %add3A_952, %mul3A_1025 : vector<16xf32>
        %slice3A_1027 = vector.extract_strided_slice %get3A_728 {offsets = [4], sizes = [1], strides = [1]} : vector<16xf32> to vector<1xf32>
        %squeeze3A_1028 = vector.extract %slice3A_1027[0] : f32 from vector<1xf32>
        %add3A_1029 = arith.constant 4 : i32
        %add3A_1030 = arith.addi %mul3A_730, %add3A_1029 : i32
        %get3A_1031 = arith.index_cast %add3A_1030 : i32 to index
        %get3A_1032 = arith.constant 0 : index
        %get3A_1033 = tpu.vector_load %arg9[%get3A_1031, %get3A_1032] {strides = array<i32>} : memref<56x128xi32, #tpu.memory_space<vmem>>, vector<16xi32>,
        %gather3A_1034 = tpu.vector_load_idx %arg8[%get3A_1033] : memref<100000xf32, #tpu.memory_space<vmem>>[vector<16xi32>], vector<16xf32>,
        %mul3A_1035 = vector.broadcast %squeeze3A_1028 : f32 to vector<16xf32>
        %mul3A_1036 = arith.mulf %gather3A_1034, %mul3A_1035 : vector<16xf32>
        %add3A_1037 = arith.addf %add3A_963, %mul3A_1036 : vector<16xf32>
        %add3A_1038 = arith.constant 4 : i32
        %add3A_1039 = arith.addi %mul3A_730, %add3A_1038 : i32
        %get3A_1040 = arith.index_cast %add3A_1039 : i32 to index
        %get3A_1041 = arith.constant 16 : index
        %get3A_1042 = tpu.vector_load %arg9[%get3A_1040, %get3A_1041] {strides = array<i32>} : memref<56x128xi32, #tpu.memory_space<vmem>>, vector<16xi32>,
        %gather3A_1043 = tpu.vector_load_idx %arg8[%get3A_1042] : memref<100000xf32, #tpu.memory_space<vmem>>[vector<16xi32>], vector<16xf32>,
        %mul3A_1044 = vector.broadcast %squeeze3A_1028 : f32 to vector<16xf32>
        %mul3A_1045 = arith.mulf %gather3A_1043, %mul3A_1044 : vector<16xf32>
        %add3A_1046 = arith.addf %add3A_972, %mul3A_1045 : vector<16xf32>
        %add3A_1047 = arith.constant 4 : i32
        %add3A_1048 = arith.addi %mul3A_730, %add3A_1047 : i32
        %get3A_1049 = arith.index_cast %add3A_1048 : i32 to index
        %get3A_1050 = arith.constant 32 : index
        %get3A_1051 = tpu.vector_load %arg9[%get3A_1049, %get3A_1050] {strides = array<i32>} : memref<56x128xi32, #tpu.memory_space<vmem>>, vector<16xi32>,
        %gather3A_1052 = tpu.vector_load_idx %arg8[%get3A_1051] : memref<100000xf32, #tpu.memory_space<vmem>>[vector<16xi32>], vector<16xf32>,
        %mul3A_1053 = vector.broadcast %squeeze3A_1028 : f32 to vector<16xf32>
        %mul3A_1054 = arith.mulf %gather3A_1052, %mul3A_1053 : vector<16xf32>
        %add3A_1055 = arith.addf %add3A_981, %mul3A_1054 : vector<16xf32>
        %add3A_1056 = arith.constant 4 : i32
        %add3A_1057 = arith.addi %mul3A_730, %add3A_1056 : i32
        %get3A_1058 = arith.index_cast %add3A_1057 : i32 to index
        %get3A_1059 = arith.constant 48 : index
        %get3A_1060 = tpu.vector_load %arg9[%get3A_1058, %get3A_1059] {strides = array<i32>} : memref<56x128xi32, #tpu.memory_space<vmem>>, vector<16xi32>,
        %gather3A_1061 = tpu.vector_load_idx %arg8[%get3A_1060] : memref<100000xf32, #tpu.memory_space<vmem>>[vector<16xi32>], vector<16xf32>,
        %mul3A_1062 = vector.broadcast %squeeze3A_1028 : f32 to vector<16xf32>
        %mul3A_1063 = arith.mulf %gather3A_1061, %mul3A_1062 : vector<16xf32>
        %add3A_1064 = arith.addf %add3A_990, %mul3A_1063 : vector<16xf32>
        %add3A_1065 = arith.constant 4 : i32
        %add3A_1066 = arith.addi %mul3A_730, %add3A_1065 : i32
        %get3A_1067 = arith.index_cast %add3A_1066 : i32 to index
        %get3A_1068 = arith.constant 64 : index
        %get3A_1069 = tpu.vector_load %arg9[%get3A_1067, %get3A_1068] {strides = array<i32>} : memref<56x128xi32, #tpu.memory_space<vmem>>, vector<16xi32>,
        %gather3A_1070 = tpu.vector_load_idx %arg8[%get3A_1069] : memref<100000xf32, #tpu.memory_space<vmem>>[vector<16xi32>], vector<16xf32>,
        %mul3A_1071 = vector.broadcast %squeeze3A_1028 : f32 to vector<16xf32>
        %mul3A_1072 = arith.mulf %gather3A_1070, %mul3A_1071 : vector<16xf32>
        %add3A_1073 = arith.addf %add3A_999, %mul3A_1072 : vector<16xf32>
        %add3A_1074 = arith.constant 4 : i32
        %add3A_1075 = arith.addi %mul3A_730, %add3A_1074 : i32
        %get3A_1076 = arith.index_cast %add3A_1075 : i32 to index
        %get3A_1077 = arith.constant 80 : index
        %get3A_1078 = tpu.vector_load %arg9[%get3A_1076, %get3A_1077] {strides = array<i32>} : memref<56x128xi32, #tpu.memory_space<vmem>>, vector<16xi32>,
        %gather3A_1079 = tpu.vector_load_idx %arg8[%get3A_1078] : memref<100000xf32, #tpu.memory_space<vmem>>[vector<16xi32>], vector<16xf32>,
        %mul3A_1080 = vector.broadcast %squeeze3A_1028 : f32 to vector<16xf32>
        %mul3A_1081 = arith.mulf %gather3A_1079, %mul3A_1080 : vector<16xf32>
        %add3A_1082 = arith.addf %add3A_1008, %mul3A_1081 : vector<16xf32>
        %add3A_1083 = arith.constant 4 : i32
        %add3A_1084 = arith.addi %mul3A_730, %add3A_1083 : i32
        %get3A_1085 = arith.index_cast %add3A_1084 : i32 to index
        %get3A_1086 = arith.constant 96 : index
        %get3A_1087 = tpu.vector_load %arg9[%get3A_1085, %get3A_1086] {strides = array<i32>} : memref<56x128xi32, #tpu.memory_space<vmem>>, vector<16xi32>,
        %gather3A_1088 = tpu.vector_load_idx %arg8[%get3A_1087] : memref<100000xf32, #tpu.memory_space<vmem>>[vector<16xi32>], vector<16xf32>,
        %mul3A_1089 = vector.broadcast %squeeze3A_1028 : f32 to vector<16xf32>
        %mul3A_1090 = arith.mulf %gather3A_1088, %mul3A_1089 : vector<16xf32>
        %add3A_1091 = arith.addf %add3A_1017, %mul3A_1090 : vector<16xf32>
        %add3A_1092 = arith.constant 4 : i32
        %add3A_1093 = arith.addi %mul3A_730, %add3A_1092 : i32
        %get3A_1094 = arith.index_cast %add3A_1093 : i32 to index
        %get3A_1095 = arith.constant 112 : index
        %get3A_1096 = tpu.vector_load %arg9[%get3A_1094, %get3A_1095] {strides = array<i32>} : memref<56x128xi32, #tpu.memory_space<vmem>>, vector<16xi32>,
        %gather3A_1097 = tpu.vector_load_idx %arg8[%get3A_1096] : memref<100000xf32, #tpu.memory_space<vmem>>[vector<16xi32>], vector<16xf32>,
        %mul3A_1098 = vector.broadcast %squeeze3A_1028 : f32 to vector<16xf32>
        %mul3A_1099 = arith.mulf %gather3A_1097, %mul3A_1098 : vector<16xf32>
        %add3A_1100 = arith.addf %add3A_1026, %mul3A_1099 : vector<16xf32>
        %slice3A_1101 = vector.extract_strided_slice %get3A_728 {offsets = [5], sizes = [1], strides = [1]} : vector<16xf32> to vector<1xf32>
        %squeeze3A_1102 = vector.extract %slice3A_1101[0] : f32 from vector<1xf32>
        %add3A_1103 = arith.constant 5 : i32
        %add3A_1104 = arith.addi %mul3A_730, %add3A_1103 : i32
        %get3A_1105 = arith.index_cast %add3A_1104 : i32 to index
        %get3A_1106 = arith.constant 0 : index
        %get3A_1107 = tpu.vector_load %arg9[%get3A_1105, %get3A_1106] {strides = array<i32>} : memref<56x128xi32, #tpu.memory_space<vmem>>, vector<16xi32>,
        %gather3A_1108 = tpu.vector_load_idx %arg8[%get3A_1107] : memref<100000xf32, #tpu.memory_space<vmem>>[vector<16xi32>], vector<16xf32>,
        %mul3A_1109 = vector.broadcast %squeeze3A_1102 : f32 to vector<16xf32>
        %mul3A_1110 = arith.mulf %gather3A_1108, %mul3A_1109 : vector<16xf32>
        %add3A_1111 = arith.addf %add3A_1037, %mul3A_1110 : vector<16xf32>
        %add3A_1112 = arith.constant 5 : i32
        %add3A_1113 = arith.addi %mul3A_730, %add3A_1112 : i32
        %get3A_1114 = arith.index_cast %add3A_1113 : i32 to index
        %get3A_1115 = arith.constant 16 : index
        %get3A_1116 = tpu.vector_load %arg9[%get3A_1114, %get3A_1115] {strides = array<i32>} : memref<56x128xi32, #tpu.memory_space<vmem>>, vector<16xi32>,
        %gather3A_1117 = tpu.vector_load_idx %arg8[%get3A_1116] : memref<100000xf32, #tpu.memory_space<vmem>>[vector<16xi32>], vector<16xf32>,
        %mul3A_1118 = vector.broadcast %squeeze3A_1102 : f32 to vector<16xf32>
        %mul3A_1119 = arith.mulf %gather3A_1117, %mul3A_1118 : vector<16xf32>
        %add3A_1120 = arith.addf %add3A_1046, %mul3A_1119 : vector<16xf32>
        %add3A_1121 = arith.constant 5 : i32
        %add3A_1122 = arith.addi %mul3A_730, %add3A_1121 : i32
        %get3A_1123 = arith.index_cast %add3A_1122 : i32 to index
        %get3A_1124 = arith.constant 32 : index
        %get3A_1125 = tpu.vector_load %arg9[%get3A_1123, %get3A_1124] {strides = array<i32>} : memref<56x128xi32, #tpu.memory_space<vmem>>, vector<16xi32>,
        %gather3A_1126 = tpu.vector_load_idx %arg8[%get3A_1125] : memref<100000xf32, #tpu.memory_space<vmem>>[vector<16xi32>], vector<16xf32>,
        %mul3A_1127 = vector.broadcast %squeeze3A_1102 : f32 to vector<16xf32>
        %mul3A_1128 = arith.mulf %gather3A_1126, %mul3A_1127 : vector<16xf32>
        %add3A_1129 = arith.addf %add3A_1055, %mul3A_1128 : vector<16xf32>
        %add3A_1130 = arith.constant 5 : i32
        %add3A_1131 = arith.addi %mul3A_730, %add3A_1130 : i32
        %get3A_1132 = arith.index_cast %add3A_1131 : i32 to index
        %get3A_1133 = arith.constant 48 : index
        %get3A_1134 = tpu.vector_load %arg9[%get3A_1132, %get3A_1133] {strides = array<i32>} : memref<56x128xi32, #tpu.memory_space<vmem>>, vector<16xi32>,
        %gather3A_1135 = tpu.vector_load_idx %arg8[%get3A_1134] : memref<100000xf32, #tpu.memory_space<vmem>>[vector<16xi32>], vector<16xf32>,
        %mul3A_1136 = vector.broadcast %squeeze3A_1102 : f32 to vector<16xf32>
        %mul3A_1137 = arith.mulf %gather3A_1135, %mul3A_1136 : vector<16xf32>
        %add3A_1138 = arith.addf %add3A_1064, %mul3A_1137 : vector<16xf32>
        %add3A_1139 = arith.constant 5 : i32
        %add3A_1140 = arith.addi %mul3A_730, %add3A_1139 : i32
        %get3A_1141 = arith.index_cast %add3A_1140 : i32 to index
        %get3A_1142 = arith.constant 64 : index
        %get3A_1143 = tpu.vector_load %arg9[%get3A_1141, %get3A_1142] {strides = array<i32>} : memref<56x128xi32, #tpu.memory_space<vmem>>, vector<16xi32>,
        %gather3A_1144 = tpu.vector_load_idx %arg8[%get3A_1143] : memref<100000xf32, #tpu.memory_space<vmem>>[vector<16xi32>], vector<16xf32>,
        %mul3A_1145 = vector.broadcast %squeeze3A_1102 : f32 to vector<16xf32>
        %mul3A_1146 = arith.mulf %gather3A_1144, %mul3A_1145 : vector<16xf32>
        %add3A_1147 = arith.addf %add3A_1073, %mul3A_1146 : vector<16xf32>
        %add3A_1148 = arith.constant 5 : i32
        %add3A_1149 = arith.addi %mul3A_730, %add3A_1148 : i32
        %get3A_1150 = arith.index_cast %add3A_1149 : i32 to index
        %get3A_1151 = arith.constant 80 : index
        %get3A_1152 = tpu.vector_load %arg9[%get3A_1150, %get3A_1151] {strides = array<i32>} : memref<56x128xi32, #tpu.memory_space<vmem>>, vector<16xi32>,
        %gather3A_1153 = tpu.vector_load_idx %arg8[%get3A_1152] : memref<100000xf32, #tpu.memory_space<vmem>>[vector<16xi32>], vector<16xf32>,
        %mul3A_1154 = vector.broadcast %squeeze3A_1102 : f32 to vector<16xf32>
        %mul3A_1155 = arith.mulf %gather3A_1153, %mul3A_1154 : vector<16xf32>
        %add3A_1156 = arith.addf %add3A_1082, %mul3A_1155 : vector<16xf32>
        %add3A_1157 = arith.constant 5 : i32
        %add3A_1158 = arith.addi %mul3A_730, %add3A_1157 : i32
        %get3A_1159 = arith.index_cast %add3A_1158 : i32 to index
        %get3A_1160 = arith.constant 96 : index
        %get3A_1161 = tpu.vector_load %arg9[%get3A_1159, %get3A_1160] {strides = array<i32>} : memref<56x128xi32, #tpu.memory_space<vmem>>, vector<16xi32>,
        %gather3A_1162 = tpu.vector_load_idx %arg8[%get3A_1161] : memref<100000xf32, #tpu.memory_space<vmem>>[vector<16xi32>], vector<16xf32>,
        %mul3A_1163 = vector.broadcast %squeeze3A_1102 : f32 to vector<16xf32>
        %mul3A_1164 = arith.mulf %gather3A_1162, %mul3A_1163 : vector<16xf32>
        %add3A_1165 = arith.addf %add3A_1091, %mul3A_1164 : vector<16xf32>
        %add3A_1166 = arith.constant 5 : i32
        %add3A_1167 = arith.addi %mul3A_730, %add3A_1166 : i32
        %get3A_1168 = arith.index_cast %add3A_1167 : i32 to index
        %get3A_1169 = arith.constant 112 : index
        %get3A_1170 = tpu.vector_load %arg9[%get3A_1168, %get3A_1169] {strides = array<i32>} : memref<56x128xi32, #tpu.memory_space<vmem>>, vector<16xi32>,
        %gather3A_1171 = tpu.vector_load_idx %arg8[%get3A_1170] : memref<100000xf32, #tpu.memory_space<vmem>>[vector<16xi32>], vector<16xf32>,
        %mul3A_1172 = vector.broadcast %squeeze3A_1102 : f32 to vector<16xf32>
        %mul3A_1173 = arith.mulf %gather3A_1171, %mul3A_1172 : vector<16xf32>
        %add3A_1174 = arith.addf %add3A_1100, %mul3A_1173 : vector<16xf32>
        %slice3A_1175 = vector.extract_strided_slice %get3A_728 {offsets = [6], sizes = [1], strides = [1]} : vector<16xf32> to vector<1xf32>
        %squeeze3A_1176 = vector.extract %slice3A_1175[0] : f32 from vector<1xf32>
        %add3A_1177 = arith.constant 6 : i32
        %add3A_1178 = arith.addi %mul3A_730, %add3A_1177 : i32
        %get3A_1179 = arith.index_cast %add3A_1178 : i32 to index
        %get3A_1180 = arith.constant 0 : index
        %get3A_1181 = tpu.vector_load %arg9[%get3A_1179, %get3A_1180] {strides = array<i32>} : memref<56x128xi32, #tpu.memory_space<vmem>>, vector<16xi32>,
        %gather3A_1182 = tpu.vector_load_idx %arg8[%get3A_1181] : memref<100000xf32, #tpu.memory_space<vmem>>[vector<16xi32>], vector<16xf32>,
        %mul3A_1183 = vector.broadcast %squeeze3A_1176 : f32 to vector<16xf32>
        %mul3A_1184 = arith.mulf %gather3A_1182, %mul3A_1183 : vector<16xf32>
        %add3A_1185 = arith.addf %add3A_1111, %mul3A_1184 : vector<16xf32>
        %add3A_1186 = arith.constant 6 : i32
        %add3A_1187 = arith.addi %mul3A_730, %add3A_1186 : i32
        %get3A_1188 = arith.index_cast %add3A_1187 : i32 to index
        %get3A_1189 = arith.constant 16 : index
        %get3A_1190 = tpu.vector_load %arg9[%get3A_1188, %get3A_1189] {strides = array<i32>} : memref<56x128xi32, #tpu.memory_space<vmem>>, vector<16xi32>,
        %gather3A_1191 = tpu.vector_load_idx %arg8[%get3A_1190] : memref<100000xf32, #tpu.memory_space<vmem>>[vector<16xi32>], vector<16xf32>,
        %mul3A_1192 = vector.broadcast %squeeze3A_1176 : f32 to vector<16xf32>
        %mul3A_1193 = arith.mulf %gather3A_1191, %mul3A_1192 : vector<16xf32>
        %add3A_1194 = arith.addf %add3A_1120, %mul3A_1193 : vector<16xf32>
        %add3A_1195 = arith.constant 6 : i32
        %add3A_1196 = arith.addi %mul3A_730, %add3A_1195 : i32
        %get3A_1197 = arith.index_cast %add3A_1196 : i32 to index
        %get3A_1198 = arith.constant 32 : index
        %get3A_1199 = tpu.vector_load %arg9[%get3A_1197, %get3A_1198] {strides = array<i32>} : memref<56x128xi32, #tpu.memory_space<vmem>>, vector<16xi32>,
        %gather3A_1200 = tpu.vector_load_idx %arg8[%get3A_1199] : memref<100000xf32, #tpu.memory_space<vmem>>[vector<16xi32>], vector<16xf32>,
        %mul3A_1201 = vector.broadcast %squeeze3A_1176 : f32 to vector<16xf32>
        %mul3A_1202 = arith.mulf %gather3A_1200, %mul3A_1201 : vector<16xf32>
        %add3A_1203 = arith.addf %add3A_1129, %mul3A_1202 : vector<16xf32>
        %add3A_1204 = arith.constant 6 : i32
        %add3A_1205 = arith.addi %mul3A_730, %add3A_1204 : i32
        %get3A_1206 = arith.index_cast %add3A_1205 : i32 to index
        %get3A_1207 = arith.constant 48 : index
        %get3A_1208 = tpu.vector_load %arg9[%get3A_1206, %get3A_1207] {strides = array<i32>} : memref<56x128xi32, #tpu.memory_space<vmem>>, vector<16xi32>,
        %gather3A_1209 = tpu.vector_load_idx %arg8[%get3A_1208] : memref<100000xf32, #tpu.memory_space<vmem>>[vector<16xi32>], vector<16xf32>,
        %mul3A_1210 = vector.broadcast %squeeze3A_1176 : f32 to vector<16xf32>
        %mul3A_1211 = arith.mulf %gather3A_1209, %mul3A_1210 : vector<16xf32>
        %add3A_1212 = arith.addf %add3A_1138, %mul3A_1211 : vector<16xf32>
        %add3A_1213 = arith.constant 6 : i32
        %add3A_1214 = arith.addi %mul3A_730, %add3A_1213 : i32
        %get3A_1215 = arith.index_cast %add3A_1214 : i32 to index
        %get3A_1216 = arith.constant 64 : index
        %get3A_1217 = tpu.vector_load %arg9[%get3A_1215, %get3A_1216] {strides = array<i32>} : memref<56x128xi32, #tpu.memory_space<vmem>>, vector<16xi32>,
        %gather3A_1218 = tpu.vector_load_idx %arg8[%get3A_1217] : memref<100000xf32, #tpu.memory_space<vmem>>[vector<16xi32>], vector<16xf32>,
        %mul3A_1219 = vector.broadcast %squeeze3A_1176 : f32 to vector<16xf32>
        %mul3A_1220 = arith.mulf %gather3A_1218, %mul3A_1219 : vector<16xf32>
        %add3A_1221 = arith.addf %add3A_1147, %mul3A_1220 : vector<16xf32>
        %add3A_1222 = arith.constant 6 : i32
        %add3A_1223 = arith.addi %mul3A_730, %add3A_1222 : i32
        %get3A_1224 = arith.index_cast %add3A_1223 : i32 to index
        %get3A_1225 = arith.constant 80 : index
        %get3A_1226 = tpu.vector_load %arg9[%get3A_1224, %get3A_1225] {strides = array<i32>} : memref<56x128xi32, #tpu.memory_space<vmem>>, vector<16xi32>,
        %gather3A_1227 = tpu.vector_load_idx %arg8[%get3A_1226] : memref<100000xf32, #tpu.memory_space<vmem>>[vector<16xi32>], vector<16xf32>,
        %mul3A_1228 = vector.broadcast %squeeze3A_1176 : f32 to vector<16xf32>
        %mul3A_1229 = arith.mulf %gather3A_1227, %mul3A_1228 : vector<16xf32>
        %add3A_1230 = arith.addf %add3A_1156, %mul3A_1229 : vector<16xf32>
        %add3A_1231 = arith.constant 6 : i32
        %add3A_1232 = arith.addi %mul3A_730, %add3A_1231 : i32
        %get3A_1233 = arith.index_cast %add3A_1232 : i32 to index
        %get3A_1234 = arith.constant 96 : index
        %get3A_1235 = tpu.vector_load %arg9[%get3A_1233, %get3A_1234] {strides = array<i32>} : memref<56x128xi32, #tpu.memory_space<vmem>>, vector<16xi32>,
        %gather3A_1236 = tpu.vector_load_idx %arg8[%get3A_1235] : memref<100000xf32, #tpu.memory_space<vmem>>[vector<16xi32>], vector<16xf32>,
        %mul3A_1237 = vector.broadcast %squeeze3A_1176 : f32 to vector<16xf32>
        %mul3A_1238 = arith.mulf %gather3A_1236, %mul3A_1237 : vector<16xf32>
        %add3A_1239 = arith.addf %add3A_1165, %mul3A_1238 : vector<16xf32>
        %add3A_1240 = arith.constant 6 : i32
        %add3A_1241 = arith.addi %mul3A_730, %add3A_1240 : i32
        %get3A_1242 = arith.index_cast %add3A_1241 : i32 to index
        %get3A_1243 = arith.constant 112 : index
        %get3A_1244 = tpu.vector_load %arg9[%get3A_1242, %get3A_1243] {strides = array<i32>} : memref<56x128xi32, #tpu.memory_space<vmem>>, vector<16xi32>,
        %gather3A_1245 = tpu.vector_load_idx %arg8[%get3A_1244] : memref<100000xf32, #tpu.memory_space<vmem>>[vector<16xi32>], vector<16xf32>,
        %mul3A_1246 = vector.broadcast %squeeze3A_1176 : f32 to vector<16xf32>
        %mul3A_1247 = arith.mulf %gather3A_1245, %mul3A_1246 : vector<16xf32>
        %add3A_1248 = arith.addf %add3A_1174, %mul3A_1247 : vector<16xf32>
        %slice3A_1249 = vector.extract_strided_slice %get3A_728 {offsets = [7], sizes = [1], strides = [1]} : vector<16xf32> to vector<1xf32>
        %squeeze3A_1250 = vector.extract %slice3A_1249[0] : f32 from vector<1xf32>
        %add3A_1251 = arith.constant 7 : i32
        %add3A_1252 = arith.addi %mul3A_730, %add3A_1251 : i32
        %get3A_1253 = arith.index_cast %add3A_1252 : i32 to index
        %get3A_1254 = arith.constant 0 : index
        %get3A_1255 = tpu.vector_load %arg9[%get3A_1253, %get3A_1254] {strides = array<i32>} : memref<56x128xi32, #tpu.memory_space<vmem>>, vector<16xi32>,
        %gather3A_1256 = tpu.vector_load_idx %arg8[%get3A_1255] : memref<100000xf32, #tpu.memory_space<vmem>>[vector<16xi32>], vector<16xf32>,
        %mul3A_1257 = vector.broadcast %squeeze3A_1250 : f32 to vector<16xf32>
        %mul3A_1258 = arith.mulf %gather3A_1256, %mul3A_1257 : vector<16xf32>
        %add3A_1259 = arith.addf %add3A_1185, %mul3A_1258 : vector<16xf32>
        %add3A_1260 = arith.constant 7 : i32
        %add3A_1261 = arith.addi %mul3A_730, %add3A_1260 : i32
        %get3A_1262 = arith.index_cast %add3A_1261 : i32 to index
        %get3A_1263 = arith.constant 16 : index
        %get3A_1264 = tpu.vector_load %arg9[%get3A_1262, %get3A_1263] {strides = array<i32>} : memref<56x128xi32, #tpu.memory_space<vmem>>, vector<16xi32>,
        %gather3A_1265 = tpu.vector_load_idx %arg8[%get3A_1264] : memref<100000xf32, #tpu.memory_space<vmem>>[vector<16xi32>], vector<16xf32>,
        %mul3A_1266 = vector.broadcast %squeeze3A_1250 : f32 to vector<16xf32>
        %mul3A_1267 = arith.mulf %gather3A_1265, %mul3A_1266 : vector<16xf32>
        %add3A_1268 = arith.addf %add3A_1194, %mul3A_1267 : vector<16xf32>
        %add3A_1269 = arith.constant 7 : i32
        %add3A_1270 = arith.addi %mul3A_730, %add3A_1269 : i32
        %get3A_1271 = arith.index_cast %add3A_1270 : i32 to index
        %get3A_1272 = arith.constant 32 : index
        %get3A_1273 = tpu.vector_load %arg9[%get3A_1271, %get3A_1272] {strides = array<i32>} : memref<56x128xi32, #tpu.memory_space<vmem>>, vector<16xi32>,
        %gather3A_1274 = tpu.vector_load_idx %arg8[%get3A_1273] : memref<100000xf32, #tpu.memory_space<vmem>>[vector<16xi32>], vector<16xf32>,
        %mul3A_1275 = vector.broadcast %squeeze3A_1250 : f32 to vector<16xf32>
        %mul3A_1276 = arith.mulf %gather3A_1274, %mul3A_1275 : vector<16xf32>
        %add3A_1277 = arith.addf %add3A_1203, %mul3A_1276 : vector<16xf32>
        %add3A_1278 = arith.constant 7 : i32
        %add3A_1279 = arith.addi %mul3A_730, %add3A_1278 : i32
        %get3A_1280 = arith.index_cast %add3A_1279 : i32 to index
        %get3A_1281 = arith.constant 48 : index
        %get3A_1282 = tpu.vector_load %arg9[%get3A_1280, %get3A_1281] {strides = array<i32>} : memref<56x128xi32, #tpu.memory_space<vmem>>, vector<16xi32>,
        %gather3A_1283 = tpu.vector_load_idx %arg8[%get3A_1282] : memref<100000xf32, #tpu.memory_space<vmem>>[vector<16xi32>], vector<16xf32>,
        %mul3A_1284 = vector.broadcast %squeeze3A_1250 : f32 to vector<16xf32>
        %mul3A_1285 = arith.mulf %gather3A_1283, %mul3A_1284 : vector<16xf32>
        %add3A_1286 = arith.addf %add3A_1212, %mul3A_1285 : vector<16xf32>
        %add3A_1287 = arith.constant 7 : i32
        %add3A_1288 = arith.addi %mul3A_730, %add3A_1287 : i32
        %get3A_1289 = arith.index_cast %add3A_1288 : i32 to index
        %get3A_1290 = arith.constant 64 : index
        %get3A_1291 = tpu.vector_load %arg9[%get3A_1289, %get3A_1290] {strides = array<i32>} : memref<56x128xi32, #tpu.memory_space<vmem>>, vector<16xi32>,
        %gather3A_1292 = tpu.vector_load_idx %arg8[%get3A_1291] : memref<100000xf32, #tpu.memory_space<vmem>>[vector<16xi32>], vector<16xf32>,
        %mul3A_1293 = vector.broadcast %squeeze3A_1250 : f32 to vector<16xf32>
        %mul3A_1294 = arith.mulf %gather3A_1292, %mul3A_1293 : vector<16xf32>
        %add3A_1295 = arith.addf %add3A_1221, %mul3A_1294 : vector<16xf32>
        %add3A_1296 = arith.constant 7 : i32
        %add3A_1297 = arith.addi %mul3A_730, %add3A_1296 : i32
        %get3A_1298 = arith.index_cast %add3A_1297 : i32 to index
        %get3A_1299 = arith.constant 80 : index
        %get3A_1300 = tpu.vector_load %arg9[%get3A_1298, %get3A_1299] {strides = array<i32>} : memref<56x128xi32, #tpu.memory_space<vmem>>, vector<16xi32>,
        %gather3A_1301 = tpu.vector_load_idx %arg8[%get3A_1300] : memref<100000xf32, #tpu.memory_space<vmem>>[vector<16xi32>], vector<16xf32>,
        %mul3A_1302 = vector.broadcast %squeeze3A_1250 : f32 to vector<16xf32>
        %mul3A_1303 = arith.mulf %gather3A_1301, %mul3A_1302 : vector<16xf32>
        %add3A_1304 = arith.addf %add3A_1230, %mul3A_1303 : vector<16xf32>
        %add3A_1305 = arith.constant 7 : i32
        %add3A_1306 = arith.addi %mul3A_730, %add3A_1305 : i32
        %get3A_1307 = arith.index_cast %add3A_1306 : i32 to index
        %get3A_1308 = arith.constant 96 : index
        %get3A_1309 = tpu.vector_load %arg9[%get3A_1307, %get3A_1308] {strides = array<i32>} : memref<56x128xi32, #tpu.memory_space<vmem>>, vector<16xi32>,
        %gather3A_1310 = tpu.vector_load_idx %arg8[%get3A_1309] : memref<100000xf32, #tpu.memory_space<vmem>>[vector<16xi32>], vector<16xf32>,
        %mul3A_1311 = vector.broadcast %squeeze3A_1250 : f32 to vector<16xf32>
        %mul3A_1312 = arith.mulf %gather3A_1310, %mul3A_1311 : vector<16xf32>
        %add3A_1313 = arith.addf %add3A_1239, %mul3A_1312 : vector<16xf32>
        %add3A_1314 = arith.constant 7 : i32
        %add3A_1315 = arith.addi %mul3A_730, %add3A_1314 : i32
        %get3A_1316 = arith.index_cast %add3A_1315 : i32 to index
        %get3A_1317 = arith.constant 112 : index
        %get3A_1318 = tpu.vector_load %arg9[%get3A_1316, %get3A_1317] {strides = array<i32>} : memref<56x128xi32, #tpu.memory_space<vmem>>, vector<16xi32>,
        %gather3A_1319 = tpu.vector_load_idx %arg8[%get3A_1318] : memref<100000xf32, #tpu.memory_space<vmem>>[vector<16xi32>], vector<16xf32>,
        %mul3A_1320 = vector.broadcast %squeeze3A_1250 : f32 to vector<16xf32>
        %mul3A_1321 = arith.mulf %gather3A_1319, %mul3A_1320 : vector<16xf32>
        %add3A_1322 = arith.addf %add3A_1248, %mul3A_1321 : vector<16xf32>
        scf.yield %add3A_1259, %add3A_1268, %add3A_1277, %add3A_1286, %add3A_1295, %add3A_1304, %add3A_1313, %add3A_1322 : vector<16xf32>, vector<16xf32>, vector<16xf32>, vector<16xf32>, vector<16xf32>, vector<16xf32>, vector<16xf32>, vector<16xf32>
      }
      %scan3A_113 = arith.constant 6 : i32
      %lt3A = arith.constant 3 : i32
      %lt3A_114 = arith.cmpi slt, %scan3A_33, %lt3A : i32
      %convert_element_type3A_115 = arith.extui %lt3A_114 : i1 to i32
      %cond3A_116 = arith.constant 0 : i32
      %cond3A_117 = arith.cmpi ne, %convert_element_type3A_115, %cond3A_116 : i32
      scf.if %cond3A_117 {
        %add3A_714 = arith.constant 1 : i32
        %add3A_715 = arith.addi %scan3A_33, %add3A_714 : i32
        %mul3A_716 = arith.constant 128 : i32
        %mul3A_717 = arith.muli %add3A_715, %mul3A_716 : i32
        %add3A_718 = arith.addi %mul3A_2, %mul3A_717 : i32
        %dma_start3A_719 = arith.constant 0 : i32
        %dma_start3A_720 = arith.constant 0 : i32
        %dma_start3A_721 = tpu.memref_slice %arg9[%dma_start3A_719, %dma_start3A_720] : memref<56x128xi32, #tpu.memory_space<vmem>> -> memref<48x128xi32, #tpu.memory_space<vmem>>
        %dma_start3A_722 = arith.constant 0 : i32
        %dma_start3A_723 = tpu.memref_slice %arg3[%dma_start3A_722, %add3A_718] : memref<200x16384xi32, #tpu.memory_space<hbm>> -> memref<48x128xi32, #tpu.memory_space<hbm>>
        %dma_start3A_724 = arith.constant 0 : i32
        %dma_start3A_725 = arith.constant 0 : i32
        %dma_start3A_726 = tpu.memref_slice %arg9[%dma_start3A_724, %dma_start3A_725] : memref<56x128xi32, #tpu.memory_space<vmem>> -> memref<48x128xi32, #tpu.memory_space<vmem>>
        %dma_start3A_727 = arith.constant 0 : i32
        %dma_start3A_728 = tpu.memref_slice %arg3[%dma_start3A_727, %add3A_718] : memref<200x16384xi32, #tpu.memory_space<hbm>> -> memref<48x128xi32, #tpu.memory_space<hbm>>
        tpu.enqueue_dma source(%dma_start3A_728 : memref<48x128xi32, #tpu.memory_space<hbm>>) target(%dma_start3A_726 : memref<48x128xi32, #tpu.memory_space<vmem>>) target_semaphore(%arg15 : memref<!tpu.dma_semaphore, #tpu.memory_space<semaphore_mem>>)
      } else {
      }
      "tpu.trace_start"() <{level = 10 : i32, message = "wait3"}> : () -> ()
      %dma_wait3A_118 = arith.constant 0 : i32
      %dma_wait3A_119 = arith.constant 0 : i32
      %dma_wait3A_120 = tpu.memref_slice %arg10[%dma_wait3A_118, %dma_wait3A_119] : memref<56x128xi32, #tpu.memory_space<vmem>> -> memref<56x128xi32, #tpu.memory_space<vmem>>
      %dma_wait3A_121 = arith.constant 144 : i32
      %dma_wait3A_122 = arith.constant 0 : i32
      %dma_wait3A_123 = tpu.memref_slice %arg3[%dma_wait3A_121, %dma_wait3A_122] : memref<200x16384xi32, #tpu.memory_space<hbm>> -> memref<56x128xi32, #tpu.memory_space<hbm>>
      %dma_wait3A_124 = arith.constant 0 : i32
      %dma_wait3A_125 = arith.constant 0 : i32
      %dma_wait3A_126 = tpu.memref_slice %arg10[%dma_wait3A_124, %dma_wait3A_125] : memref<56x128xi32, #tpu.memory_space<vmem>> -> memref<56x128xi32, #tpu.memory_space<vmem>>
      %dma_wait3A_127 = arith.constant 144 : i32
      %dma_wait3A_128 = arith.constant 0 : i32
      %dma_wait3A_129 = tpu.memref_slice %arg3[%dma_wait3A_127, %dma_wait3A_128] : memref<200x16384xi32, #tpu.memory_space<hbm>> -> memref<56x128xi32, #tpu.memory_space<hbm>>
      tpu.wait_dma2 semaphore(%arg16 : memref<!tpu.dma_semaphore, #tpu.memory_space<semaphore_mem>>) src(%dma_wait3A_129 : memref<56x128xi32, #tpu.memory_space<hbm>>) dst(%dma_wait3A_126 : memref<56x128xi32, #tpu.memory_space<vmem>>)
      "tpu.trace_stop"() : () -> ()
      %scan3A_130 = arith.constant 0 : i32
      %scan3A_131 = arith.constant 6 : i32
      %scan3A_132 = arith.addi %scan3A_130, %scan3A_131 : i32
      %scan3A_133 = arith.constant 1 : i32
      %scan3A_134:8 = scf.for %scan3A_714 = %scan3A_130 to %scan3A_132 step %scan3A_133 iter_args(%scan3A_715 = %scan3A_112#0, %scan3A_716 = %scan3A_112#1, %scan3A_717 = %scan3A_112#2, %scan3A_718 = %scan3A_112#3, %scan3A_719 = %scan3A_112#4, %scan3A_720 = %scan3A_112#5, %scan3A_721 = %scan3A_112#6, %scan3A_722 = %scan3A_112#7) -> (vector<16xf32>, vector<16xf32>, vector<16xf32>, vector<16xf32>, vector<16xf32>, vector<16xf32>, vector<16xf32>, vector<16xf32>)  : i32 {
        %mul3A_723 = arith.constant 8 : i32
        %mul3A_724 = arith.muli %mul3A_723, %scan3A_714 : i32
        %add3A_725 = arith.constant 144 : i32
        %add3A_726 = arith.addi %add3A_725, %mul3A_724 : i32
        %get3A_727 = arith.index_cast %add3A_726 : i32 to index
        %get3A_728 = tpu.vector_load %arg12[%get3A_727] {strides = array<i32>} : memref<200xf32, #tpu.memory_space<vmem>>, vector<16xf32>,
        %mul3A_729 = arith.constant 8 : i32
        %mul3A_730 = arith.muli %mul3A_729, %scan3A_714 : i32
        %slice3A_731 = vector.extract_strided_slice %get3A_728 {offsets = [0], sizes = [1], strides = [1]} : vector<16xf32> to vector<1xf32>
        %squeeze3A_732 = vector.extract %slice3A_731[0] : f32 from vector<1xf32>
        %add3A_733 = arith.constant 0 : i32
        %add3A_734 = arith.addi %mul3A_730, %add3A_733 : i32
        %get3A_735 = arith.index_cast %add3A_734 : i32 to index
        %get3A_736 = arith.constant 0 : index
        %get3A_737 = tpu.vector_load %arg10[%get3A_735, %get3A_736] {strides = array<i32>} : memref<56x128xi32, #tpu.memory_space<vmem>>, vector<16xi32>,
        %gather3A_738 = tpu.vector_load_idx %arg8[%get3A_737] : memref<100000xf32, #tpu.memory_space<vmem>>[vector<16xi32>], vector<16xf32>,
        %mul3A_739 = vector.broadcast %squeeze3A_732 : f32 to vector<16xf32>
        %mul3A_740 = arith.mulf %gather3A_738, %mul3A_739 : vector<16xf32>
        %add3A_741 = arith.addf %scan3A_715, %mul3A_740 : vector<16xf32>
        %add3A_742 = arith.constant 0 : i32
        %add3A_743 = arith.addi %mul3A_730, %add3A_742 : i32
        %get3A_744 = arith.index_cast %add3A_743 : i32 to index
        %get3A_745 = arith.constant 16 : index
        %get3A_746 = tpu.vector_load %arg10[%get3A_744, %get3A_745] {strides = array<i32>} : memref<56x128xi32, #tpu.memory_space<vmem>>, vector<16xi32>,
        %gather3A_747 = tpu.vector_load_idx %arg8[%get3A_746] : memref<100000xf32, #tpu.memory_space<vmem>>[vector<16xi32>], vector<16xf32>,
        %mul3A_748 = vector.broadcast %squeeze3A_732 : f32 to vector<16xf32>
        %mul3A_749 = arith.mulf %gather3A_747, %mul3A_748 : vector<16xf32>
        %add3A_750 = arith.addf %scan3A_716, %mul3A_749 : vector<16xf32>
        %add3A_751 = arith.constant 0 : i32
        %add3A_752 = arith.addi %mul3A_730, %add3A_751 : i32
        %get3A_753 = arith.index_cast %add3A_752 : i32 to index
        %get3A_754 = arith.constant 32 : index
        %get3A_755 = tpu.vector_load %arg10[%get3A_753, %get3A_754] {strides = array<i32>} : memref<56x128xi32, #tpu.memory_space<vmem>>, vector<16xi32>,
        %gather3A_756 = tpu.vector_load_idx %arg8[%get3A_755] : memref<100000xf32, #tpu.memory_space<vmem>>[vector<16xi32>], vector<16xf32>,
        %mul3A_757 = vector.broadcast %squeeze3A_732 : f32 to vector<16xf32>
        %mul3A_758 = arith.mulf %gather3A_756, %mul3A_757 : vector<16xf32>
        %add3A_759 = arith.addf %scan3A_717, %mul3A_758 : vector<16xf32>
        %add3A_760 = arith.constant 0 : i32
        %add3A_761 = arith.addi %mul3A_730, %add3A_760 : i32
        %get3A_762 = arith.index_cast %add3A_761 : i32 to index
        %get3A_763 = arith.constant 48 : index
        %get3A_764 = tpu.vector_load %arg10[%get3A_762, %get3A_763] {strides = array<i32>} : memref<56x128xi32, #tpu.memory_space<vmem>>, vector<16xi32>,
        %gather3A_765 = tpu.vector_load_idx %arg8[%get3A_764] : memref<100000xf32, #tpu.memory_space<vmem>>[vector<16xi32>], vector<16xf32>,
        %mul3A_766 = vector.broadcast %squeeze3A_732 : f32 to vector<16xf32>
        %mul3A_767 = arith.mulf %gather3A_765, %mul3A_766 : vector<16xf32>
        %add3A_768 = arith.addf %scan3A_718, %mul3A_767 : vector<16xf32>
        %add3A_769 = arith.constant 0 : i32
        %add3A_770 = arith.addi %mul3A_730, %add3A_769 : i32
        %get3A_771 = arith.index_cast %add3A_770 : i32 to index
        %get3A_772 = arith.constant 64 : index
        %get3A_773 = tpu.vector_load %arg10[%get3A_771, %get3A_772] {strides = array<i32>} : memref<56x128xi32, #tpu.memory_space<vmem>>, vector<16xi32>,
        %gather3A_774 = tpu.vector_load_idx %arg8[%get3A_773] : memref<100000xf32, #tpu.memory_space<vmem>>[vector<16xi32>], vector<16xf32>,
        %mul3A_775 = vector.broadcast %squeeze3A_732 : f32 to vector<16xf32>
        %mul3A_776 = arith.mulf %gather3A_774, %mul3A_775 : vector<16xf32>
        %add3A_777 = arith.addf %scan3A_719, %mul3A_776 : vector<16xf32>
        %add3A_778 = arith.constant 0 : i32
        %add3A_779 = arith.addi %mul3A_730, %add3A_778 : i32
        %get3A_780 = arith.index_cast %add3A_779 : i32 to index
        %get3A_781 = arith.constant 80 : index
        %get3A_782 = tpu.vector_load %arg10[%get3A_780, %get3A_781] {strides = array<i32>} : memref<56x128xi32, #tpu.memory_space<vmem>>, vector<16xi32>,
        %gather3A_783 = tpu.vector_load_idx %arg8[%get3A_782] : memref<100000xf32, #tpu.memory_space<vmem>>[vector<16xi32>], vector<16xf32>,
        %mul3A_784 = vector.broadcast %squeeze3A_732 : f32 to vector<16xf32>
        %mul3A_785 = arith.mulf %gather3A_783, %mul3A_784 : vector<16xf32>
        %add3A_786 = arith.addf %scan3A_720, %mul3A_785 : vector<16xf32>
        %add3A_787 = arith.constant 0 : i32
        %add3A_788 = arith.addi %mul3A_730, %add3A_787 : i32
        %get3A_789 = arith.index_cast %add3A_788 : i32 to index
        %get3A_790 = arith.constant 96 : index
        %get3A_791 = tpu.vector_load %arg10[%get3A_789, %get3A_790] {strides = array<i32>} : memref<56x128xi32, #tpu.memory_space<vmem>>, vector<16xi32>,
        %gather3A_792 = tpu.vector_load_idx %arg8[%get3A_791] : memref<100000xf32, #tpu.memory_space<vmem>>[vector<16xi32>], vector<16xf32>,
        %mul3A_793 = vector.broadcast %squeeze3A_732 : f32 to vector<16xf32>
        %mul3A_794 = arith.mulf %gather3A_792, %mul3A_793 : vector<16xf32>
        %add3A_795 = arith.addf %scan3A_721, %mul3A_794 : vector<16xf32>
        %add3A_796 = arith.constant 0 : i32
        %add3A_797 = arith.addi %mul3A_730, %add3A_796 : i32
        %get3A_798 = arith.index_cast %add3A_797 : i32 to index
        %get3A_799 = arith.constant 112 : index
        %get3A_800 = tpu.vector_load %arg10[%get3A_798, %get3A_799] {strides = array<i32>} : memref<56x128xi32, #tpu.memory_space<vmem>>, vector<16xi32>,
        %gather3A_801 = tpu.vector_load_idx %arg8[%get3A_800] : memref<100000xf32, #tpu.memory_space<vmem>>[vector<16xi32>], vector<16xf32>,
        %mul3A_802 = vector.broadcast %squeeze3A_732 : f32 to vector<16xf32>
        %mul3A_803 = arith.mulf %gather3A_801, %mul3A_802 : vector<16xf32>
        %add3A_804 = arith.addf %scan3A_722, %mul3A_803 : vector<16xf32>
        %slice3A_805 = vector.extract_strided_slice %get3A_728 {offsets = [1], sizes = [1], strides = [1]} : vector<16xf32> to vector<1xf32>
        %squeeze3A_806 = vector.extract %slice3A_805[0] : f32 from vector<1xf32>
        %add3A_807 = arith.constant 1 : i32
        %add3A_808 = arith.addi %mul3A_730, %add3A_807 : i32
        %get3A_809 = arith.index_cast %add3A_808 : i32 to index
        %get3A_810 = arith.constant 0 : index
        %get3A_811 = tpu.vector_load %arg10[%get3A_809, %get3A_810] {strides = array<i32>} : memref<56x128xi32, #tpu.memory_space<vmem>>, vector<16xi32>,
        %gather3A_812 = tpu.vector_load_idx %arg8[%get3A_811] : memref<100000xf32, #tpu.memory_space<vmem>>[vector<16xi32>], vector<16xf32>,
        %mul3A_813 = vector.broadcast %squeeze3A_806 : f32 to vector<16xf32>
        %mul3A_814 = arith.mulf %gather3A_812, %mul3A_813 : vector<16xf32>
        %add3A_815 = arith.addf %add3A_741, %mul3A_814 : vector<16xf32>
        %add3A_816 = arith.constant 1 : i32
        %add3A_817 = arith.addi %mul3A_730, %add3A_816 : i32
        %get3A_818 = arith.index_cast %add3A_817 : i32 to index
        %get3A_819 = arith.constant 16 : index
        %get3A_820 = tpu.vector_load %arg10[%get3A_818, %get3A_819] {strides = array<i32>} : memref<56x128xi32, #tpu.memory_space<vmem>>, vector<16xi32>,
        %gather3A_821 = tpu.vector_load_idx %arg8[%get3A_820] : memref<100000xf32, #tpu.memory_space<vmem>>[vector<16xi32>], vector<16xf32>,
        %mul3A_822 = vector.broadcast %squeeze3A_806 : f32 to vector<16xf32>
        %mul3A_823 = arith.mulf %gather3A_821, %mul3A_822 : vector<16xf32>
        %add3A_824 = arith.addf %add3A_750, %mul3A_823 : vector<16xf32>
        %add3A_825 = arith.constant 1 : i32
        %add3A_826 = arith.addi %mul3A_730, %add3A_825 : i32
        %get3A_827 = arith.index_cast %add3A_826 : i32 to index
        %get3A_828 = arith.constant 32 : index
        %get3A_829 = tpu.vector_load %arg10[%get3A_827, %get3A_828] {strides = array<i32>} : memref<56x128xi32, #tpu.memory_space<vmem>>, vector<16xi32>,
        %gather3A_830 = tpu.vector_load_idx %arg8[%get3A_829] : memref<100000xf32, #tpu.memory_space<vmem>>[vector<16xi32>], vector<16xf32>,
        %mul3A_831 = vector.broadcast %squeeze3A_806 : f32 to vector<16xf32>
        %mul3A_832 = arith.mulf %gather3A_830, %mul3A_831 : vector<16xf32>
        %add3A_833 = arith.addf %add3A_759, %mul3A_832 : vector<16xf32>
        %add3A_834 = arith.constant 1 : i32
        %add3A_835 = arith.addi %mul3A_730, %add3A_834 : i32
        %get3A_836 = arith.index_cast %add3A_835 : i32 to index
        %get3A_837 = arith.constant 48 : index
        %get3A_838 = tpu.vector_load %arg10[%get3A_836, %get3A_837] {strides = array<i32>} : memref<56x128xi32, #tpu.memory_space<vmem>>, vector<16xi32>,
        %gather3A_839 = tpu.vector_load_idx %arg8[%get3A_838] : memref<100000xf32, #tpu.memory_space<vmem>>[vector<16xi32>], vector<16xf32>,
        %mul3A_840 = vector.broadcast %squeeze3A_806 : f32 to vector<16xf32>
        %mul3A_841 = arith.mulf %gather3A_839, %mul3A_840 : vector<16xf32>
        %add3A_842 = arith.addf %add3A_768, %mul3A_841 : vector<16xf32>
        %add3A_843 = arith.constant 1 : i32
        %add3A_844 = arith.addi %mul3A_730, %add3A_843 : i32
        %get3A_845 = arith.index_cast %add3A_844 : i32 to index
        %get3A_846 = arith.constant 64 : index
        %get3A_847 = tpu.vector_load %arg10[%get3A_845, %get3A_846] {strides = array<i32>} : memref<56x128xi32, #tpu.memory_space<vmem>>, vector<16xi32>,
        %gather3A_848 = tpu.vector_load_idx %arg8[%get3A_847] : memref<100000xf32, #tpu.memory_space<vmem>>[vector<16xi32>], vector<16xf32>,
        %mul3A_849 = vector.broadcast %squeeze3A_806 : f32 to vector<16xf32>
        %mul3A_850 = arith.mulf %gather3A_848, %mul3A_849 : vector<16xf32>
        %add3A_851 = arith.addf %add3A_777, %mul3A_850 : vector<16xf32>
        %add3A_852 = arith.constant 1 : i32
        %add3A_853 = arith.addi %mul3A_730, %add3A_852 : i32
        %get3A_854 = arith.index_cast %add3A_853 : i32 to index
        %get3A_855 = arith.constant 80 : index
        %get3A_856 = tpu.vector_load %arg10[%get3A_854, %get3A_855] {strides = array<i32>} : memref<56x128xi32, #tpu.memory_space<vmem>>, vector<16xi32>,
        %gather3A_857 = tpu.vector_load_idx %arg8[%get3A_856] : memref<100000xf32, #tpu.memory_space<vmem>>[vector<16xi32>], vector<16xf32>,
        %mul3A_858 = vector.broadcast %squeeze3A_806 : f32 to vector<16xf32>
        %mul3A_859 = arith.mulf %gather3A_857, %mul3A_858 : vector<16xf32>
        %add3A_860 = arith.addf %add3A_786, %mul3A_859 : vector<16xf32>
        %add3A_861 = arith.constant 1 : i32
        %add3A_862 = arith.addi %mul3A_730, %add3A_861 : i32
        %get3A_863 = arith.index_cast %add3A_862 : i32 to index
        %get3A_864 = arith.constant 96 : index
        %get3A_865 = tpu.vector_load %arg10[%get3A_863, %get3A_864] {strides = array<i32>} : memref<56x128xi32, #tpu.memory_space<vmem>>, vector<16xi32>,
        %gather3A_866 = tpu.vector_load_idx %arg8[%get3A_865] : memref<100000xf32, #tpu.memory_space<vmem>>[vector<16xi32>], vector<16xf32>,
        %mul3A_867 = vector.broadcast %squeeze3A_806 : f32 to vector<16xf32>
        %mul3A_868 = arith.mulf %gather3A_866, %mul3A_867 : vector<16xf32>
        %add3A_869 = arith.addf %add3A_795, %mul3A_868 : vector<16xf32>
        %add3A_870 = arith.constant 1 : i32
        %add3A_871 = arith.addi %mul3A_730, %add3A_870 : i32
        %get3A_872 = arith.index_cast %add3A_871 : i32 to index
        %get3A_873 = arith.constant 112 : index
        %get3A_874 = tpu.vector_load %arg10[%get3A_872, %get3A_873] {strides = array<i32>} : memref<56x128xi32, #tpu.memory_space<vmem>>, vector<16xi32>,
        %gather3A_875 = tpu.vector_load_idx %arg8[%get3A_874] : memref<100000xf32, #tpu.memory_space<vmem>>[vector<16xi32>], vector<16xf32>,
        %mul3A_876 = vector.broadcast %squeeze3A_806 : f32 to vector<16xf32>
        %mul3A_877 = arith.mulf %gather3A_875, %mul3A_876 : vector<16xf32>
        %add3A_878 = arith.addf %add3A_804, %mul3A_877 : vector<16xf32>
        %slice3A_879 = vector.extract_strided_slice %get3A_728 {offsets = [2], sizes = [1], strides = [1]} : vector<16xf32> to vector<1xf32>
        %squeeze3A_880 = vector.extract %slice3A_879[0] : f32 from vector<1xf32>
        %add3A_881 = arith.constant 2 : i32
        %add3A_882 = arith.addi %mul3A_730, %add3A_881 : i32
        %get3A_883 = arith.index_cast %add3A_882 : i32 to index
        %get3A_884 = arith.constant 0 : index
        %get3A_885 = tpu.vector_load %arg10[%get3A_883, %get3A_884] {strides = array<i32>} : memref<56x128xi32, #tpu.memory_space<vmem>>, vector<16xi32>,
        %gather3A_886 = tpu.vector_load_idx %arg8[%get3A_885] : memref<100000xf32, #tpu.memory_space<vmem>>[vector<16xi32>], vector<16xf32>,
        %mul3A_887 = vector.broadcast %squeeze3A_880 : f32 to vector<16xf32>
        %mul3A_888 = arith.mulf %gather3A_886, %mul3A_887 : vector<16xf32>
        %add3A_889 = arith.addf %add3A_815, %mul3A_888 : vector<16xf32>
        %add3A_890 = arith.constant 2 : i32
        %add3A_891 = arith.addi %mul3A_730, %add3A_890 : i32
        %get3A_892 = arith.index_cast %add3A_891 : i32 to index
        %get3A_893 = arith.constant 16 : index
        %get3A_894 = tpu.vector_load %arg10[%get3A_892, %get3A_893] {strides = array<i32>} : memref<56x128xi32, #tpu.memory_space<vmem>>, vector<16xi32>,
        %gather3A_895 = tpu.vector_load_idx %arg8[%get3A_894] : memref<100000xf32, #tpu.memory_space<vmem>>[vector<16xi32>], vector<16xf32>,
        %mul3A_896 = vector.broadcast %squeeze3A_880 : f32 to vector<16xf32>
        %mul3A_897 = arith.mulf %gather3A_895, %mul3A_896 : vector<16xf32>
        %add3A_898 = arith.addf %add3A_824, %mul3A_897 : vector<16xf32>
        %add3A_899 = arith.constant 2 : i32
        %add3A_900 = arith.addi %mul3A_730, %add3A_899 : i32
        %get3A_901 = arith.index_cast %add3A_900 : i32 to index
        %get3A_902 = arith.constant 32 : index
        %get3A_903 = tpu.vector_load %arg10[%get3A_901, %get3A_902] {strides = array<i32>} : memref<56x128xi32, #tpu.memory_space<vmem>>, vector<16xi32>,
        %gather3A_904 = tpu.vector_load_idx %arg8[%get3A_903] : memref<100000xf32, #tpu.memory_space<vmem>>[vector<16xi32>], vector<16xf32>,
        %mul3A_905 = vector.broadcast %squeeze3A_880 : f32 to vector<16xf32>
        %mul3A_906 = arith.mulf %gather3A_904, %mul3A_905 : vector<16xf32>
        %add3A_907 = arith.addf %add3A_833, %mul3A_906 : vector<16xf32>
        %add3A_908 = arith.constant 2 : i32
        %add3A_909 = arith.addi %mul3A_730, %add3A_908 : i32
        %get3A_910 = arith.index_cast %add3A_909 : i32 to index
        %get3A_911 = arith.constant 48 : index
        %get3A_912 = tpu.vector_load %arg10[%get3A_910, %get3A_911] {strides = array<i32>} : memref<56x128xi32, #tpu.memory_space<vmem>>, vector<16xi32>,
        %gather3A_913 = tpu.vector_load_idx %arg8[%get3A_912] : memref<100000xf32, #tpu.memory_space<vmem>>[vector<16xi32>], vector<16xf32>,
        %mul3A_914 = vector.broadcast %squeeze3A_880 : f32 to vector<16xf32>
        %mul3A_915 = arith.mulf %gather3A_913, %mul3A_914 : vector<16xf32>
        %add3A_916 = arith.addf %add3A_842, %mul3A_915 : vector<16xf32>
        %add3A_917 = arith.constant 2 : i32
        %add3A_918 = arith.addi %mul3A_730, %add3A_917 : i32
        %get3A_919 = arith.index_cast %add3A_918 : i32 to index
        %get3A_920 = arith.constant 64 : index
        %get3A_921 = tpu.vector_load %arg10[%get3A_919, %get3A_920] {strides = array<i32>} : memref<56x128xi32, #tpu.memory_space<vmem>>, vector<16xi32>,
        %gather3A_922 = tpu.vector_load_idx %arg8[%get3A_921] : memref<100000xf32, #tpu.memory_space<vmem>>[vector<16xi32>], vector<16xf32>,
        %mul3A_923 = vector.broadcast %squeeze3A_880 : f32 to vector<16xf32>
        %mul3A_924 = arith.mulf %gather3A_922, %mul3A_923 : vector<16xf32>
        %add3A_925 = arith.addf %add3A_851, %mul3A_924 : vector<16xf32>
        %add3A_926 = arith.constant 2 : i32
        %add3A_927 = arith.addi %mul3A_730, %add3A_926 : i32
        %get3A_928 = arith.index_cast %add3A_927 : i32 to index
        %get3A_929 = arith.constant 80 : index
        %get3A_930 = tpu.vector_load %arg10[%get3A_928, %get3A_929] {strides = array<i32>} : memref<56x128xi32, #tpu.memory_space<vmem>>, vector<16xi32>,
        %gather3A_931 = tpu.vector_load_idx %arg8[%get3A_930] : memref<100000xf32, #tpu.memory_space<vmem>>[vector<16xi32>], vector<16xf32>,
        %mul3A_932 = vector.broadcast %squeeze3A_880 : f32 to vector<16xf32>
        %mul3A_933 = arith.mulf %gather3A_931, %mul3A_932 : vector<16xf32>
        %add3A_934 = arith.addf %add3A_860, %mul3A_933 : vector<16xf32>
        %add3A_935 = arith.constant 2 : i32
        %add3A_936 = arith.addi %mul3A_730, %add3A_935 : i32
        %get3A_937 = arith.index_cast %add3A_936 : i32 to index
        %get3A_938 = arith.constant 96 : index
        %get3A_939 = tpu.vector_load %arg10[%get3A_937, %get3A_938] {strides = array<i32>} : memref<56x128xi32, #tpu.memory_space<vmem>>, vector<16xi32>,
        %gather3A_940 = tpu.vector_load_idx %arg8[%get3A_939] : memref<100000xf32, #tpu.memory_space<vmem>>[vector<16xi32>], vector<16xf32>,
        %mul3A_941 = vector.broadcast %squeeze3A_880 : f32 to vector<16xf32>
        %mul3A_942 = arith.mulf %gather3A_940, %mul3A_941 : vector<16xf32>
        %add3A_943 = arith.addf %add3A_869, %mul3A_942 : vector<16xf32>
        %add3A_944 = arith.constant 2 : i32
        %add3A_945 = arith.addi %mul3A_730, %add3A_944 : i32
        %get3A_946 = arith.index_cast %add3A_945 : i32 to index
        %get3A_947 = arith.constant 112 : index
        %get3A_948 = tpu.vector_load %arg10[%get3A_946, %get3A_947] {strides = array<i32>} : memref<56x128xi32, #tpu.memory_space<vmem>>, vector<16xi32>,
        %gather3A_949 = tpu.vector_load_idx %arg8[%get3A_948] : memref<100000xf32, #tpu.memory_space<vmem>>[vector<16xi32>], vector<16xf32>,
        %mul3A_950 = vector.broadcast %squeeze3A_880 : f32 to vector<16xf32>
        %mul3A_951 = arith.mulf %gather3A_949, %mul3A_950 : vector<16xf32>
        %add3A_952 = arith.addf %add3A_878, %mul3A_951 : vector<16xf32>
        %slice3A_953 = vector.extract_strided_slice %get3A_728 {offsets = [3], sizes = [1], strides = [1]} : vector<16xf32> to vector<1xf32>
        %squeeze3A_954 = vector.extract %slice3A_953[0] : f32 from vector<1xf32>
        %add3A_955 = arith.constant 3 : i32
        %add3A_956 = arith.addi %mul3A_730, %add3A_955 : i32
        %get3A_957 = arith.index_cast %add3A_956 : i32 to index
        %get3A_958 = arith.constant 0 : index
        %get3A_959 = tpu.vector_load %arg10[%get3A_957, %get3A_958] {strides = array<i32>} : memref<56x128xi32, #tpu.memory_space<vmem>>, vector<16xi32>,
        %gather3A_960 = tpu.vector_load_idx %arg8[%get3A_959] : memref<100000xf32, #tpu.memory_space<vmem>>[vector<16xi32>], vector<16xf32>,
        %mul3A_961 = vector.broadcast %squeeze3A_954 : f32 to vector<16xf32>
        %mul3A_962 = arith.mulf %gather3A_960, %mul3A_961 : vector<16xf32>
        %add3A_963 = arith.addf %add3A_889, %mul3A_962 : vector<16xf32>
        %add3A_964 = arith.constant 3 : i32
        %add3A_965 = arith.addi %mul3A_730, %add3A_964 : i32
        %get3A_966 = arith.index_cast %add3A_965 : i32 to index
        %get3A_967 = arith.constant 16 : index
        %get3A_968 = tpu.vector_load %arg10[%get3A_966, %get3A_967] {strides = array<i32>} : memref<56x128xi32, #tpu.memory_space<vmem>>, vector<16xi32>,
        %gather3A_969 = tpu.vector_load_idx %arg8[%get3A_968] : memref<100000xf32, #tpu.memory_space<vmem>>[vector<16xi32>], vector<16xf32>,
        %mul3A_970 = vector.broadcast %squeeze3A_954 : f32 to vector<16xf32>
        %mul3A_971 = arith.mulf %gather3A_969, %mul3A_970 : vector<16xf32>
        %add3A_972 = arith.addf %add3A_898, %mul3A_971 : vector<16xf32>
        %add3A_973 = arith.constant 3 : i32
        %add3A_974 = arith.addi %mul3A_730, %add3A_973 : i32
        %get3A_975 = arith.index_cast %add3A_974 : i32 to index
        %get3A_976 = arith.constant 32 : index
        %get3A_977 = tpu.vector_load %arg10[%get3A_975, %get3A_976] {strides = array<i32>} : memref<56x128xi32, #tpu.memory_space<vmem>>, vector<16xi32>,
        %gather3A_978 = tpu.vector_load_idx %arg8[%get3A_977] : memref<100000xf32, #tpu.memory_space<vmem>>[vector<16xi32>], vector<16xf32>,
        %mul3A_979 = vector.broadcast %squeeze3A_954 : f32 to vector<16xf32>
        %mul3A_980 = arith.mulf %gather3A_978, %mul3A_979 : vector<16xf32>
        %add3A_981 = arith.addf %add3A_907, %mul3A_980 : vector<16xf32>
        %add3A_982 = arith.constant 3 : i32
        %add3A_983 = arith.addi %mul3A_730, %add3A_982 : i32
        %get3A_984 = arith.index_cast %add3A_983 : i32 to index
        %get3A_985 = arith.constant 48 : index
        %get3A_986 = tpu.vector_load %arg10[%get3A_984, %get3A_985] {strides = array<i32>} : memref<56x128xi32, #tpu.memory_space<vmem>>, vector<16xi32>,
        %gather3A_987 = tpu.vector_load_idx %arg8[%get3A_986] : memref<100000xf32, #tpu.memory_space<vmem>>[vector<16xi32>], vector<16xf32>,
        %mul3A_988 = vector.broadcast %squeeze3A_954 : f32 to vector<16xf32>
        %mul3A_989 = arith.mulf %gather3A_987, %mul3A_988 : vector<16xf32>
        %add3A_990 = arith.addf %add3A_916, %mul3A_989 : vector<16xf32>
        %add3A_991 = arith.constant 3 : i32
        %add3A_992 = arith.addi %mul3A_730, %add3A_991 : i32
        %get3A_993 = arith.index_cast %add3A_992 : i32 to index
        %get3A_994 = arith.constant 64 : index
        %get3A_995 = tpu.vector_load %arg10[%get3A_993, %get3A_994] {strides = array<i32>} : memref<56x128xi32, #tpu.memory_space<vmem>>, vector<16xi32>,
        %gather3A_996 = tpu.vector_load_idx %arg8[%get3A_995] : memref<100000xf32, #tpu.memory_space<vmem>>[vector<16xi32>], vector<16xf32>,
        %mul3A_997 = vector.broadcast %squeeze3A_954 : f32 to vector<16xf32>
        %mul3A_998 = arith.mulf %gather3A_996, %mul3A_997 : vector<16xf32>
        %add3A_999 = arith.addf %add3A_925, %mul3A_998 : vector<16xf32>
        %add3A_1000 = arith.constant 3 : i32
        %add3A_1001 = arith.addi %mul3A_730, %add3A_1000 : i32
        %get3A_1002 = arith.index_cast %add3A_1001 : i32 to index
        %get3A_1003 = arith.constant 80 : index
        %get3A_1004 = tpu.vector_load %arg10[%get3A_1002, %get3A_1003] {strides = array<i32>} : memref<56x128xi32, #tpu.memory_space<vmem>>, vector<16xi32>,
        %gather3A_1005 = tpu.vector_load_idx %arg8[%get3A_1004] : memref<100000xf32, #tpu.memory_space<vmem>>[vector<16xi32>], vector<16xf32>,
        %mul3A_1006 = vector.broadcast %squeeze3A_954 : f32 to vector<16xf32>
        %mul3A_1007 = arith.mulf %gather3A_1005, %mul3A_1006 : vector<16xf32>
        %add3A_1008 = arith.addf %add3A_934, %mul3A_1007 : vector<16xf32>
        %add3A_1009 = arith.constant 3 : i32
        %add3A_1010 = arith.addi %mul3A_730, %add3A_1009 : i32
        %get3A_1011 = arith.index_cast %add3A_1010 : i32 to index
        %get3A_1012 = arith.constant 96 : index
        %get3A_1013 = tpu.vector_load %arg10[%get3A_1011, %get3A_1012] {strides = array<i32>} : memref<56x128xi32, #tpu.memory_space<vmem>>, vector<16xi32>,
        %gather3A_1014 = tpu.vector_load_idx %arg8[%get3A_1013] : memref<100000xf32, #tpu.memory_space<vmem>>[vector<16xi32>], vector<16xf32>,
        %mul3A_1015 = vector.broadcast %squeeze3A_954 : f32 to vector<16xf32>
        %mul3A_1016 = arith.mulf %gather3A_1014, %mul3A_1015 : vector<16xf32>
        %add3A_1017 = arith.addf %add3A_943, %mul3A_1016 : vector<16xf32>
        %add3A_1018 = arith.constant 3 : i32
        %add3A_1019 = arith.addi %mul3A_730, %add3A_1018 : i32
        %get3A_1020 = arith.index_cast %add3A_1019 : i32 to index
        %get3A_1021 = arith.constant 112 : index
        %get3A_1022 = tpu.vector_load %arg10[%get3A_1020, %get3A_1021] {strides = array<i32>} : memref<56x128xi32, #tpu.memory_space<vmem>>, vector<16xi32>,
        %gather3A_1023 = tpu.vector_load_idx %arg8[%get3A_1022] : memref<100000xf32, #tpu.memory_space<vmem>>[vector<16xi32>], vector<16xf32>,
        %mul3A_1024 = vector.broadcast %squeeze3A_954 : f32 to vector<16xf32>
        %mul3A_1025 = arith.mulf %gather3A_1023, %mul3A_1024 : vector<16xf32>
        %add3A_1026 = arith.addf %add3A_952, %mul3A_1025 : vector<16xf32>
        %slice3A_1027 = vector.extract_strided_slice %get3A_728 {offsets = [4], sizes = [1], strides = [1]} : vector<16xf32> to vector<1xf32>
        %squeeze3A_1028 = vector.extract %slice3A_1027[0] : f32 from vector<1xf32>
        %add3A_1029 = arith.constant 4 : i32
        %add3A_1030 = arith.addi %mul3A_730, %add3A_1029 : i32
        %get3A_1031 = arith.index_cast %add3A_1030 : i32 to index
        %get3A_1032 = arith.constant 0 : index
        %get3A_1033 = tpu.vector_load %arg10[%get3A_1031, %get3A_1032] {strides = array<i32>} : memref<56x128xi32, #tpu.memory_space<vmem>>, vector<16xi32>,
        %gather3A_1034 = tpu.vector_load_idx %arg8[%get3A_1033] : memref<100000xf32, #tpu.memory_space<vmem>>[vector<16xi32>], vector<16xf32>,
        %mul3A_1035 = vector.broadcast %squeeze3A_1028 : f32 to vector<16xf32>
        %mul3A_1036 = arith.mulf %gather3A_1034, %mul3A_1035 : vector<16xf32>
        %add3A_1037 = arith.addf %add3A_963, %mul3A_1036 : vector<16xf32>
        %add3A_1038 = arith.constant 4 : i32
        %add3A_1039 = arith.addi %mul3A_730, %add3A_1038 : i32
        %get3A_1040 = arith.index_cast %add3A_1039 : i32 to index
        %get3A_1041 = arith.constant 16 : index
        %get3A_1042 = tpu.vector_load %arg10[%get3A_1040, %get3A_1041] {strides = array<i32>} : memref<56x128xi32, #tpu.memory_space<vmem>>, vector<16xi32>,
        %gather3A_1043 = tpu.vector_load_idx %arg8[%get3A_1042] : memref<100000xf32, #tpu.memory_space<vmem>>[vector<16xi32>], vector<16xf32>,
        %mul3A_1044 = vector.broadcast %squeeze3A_1028 : f32 to vector<16xf32>
        %mul3A_1045 = arith.mulf %gather3A_1043, %mul3A_1044 : vector<16xf32>
        %add3A_1046 = arith.addf %add3A_972, %mul3A_1045 : vector<16xf32>
        %add3A_1047 = arith.constant 4 : i32
        %add3A_1048 = arith.addi %mul3A_730, %add3A_1047 : i32
        %get3A_1049 = arith.index_cast %add3A_1048 : i32 to index
        %get3A_1050 = arith.constant 32 : index
        %get3A_1051 = tpu.vector_load %arg10[%get3A_1049, %get3A_1050] {strides = array<i32>} : memref<56x128xi32, #tpu.memory_space<vmem>>, vector<16xi32>,
        %gather3A_1052 = tpu.vector_load_idx %arg8[%get3A_1051] : memref<100000xf32, #tpu.memory_space<vmem>>[vector<16xi32>], vector<16xf32>,
        %mul3A_1053 = vector.broadcast %squeeze3A_1028 : f32 to vector<16xf32>
        %mul3A_1054 = arith.mulf %gather3A_1052, %mul3A_1053 : vector<16xf32>
        %add3A_1055 = arith.addf %add3A_981, %mul3A_1054 : vector<16xf32>
        %add3A_1056 = arith.constant 4 : i32
        %add3A_1057 = arith.addi %mul3A_730, %add3A_1056 : i32
        %get3A_1058 = arith.index_cast %add3A_1057 : i32 to index
        %get3A_1059 = arith.constant 48 : index
        %get3A_1060 = tpu.vector_load %arg10[%get3A_1058, %get3A_1059] {strides = array<i32>} : memref<56x128xi32, #tpu.memory_space<vmem>>, vector<16xi32>,
        %gather3A_1061 = tpu.vector_load_idx %arg8[%get3A_1060] : memref<100000xf32, #tpu.memory_space<vmem>>[vector<16xi32>], vector<16xf32>,
        %mul3A_1062 = vector.broadcast %squeeze3A_1028 : f32 to vector<16xf32>
        %mul3A_1063 = arith.mulf %gather3A_1061, %mul3A_1062 : vector<16xf32>
        %add3A_1064 = arith.addf %add3A_990, %mul3A_1063 : vector<16xf32>
        %add3A_1065 = arith.constant 4 : i32
        %add3A_1066 = arith.addi %mul3A_730, %add3A_1065 : i32
        %get3A_1067 = arith.index_cast %add3A_1066 : i32 to index
        %get3A_1068 = arith.constant 64 : index
        %get3A_1069 = tpu.vector_load %arg10[%get3A_1067, %get3A_1068] {strides = array<i32>} : memref<56x128xi32, #tpu.memory_space<vmem>>, vector<16xi32>,
        %gather3A_1070 = tpu.vector_load_idx %arg8[%get3A_1069] : memref<100000xf32, #tpu.memory_space<vmem>>[vector<16xi32>], vector<16xf32>,
        %mul3A_1071 = vector.broadcast %squeeze3A_1028 : f32 to vector<16xf32>
        %mul3A_1072 = arith.mulf %gather3A_1070, %mul3A_1071 : vector<16xf32>
        %add3A_1073 = arith.addf %add3A_999, %mul3A_1072 : vector<16xf32>
        %add3A_1074 = arith.constant 4 : i32
        %add3A_1075 = arith.addi %mul3A_730, %add3A_1074 : i32
        %get3A_1076 = arith.index_cast %add3A_1075 : i32 to index
        %get3A_1077 = arith.constant 80 : index
        %get3A_1078 = tpu.vector_load %arg10[%get3A_1076, %get3A_1077] {strides = array<i32>} : memref<56x128xi32, #tpu.memory_space<vmem>>, vector<16xi32>,
        %gather3A_1079 = tpu.vector_load_idx %arg8[%get3A_1078] : memref<100000xf32, #tpu.memory_space<vmem>>[vector<16xi32>], vector<16xf32>,
        %mul3A_1080 = vector.broadcast %squeeze3A_1028 : f32 to vector<16xf32>
        %mul3A_1081 = arith.mulf %gather3A_1079, %mul3A_1080 : vector<16xf32>
        %add3A_1082 = arith.addf %add3A_1008, %mul3A_1081 : vector<16xf32>
        %add3A_1083 = arith.constant 4 : i32
        %add3A_1084 = arith.addi %mul3A_730, %add3A_1083 : i32
        %get3A_1085 = arith.index_cast %add3A_1084 : i32 to index
        %get3A_1086 = arith.constant 96 : index
        %get3A_1087 = tpu.vector_load %arg10[%get3A_1085, %get3A_1086] {strides = array<i32>} : memref<56x128xi32, #tpu.memory_space<vmem>>, vector<16xi32>,
        %gather3A_1088 = tpu.vector_load_idx %arg8[%get3A_1087] : memref<100000xf32, #tpu.memory_space<vmem>>[vector<16xi32>], vector<16xf32>,
        %mul3A_1089 = vector.broadcast %squeeze3A_1028 : f32 to vector<16xf32>
        %mul3A_1090 = arith.mulf %gather3A_1088, %mul3A_1089 : vector<16xf32>
        %add3A_1091 = arith.addf %add3A_1017, %mul3A_1090 : vector<16xf32>
        %add3A_1092 = arith.constant 4 : i32
        %add3A_1093 = arith.addi %mul3A_730, %add3A_1092 : i32
        %get3A_1094 = arith.index_cast %add3A_1093 : i32 to index
        %get3A_1095 = arith.constant 112 : index
        %get3A_1096 = tpu.vector_load %arg10[%get3A_1094, %get3A_1095] {strides = array<i32>} : memref<56x128xi32, #tpu.memory_space<vmem>>, vector<16xi32>,
        %gather3A_1097 = tpu.vector_load_idx %arg8[%get3A_1096] : memref<100000xf32, #tpu.memory_space<vmem>>[vector<16xi32>], vector<16xf32>,
        %mul3A_1098 = vector.broadcast %squeeze3A_1028 : f32 to vector<16xf32>
        %mul3A_1099 = arith.mulf %gather3A_1097, %mul3A_1098 : vector<16xf32>
        %add3A_1100 = arith.addf %add3A_1026, %mul3A_1099 : vector<16xf32>
        %slice3A_1101 = vector.extract_strided_slice %get3A_728 {offsets = [5], sizes = [1], strides = [1]} : vector<16xf32> to vector<1xf32>
        %squeeze3A_1102 = vector.extract %slice3A_1101[0] : f32 from vector<1xf32>
        %add3A_1103 = arith.constant 5 : i32
        %add3A_1104 = arith.addi %mul3A_730, %add3A_1103 : i32
        %get3A_1105 = arith.index_cast %add3A_1104 : i32 to index
        %get3A_1106 = arith.constant 0 : index
        %get3A_1107 = tpu.vector_load %arg10[%get3A_1105, %get3A_1106] {strides = array<i32>} : memref<56x128xi32, #tpu.memory_space<vmem>>, vector<16xi32>,
        %gather3A_1108 = tpu.vector_load_idx %arg8[%get3A_1107] : memref<100000xf32, #tpu.memory_space<vmem>>[vector<16xi32>], vector<16xf32>,
        %mul3A_1109 = vector.broadcast %squeeze3A_1102 : f32 to vector<16xf32>
        %mul3A_1110 = arith.mulf %gather3A_1108, %mul3A_1109 : vector<16xf32>
        %add3A_1111 = arith.addf %add3A_1037, %mul3A_1110 : vector<16xf32>
        %add3A_1112 = arith.constant 5 : i32
        %add3A_1113 = arith.addi %mul3A_730, %add3A_1112 : i32
        %get3A_1114 = arith.index_cast %add3A_1113 : i32 to index
        %get3A_1115 = arith.constant 16 : index
        %get3A_1116 = tpu.vector_load %arg10[%get3A_1114, %get3A_1115] {strides = array<i32>} : memref<56x128xi32, #tpu.memory_space<vmem>>, vector<16xi32>,
        %gather3A_1117 = tpu.vector_load_idx %arg8[%get3A_1116] : memref<100000xf32, #tpu.memory_space<vmem>>[vector<16xi32>], vector<16xf32>,
        %mul3A_1118 = vector.broadcast %squeeze3A_1102 : f32 to vector<16xf32>
        %mul3A_1119 = arith.mulf %gather3A_1117, %mul3A_1118 : vector<16xf32>
        %add3A_1120 = arith.addf %add3A_1046, %mul3A_1119 : vector<16xf32>
        %add3A_1121 = arith.constant 5 : i32
        %add3A_1122 = arith.addi %mul3A_730, %add3A_1121 : i32
        %get3A_1123 = arith.index_cast %add3A_1122 : i32 to index
        %get3A_1124 = arith.constant 32 : index
        %get3A_1125 = tpu.vector_load %arg10[%get3A_1123, %get3A_1124] {strides = array<i32>} : memref<56x128xi32, #tpu.memory_space<vmem>>, vector<16xi32>,
        %gather3A_1126 = tpu.vector_load_idx %arg8[%get3A_1125] : memref<100000xf32, #tpu.memory_space<vmem>>[vector<16xi32>], vector<16xf32>,
        %mul3A_1127 = vector.broadcast %squeeze3A_1102 : f32 to vector<16xf32>
        %mul3A_1128 = arith.mulf %gather3A_1126, %mul3A_1127 : vector<16xf32>
        %add3A_1129 = arith.addf %add3A_1055, %mul3A_1128 : vector<16xf32>
        %add3A_1130 = arith.constant 5 : i32
        %add3A_1131 = arith.addi %mul3A_730, %add3A_1130 : i32
        %get3A_1132 = arith.index_cast %add3A_1131 : i32 to index
        %get3A_1133 = arith.constant 48 : index
        %get3A_1134 = tpu.vector_load %arg10[%get3A_1132, %get3A_1133] {strides = array<i32>} : memref<56x128xi32, #tpu.memory_space<vmem>>, vector<16xi32>,
        %gather3A_1135 = tpu.vector_load_idx %arg8[%get3A_1134] : memref<100000xf32, #tpu.memory_space<vmem>>[vector<16xi32>], vector<16xf32>,
        %mul3A_1136 = vector.broadcast %squeeze3A_1102 : f32 to vector<16xf32>
        %mul3A_1137 = arith.mulf %gather3A_1135, %mul3A_1136 : vector<16xf32>
        %add3A_1138 = arith.addf %add3A_1064, %mul3A_1137 : vector<16xf32>
        %add3A_1139 = arith.constant 5 : i32
        %add3A_1140 = arith.addi %mul3A_730, %add3A_1139 : i32
        %get3A_1141 = arith.index_cast %add3A_1140 : i32 to index
        %get3A_1142 = arith.constant 64 : index
        %get3A_1143 = tpu.vector_load %arg10[%get3A_1141, %get3A_1142] {strides = array<i32>} : memref<56x128xi32, #tpu.memory_space<vmem>>, vector<16xi32>,
        %gather3A_1144 = tpu.vector_load_idx %arg8[%get3A_1143] : memref<100000xf32, #tpu.memory_space<vmem>>[vector<16xi32>], vector<16xf32>,
        %mul3A_1145 = vector.broadcast %squeeze3A_1102 : f32 to vector<16xf32>
        %mul3A_1146 = arith.mulf %gather3A_1144, %mul3A_1145 : vector<16xf32>
        %add3A_1147 = arith.addf %add3A_1073, %mul3A_1146 : vector<16xf32>
        %add3A_1148 = arith.constant 5 : i32
        %add3A_1149 = arith.addi %mul3A_730, %add3A_1148 : i32
        %get3A_1150 = arith.index_cast %add3A_1149 : i32 to index
        %get3A_1151 = arith.constant 80 : index
        %get3A_1152 = tpu.vector_load %arg10[%get3A_1150, %get3A_1151] {strides = array<i32>} : memref<56x128xi32, #tpu.memory_space<vmem>>, vector<16xi32>,
        %gather3A_1153 = tpu.vector_load_idx %arg8[%get3A_1152] : memref<100000xf32, #tpu.memory_space<vmem>>[vector<16xi32>], vector<16xf32>,
        %mul3A_1154 = vector.broadcast %squeeze3A_1102 : f32 to vector<16xf32>
        %mul3A_1155 = arith.mulf %gather3A_1153, %mul3A_1154 : vector<16xf32>
        %add3A_1156 = arith.addf %add3A_1082, %mul3A_1155 : vector<16xf32>
        %add3A_1157 = arith.constant 5 : i32
        %add3A_1158 = arith.addi %mul3A_730, %add3A_1157 : i32
        %get3A_1159 = arith.index_cast %add3A_1158 : i32 to index
        %get3A_1160 = arith.constant 96 : index
        %get3A_1161 = tpu.vector_load %arg10[%get3A_1159, %get3A_1160] {strides = array<i32>} : memref<56x128xi32, #tpu.memory_space<vmem>>, vector<16xi32>,
        %gather3A_1162 = tpu.vector_load_idx %arg8[%get3A_1161] : memref<100000xf32, #tpu.memory_space<vmem>>[vector<16xi32>], vector<16xf32>,
        %mul3A_1163 = vector.broadcast %squeeze3A_1102 : f32 to vector<16xf32>
        %mul3A_1164 = arith.mulf %gather3A_1162, %mul3A_1163 : vector<16xf32>
        %add3A_1165 = arith.addf %add3A_1091, %mul3A_1164 : vector<16xf32>
        %add3A_1166 = arith.constant 5 : i32
        %add3A_1167 = arith.addi %mul3A_730, %add3A_1166 : i32
        %get3A_1168 = arith.index_cast %add3A_1167 : i32 to index
        %get3A_1169 = arith.constant 112 : index
        %get3A_1170 = tpu.vector_load %arg10[%get3A_1168, %get3A_1169] {strides = array<i32>} : memref<56x128xi32, #tpu.memory_space<vmem>>, vector<16xi32>,
        %gather3A_1171 = tpu.vector_load_idx %arg8[%get3A_1170] : memref<100000xf32, #tpu.memory_space<vmem>>[vector<16xi32>], vector<16xf32>,
        %mul3A_1172 = vector.broadcast %squeeze3A_1102 : f32 to vector<16xf32>
        %mul3A_1173 = arith.mulf %gather3A_1171, %mul3A_1172 : vector<16xf32>
        %add3A_1174 = arith.addf %add3A_1100, %mul3A_1173 : vector<16xf32>
        %slice3A_1175 = vector.extract_strided_slice %get3A_728 {offsets = [6], sizes = [1], strides = [1]} : vector<16xf32> to vector<1xf32>
        %squeeze3A_1176 = vector.extract %slice3A_1175[0] : f32 from vector<1xf32>
        %add3A_1177 = arith.constant 6 : i32
        %add3A_1178 = arith.addi %mul3A_730, %add3A_1177 : i32
        %get3A_1179 = arith.index_cast %add3A_1178 : i32 to index
        %get3A_1180 = arith.constant 0 : index
        %get3A_1181 = tpu.vector_load %arg10[%get3A_1179, %get3A_1180] {strides = array<i32>} : memref<56x128xi32, #tpu.memory_space<vmem>>, vector<16xi32>,
        %gather3A_1182 = tpu.vector_load_idx %arg8[%get3A_1181] : memref<100000xf32, #tpu.memory_space<vmem>>[vector<16xi32>], vector<16xf32>,
        %mul3A_1183 = vector.broadcast %squeeze3A_1176 : f32 to vector<16xf32>
        %mul3A_1184 = arith.mulf %gather3A_1182, %mul3A_1183 : vector<16xf32>
        %add3A_1185 = arith.addf %add3A_1111, %mul3A_1184 : vector<16xf32>
        %add3A_1186 = arith.constant 6 : i32
        %add3A_1187 = arith.addi %mul3A_730, %add3A_1186 : i32
        %get3A_1188 = arith.index_cast %add3A_1187 : i32 to index
        %get3A_1189 = arith.constant 16 : index
        %get3A_1190 = tpu.vector_load %arg10[%get3A_1188, %get3A_1189] {strides = array<i32>} : memref<56x128xi32, #tpu.memory_space<vmem>>, vector<16xi32>,
        %gather3A_1191 = tpu.vector_load_idx %arg8[%get3A_1190] : memref<100000xf32, #tpu.memory_space<vmem>>[vector<16xi32>], vector<16xf32>,
        %mul3A_1192 = vector.broadcast %squeeze3A_1176 : f32 to vector<16xf32>
        %mul3A_1193 = arith.mulf %gather3A_1191, %mul3A_1192 : vector<16xf32>
        %add3A_1194 = arith.addf %add3A_1120, %mul3A_1193 : vector<16xf32>
        %add3A_1195 = arith.constant 6 : i32
        %add3A_1196 = arith.addi %mul3A_730, %add3A_1195 : i32
        %get3A_1197 = arith.index_cast %add3A_1196 : i32 to index
        %get3A_1198 = arith.constant 32 : index
        %get3A_1199 = tpu.vector_load %arg10[%get3A_1197, %get3A_1198] {strides = array<i32>} : memref<56x128xi32, #tpu.memory_space<vmem>>, vector<16xi32>,
        %gather3A_1200 = tpu.vector_load_idx %arg8[%get3A_1199] : memref<100000xf32, #tpu.memory_space<vmem>>[vector<16xi32>], vector<16xf32>,
        %mul3A_1201 = vector.broadcast %squeeze3A_1176 : f32 to vector<16xf32>
        %mul3A_1202 = arith.mulf %gather3A_1200, %mul3A_1201 : vector<16xf32>
        %add3A_1203 = arith.addf %add3A_1129, %mul3A_1202 : vector<16xf32>
        %add3A_1204 = arith.constant 6 : i32
        %add3A_1205 = arith.addi %mul3A_730, %add3A_1204 : i32
        %get3A_1206 = arith.index_cast %add3A_1205 : i32 to index
        %get3A_1207 = arith.constant 48 : index
        %get3A_1208 = tpu.vector_load %arg10[%get3A_1206, %get3A_1207] {strides = array<i32>} : memref<56x128xi32, #tpu.memory_space<vmem>>, vector<16xi32>,
        %gather3A_1209 = tpu.vector_load_idx %arg8[%get3A_1208] : memref<100000xf32, #tpu.memory_space<vmem>>[vector<16xi32>], vector<16xf32>,
        %mul3A_1210 = vector.broadcast %squeeze3A_1176 : f32 to vector<16xf32>
        %mul3A_1211 = arith.mulf %gather3A_1209, %mul3A_1210 : vector<16xf32>
        %add3A_1212 = arith.addf %add3A_1138, %mul3A_1211 : vector<16xf32>
        %add3A_1213 = arith.constant 6 : i32
        %add3A_1214 = arith.addi %mul3A_730, %add3A_1213 : i32
        %get3A_1215 = arith.index_cast %add3A_1214 : i32 to index
        %get3A_1216 = arith.constant 64 : index
        %get3A_1217 = tpu.vector_load %arg10[%get3A_1215, %get3A_1216] {strides = array<i32>} : memref<56x128xi32, #tpu.memory_space<vmem>>, vector<16xi32>,
        %gather3A_1218 = tpu.vector_load_idx %arg8[%get3A_1217] : memref<100000xf32, #tpu.memory_space<vmem>>[vector<16xi32>], vector<16xf32>,
        %mul3A_1219 = vector.broadcast %squeeze3A_1176 : f32 to vector<16xf32>
        %mul3A_1220 = arith.mulf %gather3A_1218, %mul3A_1219 : vector<16xf32>
        %add3A_1221 = arith.addf %add3A_1147, %mul3A_1220 : vector<16xf32>
        %add3A_1222 = arith.constant 6 : i32
        %add3A_1223 = arith.addi %mul3A_730, %add3A_1222 : i32
        %get3A_1224 = arith.index_cast %add3A_1223 : i32 to index
        %get3A_1225 = arith.constant 80 : index
        %get3A_1226 = tpu.vector_load %arg10[%get3A_1224, %get3A_1225] {strides = array<i32>} : memref<56x128xi32, #tpu.memory_space<vmem>>, vector<16xi32>,
        %gather3A_1227 = tpu.vector_load_idx %arg8[%get3A_1226] : memref<100000xf32, #tpu.memory_space<vmem>>[vector<16xi32>], vector<16xf32>,
        %mul3A_1228 = vector.broadcast %squeeze3A_1176 : f32 to vector<16xf32>
        %mul3A_1229 = arith.mulf %gather3A_1227, %mul3A_1228 : vector<16xf32>
        %add3A_1230 = arith.addf %add3A_1156, %mul3A_1229 : vector<16xf32>
        %add3A_1231 = arith.constant 6 : i32
        %add3A_1232 = arith.addi %mul3A_730, %add3A_1231 : i32
        %get3A_1233 = arith.index_cast %add3A_1232 : i32 to index
        %get3A_1234 = arith.constant 96 : index
        %get3A_1235 = tpu.vector_load %arg10[%get3A_1233, %get3A_1234] {strides = array<i32>} : memref<56x128xi32, #tpu.memory_space<vmem>>, vector<16xi32>,
        %gather3A_1236 = tpu.vector_load_idx %arg8[%get3A_1235] : memref<100000xf32, #tpu.memory_space<vmem>>[vector<16xi32>], vector<16xf32>,
        %mul3A_1237 = vector.broadcast %squeeze3A_1176 : f32 to vector<16xf32>
        %mul3A_1238 = arith.mulf %gather3A_1236, %mul3A_1237 : vector<16xf32>
        %add3A_1239 = arith.addf %add3A_1165, %mul3A_1238 : vector<16xf32>
        %add3A_1240 = arith.constant 6 : i32
        %add3A_1241 = arith.addi %mul3A_730, %add3A_1240 : i32
        %get3A_1242 = arith.index_cast %add3A_1241 : i32 to index
        %get3A_1243 = arith.constant 112 : index
        %get3A_1244 = tpu.vector_load %arg10[%get3A_1242, %get3A_1243] {strides = array<i32>} : memref<56x128xi32, #tpu.memory_space<vmem>>, vector<16xi32>,
        %gather3A_1245 = tpu.vector_load_idx %arg8[%get3A_1244] : memref<100000xf32, #tpu.memory_space<vmem>>[vector<16xi32>], vector<16xf32>,
        %mul3A_1246 = vector.broadcast %squeeze3A_1176 : f32 to vector<16xf32>
        %mul3A_1247 = arith.mulf %gather3A_1245, %mul3A_1246 : vector<16xf32>
        %add3A_1248 = arith.addf %add3A_1174, %mul3A_1247 : vector<16xf32>
        %slice3A_1249 = vector.extract_strided_slice %get3A_728 {offsets = [7], sizes = [1], strides = [1]} : vector<16xf32> to vector<1xf32>
        %squeeze3A_1250 = vector.extract %slice3A_1249[0] : f32 from vector<1xf32>
        %add3A_1251 = arith.constant 7 : i32
        %add3A_1252 = arith.addi %mul3A_730, %add3A_1251 : i32
        %get3A_1253 = arith.index_cast %add3A_1252 : i32 to index
        %get3A_1254 = arith.constant 0 : index
        %get3A_1255 = tpu.vector_load %arg10[%get3A_1253, %get3A_1254] {strides = array<i32>} : memref<56x128xi32, #tpu.memory_space<vmem>>, vector<16xi32>,
        %gather3A_1256 = tpu.vector_load_idx %arg8[%get3A_1255] : memref<100000xf32, #tpu.memory_space<vmem>>[vector<16xi32>], vector<16xf32>,
        %mul3A_1257 = vector.broadcast %squeeze3A_1250 : f32 to vector<16xf32>
        %mul3A_1258 = arith.mulf %gather3A_1256, %mul3A_1257 : vector<16xf32>
        %add3A_1259 = arith.addf %add3A_1185, %mul3A_1258 : vector<16xf32>
        %add3A_1260 = arith.constant 7 : i32
        %add3A_1261 = arith.addi %mul3A_730, %add3A_1260 : i32
        %get3A_1262 = arith.index_cast %add3A_1261 : i32 to index
        %get3A_1263 = arith.constant 16 : index
        %get3A_1264 = tpu.vector_load %arg10[%get3A_1262, %get3A_1263] {strides = array<i32>} : memref<56x128xi32, #tpu.memory_space<vmem>>, vector<16xi32>,
        %gather3A_1265 = tpu.vector_load_idx %arg8[%get3A_1264] : memref<100000xf32, #tpu.memory_space<vmem>>[vector<16xi32>], vector<16xf32>,
        %mul3A_1266 = vector.broadcast %squeeze3A_1250 : f32 to vector<16xf32>
        %mul3A_1267 = arith.mulf %gather3A_1265, %mul3A_1266 : vector<16xf32>
        %add3A_1268 = arith.addf %add3A_1194, %mul3A_1267 : vector<16xf32>
        %add3A_1269 = arith.constant 7 : i32
        %add3A_1270 = arith.addi %mul3A_730, %add3A_1269 : i32
        %get3A_1271 = arith.index_cast %add3A_1270 : i32 to index
        %get3A_1272 = arith.constant 32 : index
        %get3A_1273 = tpu.vector_load %arg10[%get3A_1271, %get3A_1272] {strides = array<i32>} : memref<56x128xi32, #tpu.memory_space<vmem>>, vector<16xi32>,
        %gather3A_1274 = tpu.vector_load_idx %arg8[%get3A_1273] : memref<100000xf32, #tpu.memory_space<vmem>>[vector<16xi32>], vector<16xf32>,
        %mul3A_1275 = vector.broadcast %squeeze3A_1250 : f32 to vector<16xf32>
        %mul3A_1276 = arith.mulf %gather3A_1274, %mul3A_1275 : vector<16xf32>
        %add3A_1277 = arith.addf %add3A_1203, %mul3A_1276 : vector<16xf32>
        %add3A_1278 = arith.constant 7 : i32
        %add3A_1279 = arith.addi %mul3A_730, %add3A_1278 : i32
        %get3A_1280 = arith.index_cast %add3A_1279 : i32 to index
        %get3A_1281 = arith.constant 48 : index
        %get3A_1282 = tpu.vector_load %arg10[%get3A_1280, %get3A_1281] {strides = array<i32>} : memref<56x128xi32, #tpu.memory_space<vmem>>, vector<16xi32>,
        %gather3A_1283 = tpu.vector_load_idx %arg8[%get3A_1282] : memref<100000xf32, #tpu.memory_space<vmem>>[vector<16xi32>], vector<16xf32>,
        %mul3A_1284 = vector.broadcast %squeeze3A_1250 : f32 to vector<16xf32>
        %mul3A_1285 = arith.mulf %gather3A_1283, %mul3A_1284 : vector<16xf32>
        %add3A_1286 = arith.addf %add3A_1212, %mul3A_1285 : vector<16xf32>
        %add3A_1287 = arith.constant 7 : i32
        %add3A_1288 = arith.addi %mul3A_730, %add3A_1287 : i32
        %get3A_1289 = arith.index_cast %add3A_1288 : i32 to index
        %get3A_1290 = arith.constant 64 : index
        %get3A_1291 = tpu.vector_load %arg10[%get3A_1289, %get3A_1290] {strides = array<i32>} : memref<56x128xi32, #tpu.memory_space<vmem>>, vector<16xi32>,
        %gather3A_1292 = tpu.vector_load_idx %arg8[%get3A_1291] : memref<100000xf32, #tpu.memory_space<vmem>>[vector<16xi32>], vector<16xf32>,
        %mul3A_1293 = vector.broadcast %squeeze3A_1250 : f32 to vector<16xf32>
        %mul3A_1294 = arith.mulf %gather3A_1292, %mul3A_1293 : vector<16xf32>
        %add3A_1295 = arith.addf %add3A_1221, %mul3A_1294 : vector<16xf32>
        %add3A_1296 = arith.constant 7 : i32
        %add3A_1297 = arith.addi %mul3A_730, %add3A_1296 : i32
        %get3A_1298 = arith.index_cast %add3A_1297 : i32 to index
        %get3A_1299 = arith.constant 80 : index
        %get3A_1300 = tpu.vector_load %arg10[%get3A_1298, %get3A_1299] {strides = array<i32>} : memref<56x128xi32, #tpu.memory_space<vmem>>, vector<16xi32>,
        %gather3A_1301 = tpu.vector_load_idx %arg8[%get3A_1300] : memref<100000xf32, #tpu.memory_space<vmem>>[vector<16xi32>], vector<16xf32>,
        %mul3A_1302 = vector.broadcast %squeeze3A_1250 : f32 to vector<16xf32>
        %mul3A_1303 = arith.mulf %gather3A_1301, %mul3A_1302 : vector<16xf32>
        %add3A_1304 = arith.addf %add3A_1230, %mul3A_1303 : vector<16xf32>
        %add3A_1305 = arith.constant 7 : i32
        %add3A_1306 = arith.addi %mul3A_730, %add3A_1305 : i32
        %get3A_1307 = arith.index_cast %add3A_1306 : i32 to index
        %get3A_1308 = arith.constant 96 : index
        %get3A_1309 = tpu.vector_load %arg10[%get3A_1307, %get3A_1308] {strides = array<i32>} : memref<56x128xi32, #tpu.memory_space<vmem>>, vector<16xi32>,
        %gather3A_1310 = tpu.vector_load_idx %arg8[%get3A_1309] : memref<100000xf32, #tpu.memory_space<vmem>>[vector<16xi32>], vector<16xf32>,
        %mul3A_1311 = vector.broadcast %squeeze3A_1250 : f32 to vector<16xf32>
        %mul3A_1312 = arith.mulf %gather3A_1310, %mul3A_1311 : vector<16xf32>
        %add3A_1313 = arith.addf %add3A_1239, %mul3A_1312 : vector<16xf32>
        %add3A_1314 = arith.constant 7 : i32
        %add3A_1315 = arith.addi %mul3A_730, %add3A_1314 : i32
        %get3A_1316 = arith.index_cast %add3A_1315 : i32 to index
        %get3A_1317 = arith.constant 112 : index
        %get3A_1318 = tpu.vector_load %arg10[%get3A_1316, %get3A_1317] {strides = array<i32>} : memref<56x128xi32, #tpu.memory_space<vmem>>, vector<16xi32>,
        %gather3A_1319 = tpu.vector_load_idx %arg8[%get3A_1318] : memref<100000xf32, #tpu.memory_space<vmem>>[vector<16xi32>], vector<16xf32>,
        %mul3A_1320 = vector.broadcast %squeeze3A_1250 : f32 to vector<16xf32>
        %mul3A_1321 = arith.mulf %gather3A_1319, %mul3A_1320 : vector<16xf32>
        %add3A_1322 = arith.addf %add3A_1248, %mul3A_1321 : vector<16xf32>
        scf.yield %add3A_1259, %add3A_1268, %add3A_1277, %add3A_1286, %add3A_1295, %add3A_1304, %add3A_1313, %add3A_1322 : vector<16xf32>, vector<16xf32>, vector<16xf32>, vector<16xf32>, vector<16xf32>, vector<16xf32>, vector<16xf32>, vector<16xf32>
      }
      %scan3A_135 = arith.constant 6 : i32
      %get3A = arith.constant 184 : index
      %get3A_136 = tpu.vector_load %arg12[%get3A] {strides = array<i32>} : memref<200xf32, #tpu.memory_space<vmem>>, vector<16xf32>,
      %slice3A = vector.extract_strided_slice %get3A_136 {offsets = [8], sizes = [1], strides = [1]} : vector<16xf32> to vector<1xf32>
      %squeeze3A = vector.extract %slice3A[0] : f32 from vector<1xf32>
      %get3A_137 = arith.constant 48 : i32
      %get3A_138 = arith.index_cast %get3A_137 : i32 to index
      %get3A_139 = arith.constant 0 : index
      %get3A_140 = tpu.vector_load %arg10[%get3A_138, %get3A_139] {strides = array<i32>} : memref<56x128xi32, #tpu.memory_space<vmem>>, vector<16xi32>,
      %gather3A = tpu.vector_load_idx %arg8[%get3A_140] : memref<100000xf32, #tpu.memory_space<vmem>>[vector<16xi32>], vector<16xf32>,
      %mul3A_141 = vector.broadcast %squeeze3A : f32 to vector<16xf32>
      %mul3A_142 = arith.mulf %gather3A, %mul3A_141 : vector<16xf32>
      %add3A_143 = arith.addf %scan3A_134#0, %mul3A_142 : vector<16xf32>
      %get3A_144 = arith.constant 48 : i32
      %get3A_145 = arith.index_cast %get3A_144 : i32 to index
      %get3A_146 = arith.constant 16 : index
      %get3A_147 = tpu.vector_load %arg10[%get3A_145, %get3A_146] {strides = array<i32>} : memref<56x128xi32, #tpu.memory_space<vmem>>, vector<16xi32>,
      %gather3A_148 = tpu.vector_load_idx %arg8[%get3A_147] : memref<100000xf32, #tpu.memory_space<vmem>>[vector<16xi32>], vector<16xf32>,
      %mul3A_149 = vector.broadcast %squeeze3A : f32 to vector<16xf32>
      %mul3A_150 = arith.mulf %gather3A_148, %mul3A_149 : vector<16xf32>
      %add3A_151 = arith.addf %scan3A_134#1, %mul3A_150 : vector<16xf32>
      %get3A_152 = arith.constant 48 : i32
      %get3A_153 = arith.index_cast %get3A_152 : i32 to index
      %get3A_154 = arith.constant 32 : index
      %get3A_155 = tpu.vector_load %arg10[%get3A_153, %get3A_154] {strides = array<i32>} : memref<56x128xi32, #tpu.memory_space<vmem>>, vector<16xi32>,
      %gather3A_156 = tpu.vector_load_idx %arg8[%get3A_155] : memref<100000xf32, #tpu.memory_space<vmem>>[vector<16xi32>], vector<16xf32>,
      %mul3A_157 = vector.broadcast %squeeze3A : f32 to vector<16xf32>
      %mul3A_158 = arith.mulf %gather3A_156, %mul3A_157 : vector<16xf32>
      %add3A_159 = arith.addf %scan3A_134#2, %mul3A_158 : vector<16xf32>
      %get3A_160 = arith.constant 48 : i32
      %get3A_161 = arith.index_cast %get3A_160 : i32 to index
      %get3A_162 = arith.constant 48 : index
      %get3A_163 = tpu.vector_load %arg10[%get3A_161, %get3A_162] {strides = array<i32>} : memref<56x128xi32, #tpu.memory_space<vmem>>, vector<16xi32>,
      %gather3A_164 = tpu.vector_load_idx %arg8[%get3A_163] : memref<100000xf32, #tpu.memory_space<vmem>>[vector<16xi32>], vector<16xf32>,
      %mul3A_165 = vector.broadcast %squeeze3A : f32 to vector<16xf32>
      %mul3A_166 = arith.mulf %gather3A_164, %mul3A_165 : vector<16xf32>
      %add3A_167 = arith.addf %scan3A_134#3, %mul3A_166 : vector<16xf32>
      %get3A_168 = arith.constant 48 : i32
      %get3A_169 = arith.index_cast %get3A_168 : i32 to index
      %get3A_170 = arith.constant 64 : index
      %get3A_171 = tpu.vector_load %arg10[%get3A_169, %get3A_170] {strides = array<i32>} : memref<56x128xi32, #tpu.memory_space<vmem>>, vector<16xi32>,
      %gather3A_172 = tpu.vector_load_idx %arg8[%get3A_171] : memref<100000xf32, #tpu.memory_space<vmem>>[vector<16xi32>], vector<16xf32>,
      %mul3A_173 = vector.broadcast %squeeze3A : f32 to vector<16xf32>
      %mul3A_174 = arith.mulf %gather3A_172, %mul3A_173 : vector<16xf32>
      %add3A_175 = arith.addf %scan3A_134#4, %mul3A_174 : vector<16xf32>
      %get3A_176 = arith.constant 48 : i32
      %get3A_177 = arith.index_cast %get3A_176 : i32 to index
      %get3A_178 = arith.constant 80 : index
      %get3A_179 = tpu.vector_load %arg10[%get3A_177, %get3A_178] {strides = array<i32>} : memref<56x128xi32, #tpu.memory_space<vmem>>, vector<16xi32>,
      %gather3A_180 = tpu.vector_load_idx %arg8[%get3A_179] : memref<100000xf32, #tpu.memory_space<vmem>>[vector<16xi32>], vector<16xf32>,
      %mul3A_181 = vector.broadcast %squeeze3A : f32 to vector<16xf32>
      %mul3A_182 = arith.mulf %gather3A_180, %mul3A_181 : vector<16xf32>
      %add3A_183 = arith.addf %scan3A_134#5, %mul3A_182 : vector<16xf32>
      %get3A_184 = arith.constant 48 : i32
      %get3A_185 = arith.index_cast %get3A_184 : i32 to index
      %get3A_186 = arith.constant 96 : index
      %get3A_187 = tpu.vector_load %arg10[%get3A_185, %get3A_186] {strides = array<i32>} : memref<56x128xi32, #tpu.memory_space<vmem>>, vector<16xi32>,
      %gather3A_188 = tpu.vector_load_idx %arg8[%get3A_187] : memref<100000xf32, #tpu.memory_space<vmem>>[vector<16xi32>], vector<16xf32>,
      %mul3A_189 = vector.broadcast %squeeze3A : f32 to vector<16xf32>
      %mul3A_190 = arith.mulf %gather3A_188, %mul3A_189 : vector<16xf32>
      %add3A_191 = arith.addf %scan3A_134#6, %mul3A_190 : vector<16xf32>
      %get3A_192 = arith.constant 48 : i32
      %get3A_193 = arith.index_cast %get3A_192 : i32 to index
      %get3A_194 = arith.constant 112 : index
      %get3A_195 = tpu.vector_load %arg10[%get3A_193, %get3A_194] {strides = array<i32>} : memref<56x128xi32, #tpu.memory_space<vmem>>, vector<16xi32>,
      %gather3A_196 = tpu.vector_load_idx %arg8[%get3A_195] : memref<100000xf32, #tpu.memory_space<vmem>>[vector<16xi32>], vector<16xf32>,
      %mul3A_197 = vector.broadcast %squeeze3A : f32 to vector<16xf32>
      %mul3A_198 = arith.mulf %gather3A_196, %mul3A_197 : vector<16xf32>
      %add3A_199 = arith.addf %scan3A_134#7, %mul3A_198 : vector<16xf32>
      %slice3A_200 = vector.extract_strided_slice %get3A_136 {offsets = [9], sizes = [1], strides = [1]} : vector<16xf32> to vector<1xf32>
      %squeeze3A_201 = vector.extract %slice3A_200[0] : f32 from vector<1xf32>
      %get3A_202 = arith.constant 49 : i32
      %get3A_203 = arith.index_cast %get3A_202 : i32 to index
      %get3A_204 = arith.constant 0 : index
      %get3A_205 = tpu.vector_load %arg10[%get3A_203, %get3A_204] {strides = array<i32>} : memref<56x128xi32, #tpu.memory_space<vmem>>, vector<16xi32>,
      %gather3A_206 = tpu.vector_load_idx %arg8[%get3A_205] : memref<100000xf32, #tpu.memory_space<vmem>>[vector<16xi32>], vector<16xf32>,
      %mul3A_207 = vector.broadcast %squeeze3A_201 : f32 to vector<16xf32>
      %mul3A_208 = arith.mulf %gather3A_206, %mul3A_207 : vector<16xf32>
      %add3A_209 = arith.addf %add3A_143, %mul3A_208 : vector<16xf32>
      %get3A_210 = arith.constant 49 : i32
      %get3A_211 = arith.index_cast %get3A_210 : i32 to index
      %get3A_212 = arith.constant 16 : index
      %get3A_213 = tpu.vector_load %arg10[%get3A_211, %get3A_212] {strides = array<i32>} : memref<56x128xi32, #tpu.memory_space<vmem>>, vector<16xi32>,
      %gather3A_214 = tpu.vector_load_idx %arg8[%get3A_213] : memref<100000xf32, #tpu.memory_space<vmem>>[vector<16xi32>], vector<16xf32>,
      %mul3A_215 = vector.broadcast %squeeze3A_201 : f32 to vector<16xf32>
      %mul3A_216 = arith.mulf %gather3A_214, %mul3A_215 : vector<16xf32>
      %add3A_217 = arith.addf %add3A_151, %mul3A_216 : vector<16xf32>
      %get3A_218 = arith.constant 49 : i32
      %get3A_219 = arith.index_cast %get3A_218 : i32 to index
      %get3A_220 = arith.constant 32 : index
      %get3A_221 = tpu.vector_load %arg10[%get3A_219, %get3A_220] {strides = array<i32>} : memref<56x128xi32, #tpu.memory_space<vmem>>, vector<16xi32>,
      %gather3A_222 = tpu.vector_load_idx %arg8[%get3A_221] : memref<100000xf32, #tpu.memory_space<vmem>>[vector<16xi32>], vector<16xf32>,
      %mul3A_223 = vector.broadcast %squeeze3A_201 : f32 to vector<16xf32>
      %mul3A_224 = arith.mulf %gather3A_222, %mul3A_223 : vector<16xf32>
      %add3A_225 = arith.addf %add3A_159, %mul3A_224 : vector<16xf32>
      %get3A_226 = arith.constant 49 : i32
      %get3A_227 = arith.index_cast %get3A_226 : i32 to index
      %get3A_228 = arith.constant 48 : index
      %get3A_229 = tpu.vector_load %arg10[%get3A_227, %get3A_228] {strides = array<i32>} : memref<56x128xi32, #tpu.memory_space<vmem>>, vector<16xi32>,
      %gather3A_230 = tpu.vector_load_idx %arg8[%get3A_229] : memref<100000xf32, #tpu.memory_space<vmem>>[vector<16xi32>], vector<16xf32>,
      %mul3A_231 = vector.broadcast %squeeze3A_201 : f32 to vector<16xf32>
      %mul3A_232 = arith.mulf %gather3A_230, %mul3A_231 : vector<16xf32>
      %add3A_233 = arith.addf %add3A_167, %mul3A_232 : vector<16xf32>
      %get3A_234 = arith.constant 49 : i32
      %get3A_235 = arith.index_cast %get3A_234 : i32 to index
      %get3A_236 = arith.constant 64 : index
      %get3A_237 = tpu.vector_load %arg10[%get3A_235, %get3A_236] {strides = array<i32>} : memref<56x128xi32, #tpu.memory_space<vmem>>, vector<16xi32>,
      %gather3A_238 = tpu.vector_load_idx %arg8[%get3A_237] : memref<100000xf32, #tpu.memory_space<vmem>>[vector<16xi32>], vector<16xf32>,
      %mul3A_239 = vector.broadcast %squeeze3A_201 : f32 to vector<16xf32>
      %mul3A_240 = arith.mulf %gather3A_238, %mul3A_239 : vector<16xf32>
      %add3A_241 = arith.addf %add3A_175, %mul3A_240 : vector<16xf32>
      %get3A_242 = arith.constant 49 : i32
      %get3A_243 = arith.index_cast %get3A_242 : i32 to index
      %get3A_244 = arith.constant 80 : index
      %get3A_245 = tpu.vector_load %arg10[%get3A_243, %get3A_244] {strides = array<i32>} : memref<56x128xi32, #tpu.memory_space<vmem>>, vector<16xi32>,
      %gather3A_246 = tpu.vector_load_idx %arg8[%get3A_245] : memref<100000xf32, #tpu.memory_space<vmem>>[vector<16xi32>], vector<16xf32>,
      %mul3A_247 = vector.broadcast %squeeze3A_201 : f32 to vector<16xf32>
      %mul3A_248 = arith.mulf %gather3A_246, %mul3A_247 : vector<16xf32>
      %add3A_249 = arith.addf %add3A_183, %mul3A_248 : vector<16xf32>
      %get3A_250 = arith.constant 49 : i32
      %get3A_251 = arith.index_cast %get3A_250 : i32 to index
      %get3A_252 = arith.constant 96 : index
      %get3A_253 = tpu.vector_load %arg10[%get3A_251, %get3A_252] {strides = array<i32>} : memref<56x128xi32, #tpu.memory_space<vmem>>, vector<16xi32>,
      %gather3A_254 = tpu.vector_load_idx %arg8[%get3A_253] : memref<100000xf32, #tpu.memory_space<vmem>>[vector<16xi32>], vector<16xf32>,
      %mul3A_255 = vector.broadcast %squeeze3A_201 : f32 to vector<16xf32>
      %mul3A_256 = arith.mulf %gather3A_254, %mul3A_255 : vector<16xf32>
      %add3A_257 = arith.addf %add3A_191, %mul3A_256 : vector<16xf32>
      %get3A_258 = arith.constant 49 : i32
      %get3A_259 = arith.index_cast %get3A_258 : i32 to index
      %get3A_260 = arith.constant 112 : index
      %get3A_261 = tpu.vector_load %arg10[%get3A_259, %get3A_260] {strides = array<i32>} : memref<56x128xi32, #tpu.memory_space<vmem>>, vector<16xi32>,
      %gather3A_262 = tpu.vector_load_idx %arg8[%get3A_261] : memref<100000xf32, #tpu.memory_space<vmem>>[vector<16xi32>], vector<16xf32>,
      %mul3A_263 = vector.broadcast %squeeze3A_201 : f32 to vector<16xf32>
      %mul3A_264 = arith.mulf %gather3A_262, %mul3A_263 : vector<16xf32>
      %add3A_265 = arith.addf %add3A_199, %mul3A_264 : vector<16xf32>
      %slice3A_266 = vector.extract_strided_slice %get3A_136 {offsets = [10], sizes = [1], strides = [1]} : vector<16xf32> to vector<1xf32>
      %squeeze3A_267 = vector.extract %slice3A_266[0] : f32 from vector<1xf32>
      %get3A_268 = arith.constant 50 : i32
      %get3A_269 = arith.index_cast %get3A_268 : i32 to index
      %get3A_270 = arith.constant 0 : index
      %get3A_271 = tpu.vector_load %arg10[%get3A_269, %get3A_270] {strides = array<i32>} : memref<56x128xi32, #tpu.memory_space<vmem>>, vector<16xi32>,
      %gather3A_272 = tpu.vector_load_idx %arg8[%get3A_271] : memref<100000xf32, #tpu.memory_space<vmem>>[vector<16xi32>], vector<16xf32>,
      %mul3A_273 = vector.broadcast %squeeze3A_267 : f32 to vector<16xf32>
      %mul3A_274 = arith.mulf %gather3A_272, %mul3A_273 : vector<16xf32>
      %add3A_275 = arith.addf %add3A_209, %mul3A_274 : vector<16xf32>
      %get3A_276 = arith.constant 50 : i32
      %get3A_277 = arith.index_cast %get3A_276 : i32 to index
      %get3A_278 = arith.constant 16 : index
      %get3A_279 = tpu.vector_load %arg10[%get3A_277, %get3A_278] {strides = array<i32>} : memref<56x128xi32, #tpu.memory_space<vmem>>, vector<16xi32>,
      %gather3A_280 = tpu.vector_load_idx %arg8[%get3A_279] : memref<100000xf32, #tpu.memory_space<vmem>>[vector<16xi32>], vector<16xf32>,
      %mul3A_281 = vector.broadcast %squeeze3A_267 : f32 to vector<16xf32>
      %mul3A_282 = arith.mulf %gather3A_280, %mul3A_281 : vector<16xf32>
      %add3A_283 = arith.addf %add3A_217, %mul3A_282 : vector<16xf32>
      %get3A_284 = arith.constant 50 : i32
      %get3A_285 = arith.index_cast %get3A_284 : i32 to index
      %get3A_286 = arith.constant 32 : index
      %get3A_287 = tpu.vector_load %arg10[%get3A_285, %get3A_286] {strides = array<i32>} : memref<56x128xi32, #tpu.memory_space<vmem>>, vector<16xi32>,
      %gather3A_288 = tpu.vector_load_idx %arg8[%get3A_287] : memref<100000xf32, #tpu.memory_space<vmem>>[vector<16xi32>], vector<16xf32>,
      %mul3A_289 = vector.broadcast %squeeze3A_267 : f32 to vector<16xf32>
      %mul3A_290 = arith.mulf %gather3A_288, %mul3A_289 : vector<16xf32>
      %add3A_291 = arith.addf %add3A_225, %mul3A_290 : vector<16xf32>
      %get3A_292 = arith.constant 50 : i32
      %get3A_293 = arith.index_cast %get3A_292 : i32 to index
      %get3A_294 = arith.constant 48 : index
      %get3A_295 = tpu.vector_load %arg10[%get3A_293, %get3A_294] {strides = array<i32>} : memref<56x128xi32, #tpu.memory_space<vmem>>, vector<16xi32>,
      %gather3A_296 = tpu.vector_load_idx %arg8[%get3A_295] : memref<100000xf32, #tpu.memory_space<vmem>>[vector<16xi32>], vector<16xf32>,
      %mul3A_297 = vector.broadcast %squeeze3A_267 : f32 to vector<16xf32>
      %mul3A_298 = arith.mulf %gather3A_296, %mul3A_297 : vector<16xf32>
      %add3A_299 = arith.addf %add3A_233, %mul3A_298 : vector<16xf32>
      %get3A_300 = arith.constant 50 : i32
      %get3A_301 = arith.index_cast %get3A_300 : i32 to index
      %get3A_302 = arith.constant 64 : index
      %get3A_303 = tpu.vector_load %arg10[%get3A_301, %get3A_302] {strides = array<i32>} : memref<56x128xi32, #tpu.memory_space<vmem>>, vector<16xi32>,
      %gather3A_304 = tpu.vector_load_idx %arg8[%get3A_303] : memref<100000xf32, #tpu.memory_space<vmem>>[vector<16xi32>], vector<16xf32>,
      %mul3A_305 = vector.broadcast %squeeze3A_267 : f32 to vector<16xf32>
      %mul3A_306 = arith.mulf %gather3A_304, %mul3A_305 : vector<16xf32>
      %add3A_307 = arith.addf %add3A_241, %mul3A_306 : vector<16xf32>
      %get3A_308 = arith.constant 50 : i32
      %get3A_309 = arith.index_cast %get3A_308 : i32 to index
      %get3A_310 = arith.constant 80 : index
      %get3A_311 = tpu.vector_load %arg10[%get3A_309, %get3A_310] {strides = array<i32>} : memref<56x128xi32, #tpu.memory_space<vmem>>, vector<16xi32>,
      %gather3A_312 = tpu.vector_load_idx %arg8[%get3A_311] : memref<100000xf32, #tpu.memory_space<vmem>>[vector<16xi32>], vector<16xf32>,
      %mul3A_313 = vector.broadcast %squeeze3A_267 : f32 to vector<16xf32>
      %mul3A_314 = arith.mulf %gather3A_312, %mul3A_313 : vector<16xf32>
      %add3A_315 = arith.addf %add3A_249, %mul3A_314 : vector<16xf32>
      %get3A_316 = arith.constant 50 : i32
      %get3A_317 = arith.index_cast %get3A_316 : i32 to index
      %get3A_318 = arith.constant 96 : index
      %get3A_319 = tpu.vector_load %arg10[%get3A_317, %get3A_318] {strides = array<i32>} : memref<56x128xi32, #tpu.memory_space<vmem>>, vector<16xi32>,
      %gather3A_320 = tpu.vector_load_idx %arg8[%get3A_319] : memref<100000xf32, #tpu.memory_space<vmem>>[vector<16xi32>], vector<16xf32>,
      %mul3A_321 = vector.broadcast %squeeze3A_267 : f32 to vector<16xf32>
      %mul3A_322 = arith.mulf %gather3A_320, %mul3A_321 : vector<16xf32>
      %add3A_323 = arith.addf %add3A_257, %mul3A_322 : vector<16xf32>
      %get3A_324 = arith.constant 50 : i32
      %get3A_325 = arith.index_cast %get3A_324 : i32 to index
      %get3A_326 = arith.constant 112 : index
      %get3A_327 = tpu.vector_load %arg10[%get3A_325, %get3A_326] {strides = array<i32>} : memref<56x128xi32, #tpu.memory_space<vmem>>, vector<16xi32>,
      %gather3A_328 = tpu.vector_load_idx %arg8[%get3A_327] : memref<100000xf32, #tpu.memory_space<vmem>>[vector<16xi32>], vector<16xf32>,
      %mul3A_329 = vector.broadcast %squeeze3A_267 : f32 to vector<16xf32>
      %mul3A_330 = arith.mulf %gather3A_328, %mul3A_329 : vector<16xf32>
      %add3A_331 = arith.addf %add3A_265, %mul3A_330 : vector<16xf32>
      %slice3A_332 = vector.extract_strided_slice %get3A_136 {offsets = [11], sizes = [1], strides = [1]} : vector<16xf32> to vector<1xf32>
      %squeeze3A_333 = vector.extract %slice3A_332[0] : f32 from vector<1xf32>
      %get3A_334 = arith.constant 51 : i32
      %get3A_335 = arith.index_cast %get3A_334 : i32 to index
      %get3A_336 = arith.constant 0 : index
      %get3A_337 = tpu.vector_load %arg10[%get3A_335, %get3A_336] {strides = array<i32>} : memref<56x128xi32, #tpu.memory_space<vmem>>, vector<16xi32>,
      %gather3A_338 = tpu.vector_load_idx %arg8[%get3A_337] : memref<100000xf32, #tpu.memory_space<vmem>>[vector<16xi32>], vector<16xf32>,
      %mul3A_339 = vector.broadcast %squeeze3A_333 : f32 to vector<16xf32>
      %mul3A_340 = arith.mulf %gather3A_338, %mul3A_339 : vector<16xf32>
      %add3A_341 = arith.addf %add3A_275, %mul3A_340 : vector<16xf32>
      %get3A_342 = arith.constant 51 : i32
      %get3A_343 = arith.index_cast %get3A_342 : i32 to index
      %get3A_344 = arith.constant 16 : index
      %get3A_345 = tpu.vector_load %arg10[%get3A_343, %get3A_344] {strides = array<i32>} : memref<56x128xi32, #tpu.memory_space<vmem>>, vector<16xi32>,
      %gather3A_346 = tpu.vector_load_idx %arg8[%get3A_345] : memref<100000xf32, #tpu.memory_space<vmem>>[vector<16xi32>], vector<16xf32>,
      %mul3A_347 = vector.broadcast %squeeze3A_333 : f32 to vector<16xf32>
      %mul3A_348 = arith.mulf %gather3A_346, %mul3A_347 : vector<16xf32>
      %add3A_349 = arith.addf %add3A_283, %mul3A_348 : vector<16xf32>
      %get3A_350 = arith.constant 51 : i32
      %get3A_351 = arith.index_cast %get3A_350 : i32 to index
      %get3A_352 = arith.constant 32 : index
      %get3A_353 = tpu.vector_load %arg10[%get3A_351, %get3A_352] {strides = array<i32>} : memref<56x128xi32, #tpu.memory_space<vmem>>, vector<16xi32>,
      %gather3A_354 = tpu.vector_load_idx %arg8[%get3A_353] : memref<100000xf32, #tpu.memory_space<vmem>>[vector<16xi32>], vector<16xf32>,
      %mul3A_355 = vector.broadcast %squeeze3A_333 : f32 to vector<16xf32>
      %mul3A_356 = arith.mulf %gather3A_354, %mul3A_355 : vector<16xf32>
      %add3A_357 = arith.addf %add3A_291, %mul3A_356 : vector<16xf32>
      %get3A_358 = arith.constant 51 : i32
      %get3A_359 = arith.index_cast %get3A_358 : i32 to index
      %get3A_360 = arith.constant 48 : index
      %get3A_361 = tpu.vector_load %arg10[%get3A_359, %get3A_360] {strides = array<i32>} : memref<56x128xi32, #tpu.memory_space<vmem>>, vector<16xi32>,
      %gather3A_362 = tpu.vector_load_idx %arg8[%get3A_361] : memref<100000xf32, #tpu.memory_space<vmem>>[vector<16xi32>], vector<16xf32>,
      %mul3A_363 = vector.broadcast %squeeze3A_333 : f32 to vector<16xf32>
      %mul3A_364 = arith.mulf %gather3A_362, %mul3A_363 : vector<16xf32>
      %add3A_365 = arith.addf %add3A_299, %mul3A_364 : vector<16xf32>
      %get3A_366 = arith.constant 51 : i32
      %get3A_367 = arith.index_cast %get3A_366 : i32 to index
      %get3A_368 = arith.constant 64 : index
      %get3A_369 = tpu.vector_load %arg10[%get3A_367, %get3A_368] {strides = array<i32>} : memref<56x128xi32, #tpu.memory_space<vmem>>, vector<16xi32>,
      %gather3A_370 = tpu.vector_load_idx %arg8[%get3A_369] : memref<100000xf32, #tpu.memory_space<vmem>>[vector<16xi32>], vector<16xf32>,
      %mul3A_371 = vector.broadcast %squeeze3A_333 : f32 to vector<16xf32>
      %mul3A_372 = arith.mulf %gather3A_370, %mul3A_371 : vector<16xf32>
      %add3A_373 = arith.addf %add3A_307, %mul3A_372 : vector<16xf32>
      %get3A_374 = arith.constant 51 : i32
      %get3A_375 = arith.index_cast %get3A_374 : i32 to index
      %get3A_376 = arith.constant 80 : index
      %get3A_377 = tpu.vector_load %arg10[%get3A_375, %get3A_376] {strides = array<i32>} : memref<56x128xi32, #tpu.memory_space<vmem>>, vector<16xi32>,
      %gather3A_378 = tpu.vector_load_idx %arg8[%get3A_377] : memref<100000xf32, #tpu.memory_space<vmem>>[vector<16xi32>], vector<16xf32>,
      %mul3A_379 = vector.broadcast %squeeze3A_333 : f32 to vector<16xf32>
      %mul3A_380 = arith.mulf %gather3A_378, %mul3A_379 : vector<16xf32>
      %add3A_381 = arith.addf %add3A_315, %mul3A_380 : vector<16xf32>
      %get3A_382 = arith.constant 51 : i32
      %get3A_383 = arith.index_cast %get3A_382 : i32 to index
      %get3A_384 = arith.constant 96 : index
      %get3A_385 = tpu.vector_load %arg10[%get3A_383, %get3A_384] {strides = array<i32>} : memref<56x128xi32, #tpu.memory_space<vmem>>, vector<16xi32>,
      %gather3A_386 = tpu.vector_load_idx %arg8[%get3A_385] : memref<100000xf32, #tpu.memory_space<vmem>>[vector<16xi32>], vector<16xf32>,
      %mul3A_387 = vector.broadcast %squeeze3A_333 : f32 to vector<16xf32>
      %mul3A_388 = arith.mulf %gather3A_386, %mul3A_387 : vector<16xf32>
      %add3A_389 = arith.addf %add3A_323, %mul3A_388 : vector<16xf32>
      %get3A_390 = arith.constant 51 : i32
      %get3A_391 = arith.index_cast %get3A_390 : i32 to index
      %get3A_392 = arith.constant 112 : index
      %get3A_393 = tpu.vector_load %arg10[%get3A_391, %get3A_392] {strides = array<i32>} : memref<56x128xi32, #tpu.memory_space<vmem>>, vector<16xi32>,
      %gather3A_394 = tpu.vector_load_idx %arg8[%get3A_393] : memref<100000xf32, #tpu.memory_space<vmem>>[vector<16xi32>], vector<16xf32>,
      %mul3A_395 = vector.broadcast %squeeze3A_333 : f32 to vector<16xf32>
      %mul3A_396 = arith.mulf %gather3A_394, %mul3A_395 : vector<16xf32>
      %add3A_397 = arith.addf %add3A_331, %mul3A_396 : vector<16xf32>
      %slice3A_398 = vector.extract_strided_slice %get3A_136 {offsets = [12], sizes = [1], strides = [1]} : vector<16xf32> to vector<1xf32>
      %squeeze3A_399 = vector.extract %slice3A_398[0] : f32 from vector<1xf32>
      %get3A_400 = arith.constant 52 : i32
      %get3A_401 = arith.index_cast %get3A_400 : i32 to index
      %get3A_402 = arith.constant 0 : index
      %get3A_403 = tpu.vector_load %arg10[%get3A_401, %get3A_402] {strides = array<i32>} : memref<56x128xi32, #tpu.memory_space<vmem>>, vector<16xi32>,
      %gather3A_404 = tpu.vector_load_idx %arg8[%get3A_403] : memref<100000xf32, #tpu.memory_space<vmem>>[vector<16xi32>], vector<16xf32>,
      %mul3A_405 = vector.broadcast %squeeze3A_399 : f32 to vector<16xf32>
      %mul3A_406 = arith.mulf %gather3A_404, %mul3A_405 : vector<16xf32>
      %add3A_407 = arith.addf %add3A_341, %mul3A_406 : vector<16xf32>
      %get3A_408 = arith.constant 52 : i32
      %get3A_409 = arith.index_cast %get3A_408 : i32 to index
      %get3A_410 = arith.constant 16 : index
      %get3A_411 = tpu.vector_load %arg10[%get3A_409, %get3A_410] {strides = array<i32>} : memref<56x128xi32, #tpu.memory_space<vmem>>, vector<16xi32>,
      %gather3A_412 = tpu.vector_load_idx %arg8[%get3A_411] : memref<100000xf32, #tpu.memory_space<vmem>>[vector<16xi32>], vector<16xf32>,
      %mul3A_413 = vector.broadcast %squeeze3A_399 : f32 to vector<16xf32>
      %mul3A_414 = arith.mulf %gather3A_412, %mul3A_413 : vector<16xf32>
      %add3A_415 = arith.addf %add3A_349, %mul3A_414 : vector<16xf32>
      %get3A_416 = arith.constant 52 : i32
      %get3A_417 = arith.index_cast %get3A_416 : i32 to index
      %get3A_418 = arith.constant 32 : index
      %get3A_419 = tpu.vector_load %arg10[%get3A_417, %get3A_418] {strides = array<i32>} : memref<56x128xi32, #tpu.memory_space<vmem>>, vector<16xi32>,
      %gather3A_420 = tpu.vector_load_idx %arg8[%get3A_419] : memref<100000xf32, #tpu.memory_space<vmem>>[vector<16xi32>], vector<16xf32>,
      %mul3A_421 = vector.broadcast %squeeze3A_399 : f32 to vector<16xf32>
      %mul3A_422 = arith.mulf %gather3A_420, %mul3A_421 : vector<16xf32>
      %add3A_423 = arith.addf %add3A_357, %mul3A_422 : vector<16xf32>
      %get3A_424 = arith.constant 52 : i32
      %get3A_425 = arith.index_cast %get3A_424 : i32 to index
      %get3A_426 = arith.constant 48 : index
      %get3A_427 = tpu.vector_load %arg10[%get3A_425, %get3A_426] {strides = array<i32>} : memref<56x128xi32, #tpu.memory_space<vmem>>, vector<16xi32>,
      %gather3A_428 = tpu.vector_load_idx %arg8[%get3A_427] : memref<100000xf32, #tpu.memory_space<vmem>>[vector<16xi32>], vector<16xf32>,
      %mul3A_429 = vector.broadcast %squeeze3A_399 : f32 to vector<16xf32>
      %mul3A_430 = arith.mulf %gather3A_428, %mul3A_429 : vector<16xf32>
      %add3A_431 = arith.addf %add3A_365, %mul3A_430 : vector<16xf32>
      %get3A_432 = arith.constant 52 : i32
      %get3A_433 = arith.index_cast %get3A_432 : i32 to index
      %get3A_434 = arith.constant 64 : index
      %get3A_435 = tpu.vector_load %arg10[%get3A_433, %get3A_434] {strides = array<i32>} : memref<56x128xi32, #tpu.memory_space<vmem>>, vector<16xi32>,
      %gather3A_436 = tpu.vector_load_idx %arg8[%get3A_435] : memref<100000xf32, #tpu.memory_space<vmem>>[vector<16xi32>], vector<16xf32>,
      %mul3A_437 = vector.broadcast %squeeze3A_399 : f32 to vector<16xf32>
      %mul3A_438 = arith.mulf %gather3A_436, %mul3A_437 : vector<16xf32>
      %add3A_439 = arith.addf %add3A_373, %mul3A_438 : vector<16xf32>
      %get3A_440 = arith.constant 52 : i32
      %get3A_441 = arith.index_cast %get3A_440 : i32 to index
      %get3A_442 = arith.constant 80 : index
      %get3A_443 = tpu.vector_load %arg10[%get3A_441, %get3A_442] {strides = array<i32>} : memref<56x128xi32, #tpu.memory_space<vmem>>, vector<16xi32>,
      %gather3A_444 = tpu.vector_load_idx %arg8[%get3A_443] : memref<100000xf32, #tpu.memory_space<vmem>>[vector<16xi32>], vector<16xf32>,
      %mul3A_445 = vector.broadcast %squeeze3A_399 : f32 to vector<16xf32>
      %mul3A_446 = arith.mulf %gather3A_444, %mul3A_445 : vector<16xf32>
      %add3A_447 = arith.addf %add3A_381, %mul3A_446 : vector<16xf32>
      %get3A_448 = arith.constant 52 : i32
      %get3A_449 = arith.index_cast %get3A_448 : i32 to index
      %get3A_450 = arith.constant 96 : index
      %get3A_451 = tpu.vector_load %arg10[%get3A_449, %get3A_450] {strides = array<i32>} : memref<56x128xi32, #tpu.memory_space<vmem>>, vector<16xi32>,
      %gather3A_452 = tpu.vector_load_idx %arg8[%get3A_451] : memref<100000xf32, #tpu.memory_space<vmem>>[vector<16xi32>], vector<16xf32>,
      %mul3A_453 = vector.broadcast %squeeze3A_399 : f32 to vector<16xf32>
      %mul3A_454 = arith.mulf %gather3A_452, %mul3A_453 : vector<16xf32>
      %add3A_455 = arith.addf %add3A_389, %mul3A_454 : vector<16xf32>
      %get3A_456 = arith.constant 52 : i32
      %get3A_457 = arith.index_cast %get3A_456 : i32 to index
      %get3A_458 = arith.constant 112 : index
      %get3A_459 = tpu.vector_load %arg10[%get3A_457, %get3A_458] {strides = array<i32>} : memref<56x128xi32, #tpu.memory_space<vmem>>, vector<16xi32>,
      %gather3A_460 = tpu.vector_load_idx %arg8[%get3A_459] : memref<100000xf32, #tpu.memory_space<vmem>>[vector<16xi32>], vector<16xf32>,
      %mul3A_461 = vector.broadcast %squeeze3A_399 : f32 to vector<16xf32>
      %mul3A_462 = arith.mulf %gather3A_460, %mul3A_461 : vector<16xf32>
      %add3A_463 = arith.addf %add3A_397, %mul3A_462 : vector<16xf32>
      %slice3A_464 = vector.extract_strided_slice %get3A_136 {offsets = [13], sizes = [1], strides = [1]} : vector<16xf32> to vector<1xf32>
      %squeeze3A_465 = vector.extract %slice3A_464[0] : f32 from vector<1xf32>
      %get3A_466 = arith.constant 53 : i32
      %get3A_467 = arith.index_cast %get3A_466 : i32 to index
      %get3A_468 = arith.constant 0 : index
      %get3A_469 = tpu.vector_load %arg10[%get3A_467, %get3A_468] {strides = array<i32>} : memref<56x128xi32, #tpu.memory_space<vmem>>, vector<16xi32>,
      %gather3A_470 = tpu.vector_load_idx %arg8[%get3A_469] : memref<100000xf32, #tpu.memory_space<vmem>>[vector<16xi32>], vector<16xf32>,
      %mul3A_471 = vector.broadcast %squeeze3A_465 : f32 to vector<16xf32>
      %mul3A_472 = arith.mulf %gather3A_470, %mul3A_471 : vector<16xf32>
      %add3A_473 = arith.addf %add3A_407, %mul3A_472 : vector<16xf32>
      %get3A_474 = arith.constant 53 : i32
      %get3A_475 = arith.index_cast %get3A_474 : i32 to index
      %get3A_476 = arith.constant 16 : index
      %get3A_477 = tpu.vector_load %arg10[%get3A_475, %get3A_476] {strides = array<i32>} : memref<56x128xi32, #tpu.memory_space<vmem>>, vector<16xi32>,
      %gather3A_478 = tpu.vector_load_idx %arg8[%get3A_477] : memref<100000xf32, #tpu.memory_space<vmem>>[vector<16xi32>], vector<16xf32>,
      %mul3A_479 = vector.broadcast %squeeze3A_465 : f32 to vector<16xf32>
      %mul3A_480 = arith.mulf %gather3A_478, %mul3A_479 : vector<16xf32>
      %add3A_481 = arith.addf %add3A_415, %mul3A_480 : vector<16xf32>
      %get3A_482 = arith.constant 53 : i32
      %get3A_483 = arith.index_cast %get3A_482 : i32 to index
      %get3A_484 = arith.constant 32 : index
      %get3A_485 = tpu.vector_load %arg10[%get3A_483, %get3A_484] {strides = array<i32>} : memref<56x128xi32, #tpu.memory_space<vmem>>, vector<16xi32>,
      %gather3A_486 = tpu.vector_load_idx %arg8[%get3A_485] : memref<100000xf32, #tpu.memory_space<vmem>>[vector<16xi32>], vector<16xf32>,
      %mul3A_487 = vector.broadcast %squeeze3A_465 : f32 to vector<16xf32>
      %mul3A_488 = arith.mulf %gather3A_486, %mul3A_487 : vector<16xf32>
      %add3A_489 = arith.addf %add3A_423, %mul3A_488 : vector<16xf32>
      %get3A_490 = arith.constant 53 : i32
      %get3A_491 = arith.index_cast %get3A_490 : i32 to index
      %get3A_492 = arith.constant 48 : index
      %get3A_493 = tpu.vector_load %arg10[%get3A_491, %get3A_492] {strides = array<i32>} : memref<56x128xi32, #tpu.memory_space<vmem>>, vector<16xi32>,
      %gather3A_494 = tpu.vector_load_idx %arg8[%get3A_493] : memref<100000xf32, #tpu.memory_space<vmem>>[vector<16xi32>], vector<16xf32>,
      %mul3A_495 = vector.broadcast %squeeze3A_465 : f32 to vector<16xf32>
      %mul3A_496 = arith.mulf %gather3A_494, %mul3A_495 : vector<16xf32>
      %add3A_497 = arith.addf %add3A_431, %mul3A_496 : vector<16xf32>
      %get3A_498 = arith.constant 53 : i32
      %get3A_499 = arith.index_cast %get3A_498 : i32 to index
      %get3A_500 = arith.constant 64 : index
      %get3A_501 = tpu.vector_load %arg10[%get3A_499, %get3A_500] {strides = array<i32>} : memref<56x128xi32, #tpu.memory_space<vmem>>, vector<16xi32>,
      %gather3A_502 = tpu.vector_load_idx %arg8[%get3A_501] : memref<100000xf32, #tpu.memory_space<vmem>>[vector<16xi32>], vector<16xf32>,
      %mul3A_503 = vector.broadcast %squeeze3A_465 : f32 to vector<16xf32>
      %mul3A_504 = arith.mulf %gather3A_502, %mul3A_503 : vector<16xf32>
      %add3A_505 = arith.addf %add3A_439, %mul3A_504 : vector<16xf32>
      %get3A_506 = arith.constant 53 : i32
      %get3A_507 = arith.index_cast %get3A_506 : i32 to index
      %get3A_508 = arith.constant 80 : index
      %get3A_509 = tpu.vector_load %arg10[%get3A_507, %get3A_508] {strides = array<i32>} : memref<56x128xi32, #tpu.memory_space<vmem>>, vector<16xi32>,
      %gather3A_510 = tpu.vector_load_idx %arg8[%get3A_509] : memref<100000xf32, #tpu.memory_space<vmem>>[vector<16xi32>], vector<16xf32>,
      %mul3A_511 = vector.broadcast %squeeze3A_465 : f32 to vector<16xf32>
      %mul3A_512 = arith.mulf %gather3A_510, %mul3A_511 : vector<16xf32>
      %add3A_513 = arith.addf %add3A_447, %mul3A_512 : vector<16xf32>
      %get3A_514 = arith.constant 53 : i32
      %get3A_515 = arith.index_cast %get3A_514 : i32 to index
      %get3A_516 = arith.constant 96 : index
      %get3A_517 = tpu.vector_load %arg10[%get3A_515, %get3A_516] {strides = array<i32>} : memref<56x128xi32, #tpu.memory_space<vmem>>, vector<16xi32>,
      %gather3A_518 = tpu.vector_load_idx %arg8[%get3A_517] : memref<100000xf32, #tpu.memory_space<vmem>>[vector<16xi32>], vector<16xf32>,
      %mul3A_519 = vector.broadcast %squeeze3A_465 : f32 to vector<16xf32>
      %mul3A_520 = arith.mulf %gather3A_518, %mul3A_519 : vector<16xf32>
      %add3A_521 = arith.addf %add3A_455, %mul3A_520 : vector<16xf32>
      %get3A_522 = arith.constant 53 : i32
      %get3A_523 = arith.index_cast %get3A_522 : i32 to index
      %get3A_524 = arith.constant 112 : index
      %get3A_525 = tpu.vector_load %arg10[%get3A_523, %get3A_524] {strides = array<i32>} : memref<56x128xi32, #tpu.memory_space<vmem>>, vector<16xi32>,
      %gather3A_526 = tpu.vector_load_idx %arg8[%get3A_525] : memref<100000xf32, #tpu.memory_space<vmem>>[vector<16xi32>], vector<16xf32>,
      %mul3A_527 = vector.broadcast %squeeze3A_465 : f32 to vector<16xf32>
      %mul3A_528 = arith.mulf %gather3A_526, %mul3A_527 : vector<16xf32>
      %add3A_529 = arith.addf %add3A_463, %mul3A_528 : vector<16xf32>
      %slice3A_530 = vector.extract_strided_slice %get3A_136 {offsets = [14], sizes = [1], strides = [1]} : vector<16xf32> to vector<1xf32>
      %squeeze3A_531 = vector.extract %slice3A_530[0] : f32 from vector<1xf32>
      %get3A_532 = arith.constant 54 : i32
      %get3A_533 = arith.index_cast %get3A_532 : i32 to index
      %get3A_534 = arith.constant 0 : index
      %get3A_535 = tpu.vector_load %arg10[%get3A_533, %get3A_534] {strides = array<i32>} : memref<56x128xi32, #tpu.memory_space<vmem>>, vector<16xi32>,
      %gather3A_536 = tpu.vector_load_idx %arg8[%get3A_535] : memref<100000xf32, #tpu.memory_space<vmem>>[vector<16xi32>], vector<16xf32>,
      %mul3A_537 = vector.broadcast %squeeze3A_531 : f32 to vector<16xf32>
      %mul3A_538 = arith.mulf %gather3A_536, %mul3A_537 : vector<16xf32>
      %add3A_539 = arith.addf %add3A_473, %mul3A_538 : vector<16xf32>
      %get3A_540 = arith.constant 54 : i32
      %get3A_541 = arith.index_cast %get3A_540 : i32 to index
      %get3A_542 = arith.constant 16 : index
      %get3A_543 = tpu.vector_load %arg10[%get3A_541, %get3A_542] {strides = array<i32>} : memref<56x128xi32, #tpu.memory_space<vmem>>, vector<16xi32>,
      %gather3A_544 = tpu.vector_load_idx %arg8[%get3A_543] : memref<100000xf32, #tpu.memory_space<vmem>>[vector<16xi32>], vector<16xf32>,
      %mul3A_545 = vector.broadcast %squeeze3A_531 : f32 to vector<16xf32>
      %mul3A_546 = arith.mulf %gather3A_544, %mul3A_545 : vector<16xf32>
      %add3A_547 = arith.addf %add3A_481, %mul3A_546 : vector<16xf32>
      %get3A_548 = arith.constant 54 : i32
      %get3A_549 = arith.index_cast %get3A_548 : i32 to index
      %get3A_550 = arith.constant 32 : index
      %get3A_551 = tpu.vector_load %arg10[%get3A_549, %get3A_550] {strides = array<i32>} : memref<56x128xi32, #tpu.memory_space<vmem>>, vector<16xi32>,
      %gather3A_552 = tpu.vector_load_idx %arg8[%get3A_551] : memref<100000xf32, #tpu.memory_space<vmem>>[vector<16xi32>], vector<16xf32>,
      %mul3A_553 = vector.broadcast %squeeze3A_531 : f32 to vector<16xf32>
      %mul3A_554 = arith.mulf %gather3A_552, %mul3A_553 : vector<16xf32>
      %add3A_555 = arith.addf %add3A_489, %mul3A_554 : vector<16xf32>
      %get3A_556 = arith.constant 54 : i32
      %get3A_557 = arith.index_cast %get3A_556 : i32 to index
      %get3A_558 = arith.constant 48 : index
      %get3A_559 = tpu.vector_load %arg10[%get3A_557, %get3A_558] {strides = array<i32>} : memref<56x128xi32, #tpu.memory_space<vmem>>, vector<16xi32>,
      %gather3A_560 = tpu.vector_load_idx %arg8[%get3A_559] : memref<100000xf32, #tpu.memory_space<vmem>>[vector<16xi32>], vector<16xf32>,
      %mul3A_561 = vector.broadcast %squeeze3A_531 : f32 to vector<16xf32>
      %mul3A_562 = arith.mulf %gather3A_560, %mul3A_561 : vector<16xf32>
      %add3A_563 = arith.addf %add3A_497, %mul3A_562 : vector<16xf32>
      %get3A_564 = arith.constant 54 : i32
      %get3A_565 = arith.index_cast %get3A_564 : i32 to index
      %get3A_566 = arith.constant 64 : index
      %get3A_567 = tpu.vector_load %arg10[%get3A_565, %get3A_566] {strides = array<i32>} : memref<56x128xi32, #tpu.memory_space<vmem>>, vector<16xi32>,
      %gather3A_568 = tpu.vector_load_idx %arg8[%get3A_567] : memref<100000xf32, #tpu.memory_space<vmem>>[vector<16xi32>], vector<16xf32>,
      %mul3A_569 = vector.broadcast %squeeze3A_531 : f32 to vector<16xf32>
      %mul3A_570 = arith.mulf %gather3A_568, %mul3A_569 : vector<16xf32>
      %add3A_571 = arith.addf %add3A_505, %mul3A_570 : vector<16xf32>
      %get3A_572 = arith.constant 54 : i32
      %get3A_573 = arith.index_cast %get3A_572 : i32 to index
      %get3A_574 = arith.constant 80 : index
      %get3A_575 = tpu.vector_load %arg10[%get3A_573, %get3A_574] {strides = array<i32>} : memref<56x128xi32, #tpu.memory_space<vmem>>, vector<16xi32>,
      %gather3A_576 = tpu.vector_load_idx %arg8[%get3A_575] : memref<100000xf32, #tpu.memory_space<vmem>>[vector<16xi32>], vector<16xf32>,
      %mul3A_577 = vector.broadcast %squeeze3A_531 : f32 to vector<16xf32>
      %mul3A_578 = arith.mulf %gather3A_576, %mul3A_577 : vector<16xf32>
      %add3A_579 = arith.addf %add3A_513, %mul3A_578 : vector<16xf32>
      %get3A_580 = arith.constant 54 : i32
      %get3A_581 = arith.index_cast %get3A_580 : i32 to index
      %get3A_582 = arith.constant 96 : index
      %get3A_583 = tpu.vector_load %arg10[%get3A_581, %get3A_582] {strides = array<i32>} : memref<56x128xi32, #tpu.memory_space<vmem>>, vector<16xi32>,
      %gather3A_584 = tpu.vector_load_idx %arg8[%get3A_583] : memref<100000xf32, #tpu.memory_space<vmem>>[vector<16xi32>], vector<16xf32>,
      %mul3A_585 = vector.broadcast %squeeze3A_531 : f32 to vector<16xf32>
      %mul3A_586 = arith.mulf %gather3A_584, %mul3A_585 : vector<16xf32>
      %add3A_587 = arith.addf %add3A_521, %mul3A_586 : vector<16xf32>
      %get3A_588 = arith.constant 54 : i32
      %get3A_589 = arith.index_cast %get3A_588 : i32 to index
      %get3A_590 = arith.constant 112 : index
      %get3A_591 = tpu.vector_load %arg10[%get3A_589, %get3A_590] {strides = array<i32>} : memref<56x128xi32, #tpu.memory_space<vmem>>, vector<16xi32>,
      %gather3A_592 = tpu.vector_load_idx %arg8[%get3A_591] : memref<100000xf32, #tpu.memory_space<vmem>>[vector<16xi32>], vector<16xf32>,
      %mul3A_593 = vector.broadcast %squeeze3A_531 : f32 to vector<16xf32>
      %mul3A_594 = arith.mulf %gather3A_592, %mul3A_593 : vector<16xf32>
      %add3A_595 = arith.addf %add3A_529, %mul3A_594 : vector<16xf32>
      %slice3A_596 = vector.extract_strided_slice %get3A_136 {offsets = [15], sizes = [1], strides = [1]} : vector<16xf32> to vector<1xf32>
      %squeeze3A_597 = vector.extract %slice3A_596[0] : f32 from vector<1xf32>
      %get3A_598 = arith.constant 55 : i32
      %get3A_599 = arith.index_cast %get3A_598 : i32 to index
      %get3A_600 = arith.constant 0 : index
      %get3A_601 = tpu.vector_load %arg10[%get3A_599, %get3A_600] {strides = array<i32>} : memref<56x128xi32, #tpu.memory_space<vmem>>, vector<16xi32>,
      %gather3A_602 = tpu.vector_load_idx %arg8[%get3A_601] : memref<100000xf32, #tpu.memory_space<vmem>>[vector<16xi32>], vector<16xf32>,
      %mul3A_603 = vector.broadcast %squeeze3A_597 : f32 to vector<16xf32>
      %mul3A_604 = arith.mulf %gather3A_602, %mul3A_603 : vector<16xf32>
      %add3A_605 = arith.addf %add3A_539, %mul3A_604 : vector<16xf32>
      %get3A_606 = arith.constant 55 : i32
      %get3A_607 = arith.index_cast %get3A_606 : i32 to index
      %get3A_608 = arith.constant 16 : index
      %get3A_609 = tpu.vector_load %arg10[%get3A_607, %get3A_608] {strides = array<i32>} : memref<56x128xi32, #tpu.memory_space<vmem>>, vector<16xi32>,
      %gather3A_610 = tpu.vector_load_idx %arg8[%get3A_609] : memref<100000xf32, #tpu.memory_space<vmem>>[vector<16xi32>], vector<16xf32>,
      %mul3A_611 = vector.broadcast %squeeze3A_597 : f32 to vector<16xf32>
      %mul3A_612 = arith.mulf %gather3A_610, %mul3A_611 : vector<16xf32>
      %add3A_613 = arith.addf %add3A_547, %mul3A_612 : vector<16xf32>
      %get3A_614 = arith.constant 55 : i32
      %get3A_615 = arith.index_cast %get3A_614 : i32 to index
      %get3A_616 = arith.constant 32 : index
      %get3A_617 = tpu.vector_load %arg10[%get3A_615, %get3A_616] {strides = array<i32>} : memref<56x128xi32, #tpu.memory_space<vmem>>, vector<16xi32>,
      %gather3A_618 = tpu.vector_load_idx %arg8[%get3A_617] : memref<100000xf32, #tpu.memory_space<vmem>>[vector<16xi32>], vector<16xf32>,
      %mul3A_619 = vector.broadcast %squeeze3A_597 : f32 to vector<16xf32>
      %mul3A_620 = arith.mulf %gather3A_618, %mul3A_619 : vector<16xf32>
      %add3A_621 = arith.addf %add3A_555, %mul3A_620 : vector<16xf32>
      %get3A_622 = arith.constant 55 : i32
      %get3A_623 = arith.index_cast %get3A_622 : i32 to index
      %get3A_624 = arith.constant 48 : index
      %get3A_625 = tpu.vector_load %arg10[%get3A_623, %get3A_624] {strides = array<i32>} : memref<56x128xi32, #tpu.memory_space<vmem>>, vector<16xi32>,
      %gather3A_626 = tpu.vector_load_idx %arg8[%get3A_625] : memref<100000xf32, #tpu.memory_space<vmem>>[vector<16xi32>], vector<16xf32>,
      %mul3A_627 = vector.broadcast %squeeze3A_597 : f32 to vector<16xf32>
      %mul3A_628 = arith.mulf %gather3A_626, %mul3A_627 : vector<16xf32>
      %add3A_629 = arith.addf %add3A_563, %mul3A_628 : vector<16xf32>
      %get3A_630 = arith.constant 55 : i32
      %get3A_631 = arith.index_cast %get3A_630 : i32 to index
      %get3A_632 = arith.constant 64 : index
      %get3A_633 = tpu.vector_load %arg10[%get3A_631, %get3A_632] {strides = array<i32>} : memref<56x128xi32, #tpu.memory_space<vmem>>, vector<16xi32>,
      %gather3A_634 = tpu.vector_load_idx %arg8[%get3A_633] : memref<100000xf32, #tpu.memory_space<vmem>>[vector<16xi32>], vector<16xf32>,
      %mul3A_635 = vector.broadcast %squeeze3A_597 : f32 to vector<16xf32>
      %mul3A_636 = arith.mulf %gather3A_634, %mul3A_635 : vector<16xf32>
      %add3A_637 = arith.addf %add3A_571, %mul3A_636 : vector<16xf32>
      %get3A_638 = arith.constant 55 : i32
      %get3A_639 = arith.index_cast %get3A_638 : i32 to index
      %get3A_640 = arith.constant 80 : index
      %get3A_641 = tpu.vector_load %arg10[%get3A_639, %get3A_640] {strides = array<i32>} : memref<56x128xi32, #tpu.memory_space<vmem>>, vector<16xi32>,
      %gather3A_642 = tpu.vector_load_idx %arg8[%get3A_641] : memref<100000xf32, #tpu.memory_space<vmem>>[vector<16xi32>], vector<16xf32>,
      %mul3A_643 = vector.broadcast %squeeze3A_597 : f32 to vector<16xf32>
      %mul3A_644 = arith.mulf %gather3A_642, %mul3A_643 : vector<16xf32>
      %add3A_645 = arith.addf %add3A_579, %mul3A_644 : vector<16xf32>
      %get3A_646 = arith.constant 55 : i32
      %get3A_647 = arith.index_cast %get3A_646 : i32 to index
      %get3A_648 = arith.constant 96 : index
      %get3A_649 = tpu.vector_load %arg10[%get3A_647, %get3A_648] {strides = array<i32>} : memref<56x128xi32, #tpu.memory_space<vmem>>, vector<16xi32>,
      %gather3A_650 = tpu.vector_load_idx %arg8[%get3A_649] : memref<100000xf32, #tpu.memory_space<vmem>>[vector<16xi32>], vector<16xf32>,
      %mul3A_651 = vector.broadcast %squeeze3A_597 : f32 to vector<16xf32>
      %mul3A_652 = arith.mulf %gather3A_650, %mul3A_651 : vector<16xf32>
      %add3A_653 = arith.addf %add3A_587, %mul3A_652 : vector<16xf32>
      %get3A_654 = arith.constant 55 : i32
      %get3A_655 = arith.index_cast %get3A_654 : i32 to index
      %get3A_656 = arith.constant 112 : index
      %get3A_657 = tpu.vector_load %arg10[%get3A_655, %get3A_656] {strides = array<i32>} : memref<56x128xi32, #tpu.memory_space<vmem>>, vector<16xi32>,
      %gather3A_658 = tpu.vector_load_idx %arg8[%get3A_657] : memref<100000xf32, #tpu.memory_space<vmem>>[vector<16xi32>], vector<16xf32>,
      %mul3A_659 = vector.broadcast %squeeze3A_597 : f32 to vector<16xf32>
      %mul3A_660 = arith.mulf %gather3A_658, %mul3A_659 : vector<16xf32>
      %add3A_661 = arith.addf %add3A_595, %mul3A_660 : vector<16xf32>
      %lt3A_662 = arith.constant 3 : i32
      %lt3A_663 = arith.cmpi slt, %scan3A_33, %lt3A_662 : i32
      %convert_element_type3A_664 = arith.extui %lt3A_663 : i1 to i32
      %cond3A_665 = arith.constant 0 : i32
      %cond3A_666 = arith.cmpi ne, %convert_element_type3A_664, %cond3A_665 : i32
      scf.if %cond3A_666 {
        %add3A_714 = arith.constant 1 : i32
        %add3A_715 = arith.addi %scan3A_33, %add3A_714 : i32
        %mul3A_716 = arith.constant 128 : i32
        %mul3A_717 = arith.muli %add3A_715, %mul3A_716 : i32
        %add3A_718 = arith.addi %mul3A_2, %mul3A_717 : i32
        %dma_start3A_719 = arith.constant 0 : i32
        %dma_start3A_720 = arith.constant 0 : i32
        %dma_start3A_721 = tpu.memref_slice %arg10[%dma_start3A_719, %dma_start3A_720] : memref<56x128xi32, #tpu.memory_space<vmem>> -> memref<48x128xi32, #tpu.memory_space<vmem>>
        %dma_start3A_722 = arith.constant 48 : i32
        %dma_start3A_723 = tpu.memref_slice %arg3[%dma_start3A_722, %add3A_718] : memref<200x16384xi32, #tpu.memory_space<hbm>> -> memref<48x128xi32, #tpu.memory_space<hbm>>
        %dma_start3A_724 = arith.constant 0 : i32
        %dma_start3A_725 = arith.constant 0 : i32
        %dma_start3A_726 = tpu.memref_slice %arg10[%dma_start3A_724, %dma_start3A_725] : memref<56x128xi32, #tpu.memory_space<vmem>> -> memref<48x128xi32, #tpu.memory_space<vmem>>
        %dma_start3A_727 = arith.constant 48 : i32
        %dma_start3A_728 = tpu.memref_slice %arg3[%dma_start3A_727, %add3A_718] : memref<200x16384xi32, #tpu.memory_space<hbm>> -> memref<48x128xi32, #tpu.memory_space<hbm>>
        tpu.enqueue_dma source(%dma_start3A_728 : memref<48x128xi32, #tpu.memory_space<hbm>>) target(%dma_start3A_726 : memref<48x128xi32, #tpu.memory_space<vmem>>) target_semaphore(%arg16 : memref<!tpu.dma_semaphore, #tpu.memory_space<semaphore_mem>>)
      } else {
      }
      %mul3A_667 = arith.constant 128 : i32
      %mul3A_668 = arith.muli %scan3A_33, %mul3A_667 : i32
      %add3A_669 = arith.constant 0 : i32
      %add3A_670 = arith.addi %mul3A_668, %add3A_669 : i32
      %swap3A = arith.index_cast %add3A_670 : i32 to index
      %swap3A_671 = tpu.vector_load %arg11[%swap3A] {strides = array<i32>} : memref<512xf32, #tpu.memory_space<vmem>>, vector<16xf32>,
      tpu.vector_store %arg11[%swap3A], %add3A_605 {strides = array<i32>} : memref<512xf32, #tpu.memory_space<vmem>>, vector<16xf32>,
      %mul3A_672 = arith.constant 128 : i32
      %mul3A_673 = arith.muli %scan3A_33, %mul3A_672 : i32
      %add3A_674 = arith.constant 16 : i32
      %add3A_675 = arith.addi %mul3A_673, %add3A_674 : i32
      %swap3A_676 = arith.index_cast %add3A_675 : i32 to index
      %swap3A_677 = tpu.vector_load %arg11[%swap3A_676] {strides = array<i32>} : memref<512xf32, #tpu.memory_space<vmem>>, vector<16xf32>,
      tpu.vector_store %arg11[%swap3A_676], %add3A_613 {strides = array<i32>} : memref<512xf32, #tpu.memory_space<vmem>>, vector<16xf32>,
      %mul3A_678 = arith.constant 128 : i32
      %mul3A_679 = arith.muli %scan3A_33, %mul3A_678 : i32
      %add3A_680 = arith.constant 32 : i32
      %add3A_681 = arith.addi %mul3A_679, %add3A_680 : i32
      %swap3A_682 = arith.index_cast %add3A_681 : i32 to index
      %swap3A_683 = tpu.vector_load %arg11[%swap3A_682] {strides = array<i32>} : memref<512xf32, #tpu.memory_space<vmem>>, vector<16xf32>,
      tpu.vector_store %arg11[%swap3A_682], %add3A_621 {strides = array<i32>} : memref<512xf32, #tpu.memory_space<vmem>>, vector<16xf32>,
      %mul3A_684 = arith.constant 128 : i32
      %mul3A_685 = arith.muli %scan3A_33, %mul3A_684 : i32
      %add3A_686 = arith.constant 48 : i32
      %add3A_687 = arith.addi %mul3A_685, %add3A_686 : i32
      %swap3A_688 = arith.index_cast %add3A_687 : i32 to index
      %swap3A_689 = tpu.vector_load %arg11[%swap3A_688] {strides = array<i32>} : memref<512xf32, #tpu.memory_space<vmem>>, vector<16xf32>,
      tpu.vector_store %arg11[%swap3A_688], %add3A_629 {strides = array<i32>} : memref<512xf32, #tpu.memory_space<vmem>>, vector<16xf32>,
      %mul3A_690 = arith.constant 128 : i32
      %mul3A_691 = arith.muli %scan3A_33, %mul3A_690 : i32
      %add3A_692 = arith.constant 64 : i32
      %add3A_693 = arith.addi %mul3A_691, %add3A_692 : i32
      %swap3A_694 = arith.index_cast %add3A_693 : i32 to index
      %swap3A_695 = tpu.vector_load %arg11[%swap3A_694] {strides = array<i32>} : memref<512xf32, #tpu.memory_space<vmem>>, vector<16xf32>,
      tpu.vector_store %arg11[%swap3A_694], %add3A_637 {strides = array<i32>} : memref<512xf32, #tpu.memory_space<vmem>>, vector<16xf32>,
      %mul3A_696 = arith.constant 128 : i32
      %mul3A_697 = arith.muli %scan3A_33, %mul3A_696 : i32
      %add3A_698 = arith.constant 80 : i32
      %add3A_699 = arith.addi %mul3A_697, %add3A_698 : i32
      %swap3A_700 = arith.index_cast %add3A_699 : i32 to index
      %swap3A_701 = tpu.vector_load %arg11[%swap3A_700] {strides = array<i32>} : memref<512xf32, #tpu.memory_space<vmem>>, vector<16xf32>,
      tpu.vector_store %arg11[%swap3A_700], %add3A_645 {strides = array<i32>} : memref<512xf32, #tpu.memory_space<vmem>>, vector<16xf32>,
      %mul3A_702 = arith.constant 128 : i32
      %mul3A_703 = arith.muli %scan3A_33, %mul3A_702 : i32
      %add3A_704 = arith.constant 96 : i32
      %add3A_705 = arith.addi %mul3A_703, %add3A_704 : i32
      %swap3A_706 = arith.index_cast %add3A_705 : i32 to index
      %swap3A_707 = tpu.vector_load %arg11[%swap3A_706] {strides = array<i32>} : memref<512xf32, #tpu.memory_space<vmem>>, vector<16xf32>,
      tpu.vector_store %arg11[%swap3A_706], %add3A_653 {strides = array<i32>} : memref<512xf32, #tpu.memory_space<vmem>>, vector<16xf32>,
      %mul3A_708 = arith.constant 128 : i32
      %mul3A_709 = arith.muli %scan3A_33, %mul3A_708 : i32
      %add3A_710 = arith.constant 112 : i32
      %add3A_711 = arith.addi %mul3A_709, %add3A_710 : i32
      %swap3A_712 = arith.index_cast %add3A_711 : i32 to index
      %swap3A_713 = tpu.vector_load %arg11[%swap3A_712] {strides = array<i32>} : memref<512xf32, #tpu.memory_space<vmem>>, vector<16xf32>,
      tpu.vector_store %arg11[%swap3A_712], %add3A_661 {strides = array<i32>} : memref<512xf32, #tpu.memory_space<vmem>>, vector<16xf32>,
    }
    %scan3A_32 = arith.constant 4 : i32
    "tpu.region"() ({
      %run_scoped3A = tpu.sem_alloc : memref<!tpu.dma_semaphore, #tpu.memory_space<semaphore_mem>>
      %dma_start3A_33 = tpu.memref_slice %arg6[%mul3A_2] : memref<16384xf32, #tpu.memory_space<hbm>> -> memref<512xf32, #tpu.memory_space<hbm>>
      %dma_start3A_34 = tpu.memref_slice %arg6[%mul3A_2] : memref<16384xf32, #tpu.memory_space<hbm>> -> memref<512xf32, #tpu.memory_space<hbm>>
      tpu.enqueue_dma source(%arg11 : memref<512xf32, #tpu.memory_space<vmem>>) target(%dma_start3A_34 : memref<512xf32, #tpu.memory_space<hbm>>) target_semaphore(%run_scoped3A : memref<!tpu.dma_semaphore, #tpu.memory_space<semaphore_mem>>)
      %dma_wait3A = tpu.memref_slice %arg6[%mul3A_2] : memref<16384xf32, #tpu.memory_space<hbm>> -> memref<512xf32, #tpu.memory_space<hbm>>
      %dma_wait3A_35 = tpu.memref_slice %arg6[%mul3A_2] : memref<16384xf32, #tpu.memory_space<hbm>> -> memref<512xf32, #tpu.memory_space<hbm>>
      tpu.wait_dma2 semaphore(%run_scoped3A : memref<!tpu.dma_semaphore, #tpu.memory_space<semaphore_mem>>) src(%arg11 : memref<512xf32, #tpu.memory_space<vmem>>) dst(%dma_wait3A_35 : memref<512xf32, #tpu.memory_space<hbm>>)
      tpu.yield
    }) : () -> ()
    return
  }
}

module attributes {stable_mosaic.version = 14 : i64} {
  func.func @_scores_body(%arg0: i32, %arg1: memref<1x64xf32, #tpu.memory_space<vmem>>, %arg2: memref<64x10240xf32, #tpu.memory_space<vmem>>, %arg3: memref<10240xf32, #tpu.memory_space<vmem>>) attributes {dimension_semantics = [#tpu.dimension_semantics<arbitrary>], iteration_bounds = array<i64: 10>, scalar_prefetch = 0 : i64, scratch_operands = 0 : i64, tpu.core_type = #tpu.core_type<tc>, window_params = [{pipeline_mode = #tpu.pipeline_mode<synchronous>, transform_indices = @transform_0, window_bounds = array<i64: 1, 64>}, {transform_indices = @transform_1, window_bounds = array<i64: 64, 10240>}, {transform_indices = @transform_2, window_bounds = array<i64: 10240>}]} {
    %get3A = arith.constant 0 : index
    %get3A_0 = arith.constant 0 : index
    %get3A_1 = vector.load %arg2[%get3A, %get3A_0] : memref<64x10240xf32, #tpu.memory_space<vmem>>, vector<64x10240xf32>
    %get3A_2 = arith.constant 0 : index
    %get3A_3 = arith.constant 0 : index
    %get3A_4 = vector.load %arg1[%get3A_2, %get3A_3] : memref<1x64xf32, #tpu.memory_space<vmem>>, vector<1x64xf32>
    %dot_general3A = arith.constant dense<0.000000e+00> : vector<1x10240xf32>
    %dot_general3A_5 = tpu.matmul %get3A_4, %get3A_1, %dot_general3A {dimension_numbers = #tpu.dot_dimension_numbers<[1], [0], [0], [1], [0, 0, 1, 1], [], []>, transpose_lhs_hint = false} : vector<1x64xf32>, vector<64x10240xf32>, vector<1x10240xf32> -> vector<1x10240xf32>
    %squeeze3A = vector.shape_cast %dot_general3A_5 : vector<1x10240xf32> to vector<10240xf32>
    %logistic3A = arith.negf %squeeze3A : vector<10240xf32>
    %logistic3A_6 = math.exp %logistic3A : vector<10240xf32>
    %logistic3A_7 = arith.constant 1.000000e+00 : f32
    %logistic3A_8 = vector.broadcast %logistic3A_7 : f32 to vector<10240xf32>
    %logistic3A_9 = arith.addf %logistic3A_8, %logistic3A_6 : vector<10240xf32>
    %logistic3A_10 = arith.divf %logistic3A_8, %logistic3A_9 : vector<10240xf32>
    %swap3A = arith.constant 0 : index
    %swap3A_11 = vector.load %arg3[%swap3A] : memref<10240xf32, #tpu.memory_space<vmem>>, vector<10240xf32>
    tpu.vector_store %arg3[%swap3A], %logistic3A_10 {strides = array<i32>} : memref<10240xf32, #tpu.memory_space<vmem>>, vector<10240xf32>,
    return
  }
  func.func @transform_0(%arg0: i32) -> (i32, i32) {
    %c0_i32 = arith.constant 0 : i32
    %c0_i32_0 = arith.constant 0 : i32
    %c0_i32_1 = arith.constant 0 : i32
    return %c0_i32, %c0_i32_0 : i32, i32
  }
  func.func @transform_1(%arg0: i32) -> (i32, i32) {
    %c0_i32 = arith.constant 0 : i32
    %c0_i32_0 = arith.constant 0 : i32
    return %c0_i32, %arg0 : i32, i32
  }
  func.func @transform_2(%arg0: i32) -> i32 {
    %c0_i32 = arith.constant 0 : i32
    return %arg0 : i32
  }
}

module attributes {stable_mosaic.version = 14 : i64} {
  func.func @_combine_body(%arg0: i32, %arg1: memref<200x4096xi32, #tpu.memory_space<vmem>>, %arg2: memref<200x1xi32, #tpu.memory_space<vmem>>, %arg3: memref<200x1xf32, #tpu.memory_space<vmem>>, %arg4: memref<200x1xf32, #tpu.memory_space<vmem>>, %arg5: memref<200x1xf32, #tpu.memory_space<vmem>>, %arg6: memref<4096xf32, #tpu.memory_space<vmem>>, %arg7: memref<4096xf32, #tpu.memory_space<vmem>>) attributes {dimension_semantics = [#tpu.dimension_semantics<arbitrary>], iteration_bounds = array<i64: 4>, scalar_prefetch = 0 : i64, scratch_operands = 0 : i64, tpu.core_type = #tpu.core_type<tc>, window_params = [{transform_indices = @transform_0, window_bounds = array<i64: 200, 4096>}, {pipeline_mode = #tpu.pipeline_mode<synchronous>, transform_indices = @transform_1, window_bounds = array<i64: 200, 1>}, {pipeline_mode = #tpu.pipeline_mode<synchronous>, transform_indices = @transform_2, window_bounds = array<i64: 200, 1>}, {pipeline_mode = #tpu.pipeline_mode<synchronous>, transform_indices = @transform_3, window_bounds = array<i64: 200, 1>}, {pipeline_mode = #tpu.pipeline_mode<synchronous>, transform_indices = @transform_4, window_bounds = array<i64: 200, 1>}, {transform_indices = @transform_5, window_bounds = array<i64: 4096>}, {transform_indices = @transform_6, window_bounds = array<i64: 4096>}]} {
    %get3A = arith.constant 0 : index
    %get3A_0 = arith.constant 0 : index
    %get3A_1 = vector.load %arg1[%get3A, %get3A_0] : memref<200x4096xi32, #tpu.memory_space<vmem>>, vector<200x4096xi32>
    %get3A_2 = arith.constant 0 : index
    %get3A_3 = arith.constant 0 : index
    %get3A_4 = vector.load %arg5[%get3A_2, %get3A_3] : memref<200x1xf32, #tpu.memory_space<vmem>>, vector<200x1xf32>
    %get3A_5 = arith.constant 0 : index
    %get3A_6 = arith.constant 0 : index
    %get3A_7 = vector.load %arg3[%get3A_5, %get3A_6] : memref<200x1xf32, #tpu.memory_space<vmem>>, vector<200x1xf32>
    %mul3A = arith.mulf %get3A_4, %get3A_7 : vector<200x1xf32>
    %get3A_8 = arith.constant 0 : index
    %get3A_9 = arith.constant 0 : index
    %get3A_10 = vector.load %arg4[%get3A_8, %get3A_9] : memref<200x1xf32, #tpu.memory_space<vmem>>, vector<200x1xf32>
    %add3A = arith.addf %mul3A, %get3A_10 : vector<200x1xf32>
    %get3A_11 = arith.constant 0 : index
    %get3A_12 = arith.constant 0 : index
    %get3A_13 = vector.load %arg2[%get3A_11, %get3A_12] : memref<200x1xi32, #tpu.memory_space<vmem>>, vector<200x1xi32>
    %eq3A = vector.broadcast %get3A_13 : vector<200x1xi32> to vector<200x4096xi32>
    %eq3A_14 = arith.cmpi eq, %get3A_1, %eq3A : vector<200x4096xi32>
    %convert_element_type3A = arith.extui %eq3A_14 : vector<200x4096xi1> to vector<200x4096xi32>
    %convert_element_type3A_15 = arith.sitofp %convert_element_type3A : vector<200x4096xi32> to vector<200x4096xf32>
    %dot_general3A = arith.constant dense<0.000000e+00> : vector<1x4096xf32>
    %dot_general3A_16 = tpu.matmul %add3A, %convert_element_type3A_15, %dot_general3A {dimension_numbers = #tpu.dot_dimension_numbers<[0], [0], [1], [1], [0, 1, 1, 1], [], []>, transpose_lhs_hint = false} : vector<200x1xf32>, vector<200x4096xf32>, vector<1x4096xf32> -> vector<1x4096xf32>
    %get3A_17 = arith.constant 0 : index
    %get3A_18 = arith.constant 0 : index
    %get3A_19 = vector.load %arg4[%get3A_17, %get3A_18] : memref<200x1xf32, #tpu.memory_space<vmem>>, vector<200x1xf32>
    %reduce_sum3A = vector.shape_cast %get3A_19 : vector<200x1xf32> to vector<1x200x1xf32>
    %reduce_sum3A_20 = arith.constant dense<0.000000e+00> : vector<1xf32>
    %reduce_sum3A_21 = vector.multi_reduction <add>, %reduce_sum3A, %reduce_sum3A_20 [1, 2] : vector<1x200x1xf32> to vector<1xf32>
    %reduce_sum3A_22 = vector.shape_cast %reduce_sum3A_21 : vector<1xf32> to vector<1x1x1xf32>
    %reduce_sum3A_23 = vector.extract %reduce_sum3A_22[0, 0, 0] : f32 from vector<1x1x1xf32>
    %get3A_24 = arith.constant 0 : index
    %get3A_25 = vector.load %arg6[%get3A_24] : memref<4096xf32, #tpu.memory_space<vmem>>, vector<4096xf32>
    %squeeze3A = vector.shape_cast %dot_general3A_16 : vector<1x4096xf32> to vector<4096xf32>
    %sub3A = vector.broadcast %reduce_sum3A_23 : f32 to vector<4096xf32>
    %sub3A_26 = arith.subf %sub3A, %squeeze3A : vector<4096xf32>
    %add3A_27 = arith.addf %get3A_25, %sub3A_26 : vector<4096xf32>
    %swap3A = arith.constant 0 : index
    %swap3A_28 = vector.load %arg7[%swap3A] : memref<4096xf32, #tpu.memory_space<vmem>>, vector<4096xf32>
    tpu.vector_store %arg7[%swap3A], %add3A_27 {strides = array<i32>} : memref<4096xf32, #tpu.memory_space<vmem>>, vector<4096xf32>,
    return
  }
  func.func @transform_0(%arg0: i32) -> (i32, i32) {
    %c0_i32 = arith.constant 0 : i32
    %c0_i32_0 = arith.constant 0 : i32
    return %c0_i32, %arg0 : i32, i32
  }
  func.func @transform_1(%arg0: i32) -> (i32, i32) {
    %c0_i32 = arith.constant 0 : i32
    %c0_i32_0 = arith.constant 0 : i32
    %c0_i32_1 = arith.constant 0 : i32
    return %c0_i32, %c0_i32_0 : i32, i32
  }
  func.func @transform_2(%arg0: i32) -> (i32, i32) {
    %c0_i32 = arith.constant 0 : i32
    %c0_i32_0 = arith.constant 0 : i32
    %c0_i32_1 = arith.constant 0 : i32
    return %c0_i32, %c0_i32_0 : i32, i32
  }
  func.func @transform_3(%arg0: i32) -> (i32, i32) {
    %c0_i32 = arith.constant 0 : i32
    %c0_i32_0 = arith.constant 0 : i32
    %c0_i32_1 = arith.constant 0 : i32
    return %c0_i32, %c0_i32_0 : i32, i32
  }
  func.func @transform_4(%arg0: i32) -> (i32, i32) {
    %c0_i32 = arith.constant 0 : i32
    %c0_i32_0 = arith.constant 0 : i32
    %c0_i32_1 = arith.constant 0 : i32
    return %c0_i32, %c0_i32_0 : i32, i32
  }
  func.func @transform_5(%arg0: i32) -> i32 {
    %c0_i32 = arith.constant 0 : i32
    return %arg0 : i32
  }
  func.func @transform_6(%arg0: i32) -> i32 {
    %c0_i32 = arith.constant 0 : i32
    return %arg0 : i32
  }
}

</mosaic_0001>

<sc_bundles>
// kernel: kernel.5.cloned.1.call-start
scs
__scs_entry_jumppad:
0x0: {  	(pc) =	sbr.rel $0x88, $3  }
0x1: {  	(tag) =	ssettag $0x0;
	lr =	simm.s32 $0x1  }
0x2: {  	[smem:$0x3F9B] =	sst lr;
	_ =	strace $0xD0000000  }
0x3: {  	_ = 	snop  }
0x4: {  	_ = 	snop  }
0x5: {  	_ = 	snop  }
0x6: {  	_ = 	snop  }
0x7: {  	_ = 	snop  }
__scs_overlays_trampoline_lowered:
0x8: {  	[smem:$0x3FAA] =	sst s0  }
0x9: {  	[smem:$0x3FAB] =	sst s1  }
0xa: {  	[smem:$0x3FAC] =	sst s2  }
0xb: {  	[smem:$0x3FAD] =	sst s3  }
0xc: {  	[smem:$0x3FAE] =	sst s4  }
0xd: {  	[smem:$0x3FAF] =	sst s5  }
0xe: {  	[smem:$0x3FB0] =	sst s6  }
0xf: {  	[smem:$0x3FB1] =	sst s7  }
0x10: {  	[smem:$0x3FB2] =	sst s8  }
0x11: {  	[smem:$0x3FB3] =	sst s9;
	s0 =	simm.s32 @!p0 $0x0  }
0x12: {  	s1 =	sld [smem:$0x3F99];
	s0 =	simm.s32 @p0 $0x1  }
0x13: {  	[smem:$0x3FB4] =	sst s0;
	s0 =	simm.s32 @!p1 $0x0  }
0x14: {  	s2 =	sld [smem:$0x3F98];
	s0 =	simm.s32 @p1 $0x1  }
0x15: {  	[smem:$0x3FB5] =	sst s0;
	s0 =	simm.s32 @!p2 $0x0  }
0x16: {  	s3 =	sld [smem:$0x3FDB];
	s0 =	simm.s32 @p2 $0x1  }
0x17: {  	s4 =	simm.s32 $0x1BF5;
	[smem:$0x3FB7] =	sst s0  }
0x18: {  	s0 =	sld [smem:$0x3F9A];
	_ =	swait.ge [sflag:s4], $0x0  }
0x19: {  	s7 =	sld [smem:$0x3F9B]  }
0x1a: {  	s8 =	sadd.s32 $0xFFFFE003, lr  }
0x1b: {  	s9 =	sadd.s32 $0xFFFFFEF7, lr;
	s5 =	simm.s32 $0xFFFFFFFF;
	p2 =	slt.u32 s8, $0xFFFFF086  }
0x1c: {  	p1 =	slt.u32 s9, $0xF7A;
	s5 =	simm.s32 @!p2 $0x0  }
0x1d: {  	s5 =	simm.s32 @p1 $0x1;
	p0 =	seq.s32 s7, s2  }
0x1e: {  	s7 =	smul.u32 @!p0 $0xF7A, s2;
	p2 =	seq.s32 @!p0 s5, $0x0  }
0x1f: {  	s9 =	smul.u32 $0xF7A, s1;
	s8 =	simm.s32 @!p0 $0x1BF5;
	p2 =	por !p2, p0  }
0x20: {  	[sflag:s8] =	ssyncset.s32 @!p0 $0xFFFFF086;
	s6 =	sadd.s32 @!p0 s3, s7;
	s7 =	simm.s32 @!p0 $0x108  }
0x21: {  	s3 =	sadd.s32 s3, s9;
	s6 =	sadd.s32 @!p0 $0x88, s6;
	s7 =	simm.s32 @p2 $0x1082  }
0x22: {  	[simem:s7], [sflag:s8] =	dma.local @!p0 [hbm:s6], $0xF7A  }
0x23: {  	s9 =	sor.u32 $0xD0000000, s2;
	s6 =	simm.s32 $0x108;
	_ =	swait.ge @!p0 [sflag:s8], $0x0  }
0x24: {  	s3 =	sadd.s32 $0x88, s3;
	s6 =	simm.s32 @!p1 $0x1082;
	[sflag:s4] =	ssyncset.s32 $0xFFFFF086  }
0x25: {  	[simem:s6], [sflag:s4] =	dma.local [hbm:s3], $0xF7A  }
0x26: {  	[smem:$0x3F9B] =	sst s1;
	(tag) =	ssettag s2;
	_ =	strace s9  }
0x27: {  	s1 =	sld [smem:$0x3FAB]  }
0x28: {  	s2 =	sld [smem:$0x3FAC]  }
0x29: {  	s4 =	sld [smem:$0x3FAE]  }
0x2a: {  	p0 =	seq.s32 s5, $0x0;
	s5 =	sld [smem:$0x3FAF]  }
0x2b: {  	s6 =	sld [smem:$0x3FB0]  }
0x2c: {  	s7 =	sld [smem:$0x3FB1]  }
0x2d: {  	s3 =	simm.s32 $0x108;
	s8 =	sld [smem:$0x3FB2]  }
0x2e: {  	s3 =	simm.s32 @!p0 $0x1082;
	s9 =	sld [smem:$0x3FB3]  }
0x2f: {  	lr =	sadd.s32 s0, s3;
	s0 =	sld [smem:$0x3FAA]  }
0x30: {  	s3 =	sld [smem:$0x3FAD]  }
0x31: {  	[smem:$0x3FB6] =	sst s10  }
0x32: {  	s10 =	sld [smem:$0x3FB4];
	_ =	sdelay $0x3  }
0x33: {  	p0 =	seq.s32 s10, $0x1;
	s10 =	sld [smem:$0x3FB6];
	_ =	sdelay $0x3  }
0x34: {  	[smem:$0x3FB6] =	sst s10  }
0x35: {  	s10 =	sld [smem:$0x3FB5];
	_ =	sdelay $0x3  }
0x36: {  	p1 =	seq.s32 s10, $0x1;
	s10 =	sld [smem:$0x3FB6];
	_ =	sdelay $0x3  }
0x37: {  	[smem:$0x3FB6] =	sst s10  }
0x38: {  	s10 =	sld [smem:$0x3FB7]  }
0x39: {  	_ = 	snop;
	(pc) =	sbr.ind lr, $3  }
0x3a: {  	_ = 	snop  }
0x3b: {  	_ = 	snop  }
0x3c: {  	p2 =	seq.s32 s10, $0x1;
	s10 =	sld [smem:$0x3FB6]  }
0x3d: {  	_ =	shalt  }
0x3e: {  	_ =	shalt  }
0x3f: {  	_ =	shalt  }
0x40: {  	_ =	shalt  }
0x41: {  	_ =	shalt  }
0x42: {  	_ =	shalt  }
0x43: {  	_ =	shalt  }
0x44: {  	_ =	shalt  }
0x45: {  	_ =	shalt  }
0x46: {  	_ =	shalt  }
0x47: {  	_ =	shalt  }
0x48: {  	_ =	shalt  }
0x49: {  	_ =	shalt  }
0x4a: {  	_ =	shalt  }
0x4b: {  	_ =	shalt  }
0x4c: {  	_ =	shalt  }
0x4d: {  	_ =	shalt  }
0x4e: {  	_ =	shalt  }
0x4f: {  	_ =	shalt  }
0x50: {  	_ =	shalt  }
0x51: {  	_ =	shalt  }
0x52: {  	_ =	shalt  }
0x53: {  	_ =	shalt  }
0x54: {  	_ =	shalt  }
0x55: {  	_ =	shalt  }
0x56: {  	_ =	shalt  }
0x57: {  	_ =	shalt  }
0x58: {  	_ =	shalt  }
0x59: {  	_ =	shalt  }
0x5a: {  	_ =	shalt  }
0x5b: {  	_ =	shalt  }
0x5c: {  	_ =	shalt  }
0x5d: {  	_ =	shalt  }
0x5e: {  	_ =	shalt  }
0x5f: {  	_ =	shalt  }
0x60: {  	_ =	shalt  }
0x61: {  	_ =	shalt  }
0x62: {  	_ =	shalt  }
0x63: {  	_ =	shalt  }
0x64: {  	_ =	shalt  }
0x65: {  	_ =	shalt  }
0x66: {  	_ =	shalt  }
0x67: {  	_ =	shalt  }
0x68: {  	_ =	shalt  }
0x69: {  	_ =	shalt  }
0x6a: {  	_ =	shalt  }
0x6b: {  	_ =	shalt  }
0x6c: {  	_ =	shalt  }
0x6d: {  	_ =	shalt  }
0x6e: {  	_ =	shalt  }
0x6f: {  	_ =	shalt  }
0x70: {  	_ =	shalt  }
0x71: {  	_ =	shalt  }
0x72: {  	_ =	shalt  }
0x73: {  	_ =	shalt  }
0x74: {  	_ =	shalt  }
0x75: {  	_ =	shalt  }
0x76: {  	_ =	shalt  }
0x77: {  	_ =	shalt  }
0x78: {  	_ =	shalt  }
0x79: {  	_ =	shalt  }
0x7a: {  	_ =	shalt  }
0x7b: {  	_ =	shalt  }
0x7c: {  	_ =	shalt  }
0x7d: {  	_ =	shalt  }
0x7e: {  	_ =	shalt  }
0x7f: {  	_ =	shalt  }
0x80: {  	_ =	shalt  }
0x81: {  	_ =	shalt  }
0x82: {  	_ =	shalt  }
0x83: {  	_ =	shalt  }
0x84: {  	_ =	shalt  }
0x85: {  	_ =	shalt  }
0x86: {  	_ =	shalt  }
0x87: {  	_ =	shalt  }
.Lfunc_end0:
.L_simem_size_0:
called_computation_lowered:
.L_overlay_start_0:
0x88: {  	s2 =	sld [smem:$0x3FD9]  }
0x89: {  	s3 =	sld [smem:$0x3FFE];
	_ =	sdelay $0x1  }
0x8a: {  	s1 =	srdreg.scid  }
0x8b: {  	s0 =	sand.u32 $0x1, s1  }
0x8c: {  	s17 =	sshll.u32 s0, $0xA;
	s2 =	sadd.s32 s3, s2  }
0x8d: {  	s2 =	sadd.s32 s2, s17  }
0x8e: {  	[smem:$0x3FC2] =	sst s2  }
0x8f: {  	_ = 	snop  }
0x90: {  	s2 =	sld [smem:$0x3FC9]  }
0x91: {  	s18 =	sld [smem:$0x3FC6]  }
0x92: {  	s4 =	sld [smem:$0x3FC4]  }
0x93: {  	s5 =	sld [smem:$0x3FD0];
	(tm) =	ssettm $0x1  }
0x94: {  	s6 =	sld [smem:$0x3FFB];
	_ =	sdelay $0x3  }
0x95: {  	_ =	strace s6  }
0x96: {  	s6 =	sld [smem:$0x3FFC];
	_ =	sdelay $0x3  }
0x97: {  	_ =	strace s6  }
0x98: {  	s6 =	sld [smem:$0x3FFD];
	_ =	sdelay $0x3  }
0x99: {  	_ =	strace s6  }
0x9a: {  	_ =	strace $0x8FFFFFFF  }
0x9b: {  	s19 =	sld [smem:$0x3FDB];
	_ =	sdelay $0x1  }
0x9c: {  	s7 =	simm.s32 $_scs_section_size  }
0x9d: {  	s8 =	simm.s32 $_size__tile_overlayer_lowered;
	s9 =	simm.s32 $_tile_overlayer_lowered  }
0x9e: {  	s22 =	simm.s32 $0x1BFF;
	s21 =	sshll.u32 s9, $0x1;
	s6 =	sadd.s32 s7, s19  }
0x9f: {  	s10 =	simm.s32 $0x0;
	s20 =	sshll.u32 s8, $0x1;
	s8 =	sadd.s32 s21, s6  }
0xa0: {  	[timem:s10], [sflag:s22] =	dma.local [hbm:s8], s20  }
0xa1: {  	_ =	swait.ge [sflag:s22], s20  }
0xa2: {  	s7 =	ssub.s32 $0x0, s20;
	[sflag:s22] =	ssyncset.done $0x0  }
0xa3: {  	[sflag:s22] =	ssyncadd.s32 s7;
	_ =	sdelay $0x1  }
0xa4: {  	s23 =	simm.s32 $0x1B8B  }
0xa5: {  	_ =	swait.ge [sflag:s23], $0x1  }
0xa6: {  	[sflag:s23] =	ssyncset.done $0x0  }
0xa7: {  	s25 =	simm.s32 $0x1B8E;
	s24 =	sld [smem:$0x3FFE];
	[sflag:s23] =	ssyncadd.s32 $0xFFFFFFFF  }
0xa8: {  	s26 =	simm.s32 $execute0_lowered;
	[smem:$0x3FD2] =	sst s25  }
0xa9: {  	s8 =	sshll.u32 s26, $0x1;
	_ =	strace $0x80000046;
	[dreg:$0x1] =	wrdreg $0xFFFFFFFF  }
0xaa: {  	s28 =	simm.s32 $_size_execute0_lowered;
	s6 =	sadd.s32 s6, s8;
	[dreg:$0x0] =	wrdreg $0x0  }
0xab: {  	s8 =	sshll.u32 s28, $0x1;
	[dreg:$0x2] =	wrdreg s6  }
0xac: {  	[dreg:$0x3] =	wrdreg s8  }
0xad: {  	[dreg:$0x4] =	wrdreg $0xC0  }
0xae: {  	_ =	task [dreg:s10], $0x5FFFF  }
0xaf: {  	[dreg:$0x1] =	wrdreg $0xFFFFFFFF  }
0xb0: {  	[dreg:$0x0] =	wrdreg $0x60  }
0xb1: {  	[dreg:$0x2] =	wrdreg s24  }
0xb2: {  	[dreg:$0x3] =	wrdreg s2  }
0xb3: {  	[dreg:$0x4] =	wrdreg s18  }
0xb4: {  	[dreg:$0x5] =	wrdreg s4  }
0xb5: {  	[dreg:$0x6] =	wrdreg s5  }
0xb6: {  	[dreg:$0x7] =	wrdreg $0x9  }
0xb7: {  	_ =	task.clear_ibuf [dreg:s10], $0x8FFFF;
	_ =	strace $0x90000046  }
0xb8: {  	s29 =	simm.s32 $0x9;
	_ =	strace $0x8000004D  }
0xb9: {  	_ =	swait.ge [sflag:s29], $0x1  }
0xba: {  	[sflag:s29] =	ssyncadd.s32 $0xFFFFFFFF  }
0xbb: {  	_ =	strace $0x9000004D  }
0xbc: {  	_ =	sfence  }
0xbd: {  	s30 =	sld [smem:$0x0];
	_ =	sdelay $0x2  }
0xbe: {  	s31 =	sshll.u32 s1, $0xD;
	s1 =	sshrl.u32 s1, $0x2  }
0xbf: {  	s3 =	sand.u32 $0x4000, s31;
	s1 =	sadd.s32 s1, s30  }
0xc0: {  	s0 =	sor.u32 s3, s0;
	s1 =	sshll.u32 s1, $0x11  }
0xc1: {  	s0 =	sor.u32 s1, s0  }
0xc2: {  	s0 =	sadd.s32 $0x8F2B, s0  }
0xc3: {  	[sflag:s0] =	ssyncadd.remote.s32 $0x1  }
0xc4: {  	_ =	sfence.sel $0xFFFF  }
0xc5: {  	[dreg:$0x0] =	wrdreg $0xFFFFFFFF;
	(pc) =	sbr.abs _section_cstart, $3  }
0xc6: {  	[dreg:$0x1] =	wrdreg $0xFFFFFFFF  }
0xc7: {  	_ =	task.clear_ibuf [dreg:s10], $0x2FFFF;
	_ =	strace $0x9FFFFFFF  }
0xc8: {  	(tm) =	ssettm $0x7FFFFFFF  }
0xc9: {  	_ =	shalt  }
tec
execute0_lowered:
.L_overlay_start_1:
0x0: {  	(tag) =	ssettag $0x1  }
0x1: {  	s8 =	rddreg [dreg:$0x0]  }
0x2: {  	s11 =	rddreg [dreg:$0x1]  }
0x3: {  	s1 =	rddreg [dreg:$0x2]  }
0x4: {  	s3 =	rddreg [dreg:$0x3]  }
0x5: {  	s14 =	rddreg [dreg:$0x4];
	s5 =	srdreg.scid  }
0x6: {  	s2 =	stileid.u32;
	s4 =	simm.s32 $0x0;
	s18 =	simm.s32 $0x18700  }
0x7: {  	s19 =	simm.s32 $0x1A300;
	s20 =	simm.s32 $0x3;
	s21 =	simm.s32 $0x1C100  }
0x8: {  	s22 =	simm.s32 $0x1;
	s23 =	simm.s32 $0x2;
	s24 =	simm.s32 $0x1BF00  }
0x9: {  	s5 =	sand.u32 $0x1, s5;
	s6 =	sshll.u32 s2, $0x1;
	[smem:$0x7FF] =	sst s4  }
0xa: {  	s25 =	simm.s32 $0x0;
	s16 =	sor.u32 s5, s6;
	_ =	strace $0x80000047  }
0xb: {  	s9 =	ssub.s32 $0x2, s5;
	s6 =	sadd.s32 $0x2400, s8;
	s8 =	sadd.s32 $0x5600, s8  }
0xc: {  	s5 =	sshll.u32 s16, $0x9;
	s10 =	sshrl.u32 s9, $0x1;
	s17 =	sshll.u32 s16, $0x6  }
0xd: {  	p0 =	sne.s32 s16, $0x0;
	s16 =	simm.s32 $0x400;
	s7 =	sadd.s32 s11, s5  }
0xe: {  	s15 =	ssub.s32 s9, s10;
	s10 =	sadd.s32 $0x30000, s11;
	s11 =	sadd.s32 $0x48000, s11  }
0xf: {  	s14 =	sadd.s32 s14, s17;
	s17 =	simm.s32 $0x20000;
	s9 =	sadd.s32 $0x18000, s7  }
0x10: {  	s12 =	sadd.s32 $0x80, s7;
	s13 =	sadd.s32 $0x18080, s7;
	s15 =	smax.u32 s15, $0x1  }
.LBB2_1:
0x11: {  	[tilespmem:s18], [sflag:$0x1] =	stream.strided.gather [hbm4b:s7+s16], $0x1800, s17, s16, $0x38;
	[tilespmem:$0x1C400] =	vst v63  }
0x12: {  	_ = 	snop  }
0x13: {  	[tilespmem:s19], [sflag:$0x2] =	stream.strided.gather [hbm4b:s9+s16], $0x1800, s17, s16, $0x38;
	[tilespmem:$0x1C400] =	vst v63  }
0x14: {  	_ =	strace $0x80000048  }
0x15: {  	[tilespmem:s4], [sflag:$0x3] =	stream.linear.gather [hbm4b:s6+s4], $0x186A0, $0x200038;
	[tilespmem:$0x1C400] =	vst v63  }
0x16: {  	_ =	swait.ge [sflag:s20], $0x186A0  }
0x17: {  	[sflag:s20] =	ssyncset.done $0x0  }
0x18: {  	[sflag:s20] =	ssyncadd.s32 $0xFFFE7960  }
0x19: {  	[tilespmem:s21], [sflag:$0x3] =	stream.linear.gather [hbm4b:s1+s4], $0x100, $0x200038;
	[tilespmem:$0x1C400] =	vst v63  }
0x1a: {  	_ =	swait.ge [sflag:s20], $0x100  }
0x1b: {  	[sflag:s20] =	ssyncset.done $0x0  }
0x1c: {  	[sflag:s20] =	ssyncadd.s32 $0xFFFFFF00  }
0x1d: {  	s26 =	simm.s32 @!p0 $0x0;
	s28 =	simm.s32 @!p0 $0x1C200;
	_ =	strace $0x90000048  }
0x1e: {  	[tilespmem:s28], [sflag:$0x3] =	stream.linear.gather @!p0 [hbm4b:s3+s26], $0x100, $0x38;
	[tilespmem:$0x1C400] =	vst v63  }
0x1f: {  	s28 =	simm.s32 @!p0 $0x3  }
0x20: {  	_ =	swait.ge @!p0 [sflag:s28], $0x100  }
0x21: {  	[sflag:s28] =	ssyncset.done @!p0 $0x0  }
0x22: {  	[sflag:s28] =	ssyncadd.s32 @!p0 $0xFFFFFF00  }
0x23: {  	v0 =	vld @!p0 [tilespmem:$0x1C200];
	_ =	sdelay $0x5  }
0x24: {  	v1 =	vld @!p0 [tilespmem:$0x1C210];
	_ =	sdelay $0x1  }
0x25: {  	v0 =	vld.idx.msk @!p0 [tilespmem:v0+s26+$0x0], $0xffff;
	_ =	sdelay $0x3  }
0x26: {  	v2 =	vld @!p0 [tilespmem:$0x1C220]  }
0x27: {  	[tilespmem:$0x1C300] =	vst @!p0 v0  }
0x28: {  	v0 =	vld.idx.msk @!p0 [tilespmem:v1+s26+$0x0], $0xffff;
	_ =	sdelay $0x3  }
0x29: {  	v1 =	vld @!p0 [tilespmem:$0x1C230]  }
0x2a: {  	[tilespmem:$0x1C310] =	vst @!p0 v0  }
0x2b: {  	v0 =	vld.idx.msk @!p0 [tilespmem:v2+s26+$0x0], $0xffff;
	_ =	sdelay $0x3  }
0x2c: {  	v2 =	vld @!p0 [tilespmem:$0x1C240]  }
0x2d: {  	[tilespmem:$0x1C320] =	vst @!p0 v0  }
0x2e: {  	v0 =	vld.idx.msk @!p0 [tilespmem:v1+s26+$0x0], $0xffff;
	_ =	sdelay $0x3  }
0x2f: {  	v1 =	vld @!p0 [tilespmem:$0x1C250]  }
0x30: {  	[tilespmem:$0x1C330] =	vst @!p0 v0  }
0x31: {  	v0 =	vld.idx.msk @!p0 [tilespmem:v2+s26+$0x0], $0xffff;
	_ =	sdelay $0x3  }
0x32: {  	v2 =	vld @!p0 [tilespmem:$0x1C260]  }
0x33: {  	[tilespmem:$0x1C340] =	vst @!p0 v0  }
0x34: {  	v0 =	vld.idx.msk @!p0 [tilespmem:v1+s26+$0x0], $0xffff;
	_ =	sdelay $0x3  }
0x35: {  	v1 =	vld @!p0 [tilespmem:$0x1C270]  }
0x36: {  	[tilespmem:$0x1C350] =	vst @!p0 v0  }
0x37: {  	v0 =	vld.idx.msk @!p0 [tilespmem:v2+s26+$0x0], $0xffff;
	_ =	sdelay $0x3  }
0x38: {  	v2 =	vld @!p0 [tilespmem:$0x1C280]  }
0x39: {  	[tilespmem:$0x1C360] =	vst @!p0 v0  }
0x3a: {  	v0 =	vld.idx.msk @!p0 [tilespmem:v1+s26+$0x0], $0xffff;
	_ =	sdelay $0x3  }
0x3b: {  	v1 =	vld @!p0 [tilespmem:$0x1C290]  }
0x3c: {  	[tilespmem:$0x1C370] =	vst @!p0 v0  }
0x3d: {  	v0 =	vld.idx.msk @!p0 [tilespmem:v2+s26+$0x0], $0xffff;
	_ =	sdelay $0x3  }
0x3e: {  	v2 =	vld @!p0 [tilespmem:$0x1C2A0]  }
0x3f: {  	[tilespmem:$0x1C380] =	vst @!p0 v0  }
0x40: {  	v0 =	vld.idx.msk @!p0 [tilespmem:v1+s26+$0x0], $0xffff;
	_ =	sdelay $0x3  }
0x41: {  	v1 =	vld @!p0 [tilespmem:$0x1C2B0]  }
0x42: {  	[tilespmem:$0x1C390] =	vst @!p0 v0  }
0x43: {  	v0 =	vld.idx.msk @!p0 [tilespmem:v2+s26+$0x0], $0xffff;
	_ =	sdelay $0x3  }
0x44: {  	v2 =	vld @!p0 [tilespmem:$0x1C2B8]  }
0x45: {  	[tilespmem:$0x1C3A0] =	vst @!p0 v0  }
0x46: {  	v0 =	vld.idx.msk @!p0 [tilespmem:v1+s26+$0x0], $0xffff;
	_ =	sdelay $0x4  }
0x47: {  	[tilespmem:$0x1C3B0] =	vst @!p0 v0  }
0x48: {  	v0 =	vld.idx.msk @!p0 [tilespmem:v2+s26+$0x0], $0xffff;
	_ =	sdelay $0x4  }
0x49: {  	s29 =	simm.s32 @!p0 $0x1C300;
	[tilespmem:$0x1C3B8] =	vst @!p0 v0  }
0x4a: {  	[hbm4b:s8+s26] =	stream.linear.scatter @!p0 [tilespmem:s29], [sflag:$0x3], $0x100, $0x38;
	[tilespmem:$0x1C400] =	vst v63  }
0x4b: {  	_ =	swait.ge @!p0 [sflag:s28], $0x100  }
0x4c: {  	[sflag:s28] =	ssyncset.done @!p0 $0x0  }
0x4d: {  	s26 =	simm.s32 $0x0;
	[sflag:s28] =	ssyncadd.s32 @!p0 $0xFFFFFF00  }
.LBB2_2:
0x4e: {  	_ =	strace $0x80000049  }
0x4f: {  	_ =	swait.ge [sflag:s22], $0x1800  }
0x50: {  	[sflag:s22] =	ssyncset.done $0x0  }
0x51: {  	[sflag:s22] =	ssyncadd.s32 $0xFFFFE800  }
0x52: {  	s28 =	simm.s32 $0x18900;
	_ =	strace $0x90000049  }
0x53: {  	v0 =	vld [tilespmem:s28+$0x180]  }
0x54: {  	v1 =	vld [tilespmem:s28+$0x190]  }
0x55: {  	v2 =	vld [tilespmem:s28+$0x1A0]  }
0x56: {  	v3 =	vld [tilespmem:s28+$0x1B0]  }
0x57: {  	v4 =	vld [tilespmem:s28+$0x1C0]  }
0x58: {  	v5 =	vld [tilespmem:s28+$0x1D0]  }
0x59: {  	v6 =	vld [tilespmem:s28+$0x1E0]  }
0x5a: {  	v24 =	vld [tilespmem:s28+$0x1F0]  }
0x5b: {  	v7 =	vld [tilespmem:s28+$0x110]  }
0x5c: {  	v8 =	vld [tilespmem:s28+$0x120]  }
0x5d: {  	v9 =	vld [tilespmem:s28+$0x130]  }
0x5e: {  	v10 =	vld [tilespmem:s28+$0x140]  }
0x5f: {  	v11 =	vld [tilespmem:s28+$0x150]  }
0x60: {  	v12 =	vld [tilespmem:s28+$0x160]  }
0x61: {  	v19 =	vld [tilespmem:s28+$0x90]  }
0x62: {  	v14 =	vld [tilespmem:s28+$0xA0]  }
0x63: {  	v15 =	vld [tilespmem:s28+$0xB0]  }
0x64: {  	v17 =	vld [tilespmem:s28+$0xC0]  }
0x65: {  	v18 =	vld [tilespmem:s28+$0xD0]  }
0x66: {  	v13 =	vld [tilespmem:s28+$0xE0]  }
0x67: {  	v38 =	vld [tilespmem:s28+$0x0]  }
0x68: {  	v54 =	vld [tilespmem:s28+$0x10]  }
0x69: {  	v23 =	vld [tilespmem:s28+$0x20]  }
0x6a: {  	v26 =	vld [tilespmem:s28+$0x30]  }
0x6b: {  	v62 =	vld [tilespmem:s28+$0x40]  }
0x6c: {  	v16 =	vld [tilespmem:s28+$0x50]  }
0x6d: {  	s29 =	simm.s32 $0x0;
	v21 =	vld [tilespmem:s28+$0x60]  }
0x6e: {  	v32 =	vld [tilespmem:s29+$0x1C100]  }
0x6f: {  	v29 =	vld [tilespmem:s28+$0xFFFFFF80]  }
0x70: {  	v33 =	vld [tilespmem:s28+$0xFFFFFF90]  }
0x71: {  	v61 =	vld [tilespmem:s28+$0xFFFFFFC0]  }
0x72: {  	v20 =	vld [tilespmem:s28+$0xFFFFFFD0]  }
0x73: {  	v25 =	vld [tilespmem:s28+$0xFFFFFFE0]  }
0x74: {  	v34 =	vld [tilespmem:s28+$0xFFFFFF00]  }
0x75: {  	v35 =	vld [tilespmem:s28+$0xFFFFFF10]  }
0x76: {  	v39 =	vld [tilespmem:s28+$0xFFFFFF20]  }
0x77: {  	v50 =	vld [tilespmem:s28+$0xFFFFFF30]  }
0x78: {  	v45 =	vld [tilespmem:s28+$0xFFFFFF40]  }
0x79: {  	v44 =	vld [tilespmem:s28+$0xFFFFFF50]  }
0x7a: {  	v31 =	vld [tilespmem:s28+$0xFFFFFF60]  }
0x7b: {  	v30 =	vld [tilespmem:s28+$0xFFFFFF70]  }
0x7c: {  	v40 =	vld [tilespmem:s28+$0xFFFFFE80]  }
0x7d: {  	v41 =	vld [tilespmem:s28+$0xFFFFFE90]  }
0x7e: {  	v47 =	vld [tilespmem:s28+$0xFFFFFEB0]  }
0x7f: {  	v42 =	vld [tilespmem:s28+$0xFFFFFE00]  }
0x80: {  	v43 =	vld [tilespmem:s28+$0xFFFFFE10]  }
0x81: {  	v48 =	vld [tilespmem:s28+$0xFFFFFE20]  }
0x82: {  	v49 =	vld [tilespmem:s28+$0xFFFFFE30]  }
0x83: {  	[tilespmem:$0x1FEE0] =	vst v6;
	v6 =	vld [tilespmem:s28+$0x100]  }
0x84: {  	[tilespmem:$0x1FEF0] =	vst v12;
	v12 =	vld [tilespmem:s28+$0x170]  }
0x85: {  	[tilespmem:$0x1FF10] =	vst v13;
	v13 =	vld [tilespmem:s28+$0xF0]  }
0x86: {  	v0 =	vld.idx.msk [tilespmem:v0+s4+$0x0], $0xffff  }
0x87: {  	v1 =	vld.idx.msk [tilespmem:v1+s4+$0x0], $0xffff  }
0x88: {  	v2 =	vld.idx.msk [tilespmem:v2+s4+$0x0], $0xffff  }
0x89: {  	v3 =	vld.idx.msk [tilespmem:v3+s4+$0x0], $0xffff  }
0x8a: {  	v4 =	vld.idx.msk [tilespmem:v4+s4+$0x0], $0xffff  }
0x8b: {  	v5 =	vld.idx.msk [tilespmem:v5+s4+$0x0], $0xffff  }
0x8c: {  	v52 =	vld.idx.msk [tilespmem:v7+s4+$0x0], $0xffff  }
0x8d: {  	v8 =	vld.idx.msk [tilespmem:v8+s4+$0x0], $0xffff  }
0x8e: {  	v9 =	vld.idx.msk [tilespmem:v9+s4+$0x0], $0xffff  }
0x8f: {  	v28 =	vld.idx.msk [tilespmem:v10+s4+$0x0], $0xffff  }
0x90: {  	v46 =	vld.idx.msk [tilespmem:v11+s4+$0x0], $0xffff  }
0x91: {  	v19 =	vld.idx.msk [tilespmem:v19+s4+$0x0], $0xffff  }
0x92: {  	v27 =	vld.idx.msk [tilespmem:v14+s4+$0x0], $0xffff  }
0x93: {  	v53 =	vld.idx.msk [tilespmem:v15+s4+$0x0], $0xffff  }
0x94: {  	v55 =	vld.idx.msk [tilespmem:v17+s4+$0x0], $0xffff  }
0x95: {  	v56 =	vld.idx.msk [tilespmem:v18+s4+$0x0], $0xffff  }
0x96: {  	v57 =	vld.idx.msk [tilespmem:v38+s4+$0x0], $0xffff  }
0x97: {  	v58 =	vld.idx.msk [tilespmem:v54+s4+$0x0], $0xffff  }
0x98: {  	v59 =	vld.idx.msk [tilespmem:v23+s4+$0x0], $0xffff  }
0x99: {  	v36 =	vld.idx.msk [tilespmem:v26+s4+$0x0], $0xffff  }
0x9a: {  	v37 =	vld.idx.msk [tilespmem:v62+s4+$0x0], $0xffff  }
0x9b: {  	v16 =	vld.idx.msk [tilespmem:v16+s4+$0x0], $0xffff  }
0x9c: {  	v63 =	vld.idx.msk [tilespmem:v33+s4+$0x0], $0xffff  }
0x9d: {  	v62 =	vld.idx.msk [tilespmem:v34+s4+$0x0], $0xffff  }
0x9e: {  	v60 =	vld.idx.msk [tilespmem:v35+s4+$0x0], $0xffff  }
0x9f: {  	[tilespmem:$0x1FF20] =	vst v13;
	v13 =	vld [tilespmem:s28+$0x70]  }
0xa0: {  	v54 =	vld.idx.msk [tilespmem:v40+s4+$0x0], $0xffff  }
0xa1: {  	v38 =	vld.idx.msk [tilespmem:v41+s4+$0x0], $0xffff  }
0xa2: {  	v11 =	vld.idx.msk [tilespmem:v43+s4+$0x0], $0xffff  }
0xa3: {  	[tilespmem:$0x1FF00] =	vst v12;
	v12 =	vld [tilespmem:s28+$0x80]  }
0xa4: {  	[tilespmem:$0x1FF30] =	vst v13;
	v13 =	vld [tilespmem:s28+$0xFFFFFFA0]  }
0xa5: {  	v10 =	vld.idx.msk [tilespmem:v48+s4+$0x0], $0xffff  }
0xa6: {  	v14 =	vld.idx.msk [tilespmem:v47+s4+$0x0], $0xffff  }
0xa7: {  	v51 =	vld.idx.msk [tilespmem:v6+s4+$0x0], $0xffff  }
0xa8: {  	v7 =	vbroadcast v32, $0x6;
	v17 =	vbroadcast v32, $0x4;
	v6 =	vld.idx.msk [tilespmem:v29+s4+$0x0], $0xffff  }
0xa9: {  	v26 =	vbroadcast v32, $0x1;
	[tilespmem:$0x1FF90] =	vst v13;
	v13 =	vld [tilespmem:s28+$0xFFFFFFB0]  }
0xaa: {  	v43 =	vmul.f32 v52, v7;
	v52 =	vmul.f32 v57, v17;
	v57 =	vld [tilespmem:s28+$0xFFFFFEC0]  }
0xab: {  	v41 =	vmul.f32 v9, v7;
	v9 =	vmul.f32 v54, v26;
	v54 =	vld [tilespmem:s28+$0xFFFFFEF0]  }
0xac: {  	v22 =	vld.idx.msk [tilespmem:v12+s4+$0x0], $0xffff  }
0xad: {  	v15 =	vbroadcast v32, $0x5;
	v23 =	vbroadcast v32, $0x2;
	[tilespmem:$0x1FFB0] =	vst v6;
	v12 =	vld.idx.msk [tilespmem:v42+s4+$0x0], $0xffff  }
0xae: {  	v18 =	vbroadcast v32, $0x3;
	v6 =	vbroadcast v32, $0x7;
	[tilespmem:$0x1FFA0] =	vst v13;
	v13 =	vld [tilespmem:s28+$0xFFFFFFF0]  }
0xaf: {  	v42 =	vmul.f32 v51, v7;
	v51 =	vmul.f32 v36, v17;
	v36 =	vld.idx.msk [tilespmem:v61+s4+$0x0], $0xffff  }
0xb0: {  	v29 =	vbroadcast v32, $0x0;
	v32 =	vmul.f32 v3, v6;
	v3 =	vld.idx.msk [tilespmem:v50+s4+$0x0], $0xffff  }
0xb1: {  	v35 =	vmul.f32 v1, v6;
	v33 =	vmul.f32 v2, v6;
	v2 =	vld [tilespmem:$0x1FFA0]  }
0xb2: {  	v1 =	vmul.f32 v28, v7;
	v28 =	vmul.f32 v37, v17;
	v37 =	vld.idx.msk [tilespmem:v20+s4+$0x0], $0xffff  }
0xb3: {  	v34 =	vmul.f32 v0, v6;
	v0 =	vmul.f32 v4, v6;
	[tilespmem:$0x1FF40] =	vst v13;
	v13 =	vld [tilespmem:s28+$0xFFFFFEA0]  }
0xb4: {  	v4 =	vmul.f32 v62, v23;
	v62 =	vld [tilespmem:s28+$0xFFFFFE40];
	[tilespmem:$0x1FF70] =	vst v1;
	v1 =	vmul.f32 v46, v7  }
0xb5: {  	v50 =	vmul.f32 v59, v17;
	v59 =	vmul.f32 v63, v18;
	v63 =	vld [tilespmem:s28+$0xFFFFFE50];
	[tilespmem:$0x1FF50] =	vst v0  }
0xb6: {  	v0 =	vmul.f32 v5, v6;
	[tilespmem:$0x1FF80] =	vst v1;
	v1 =	vld [tilespmem:$0x1FF90]  }
0xb7: {  	v40 =	vmul.f32 v8, v7;
	v47 =	vmul.f32 v53, v15;
	v5 =	vld.idx.msk [tilespmem:v39+s4+$0x0], $0xffff  }
0xb8: {  	v53 =	vmul.f32 v58, v17;
	v8 =	vmul.f32 v38, v26;
	[tilespmem:$0x1FF60] =	vst v0;
	v0 =	vld.idx.msk [tilespmem:v49+s4+$0x0], $0xffff  }
0xb9: {  	v14 =	vmul.f32 v14, v26;
	v11 =	vmul.f32 v11, v29;
	v39 =	vld.idx.msk [tilespmem:v2+s4+$0x0], $0xffff  }
0xba: {  	v38 =	vmul.f32 v10, v29;
	v20 =	vimm.f32 $0.0e+00;
	v46 =	vmul.f32 v27, v15;
	v2 =	vld [tilespmem:$0x1FFB0]  }
0xbb: {  	v11 =	vadd.f32 v11, v20;
	v27 =	vmul.f32 v16, v17;
	v48 =	vmul.f32 v22, v15;
	v13 =	vld.idx.msk [tilespmem:v13+s4+$0x0], $0xffff  }
0xbc: {  	v16 =	vimm.f32 $0.0e+00;
	v22 =	vmul.f32 v55, v15;
	v55 =	vld [tilespmem:s28+$0xFFFFFEE0];
	v12 =	vmul.f32 v12, v29  }
0xbd: {  	[tilespmem:$0x1FFC0] =	vst v16;
	v16 =	vimm.f32 $0.0e+00;
	v49 =	vmul.f32 v19, v15;
	v19 =	vmul.f32 v56, v15;
	v56 =	vld [tilespmem:s28+$0xFFFFFED0]  }
0xbe: {  	[tilespmem:$0x1FFD0] =	vst v16;
	v16 =	vimm.f32 $0.0e+00;
	v12 =	vadd.f32 v12, v20;
	v0 =	vmul.f32 v0, v29;
	v1 =	vld.idx.msk [tilespmem:v1+s4+$0x0], $0xffff  }
0xbf: {  	[tilespmem:$0x1FFE0] =	vst v16;
	v16 =	vimm.f32 $0.0e+00;
	v58 =	vmul.f32 v2, v18;
	v2 =	vmul.f32 v60, v23;
	v60 =	vld [tilespmem:s28+$0xFFFFFE70]  }
0xc0: {  	s29 =	simm.s32 $0x20;
	[tilespmem:$0x1FFF0] =	vst v16;
	v0 =	vadd.f32 v0, v20;
	v10 =	vmul.f32 v13, v26;
	v13 =	vadd.f32 v38, v20;
	v38 =	vld [tilespmem:s28+$0xFFFFFE60]  }
.LBB2_3:
0xc1: {  	_ =	sdelay $0x2  }
0xc2: {  	v8 =	vadd.f32 v8, v11;
	v10 =	vadd.f32 v10, v13;
	v5 =	vmul.f32 v5, v23;
	_ =	sdelay $0x1  }
0xc3: {  	v2 =	vadd.f32 v2, v8;
	v1 =	vmul.f32 v1, v18;
	v5 =	vadd.f32 v5, v10  }
0xc4: {  	v3 =	vmul.f32 v3, v23;
	v31 =	vld.idx.msk [tilespmem:v31+s4+$0x0], $0xffff;
	v0 =	vadd.f32 v14, v0  }
0xc5: {  	v2 =	vadd.f32 v59, v2;
	v1 =	vadd.f32 v1, v5;
	v5 =	vld.idx.msk [tilespmem:v38+s4+$0x0], $0xffff  }
0xc6: {  	v9 =	vadd.f32 v9, v12;
	v30 =	vld.idx.msk [tilespmem:v30+s4+$0x0], $0xffff;
	v0 =	vadd.f32 v3, v0;
	v3 =	vmul.f32 v39, v18  }
0xc7: {  	v16 =	vld [tilespmem:$0x1FFE0];
	v2 =	vadd.f32 v53, v2  }
0xc8: {  	v25 =	vld.idx.msk [tilespmem:v25+s4+$0x0], $0xffff;
	v4 =	vadd.f32 v4, v9;
	v0 =	vadd.f32 v3, v0  }
0xc9: {  	v14 =	vld.idx.msk [tilespmem:v63+s4+$0x0], $0xffff;
	v2 =	vadd.f32 v49, v2  }
0xca: {  	s28 =	sadd.s32 $0x400, s28;
	v4 =	vadd.f32 v58, v4;
	v63 =	vld.idx.msk [tilespmem:v60+s4+$0x0], $0xffff;
	v0 =	vadd.f32 v51, v0;
	v5 =	vmul.f32 v5, v29  }
0xcb: {  	v39 =	vld [tilespmem:s28+$0xFFFFFF30];
	v1 =	vadd.f32 v50, v1;
	v2 =	vadd.f32 v43, v2  }
0xcc: {  	v0 =	vadd.f32 v47, v0;
	v5 =	vadd.f32 v5, v16;
	v16 =	vld [tilespmem:$0x1FFF0]  }
0xcd: {  	v11 =	vld.idx.msk [tilespmem:v45+s4+$0x0], $0xffff;
	v1 =	vadd.f32 v46, v1;
	v2 =	vadd.f32 v35, v2  }
0xce: {  	v8 =	vld.idx.msk [tilespmem:v56+s4+$0x0], $0xffff;
	v4 =	vadd.f32 v52, v4;
	v0 =	vadd.f32 v41, v0  }
0xcf: {  	v9 =	vld.idx.msk [tilespmem:v62+s4+$0x0], $0xffff;
	v1 =	vadd.f32 v40, v1;
	[tilespmem:$0x1FE90] =	vst v2;
	v2 =	vmul.f32 v63, v29  }
0xd0: {  	v51 =	vld.idx.msk [tilespmem:v55+s4+$0x0], $0xffff;
	v4 =	vadd.f32 v48, v4;
	v0 =	vadd.f32 v32, v0  }
0xd1: {  	v1 =	vadd.f32 v33, v1;
	v2 =	vadd.f32 v2, v16;
	v16 =	vld [tilespmem:$0x1FF30]  }
0xd2: {  	v4 =	vadd.f32 v42, v4;
	[tilespmem:$0x1FEC0] =	vst v0;
	v0 =	vld [tilespmem:$0x1FFC0]  }
0xd3: {  	[tilespmem:$0x1FEB0] =	vst v1;
	v1 =	vld [tilespmem:$0x1FFD0]  }
0xd4: {  	v12 =	vld.idx.msk [tilespmem:v44+s4+$0x0], $0xffff;
	v4 =	vadd.f32 v34, v4  }
0xd5: {  	v13 =	vld.idx.msk [tilespmem:v57+s4+$0x0], $0xffff  }
0xd6: {  	v9 =	vmul.f32 v9, v29;
	v14 =	vmul.f32 v14, v29;
	[tilespmem:$0x1FE80] =	vst v4;
	v4 =	vld [tilespmem:$0x1FF40]  }
0xd7: {  	v45 =	vld [tilespmem:s28+$0xFFFFFF40];
	v8 =	vmul.f32 v8, v26  }
0xd8: {  	v52 =	vld.idx.msk [tilespmem:v54+s4+$0x0], $0xffff;
	v0 =	vadd.f32 v9, v0;
	v9 =	vmul.f32 v51, v26;
	v1 =	vadd.f32 v14, v1  }
0xd9: {  	v20 =	vld.idx.msk [tilespmem:v16+s4+$0x0], $0xffff  }
0xda: {  	v5 =	vadd.f32 v9, v5;
	v1 =	vadd.f32 v8, v1;
	v8 =	vmul.f32 v31, v23;
	v16 =	vld [tilespmem:$0x1FF20]  }
0xdb: {  	v44 =	vld [tilespmem:s28+$0xFFFFFF50]  }
0xdc: {  	v5 =	vadd.f32 v8, v5;
	v8 =	vld [tilespmem:$0x1FF00]  }
0xdd: {  	v58 =	vld [tilespmem:s28+$0xFFFFFEA0]  }
0xde: {  	v13 =	vmul.f32 v13, v26;
	v4 =	vld.idx.msk [tilespmem:v4+s4+$0x0], $0xffff  }
0xdf: {  	v14 =	vld.idx.msk [tilespmem:v21+s4+$0x0], $0xffff;
	v21 =	vmul.f32 v52, v26  }
0xe0: {  	v59 =	vld [tilespmem:s28+$0xFFFFFEB0];
	v11 =	vmul.f32 v11, v23;
	v12 =	vmul.f32 v12, v23;
	v0 =	vadd.f32 v13, v0  }
0xe1: {  	v57 =	vld [tilespmem:s28+$0xFFFFFEC0];
	v3 =	vmul.f32 v37, v18;
	v9 =	vmul.f32 v30, v23;
	v2 =	vadd.f32 v21, v2  }
0xe2: {  	v10 =	vmul.f32 v36, v18;
	v0 =	vadd.f32 v11, v0;
	v1 =	vadd.f32 v12, v1;
	v16 =	vld.idx.msk [tilespmem:v16+s4+$0x0], $0xffff  }
0xe3: {  	v56 =	vld [tilespmem:s28+$0xFFFFFED0];
	v11 =	vmul.f32 v25, v18;
	v2 =	vadd.f32 v9, v2;
	v4 =	vmul.f32 v4, v18  }
0xe4: {  	v0 =	vadd.f32 v10, v0;
	v1 =	vadd.f32 v3, v1;
	v3 =	vmul.f32 v14, v17;
	v8 =	vld.idx.msk [tilespmem:v8+s4+$0x0], $0xffff  }
0xe5: {  	v62 =	vld [tilespmem:s28+$0xFFFFFE40];
	v5 =	vadd.f32 v11, v5;
	v10 =	vadd.f32 v4, v2;
	v11 =	vmul.f32 v20, v17  }
0xe6: {  	v60 =	vld [tilespmem:s28+$0xFFFFFE70]  }
0xe7: {  	v37 =	vld [tilespmem:s28+$0xFFFFFF20];
	v3 =	vadd.f32 v3, v5;
	v5 =	vadd.f32 v11, v10;
	v10 =	vmul.f32 v16, v15  }
0xe8: {  	v36 =	vld [tilespmem:s28+$0x60]  }
0xe9: {  	v48 =	vld [tilespmem:s28+$0xFFFFFE90];
	v5 =	vadd.f32 v10, v5;
	v10 =	vmul.f32 v8, v7  }
0xea: {  	v47 =	vld [tilespmem:s28+$0xFFFFFE80]  }
0xeb: {  	v5 =	vadd.f32 v10, v5;
	v10 =	vld [tilespmem:s28+$0x1E0]  }
0xec: {  	v42 =	vld [tilespmem:s28+$0xFFFFFF00]  }
0xed: {  	v13 =	vld [tilespmem:$0x1FF10]  }
0xee: {  	v8 =	vld [tilespmem:$0x1FF70]  }
0xef: {  	v9 =	vld [tilespmem:$0x1FEE0];
	v0 =	vadd.f32 v28, v0  }
0xf0: {  	[tilespmem:$0x1FEE0] =	vst v10;
	v10 =	vld [tilespmem:$0x1FF50]  }
0xf1: {  	v50 =	vld [tilespmem:s28+$0xFFFFFE00];
	v0 =	vadd.f32 v22, v0  }
0xf2: {  	v12 =	vld [tilespmem:$0x1FEF0]  }
0xf3: {  	v41 =	vld [tilespmem:s28+$0xFFFFFF90];
	v0 =	vadd.f32 v8, v0  }
0xf4: {  	v34 =	vld [tilespmem:s28+$0x50]  }
0xf5: {  	s30 =	sshra.s32 s29, $0x2;
	v8 =	vld [tilespmem:$0x1FF80];
	v0 =	vadd.f32 v10, v0  }
0xf6: {  	v35 =	vld [tilespmem:s30+$0x1C100];
	v1 =	vadd.f32 v27, v1  }
0xf7: {  	[tilespmem:$0x1FFC0] =	vst v0;
	v0 =	vld [tilespmem:$0x1FF60]  }
0xf8: {  	v13 =	vld.idx.msk [tilespmem:v13+s4+$0x0], $0xffff;
	v1 =	vadd.f32 v19, v1  }
0xf9: {  	v29 =	vld [tilespmem:s28+$0x20]  }
0xfa: {  	v12 =	vld.idx.msk [tilespmem:v12+s4+$0x0], $0xffff;
	v1 =	vadd.f32 v8, v1  }
0xfb: {  	v33 =	vld [tilespmem:s28+$0x40]  }
0xfc: {  	v9 =	vld.idx.msk [tilespmem:v9+s4+$0x0], $0xffff;
	v0 =	vadd.f32 v0, v1  }
0xfd: {  	v14 =	vld.idx.msk [tilespmem:v24+s4+$0x0], $0xffff;
	v13 =	vmul.f32 v13, v15  }
0xfe: {  	[tilespmem:$0x1FFD0] =	vst v0;
	v0 =	vld [tilespmem:s28+$0x1F0]  }
0xff: {  	v46 =	vld [tilespmem:s28+$0xFFFFFF10];
	v3 =	vadd.f32 v13, v3;
	v11 =	vmul.f32 v12, v7  }
0x100: {  	v32 =	vld [tilespmem:s28+$0x30]  }
0x101: {  	v40 =	vld [tilespmem:s28+$0xFFFFFF80];
	v9 =	vmul.f32 v9, v6;
	v3 =	vadd.f32 v11, v3  }
0x102: {  	v51 =	vld [tilespmem:s28+$0xFFFFFE10]  }
0x103: {  	v61 =	vld.idx.msk [tilespmem:v29+s4+$0x0], $0xffff;
	v6 =	vmul.f32 v14, v6;
	[tilespmem:$0x1FE50] =	vst v0;
	v0 =	vadd.f32 v9, v3  }
0x104: {  	v26 =	vld [tilespmem:s28+$0xD0]  }
0x105: {  	v52 =	vld [tilespmem:s28+$0xFFFFFE20];
	[tilespmem:$0x1FFE0] =	vst v0;
	v0 =	vadd.f32 v6, v5  }
0x106: {  	v30 =	vld.idx.msk [tilespmem:v33+s4+$0x0], $0xffff  }
0x107: {  	[tilespmem:$0x1FFF0] =	vst v0;
	v0 =	vld [tilespmem:s28+$0x160]  }
0x108: {  	v23 =	vld [tilespmem:s28+$0xC0]  }
0x109: {  	v31 =	vld.idx.msk [tilespmem:v34+s4+$0x0], $0xffff  }
0x10a: {  	v18 =	vld [tilespmem:s28+$0x90]  }
0x10b: {  	v28 =	vld [tilespmem:s28+$0x10]  }
0x10c: {  	[tilespmem:$0x1FEF0] =	vst v0;
	v0 =	vld [tilespmem:s28+$0x170]  }
0x10d: {  	v2 =	vld [tilespmem:s28+$0x180]  }
0x10e: {  	v4 =	vld [tilespmem:s28+$0x190]  }
0x10f: {  	v22 =	vld [tilespmem:s28+$0xB0]  }
0x110: {  	v27 =	vld [tilespmem:s28+$0x0]  }
0x111: {  	[tilespmem:$0x1FF00] =	vst v0;
	v0 =	vld [tilespmem:s28+$0xE0]  }
0x112: {  	v24 =	vld.idx.msk [tilespmem:v26+s4+$0x0], $0xffff  }
0x113: {  	v17 =	vld [tilespmem:s28+$0x1B0]  }
0x114: {  	v19 =	vld [tilespmem:s28+$0xA0]  }
0x115: {  	v21 =	vld.idx.msk [tilespmem:v18+s4+$0x0], $0xffff  }
0x116: {  	[tilespmem:$0x1FF10] =	vst v0;
	v0 =	vld [tilespmem:s28+$0xF0]  }
0x117: {  	v13 =	vld [tilespmem:s28+$0x150]  }
0x118: {  	v2 =	vld.idx.msk [tilespmem:v2+s4+$0x0], $0xffff  }
0x119: {  	v4 =	vld.idx.msk [tilespmem:v4+s4+$0x0], $0xffff  }
0x11a: {  	v22 =	vld.idx.msk [tilespmem:v22+s4+$0x0], $0xffff  }
0x11b: {  	[tilespmem:$0x1FF20] =	vst v0;
	v0 =	vld [tilespmem:s28+$0x70]  }
0x11c: {  	v27 =	vld.idx.msk [tilespmem:v27+s4+$0x0], $0xffff  }
0x11d: {  	v12 =	vld [tilespmem:s28+$0x140]  }
0x11e: {  	v14 =	vld [tilespmem:s28+$0x80]  }
0x11f: {  	v15 =	vld [tilespmem:s28+$0x1A0]  }
0x120: {  	[tilespmem:$0x1FF30] =	vst v0;
	v0 =	vld [tilespmem:s28+$0xFFFFFFA0]  }
0x121: {  	v16 =	vld [tilespmem:s28+$0xFFFFFE30]  }
0x122: {  	v49 =	vld.idx.msk [tilespmem:v17+s4+$0x0], $0xffff  }
0x123: {  	v11 =	vld [tilespmem:s28+$0x130]  }
0x124: {  	v7 =	vld [tilespmem:s28+$0x1C0]  }
0x125: {  	[tilespmem:$0x1FE60] =	vst v0;
	v0 =	vld [tilespmem:s28+$0xFFFFFFB0]  }
0x126: {  	v13 =	vld.idx.msk [tilespmem:v13+s4+$0x0], $0xffff  }
0x127: {  	v12 =	vld.idx.msk [tilespmem:v12+s4+$0x0], $0xffff  }
0x128: {  	v14 =	vld.idx.msk [tilespmem:v14+s4+$0x0], $0xffff  }
0x129: {  	v8 =	vld [tilespmem:s28+$0x1D0]  }
0x12a: {  	[tilespmem:$0x1FE70] =	vst v0;
	v0 =	vld [tilespmem:s28+$0xFFFFFFC0]  }
0x12b: {  	v10 =	vld [tilespmem:s28+$0x120]  }
0x12c: {  	v43 =	vld.idx.msk [tilespmem:v15+s4+$0x0], $0xffff  }
0x12d: {  	v6 =	vld [tilespmem:s28+$0x100]  }
0x12e: {  	v9 =	vld [tilespmem:s28+$0x110]  }
0x12f: {  	[tilespmem:$0x1FEA0] =	vst v0;
	v0 =	vld [tilespmem:s28+$0xFFFFFFD0]  }
0x130: {  	v11 =	vld.idx.msk [tilespmem:v11+s4+$0x0], $0xffff  }
0x131: {  	v53 =	vld.idx.msk [tilespmem:v7+s4+$0x0], $0xffff  }
0x132: {  	v8 =	vld.idx.msk [tilespmem:v8+s4+$0x0], $0xffff  }
0x133: {  	v10 =	vld.idx.msk [tilespmem:v10+s4+$0x0], $0xffff  }
0x134: {  	v29 =	vbroadcast v35, $0x0;
	[tilespmem:$0x1FED0] =	vst v0;
	v0 =	vld [tilespmem:s28+$0xFFFFFFF0]  }
0x135: {  	v26 =	vbroadcast v35, $0x1;
	v20 =	vld.idx.msk [tilespmem:v6+s4+$0x0], $0xffff;
	v6 =	vbroadcast v35, $0x7  }
0x136: {  	v18 =	vbroadcast v35, $0x3;
	v7 =	vbroadcast v35, $0x6;
	v9 =	vld.idx.msk [tilespmem:v9+s4+$0x0], $0xffff  }
0x137: {  	v17 =	vbroadcast v35, $0x4;
	v34 =	vmul.f32 v2, v6;
	v2 =	vld.idx.msk [tilespmem:v40+s4+$0x0], $0xffff  }
0x138: {  	v15 =	vbroadcast v35, $0x5;
	v40 =	vmul.f32 v10, v7;
	v10 =	vld.idx.msk [tilespmem:v47+s4+$0x0], $0xffff  }
0x139: {  	[tilespmem:$0x1FF40] =	vst v0;
	v0 =	vld.idx.msk [tilespmem:v23+s4+$0x0], $0xffff;
	v23 =	vbroadcast v35, $0x2;
	v35 =	vmul.f32 v4, v6  }
0x13a: {  	v4 =	vld.idx.msk [tilespmem:v41+s4+$0x0], $0xffff;
	v41 =	vmul.f32 v11, v7;
	v11 =	vmul.f32 v12, v7  }
0x13b: {  	v33 =	vmul.f32 v43, v6;
	v43 =	vmul.f32 v9, v7;
	v9 =	vld.idx.msk [tilespmem:v46+s4+$0x0], $0xffff  }
0x13c: {  	v12 =	vld.idx.msk [tilespmem:v50+s4+$0x0], $0xffff;
	[tilespmem:$0x1FF70] =	vst v11;
	v11 =	vmul.f32 v13, v7  }
0x13d: {  	v3 =	vld [tilespmem:s28+$0xFFFFFF60]  }
0x13e: {  	[tilespmem:$0x1FF80] =	vst v11;
	v11 =	vld.idx.msk [tilespmem:v48+s4+$0x0], $0xffff  }
0x13f: {  	v8 =	vmul.f32 v8, v6;
	v48 =	vmul.f32 v14, v15;
	v14 =	vld.idx.msk [tilespmem:v16+s4+$0x0], $0xffff  }
0x140: {  	v16 =	vld.idx.msk [tilespmem:v58+s4+$0x0], $0xffff;
	v58 =	vmul.f32 v2, v18;
	v2 =	vmul.f32 v9, v23  }
0x141: {  	v9 =	vmul.f32 v10, v26;
	v10 =	vmul.f32 v12, v29;
	v12 =	vld [tilespmem:$0x1FE70]  }
0x142: {  	[tilespmem:$0x1FF60] =	vst v8;
	v8 =	vld.idx.msk [tilespmem:v42+s4+$0x0], $0xffff  }
0x143: {  	v13 =	vld.idx.msk [tilespmem:v51+s4+$0x0], $0xffff  }
0x144: {  	v28 =	vld.idx.msk [tilespmem:v28+s4+$0x0], $0xffff;
	v47 =	vmul.f32 v22, v15  }
0x145: {  	v42 =	vmul.f32 v20, v7;
	v20 =	vld.idx.msk [tilespmem:v59+s4+$0x0], $0xffff;
	v22 =	vmul.f32 v0, v15  }
0x146: {  	v0 =	vld.idx.msk [tilespmem:v52+s4+$0x0], $0xffff;
	v52 =	vmul.f32 v27, v17;
	v27 =	vmul.f32 v31, v17  }
0x147: {  	v31 =	vmov v3;
	v59 =	vmul.f32 v4, v18;
	v4 =	vmul.f32 v8, v23;
	v3 =	vld.idx.msk [tilespmem:v39+s4+$0x0], $0xffff  }
0x148: {  	v8 =	vmul.f32 v11, v26;
	v11 =	vmul.f32 v13, v29;
	v13 =	vld [tilespmem:$0x1FEA0]  }
0x149: {  	v39 =	vld.idx.msk [tilespmem:v12+s4+$0x0], $0xffff  }
0x14a: {  	v12 =	vld [tilespmem:$0x1FE80]  }
0x14b: {  	v1 =	vld [tilespmem:s28+$0xFFFFFF70]  }
0x14c: {  	v54 =	vld [tilespmem:s28+$0xFFFFFEF0]  }
0x14d: {  	v55 =	vld [tilespmem:s28+$0xFFFFFEE0]  }
0x14e: {  	v25 =	vld.idx.msk [tilespmem:v32+s4+$0x0], $0xffff;
	v53 =	vmul.f32 v53, v6  }
0x14f: {  	v12 =	vadd.f32 v10, v12;
	v10 =	vld [tilespmem:$0x1FE90]  }
0x150: {  	[tilespmem:$0x1FF50] =	vst v53;
	v53 =	vmul.f32 v28, v17;
	v28 =	vmul.f32 v30, v17;
	v30 =	vmov v1;
	v1 =	vld [tilespmem:$0x1FE60]  }
0x151: {  	v32 =	vmul.f32 v49, v6;
	v49 =	vmul.f32 v21, v15;
	v21 =	vmov v36;
	v36 =	vld.idx.msk [tilespmem:v13+s4+$0x0], $0xffff  }
0x152: {  	v13 =	vld [tilespmem:$0x1FEB0]  }
0x153: {  	v19 =	vld.idx.msk [tilespmem:v19+s4+$0x0], $0xffff  }
0x154: {  	v11 =	vadd.f32 v11, v10;
	v10 =	vmul.f32 v16, v26;
	v16 =	vld [tilespmem:$0x1FED0]  }
0x155: {  	v38 =	vld [tilespmem:s28+$0xFFFFFE60];
	v0 =	vmul.f32 v0, v29  }
0x156: {  	v5 =	vld [tilespmem:s28+$0xFFFFFFE0]  }
0x157: {  	p1 =	sne.s32 s29, $0xA0;
	v13 =	vadd.f32 v0, v13;
	v0 =	vld [tilespmem:$0x1FEC0]  }
.Ltmp0:
0x158: {  	v63 =	vld [tilespmem:s28+$0xFFFFFE50];
	(pc) =	sbr.rel @p1 .LBB2_3-.Ltmp0, $4  }
0x159: {  	v46 =	vmul.f32 v19, v15;
	v19 =	vmul.f32 v24, v15;
	v24 =	vld [tilespmem:$0x1FE50]  }
0x15a: {  	v1 =	vld.idx.msk [tilespmem:v1+s4+$0x0], $0xffff;
	v14 =	vmul.f32 v14, v29  }
0x15b: {  	v51 =	vmul.f32 v25, v17;
	v25 =	vmov v5;
	v5 =	vld.idx.msk [tilespmem:v37+s4+$0x0], $0xffff  }
0x15c: {  	s29 =	sadd.s32 $0x20, s29;
	v50 =	vmul.f32 v61, v17;
	v0 =	vadd.f32 v14, v0;
	v14 =	vmul.f32 v20, v26;
	v37 =	vld.idx.msk [tilespmem:v16+s4+$0x0], $0xffff  }
0x15d: {  	_ =	sdelay $0x3  }
0x15e: {  	v16 =	vld.idx.msk [tilespmem:v45+s4+$0x0], $0xffff;
	_ =	sdelay $0x4  }
0x15f: {  	[tilespmem:$0x1FA60] =	vst v16;
	v16 =	vld.idx.msk [tilespmem:v44+s4+$0x0], $0xffff;
	_ =	sdelay $0x4  }
0x160: {  	[tilespmem:$0x1FA70] =	vst v16;
	v16 =	vld [tilespmem:$0x1FF40];
	_ =	sdelay $0x7  }
0x161: {  	v16 =	vld.idx.msk [tilespmem:v16+s4+$0x0], $0xffff;
	_ =	sdelay $0x4  }
0x162: {  	[tilespmem:$0x1FA80] =	vst v16;
	v16 =	vld.idx.msk [tilespmem:v21+s4+$0x0], $0xffff;
	_ =	sdelay $0x4  }
0x163: {  	[tilespmem:$0x1FA90] =	vst v16;
	v16 =	vld [tilespmem:$0x1FF30];
	_ =	sdelay $0x7  }
0x164: {  	v16 =	vld.idx.msk [tilespmem:v16+s4+$0x0], $0xffff;
	_ =	sdelay $0x4  }
0x165: {  	[tilespmem:$0x1FAA0] =	vst v16;
	v16 =	vld [tilespmem:$0x1FF10];
	_ =	sdelay $0x7  }
0x166: {  	v16 =	vld.idx.msk [tilespmem:v16+s4+$0x0], $0xffff;
	_ =	sdelay $0x4  }
0x167: {  	[tilespmem:$0x1FAB0] =	vst v16;
	v16 =	vld [tilespmem:$0x1FF20];
	_ =	sdelay $0x7  }
0x168: {  	v16 =	vld.idx.msk [tilespmem:v16+s4+$0x0], $0xffff;
	_ =	sdelay $0x4  }
0x169: {  	[tilespmem:$0x1FAC0] =	vst v16;
	v16 =	vld [tilespmem:$0x1FEF0];
	_ =	sdelay $0x7  }
0x16a: {  	v16 =	vld.idx.msk [tilespmem:v16+s4+$0x0], $0xffff;
	_ =	sdelay $0x4  }
0x16b: {  	[tilespmem:$0x1FAD0] =	vst v16;
	v16 =	vld [tilespmem:$0x1FF00];
	_ =	sdelay $0x7  }
0x16c: {  	v16 =	vld.idx.msk [tilespmem:v16+s4+$0x0], $0xffff;
	_ =	sdelay $0x4  }
0x16d: {  	[tilespmem:$0x1FAE0] =	vst v16;
	v16 =	vld [tilespmem:$0x1FEE0];
	_ =	sdelay $0x4  }
0x16e: {  	v57 =	vld.idx.msk [tilespmem:v57+s4+$0x0], $0xffff  }
0x16f: {  	v61 =	vld.idx.msk [tilespmem:v56+s4+$0x0], $0xffff  }
0x170: {  	v45 =	vld.idx.msk [tilespmem:v63+s4+$0x0], $0xffff  }
0x171: {  	v16 =	vld.idx.msk [tilespmem:v16+s4+$0x0], $0xffff  }
0x172: {  	v38 =	vld.idx.msk [tilespmem:v38+s4+$0x0], $0xffff  }
0x173: {  	v56 =	vld.idx.msk [tilespmem:v60+s4+$0x0], $0xffff  }
0x174: {  	v55 =	vld.idx.msk [tilespmem:v55+s4+$0x0], $0xffff  }
0x175: {  	v54 =	vld.idx.msk [tilespmem:v54+s4+$0x0], $0xffff  }
0x176: {  	[tilespmem:$0x1FAF0] =	vst v16;
	v16 =	vld.idx.msk [tilespmem:v24+s4+$0x0], $0xffff  }
0x177: {  	v60 =	vld.idx.msk [tilespmem:v30+s4+$0x0], $0xffff;
	s28 =	sshll.u32 s26, $0x7  }
0x178: {  	v63 =	vld.idx.msk [tilespmem:v25+s4+$0x0], $0xffff;
	s29 =	sor.u32 s5, s28  }
0x179: {  	s30 =	sadd.s32 s29, s10;
	v44 =	vld.idx.msk [tilespmem:v62+s4+$0x0], $0xffff  }
0x17a: {  	v62 =	vld.idx.msk [tilespmem:v31+s4+$0x0], $0xffff;
	[tilespmem:s18], [sflag:$0x1] =	stream.strided.gather [hbm4b:s30+s16], $0x1800, s17, s16, $0x38  }
0x17b: {  	[tilespmem:$0x1FB00] =	vst v16  }
0x17c: {  	_ =	strace $0x8000004A  }
0x17d: {  	_ =	swait.ge [sflag:s23], $0x1800  }
0x17e: {  	[sflag:s23] =	ssyncset.done $0x0  }
0x17f: {  	[sflag:s23] =	ssyncadd.s32 $0xFFFFE800  }
0x180: {  	s30 =	simm.s32 $0x1A500;
	_ =	strace $0x9000004A  }
0x181: {  	v16 =	vld [tilespmem:s30+$0x180];
	_ =	sdelay $0x4  }
0x182: {  	v20 =	vld [tilespmem:s30+$0x190];
	_ =	sdelay $0x2  }
0x183: {  	v16 =	vld.idx.msk [tilespmem:v16+s4+$0x0], $0xffff;
	_ =	sdelay $0x2  }
0x184: {  	v21 =	vld [tilespmem:s30+$0x1A0];
	_ =	sdelay $0x1  }
0x185: {  	[tilespmem:$0x1FB20] =	vst v16;
	v16 =	vld.idx.msk [tilespmem:v20+s4+$0x0], $0xffff;
	_ =	sdelay $0x4  }
0x186: {  	[tilespmem:$0x1FB40] =	vst v16;
	v16 =	vld [tilespmem:s30+$0x1B0]  }
0x187: {  	v21 =	vld.idx.msk [tilespmem:v21+s4+$0x0], $0xffff;
	_ =	sdelay $0x3  }
0x188: {  	v20 =	vld [tilespmem:s30+$0x1C0]  }
0x189: {  	[tilespmem:$0x1FB60] =	vst v21;
	v21 =	vld [tilespmem:s30+$0x100];
	_ =	sdelay $0x1  }
0x18a: {  	v16 =	vld.idx.msk [tilespmem:v16+s4+$0x0], $0xffff;
	_ =	sdelay $0x2  }
0x18b: {  	v25 =	vld [tilespmem:s30+$0x110];
	_ =	sdelay $0x1  }
0x18c: {  	[tilespmem:$0x1FB80] =	vst v16;
	v16 =	vld.idx.msk [tilespmem:v20+s4+$0x0], $0xffff  }
0x18d: {  	v20 =	vld.idx.msk [tilespmem:v21+s4+$0x0], $0xffff;
	_ =	sdelay $0x1  }
0x18e: {  	v30 =	vld [tilespmem:s30+$0x120];
	_ =	sdelay $0x2  }
0x18f: {  	[tilespmem:$0x1FC00] =	vst v20;
	v20 =	vld.idx.msk [tilespmem:v25+s4+$0x0], $0xffff;
	_ =	sdelay $0x1  }
0x190: {  	v31 =	vld [tilespmem:s30+$0x130];
	_ =	sdelay $0x2  }
0x191: {  	[tilespmem:$0x1FC10] =	vst v20;
	v20 =	vld.idx.msk [tilespmem:v30+s4+$0x0], $0xffff;
	_ =	sdelay $0x4  }
0x192: {  	[tilespmem:$0x1FC30] =	vst v20;
	v20 =	vld.idx.msk [tilespmem:v31+s4+$0x0], $0xffff  }
0x193: {  	v24 =	vld [tilespmem:s30+$0x1D0];
	_ =	sdelay $0x3  }
0x194: {  	[tilespmem:$0x1FC40] =	vst v20;
	v20 =	vld [tilespmem:s30+$0x150];
	_ =	sdelay $0x3  }
0x195: {  	[tilespmem:$0x1FBB0] =	vst v16;
	v16 =	vld.idx.msk [tilespmem:v24+s4+$0x0], $0xffff  }
0x196: {  	v21 =	vld [tilespmem:s30+$0x80];
	_ =	sdelay $0x2  }
0x197: {  	v20 =	vld.idx.msk [tilespmem:v20+s4+$0x0], $0xffff  }
0x198: {  	[tilespmem:$0x1FBD0] =	vst v16;
	v16 =	vld [tilespmem:s30+$0x140]  }
0x199: {  	v24 =	vld [tilespmem:s30+$0x90];
	_ =	sdelay $0x2  }
0x19a: {  	[tilespmem:$0x1FC80] =	vst v20;
	v20 =	vld.idx.msk [tilespmem:v21+s4+$0x0], $0xffff;
	_ =	sdelay $0x3  }
0x19b: {  	v16 =	vld.idx.msk [tilespmem:v16+s4+$0x0], $0xffff  }
0x19c: {  	[tilespmem:$0x1FCB0] =	vst v20;
	v20 =	vld.idx.msk [tilespmem:v24+s4+$0x0], $0xffff;
	_ =	sdelay $0x3  }
0x19d: {  	[tilespmem:$0x1FC60] =	vst v16;
	v16 =	vld [tilespmem:s30+$0xA0]  }
0x19e: {  	[tilespmem:$0x1FCC0] =	vst v20;
	v20 =	vld [tilespmem:s30+$0x0];
	_ =	sdelay $0x3  }
0x19f: {  	v25 =	vld [tilespmem:s30+$0xB0];
	_ =	sdelay $0x2  }
0x1a0: {  	v16 =	vld.idx.msk [tilespmem:v16+s4+$0x0], $0xffff  }
0x1a1: {  	v20 =	vld.idx.msk [tilespmem:v20+s4+$0x0], $0xffff  }
0x1a2: {  	v30 =	vld [tilespmem:s30+$0xC0];
	_ =	sdelay $0x2  }
0x1a3: {  	[tilespmem:$0x1FCD0] =	vst v16;
	v16 =	vld.idx.msk [tilespmem:v25+s4+$0x0], $0xffff  }
0x1a4: {  	[tilespmem:$0x1FD20] =	vst v20;
	v20 =	vld [tilespmem:s30+$0x40]  }
0x1a5: {  	v31 =	vld [tilespmem:s30+$0xD0];
	_ =	sdelay $0x2  }
0x1a6: {  	[tilespmem:$0x1FCE0] =	vst v16;
	v16 =	vld.idx.msk [tilespmem:v30+s4+$0x0], $0xffff  }
0x1a7: {  	v25 =	vld [tilespmem:s30+$0x50];
	_ =	sdelay $0x2  }
0x1a8: {  	v20 =	vld.idx.msk [tilespmem:v20+s4+$0x0], $0xffff  }
0x1a9: {  	[tilespmem:$0x1FCF0] =	vst v16;
	v16 =	vld.idx.msk [tilespmem:v31+s4+$0x0], $0xffff  }
0x1aa: {  	v30 =	vld [tilespmem:s30+$0xFFFFFF80];
	_ =	sdelay $0x2  }
0x1ab: {  	[tilespmem:$0x1FD80] =	vst v20;
	v20 =	vld.idx.msk [tilespmem:v25+s4+$0x0], $0xffff  }
0x1ac: {  	[tilespmem:$0x1FD00] =	vst v16;
	v16 =	vld [tilespmem:s30+$0x10];
	_ =	sdelay $0x3  }
0x1ad: {  	[tilespmem:$0x1FD90] =	vst v20;
	v20 =	vld.idx.msk [tilespmem:v30+s4+$0x0], $0xffff  }
0x1ae: {  	v21 =	vld [tilespmem:s30+$0x20];
	_ =	sdelay $0x2  }
0x1af: {  	v16 =	vld.idx.msk [tilespmem:v16+s4+$0x0], $0xffff  }
0x1b0: {  	[tilespmem:$0x1FDB0] =	vst v20;
	v20 =	vld [tilespmem:s30+$0xFFFFFF10]  }
0x1b1: {  	v24 =	vld [tilespmem:s30+$0x30];
	_ =	sdelay $0x2  }
0x1b2: {  	[tilespmem:$0x1FD30] =	vst v16;
	v16 =	vld.idx.msk [tilespmem:v21+s4+$0x0], $0xffff  }
0x1b3: {  	v21 =	vld [tilespmem:s30+$0xFFFFFE80]  }
0x1b4: {  	v8 =	vadd.f32 v8, v11;
	_ =	sdelay $0x1  }
0x1b5: {  	v2 =	vadd.f32 v2, v8;
	v8 =	vld.idx.msk [tilespmem:v20+s4+$0x0], $0xffff  }
0x1b6: {  	[tilespmem:$0x1FD50] =	vst v16;
	v16 =	vld.idx.msk [tilespmem:v24+s4+$0x0], $0xffff  }
0x1b7: {  	v24 =	vld [tilespmem:s30+$0xFFFFFE90];
	_ =	sdelay $0x2  }
0x1b8: {  	v9 =	vadd.f32 v9, v12;
	[tilespmem:$0x1FDF0] =	vst v8;
	v8 =	vld.idx.msk [tilespmem:v21+s4+$0x0], $0xffff;
	_ =	sdelay $0x1  }
0x1b9: {  	v4 =	vadd.f32 v4, v9;
	v9 =	vld [tilespmem:s30+$0xFFFFFE30];
	_ =	sdelay $0x1  }
0x1ba: {  	v10 =	vadd.f32 v10, v13;
	v5 =	vmul.f32 v5, v23  }
0x1bb: {  	[tilespmem:$0x1FE20] =	vst v8;
	v8 =	vld.idx.msk [tilespmem:v24+s4+$0x0], $0xffff  }
0x1bc: {  	v1 =	vmul.f32 v1, v18;
	v5 =	vadd.f32 v5, v10;
	_ =	sdelay $0x1  }
0x1bd: {  	v4 =	vadd.f32 v58, v4;
	v5 =	vadd.f32 v1, v5  }
0x1be: {  	v2 =	vadd.f32 v59, v2  }
0x1bf: {  	v4 =	vadd.f32 v52, v4;
	v9 =	vld.idx.msk [tilespmem:v9+s4+$0x0], $0xffff;
	[tilespmem:$0x1FE30] =	vst v8;
	v8 =	vadd.f32 v50, v5  }
0x1c0: {  	v2 =	vadd.f32 v53, v2  }
0x1c1: {  	v4 =	vadd.f32 v48, v4;
	v8 =	vadd.f32 v46, v8  }
0x1c2: {  	v3 =	vmul.f32 v3, v23;
	v0 =	vadd.f32 v14, v0;
	v2 =	vadd.f32 v49, v2  }
0x1c3: {  	v4 =	vadd.f32 v42, v4;
	[tilespmem:$0x1FD60] =	vst v16;
	v16 =	vld [tilespmem:s30+$0xFFFFFF00];
	v8 =	vadd.f32 v40, v8  }
0x1c4: {  	v0 =	vadd.f32 v3, v0;
	v3 =	vmul.f32 v39, v18;
	[tilespmem:$0x1FE00] =	vst v9;
	v9 =	vadd.f32 v43, v2  }
0x1c5: {  	v2 =	vadd.f32 v34, v4;
	v4 =	vadd.f32 v33, v8  }
0x1c6: {  	v0 =	vadd.f32 v3, v0;
	v3 =	vld [tilespmem:s30+$0xFFFFFEA0]  }
0x1c7: {  	[tilespmem:$0x1FE10] =	vst v4;
	v4 =	vld [tilespmem:$0x1FFD0];
	_ =	sdelay $0x1  }
0x1c8: {  	v12 =	vld [tilespmem:s30+$0xFFFFFE10]  }
0x1c9: {  	v11 =	vld [tilespmem:s30+$0xFFFFFE20];
	v8 =	vmul.f32 v45, v29  }
0x1ca: {  	v16 =	vld.idx.msk [tilespmem:v16+s4+$0x0], $0xffff  }
0x1cb: {  	v8 =	vadd.f32 v8, v4;
	v4 =	vld [tilespmem:$0x1FFE0];
	_ =	sdelay $0x1  }
0x1cc: {  	v0 =	vadd.f32 v51, v0  }
0x1cd: {  	v14 =	vmul.f32 v38, v29;
	v3 =	vld.idx.msk [tilespmem:v3+s4+$0x0], $0xffff  }
0x1ce: {  	v0 =	vadd.f32 v47, v0;
	[tilespmem:$0x1FDD0] =	vst v16;
	v16 =	vld [tilespmem:s30+$0xFFFFFE00]  }
0x1cf: {  	v14 =	vadd.f32 v14, v4;
	v4 =	vld [tilespmem:$0x1FFF0]  }
0x1d0: {  	v0 =	vadd.f32 v41, v0;
	v10 =	vld.idx.msk [tilespmem:v11+s4+$0x0], $0xffff  }
0x1d1: {  	v5 =	vld.idx.msk [tilespmem:v12+s4+$0x0], $0xffff  }
0x1d2: {  	[tilespmem:$0x1FE40] =	vst v3;
	v3 =	vmul.f32 v56, v29;
	v12 =	vadd.f32 v32, v0;
	v0 =	vld [tilespmem:$0x1FFC0]  }
0x1d3: {  	v11 =	vld [tilespmem:s30+$0xFFFFFF20]  }
0x1d4: {  	v3 =	vadd.f32 v3, v4;
	v4 =	vld [tilespmem:$0x1FA60]  }
0x1d5: {  	v35 =	vadd.f32 v35, v9;
	v9 =	vmul.f32 v44, v29;
	_ =	sdelay $0x1  }
0x1d6: {  	v20 =	vmul.f32 v61, v26;
	v1 =	vld.idx.msk [tilespmem:v16+s4+$0x0], $0xffff;
	v16 =	vmul.f32 v57, v26;
	v0 =	vadd.f32 v9, v0;
	_ =	sdelay $0x1  }
0x1d7: {  	[tilespmem:$0x1FDE0] =	vst v10;
	v10 =	vld [tilespmem:s30+$0xFFFFFEB0];
	v0 =	vadd.f32 v16, v0;
	v8 =	vadd.f32 v20, v8;
	v20 =	vmul.f32 v4, v23  }
0x1d8: {  	v13 =	vld [tilespmem:s30+$0xFFFFFF30]  }
0x1d9: {  	v49 =	vld.idx.msk [tilespmem:v11+s4+$0x0], $0xffff;
	v11 =	vmul.f32 v36, v18;
	v0 =	vadd.f32 v20, v0  }
0x1da: {  	v4 =	vld [tilespmem:$0x1FA70]  }
0x1db: {  	v11 =	vadd.f32 v11, v0;
	v0 =	vld [tilespmem:$0x1FAD0];
	_ =	sdelay $0x1  }
0x1dc: {  	v24 =	vmul.f32 v55, v26;
	_ =	sdelay $0x1  }
0x1dd: {  	v14 =	vadd.f32 v24, v14;
	v24 =	vmul.f32 v4, v23;
	v4 =	vld.idx.msk [tilespmem:v10+s4+$0x0], $0xffff  }
0x1de: {  	v10 =	vmul.f32 v62, v23;
	v62 =	vmul.f32 v0, v7;
	v0 =	vld [tilespmem:$0x1FAE0];
	_ =	sdelay $0x2  }
0x1df: {  	v50 =	vld.idx.msk [tilespmem:v13+s4+$0x0], $0xffff  }
0x1e0: {  	v8 =	vadd.f32 v24, v8;
	v24 =	vld [tilespmem:$0x1FA80]  }
0x1e1: {  	v13 =	vmul.f32 v63, v18;
	v10 =	vadd.f32 v10, v14;
	v63 =	vmul.f32 v0, v7;
	v0 =	vld [tilespmem:$0x1FAF0];
	_ =	sdelay $0x1  }
0x1e2: {  	v10 =	vadd.f32 v13, v10;
	v13 =	vld [tilespmem:s30+$0x160]  }
0x1e3: {  	s31 =	simm.s32 $0x0  }
0x1e4: {  	v20 =	vmul.f32 v37, v18;
	v18 =	vmul.f32 v24, v18;
	v24 =	vld [tilespmem:s31+$0x1C130]  }
0x1e5: {  	v53 =	vmul.f32 v0, v6;
	v0 =	vld [tilespmem:$0x1FB00];
	_ =	sdelay $0x1  }
0x1e6: {  	[tilespmem:$0x1FB10] =	vst v13;
	v13 =	vld [tilespmem:$0x1FB20];
	_ =	sdelay $0x2  }
0x1e7: {  	v6 =	vmul.f32 v0, v6;
	v0 =	vbroadcast v24, $0x7;
	_ =	sdelay $0x1  }
0x1e8: {  	v13 =	vmul.f32 v13, v0;
	_ =	sdelay $0x1  }
0x1e9: {  	[tilespmem:$0x1FB30] =	vst v13;
	v13 =	vld [tilespmem:$0x1FB40];
	_ =	sdelay $0x4  }
0x1ea: {  	v33 =	vmul.f32 v13, v0;
	v13 =	vld [tilespmem:s30+$0xE0];
	_ =	sdelay $0x4  }
0x1eb: {  	[tilespmem:$0x1FB50] =	vst v13;
	v13 =	vld [tilespmem:$0x1FB60];
	_ =	sdelay $0x4  }
0x1ec: {  	v13 =	vmul.f32 v13, v0;
	_ =	sdelay $0x1  }
0x1ed: {  	[tilespmem:$0x1FB70] =	vst v13;
	v13 =	vld [tilespmem:$0x1FB80];
	_ =	sdelay $0x4  }
0x1ee: {  	v13 =	vmul.f32 v13, v0;
	_ =	sdelay $0x1  }
0x1ef: {  	[tilespmem:$0x1FB90] =	vst v13;
	v13 =	vld [tilespmem:s30+$0xF0];
	_ =	sdelay $0x4  }
0x1f0: {  	[tilespmem:$0x1FBA0] =	vst v13;
	v13 =	vld [tilespmem:$0x1FBB0];
	_ =	sdelay $0x4  }
0x1f1: {  	v13 =	vmul.f32 v13, v0;
	_ =	sdelay $0x1  }
0x1f2: {  	[tilespmem:$0x1FBC0] =	vst v13;
	v13 =	vld [tilespmem:$0x1FBD0];
	_ =	sdelay $0x4  }
0x1f3: {  	v13 =	vmul.f32 v13, v0;
	_ =	sdelay $0x1  }
0x1f4: {  	[tilespmem:$0x1FBE0] =	vst v13;
	v13 =	vld [tilespmem:s30+$0x60];
	_ =	sdelay $0x4  }
0x1f5: {  	[tilespmem:$0x1FBF0] =	vst v13;
	v13 =	vld [tilespmem:$0x1FC00];
	_ =	sdelay $0x2  }
0x1f6: {  	v7 =	vbroadcast v24, $0x6;
	_ =	sdelay $0x1  }
0x1f7: {  	v38 =	vmul.f32 v13, v7;
	v13 =	vld [tilespmem:$0x1FC10];
	_ =	sdelay $0x4  }
0x1f8: {  	v39 =	vmul.f32 v13, v7;
	v13 =	vld [tilespmem:s30+$0x70];
	_ =	sdelay $0x4  }
0x1f9: {  	[tilespmem:$0x1FC20] =	vst v13;
	v13 =	vld [tilespmem:$0x1FC30];
	_ =	sdelay $0x4  }
0x1fa: {  	v40 =	vmul.f32 v13, v7;
	v13 =	vld [tilespmem:$0x1FC40];
	_ =	sdelay $0x4  }
0x1fb: {  	v41 =	vmul.f32 v13, v7;
	v13 =	vld [tilespmem:s30+$0xFFFFFFE0];
	_ =	sdelay $0x4  }
0x1fc: {  	[tilespmem:$0x1FC50] =	vst v13;
	v13 =	vld [tilespmem:$0x1FC60];
	_ =	sdelay $0x4  }
0x1fd: {  	v9 =	vld [tilespmem:s30+$0xFFFFFFA0];
	v13 =	vmul.f32 v13, v7;
	_ =	sdelay $0x1  }
0x1fe: {  	[tilespmem:$0x1FC70] =	vst v13;
	v13 =	vld [tilespmem:$0x1FC80];
	_ =	sdelay $0x4  }
0x1ff: {  	v13 =	vmul.f32 v13, v7  }
0x200: {  	v51 =	vld.idx.msk [tilespmem:v9+s4+$0x0], $0xffff  }
0x201: {  	[tilespmem:$0x1FC90] =	vst v13;
	v13 =	vld [tilespmem:s30+$0xFFFFFFF0]  }
0x202: {  	v26 =	vmul.f32 v54, v26;
	v9 =	vld [tilespmem:$0x1FAB0]  }
0x203: {  	v14 =	vld [tilespmem:$0x1FA90]  }
0x204: {  	v3 =	vadd.f32 v26, v3;
	v26 =	vld [tilespmem:$0x1FAA0];
	_ =	sdelay $0x1  }
0x205: {  	[tilespmem:$0x1FCA0] =	vst v13;
	v13 =	vld [tilespmem:$0x1FF70]  }
0x206: {  	v11 =	vadd.f32 v28, v11  }
0x207: {  	v14 =	vmul.f32 v14, v17  }
0x208: {  	v11 =	vadd.f32 v22, v11;
	v17 =	vmul.f32 v26, v17;
	v26 =	vmul.f32 v9, v15;
	v9 =	vld [tilespmem:$0x1FAC0];
	_ =	sdelay $0x1  }
0x209: {  	v11 =	vadd.f32 v13, v11;
	v13 =	vld [tilespmem:$0x1FCB0];
	_ =	sdelay $0x2  }
0x20a: {  	v61 =	vmul.f32 v9, v15;
	v9 =	vbroadcast v24, $0x5;
	_ =	sdelay $0x1  }
0x20b: {  	v45 =	vmul.f32 v13, v9;
	v13 =	vld [tilespmem:$0x1FCC0];
	_ =	sdelay $0x3  }
0x20c: {  	v8 =	vadd.f32 v20, v8  }
0x20d: {  	v46 =	vmul.f32 v13, v9;
	v13 =	vld [tilespmem:$0x1FF80]  }
0x20e: {  	v8 =	vadd.f32 v27, v8;
	_ =	sdelay $0x1  }
0x20f: {  	v8 =	vadd.f32 v19, v8;
	_ =	sdelay $0x1  }
0x210: {  	v8 =	vadd.f32 v13, v8;
	v13 =	vld [tilespmem:$0x1FCD0];
	_ =	sdelay $0x4  }
0x211: {  	v47 =	vmul.f32 v13, v9;
	v13 =	vld [tilespmem:$0x1FCE0];
	_ =	sdelay $0x4  }
0x212: {  	v48 =	vmul.f32 v13, v9;
	v13 =	vld [tilespmem:$0x1FCF0];
	_ =	sdelay $0x4  }
0x213: {  	v20 =	vmul.f32 v13, v9;
	v13 =	vld [tilespmem:$0x1FD00];
	_ =	sdelay $0x4  }
0x214: {  	v13 =	vmul.f32 v13, v9;
	_ =	sdelay $0x1  }
0x215: {  	[tilespmem:$0x1FD10] =	vst v13;
	v13 =	vld [tilespmem:$0x1FD20];
	_ =	sdelay $0x2  }
0x216: {  	v15 =	vbroadcast v24, $0x4;
	_ =	sdelay $0x1  }
0x217: {  	v57 =	vmul.f32 v13, v15;
	v13 =	vld [tilespmem:$0x1FD30];
	_ =	sdelay $0x4  }
0x218: {  	v58 =	vmul.f32 v13, v15;
	v13 =	vld [tilespmem:$0x1FF50];
	_ =	sdelay $0x4  }
0x219: {  	v11 =	vadd.f32 v13, v11;
	_ =	sdelay $0x1  }
0x21a: {  	[tilespmem:$0x1FD40] =	vst v11;
	v11 =	vld [tilespmem:$0x1FD50];
	_ =	sdelay $0x4  }
0x21b: {  	v59 =	vmul.f32 v11, v15;
	v11 =	vld [tilespmem:$0x1FD60];
	_ =	sdelay $0x4  }
0x21c: {  	v23 =	vmul.f32 v60, v23;
	v60 =	vmul.f32 v11, v15;
	v11 =	vld [tilespmem:$0x1FF60];
	_ =	sdelay $0x4  }
0x21d: {  	v8 =	vadd.f32 v11, v8;
	_ =	sdelay $0x1  }
0x21e: {  	[tilespmem:$0x1FD70] =	vst v8;
	v8 =	vld [tilespmem:$0x1FD80];
	_ =	sdelay $0x2  }
0x21f: {  	v10 =	vadd.f32 v14, v10;
	_ =	sdelay $0x1  }
0x220: {  	v10 =	vadd.f32 v26, v10;
	v26 =	vmul.f32 v8, v15;
	v8 =	vld [tilespmem:$0x1FD90];
	_ =	sdelay $0x1  }
0x221: {  	v16 =	vld [tilespmem:s30+$0xFFFFFFD0]  }
0x222: {  	v3 =	vadd.f32 v23, v3;
	v10 =	vadd.f32 v62, v10;
	_ =	sdelay $0x1  }
0x223: {  	v3 =	vadd.f32 v18, v3;
	v22 =	vmul.f32 v8, v15;
	v8 =	vadd.f32 v53, v10;
	_ =	sdelay $0x1  }
0x224: {  	v3 =	vadd.f32 v17, v3;
	[tilespmem:$0x1FDA0] =	vst v8;
	v8 =	vld [tilespmem:$0x1FDB0];
	_ =	sdelay $0x1  }
0x225: {  	v21 =	vld [tilespmem:s30+$0xFFFFFFB0];
	v3 =	vadd.f32 v61, v3  }
0x226: {  	v34 =	vld.idx.msk [tilespmem:v16+s4+$0x0], $0xffff;
	v16 =	vbroadcast v24, $0x3  }
0x227: {  	v27 =	vbroadcast v24, $0x0;
	v3 =	vadd.f32 v63, v3  }
0x228: {  	v63 =	vmul.f32 v8, v16  }
0x229: {  	v42 =	vld [tilespmem:s30+$0xFFFFFF60];
	v8 =	vmul.f32 v1, v27;
	v1 =	vadd.f32 v6, v3;
	v3 =	vmul.f32 v5, v27  }
0x22a: {  	v31 =	vld [tilespmem:s30+$0xFFFFFF90]  }
0x22b: {  	v11 =	vadd.f32 v3, v35;
	v3 =	vld [tilespmem:$0x1FDF0]  }
0x22c: {  	v56 =	vld [tilespmem:s30+$0xFFFFFF50]  }
0x22d: {  	v52 =	vld.idx.msk [tilespmem:v21+s4+$0x0], $0xffff  }
0x22e: {  	v21 =	vbroadcast v24, $0x2;
	v8 =	vadd.f32 v8, v2;
	v2 =	vld [tilespmem:$0x1FDD0]  }
0x22f: {  	v44 =	vld [tilespmem:s30+$0xFFFFFF70]  }
0x230: {  	v6 =	vmul.f32 v3, v21;
	v3 =	vld [tilespmem:$0x1FE00]  }
0x231: {  	v25 =	vld [tilespmem:s30+$0xFFFFFFC0]  }
0x232: {  	v30 =	vld.idx.msk [tilespmem:v31+s4+$0x0], $0xffff  }
0x233: {  	v5 =	vmul.f32 v2, v21;
	v2 =	vld [tilespmem:$0x1FDE0]  }
0x234: {  	v31 =	vld [tilespmem:s30+$0x1E0]  }
0x235: {  	v17 =	vmul.f32 v3, v27;
	v3 =	vld [tilespmem:$0x1FE10]  }
0x236: {  	v55 =	vld [tilespmem:s30+$0xFFFFFF40]  }
0x237: {  	v54 =	vld [tilespmem:s30+$0xFFFFFEF0]  }
0x238: {  	v32 =	vld [tilespmem:s30+$0x1F0];
	v2 =	vmul.f32 v2, v27  }
0x239: {  	v23 =	vld.idx.msk [tilespmem:v25+s4+$0x0], $0xffff  }
0x23a: {  	v3 =	vadd.f32 v2, v3;
	v2 =	vld [tilespmem:$0x1FE20]  }
0x23b: {  	v25 =	vbroadcast v24, $0x1;
	v62 =	vld [tilespmem:s30+$0xFFFFFED0]  }
0x23c: {  	v61 =	vld [tilespmem:s30+$0xFFFFFEC0]  }
0x23d: {  	v19 =	vmul.f32 v4, v25;
	v4 =	vld [tilespmem:s30+$0xFFFFFE70]  }
0x23e: {  	v17 =	vadd.f32 v17, v12;
	v12 =	vld [tilespmem:$0x1FE40]  }
0x23f: {  	v14 =	vmul.f32 v2, v25;
	v2 =	vld [tilespmem:$0x1FE30]  }
0x240: {  	v24 =	vld [tilespmem:s30+$0x170]  }
0x241: {  	v13 =	vld [tilespmem:s30+$0xFFFFFE40]  }
0x242: {  	v53 =	vld [tilespmem:s30+$0xFFFFFEE0]  }
0x243: {  	[tilespmem:$0x1FDC0] =	vst v1;
	v1 =	vmul.f32 v30, v16;
	v35 =	vld [tilespmem:s30+$0xFFFFFE50]  }
0x244: {  	s31 =	simm.s32 $0x20;
	v18 =	vmul.f32 v12, v25;
	v10 =	vmul.f32 v2, v25;
	v2 =	vld [tilespmem:s30+$0xFFFFFE60]  }
.LBB2_5:
0x245: {  	s30 =	sadd.s32 $0x400, s30  }
0x246: {  	v30 =	vld [tilespmem:s30+$0x30]  }
0x247: {  	v12 =	vld.idx.msk [tilespmem:v55+s4+$0x0], $0xffff  }
0x248: {  	v10 =	vadd.f32 v10, v11;
	v3 =	vadd.f32 v18, v3;
	v18 =	vld.idx.msk [tilespmem:v56+s4+$0x0], $0xffff  }
0x249: {  	v8 =	vadd.f32 v14, v8;
	v14 =	vadd.f32 v19, v17;
	v19 =	vld.idx.msk [tilespmem:v61+s4+$0x0], $0xffff  }
0x24a: {  	v6 =	vadd.f32 v6, v10;
	v10 =	vld.idx.msk [tilespmem:v62+s4+$0x0], $0xffff  }
0x24b: {  	v13 =	vld.idx.msk [tilespmem:v13+s4+$0x0], $0xffff  }
0x24c: {  	v2 =	vld.idx.msk [tilespmem:v2+s4+$0x0], $0xffff  }
0x24d: {  	v4 =	vld.idx.msk [tilespmem:v4+s4+$0x0], $0xffff  }
0x24e: {  	v5 =	vadd.f32 v5, v8;
	v62 =	vld.idx.msk [tilespmem:v54+s4+$0x0], $0xffff  }
0x24f: {  	v43 =	vld.idx.msk [tilespmem:v42+s4+$0x0], $0xffff  }
0x250: {  	v5 =	vadd.f32 v63, v5;
	v63 =	vld.idx.msk [tilespmem:v44+s4+$0x0], $0xffff  }
0x251: {  	v8 =	vmul.f32 v51, v16;
	v51 =	vld [tilespmem:s30+$0xFFFFFFA0]  }
0x252: {  	v11 =	vmul.f32 v49, v21;
	v49 =	vld [tilespmem:s30+$0xFFFFFF20]  }
0x253: {  	v17 =	vmul.f32 v50, v21;
	v50 =	vld [tilespmem:s30+$0xFFFFFF30]  }
0x254: {  	v55 =	vld [tilespmem:s30+$0xFFFFFF40]  }
0x255: {  	v56 =	vld [tilespmem:s30+$0xFFFFFF50]  }
0x256: {  	v42 =	vld [tilespmem:s30+$0xFFFFFF60]  }
0x257: {  	v44 =	vld [tilespmem:s30+$0xFFFFFF70]  }
0x258: {  	v61 =	vld [tilespmem:s30+$0xFFFFFEC0]  }
0x259: {  	v54 =	vld [tilespmem:s30+$0xFFFFFEF0]  }
0x25a: {  	v1 =	vadd.f32 v1, v6;
	v6 =	vmul.f32 v23, v16;
	v23 =	vld [tilespmem:$0x1FC50]  }
0x25b: {  	v3 =	vadd.f32 v11, v3;
	v11 =	vadd.f32 v17, v14;
	v17 =	vld.idx.msk [tilespmem:v35+s4+$0x0], $0xffff  }
0x25c: {  	v14 =	vmul.f32 v52, v16;
	v52 =	vld [tilespmem:s30+$0xFFFFFFB0]  }
0x25d: {  	v5 =	vadd.f32 v57, v5;
	v57 =	vld [tilespmem:s30+$0xFFFFFE10]  }
0x25e: {  	v35 =	vld [tilespmem:s30+$0xFFFFFE50]  }
0x25f: {  	v1 =	vadd.f32 v58, v1;
	v58 =	vld [tilespmem:s30+$0xFFFFFE20]  }
0x260: {  	v3 =	vadd.f32 v8, v3;
	v8 =	vadd.f32 v14, v11;
	v11 =	vmul.f32 v34, v16;
	v34 =	vld [tilespmem:s30+$0x1F0]  }
0x261: {  	v5 =	vadd.f32 v45, v5;
	v45 =	vld [tilespmem:s30+$0xFFFFFE80]  }
0x262: {  	v14 =	vmul.f32 v18, v21;
	v18 =	vmul.f32 v19, v25;
	v19 =	vld.idx.msk [tilespmem:v53+s4+$0x0], $0xffff  }
0x263: {  	v1 =	vadd.f32 v46, v1;
	v46 =	vld [tilespmem:s30+$0xFFFFFE90]  }
0x264: {  	v53 =	vld [tilespmem:s30+$0xFFFFFEE0]  }
0x265: {  	v30 =	vld.idx.msk [tilespmem:v30+s4+$0x0], $0xffff  }
0x266: {  	v5 =	vadd.f32 v38, v5;
	v38 =	vld [tilespmem:s30+$0xFFFFFF80]  }
0x267: {  	v36 =	vld.idx.msk [tilespmem:v23+s4+$0x0], $0xffff  }
0x268: {  	v23 =	vld [tilespmem:$0x1FB30]  }
0x269: {  	v3 =	vadd.f32 v59, v3;
	v59 =	vld [tilespmem:s30+$0xFFFFFE30]  }
0x26a: {  	v1 =	vadd.f32 v39, v1;
	v39 =	vld [tilespmem:s30+$0xFFFFFF90]  }
0x26b: {  	v3 =	vadd.f32 v47, v3;
	v47 =	vld [tilespmem:s30+$0xFFFFFE00]  }
0x26c: {  	v49 =	vld.idx.msk [tilespmem:v49+s4+$0x0], $0xffff  }
0x26d: {  	v50 =	vld.idx.msk [tilespmem:v50+s4+$0x0], $0xffff;
	v5 =	vadd.f32 v23, v5  }
0x26e: {  	v51 =	vld.idx.msk [tilespmem:v51+s4+$0x0], $0xffff  }
0x26f: {  	s0 =	sshra.s32 s31, $0x2;
	[tilespmem:$0x1FA20] =	vst v5;
	v5 =	vld [tilespmem:$0x1FB70]  }
0x270: {  	v1 =	vadd.f32 v33, v1;
	v33 =	vld [tilespmem:s0+$0x1C130]  }
0x271: {  	v8 =	vadd.f32 v60, v8;
	v3 =	vadd.f32 v40, v3;
	v40 =	vld [tilespmem:s30+$0xFFFFFF00]  }
0x272: {  	v13 =	vmul.f32 v13, v27;
	[tilespmem:$0x1FA30] =	vst v1;
	v1 =	vmul.f32 v4, v27;
	v4 =	vld [tilespmem:$0x1FCA0]  }
0x273: {  	v2 =	vmul.f32 v2, v27;
	v17 =	vmul.f32 v17, v27;
	v8 =	vadd.f32 v48, v8;
	v27 =	vld [tilespmem:s30+$0x20]  }
0x274: {  	v3 =	vadd.f32 v5, v3;
	v5 =	vld [tilespmem:$0x1FD70]  }
0x275: {  	v8 =	vadd.f32 v41, v8;
	v41 =	vld [tilespmem:s30+$0xFFFFFF10]  }
0x276: {  	[tilespmem:$0x1FA40] =	vst v3;
	v3 =	vld [tilespmem:$0x1FB90]  }
0x277: {  	v52 =	vld.idx.msk [tilespmem:v52+s4+$0x0], $0xffff  }
0x278: {  	v23 =	vld [tilespmem:s30+$0xFFFFFEB0]  }
0x279: {  	v5 =	vadd.f32 v17, v5;
	v17 =	vld [tilespmem:$0x1FDA0]  }
0x27a: {  	v10 =	vmul.f32 v10, v25;
	v4 =	vld.idx.msk [tilespmem:v4+s4+$0x0], $0xffff  }
0x27b: {  	v3 =	vadd.f32 v3, v8;
	v8 =	vmul.f32 v19, v25;
	v19 =	vld [tilespmem:$0x1FC20]  }
0x27c: {  	v5 =	vadd.f32 v10, v5;
	v10 =	vmul.f32 v43, v21;
	v43 =	vld.idx.msk [tilespmem:v27+s4+$0x0], $0xffff  }
0x27d: {  	[tilespmem:$0x1FA50] =	vst v3;
	v3 =	vld [tilespmem:$0x1FD40]  }
0x27e: {  	v5 =	vadd.f32 v14, v5;
	v14 =	vld [tilespmem:$0x1FB10];
	v2 =	vadd.f32 v2, v17  }
0x27f: {  	v17 =	vld [tilespmem:$0x1FDC0]  }
0x280: {  	v12 =	vmul.f32 v12, v21;
	v2 =	vadd.f32 v8, v2;
	v8 =	vmul.f32 v63, v21;
	v21 =	vld [tilespmem:s30+$0xC0]  }
0x281: {  	v63 =	vld [tilespmem:s30+$0xFFFFFEA0]  }
0x282: {  	v3 =	vadd.f32 v13, v3;
	v13 =	vld [tilespmem:$0x1FBF0]  }
0x283: {  	v2 =	vadd.f32 v10, v2;
	v10 =	vld.idx.msk [tilespmem:v31+s4+$0x0], $0xffff  }
0x284: {  	v31 =	vld [tilespmem:s30+$0x40]  }
0x285: {  	v19 =	vld.idx.msk [tilespmem:v19+s4+$0x0], $0xffff  }
0x286: {  	v1 =	vadd.f32 v1, v17;
	v17 =	vmul.f32 v62, v25;
	v25 =	vld [tilespmem:s30+$0x0]  }
0x287: {  	v62 =	vld [tilespmem:s30+$0xFFFFFED0]  }
0x288: {  	v3 =	vadd.f32 v18, v3;
	v18 =	vld [tilespmem:$0x1FB50]  }
0x289: {  	v1 =	vadd.f32 v17, v1;
	v17 =	vld [tilespmem:$0x1FBA0]  }
0x28a: {  	v14 =	vld.idx.msk [tilespmem:v14+s4+$0x0], $0xffff  }
0x28b: {  	v4 =	vmul.f32 v4, v16;
	v3 =	vadd.f32 v12, v3;
	v12 =	vmul.f32 v36, v16;
	v16 =	vld [tilespmem:s30+$0x150]  }
0x28c: {  	v1 =	vadd.f32 v8, v1;
	v8 =	vld.idx.msk [tilespmem:v24+s4+$0x0], $0xffff  }
0x28d: {  	v2 =	vadd.f32 v12, v2;
	v12 =	vld.idx.msk [tilespmem:v32+s4+$0x0], $0xffff  }
0x28e: {  	v5 =	vadd.f32 v11, v5;
	v11 =	vmul.f32 v19, v15;
	v19 =	vld [tilespmem:s30+$0xA0]  }
0x28f: {  	v32 =	vld [tilespmem:s30+$0x50]  }
0x290: {  	v36 =	vld.idx.msk [tilespmem:v21+s4+$0x0], $0xffff  }
0x291: {  	v3 =	vadd.f32 v6, v3;
	v4 =	vadd.f32 v4, v1;
	v1 =	vld [tilespmem:s30+$0x180]  }
0x292: {  	v13 =	vld.idx.msk [tilespmem:v13+s4+$0x0], $0xffff  }
0x293: {  	v3 =	vadd.f32 v26, v3;
	v26 =	vld [tilespmem:s30+$0x10]  }
0x294: {  	v31 =	vld.idx.msk [tilespmem:v31+s4+$0x0], $0xffff  }
0x295: {  	v37 =	vld.idx.msk [tilespmem:v25+s4+$0x0], $0xffff  }
0x296: {  	v18 =	vld.idx.msk [tilespmem:v18+s4+$0x0], $0xffff  }
0x297: {  	v14 =	vmul.f32 v14, v7;
	v8 =	vmul.f32 v8, v7;
	v7 =	vld [tilespmem:s30+$0x1C0]  }
0x298: {  	v3 =	vadd.f32 v20, v3;
	v20 =	vld [tilespmem:s30+$0xB0]  }
0x299: {  	v17 =	vld.idx.msk [tilespmem:v17+s4+$0x0], $0xffff  }
0x29a: {  	v29 =	vld.idx.msk [tilespmem:v16+s4+$0x0], $0xffff  }
0x29b: {  	v6 =	vmul.f32 v13, v15;
	v13 =	vadd.f32 v22, v5;
	v5 =	vld [tilespmem:s30+$0x190]  }
0x29c: {  	v22 =	vld [tilespmem:s30+$0xD0]  }
0x29d: {  	v19 =	vld.idx.msk [tilespmem:v19+s4+$0x0], $0xffff  }
0x29e: {  	v32 =	vld.idx.msk [tilespmem:v32+s4+$0x0], $0xffff  }
0x29f: {  	v2 =	vadd.f32 v6, v2;
	v6 =	vld [tilespmem:s30+$0x1A0]  }
0x2a0: {  	v15 =	vmul.f32 v18, v9;
	v18 =	vld [tilespmem:s30+$0x90]  }
0x2a1: {  	v1 =	vld.idx.msk [tilespmem:v1+s4+$0x0], $0xffff  }
0x2a2: {  	v4 =	vadd.f32 v11, v4;
	v11 =	vmul.f32 v17, v9;
	v9 =	vld [tilespmem:$0x1FD10]  }
0x2a3: {  	v17 =	vld [tilespmem:s30+$0x80]  }
0x2a4: {  	v26 =	vld.idx.msk [tilespmem:v26+s4+$0x0], $0xffff  }
0x2a5: {  	v2 =	vadd.f32 v15, v2;
	v15 =	vld [tilespmem:s30+$0x140]  }
0x2a6: {  	v4 =	vadd.f32 v11, v4;
	v11 =	vld [tilespmem:$0x1FC70]  }
0x2a7: {  	v60 =	vld.idx.msk [tilespmem:v7+s4+$0x0], $0xffff  }
0x2a8: {  	v20 =	vld.idx.msk [tilespmem:v20+s4+$0x0], $0xffff  }
0x2a9: {  	v2 =	vadd.f32 v14, v2;
	v14 =	vld [tilespmem:s30+$0x130]  }
0x2aa: {  	v4 =	vadd.f32 v8, v4;
	v8 =	vld [tilespmem:s30+$0x1E0]  }
0x2ab: {  	v13 =	vadd.f32 v9, v13;
	v9 =	vld [tilespmem:s30+$0x1B0]  }
0x2ac: {  	v5 =	vld.idx.msk [tilespmem:v5+s4+$0x0], $0xffff  }
0x2ad: {  	v3 =	vadd.f32 v11, v3;
	v11 =	vld [tilespmem:$0x1FC90]  }
0x2ae: {  	v22 =	vld.idx.msk [tilespmem:v22+s4+$0x0], $0xffff  }
0x2af: {  	v6 =	vld.idx.msk [tilespmem:v6+s4+$0x0], $0xffff  }
0x2b0: {  	[tilespmem:$0x1FA00] =	vst v8;
	v8 =	vld [tilespmem:$0x1FBC0]  }
0x2b1: {  	v18 =	vld.idx.msk [tilespmem:v18+s4+$0x0], $0xffff  }
0x2b2: {  	v17 =	vld.idx.msk [tilespmem:v17+s4+$0x0], $0xffff;
	v11 =	vadd.f32 v11, v13;
	v13 =	vmul.f32 v10, v0;
	v0 =	vmul.f32 v12, v0  }
0x2b3: {  	v28 =	vld.idx.msk [tilespmem:v15+s4+$0x0], $0xffff  }
0x2b4: {  	v10 =	vld [tilespmem:s30+$0x1D0];
	v0 =	vadd.f32 v0, v4  }
0x2b5: {  	v3 =	vadd.f32 v8, v3;
	v2 =	vadd.f32 v13, v2;
	v8 =	vld [tilespmem:s30+$0x110]  }
0x2b6: {  	[tilespmem:$0x1FDC0] =	vst v0;
	v0 =	vld [tilespmem:s30+$0x100]  }
0x2b7: {  	[tilespmem:$0x1FDA0] =	vst v2;
	v2 =	vld [tilespmem:s30+$0x160]  }
0x2b8: {  	[tilespmem:$0x1FD40] =	vst v3;
	v3 =	vld [tilespmem:$0x1FBE0]  }
0x2b9: {  	v14 =	vld.idx.msk [tilespmem:v14+s4+$0x0], $0xffff  }
0x2ba: {  	v12 =	vld [tilespmem:s30+$0xFFFFFFD0]  }
0x2bb: {  	v48 =	vld.idx.msk [tilespmem:v9+s4+$0x0], $0xffff  }
0x2bc: {  	[tilespmem:$0x1FB10] =	vst v2;
	v2 =	vld [tilespmem:s30+$0x170]  }
0x2bd: {  	v27 =	vbroadcast v33, $0x0;
	v21 =	vbroadcast v33, $0x2;
	v3 =	vadd.f32 v3, v11;
	v11 =	vld [tilespmem:s30+$0x120]  }
0x2be: {  	v25 =	vbroadcast v33, $0x1;
	v16 =	vbroadcast v33, $0x3;
	v10 =	vld.idx.msk [tilespmem:v10+s4+$0x0], $0xffff  }
0x2bf: {  	v7 =	vbroadcast v33, $0x6;
	v24 =	vld.idx.msk [tilespmem:v0+s4+$0x0], $0xffff;
	v0 =	vbroadcast v33, $0x7  }
0x2c0: {  	v15 =	vbroadcast v33, $0x4;
	v9 =	vbroadcast v33, $0x5;
	v8 =	vld.idx.msk [tilespmem:v8+s4+$0x0], $0xffff  }
0x2c1: {  	[tilespmem:$0x1FA10] =	vst v2;
	v2 =	vld [tilespmem:s30+$0xE0];
	v1 =	vmul.f32 v1, v0;
	v33 =	vmul.f32 v5, v0  }
0x2c2: {  	[tilespmem:$0x1FD70] =	vst v3;
	v3 =	vld [tilespmem:s30+$0xFFFFFFC0];
	v5 =	vmul.f32 v6, v0;
	v6 =	vmul.f32 v60, v0  }
0x2c3: {  	[tilespmem:$0x1FB30] =	vst v1;
	v1 =	vld.idx.msk [tilespmem:v38+s4+$0x0], $0xffff  }
0x2c4: {  	[tilespmem:$0x1FBC0] =	vst v6;
	v6 =	vmul.f32 v10, v0;
	v10 =	vld.idx.msk [tilespmem:v45+s4+$0x0], $0xffff  }
0x2c5: {  	v11 =	vld.idx.msk [tilespmem:v11+s4+$0x0], $0xffff  }
0x2c6: {  	[tilespmem:$0x1FB50] =	vst v2;
	v2 =	vld [tilespmem:s30+$0xF0]  }
0x2c7: {  	[tilespmem:$0x1FB70] =	vst v5;
	v5 =	vmul.f32 v48, v0;
	v45 =	vmul.f32 v17, v9;
	v17 =	vld.idx.msk [tilespmem:v47+s4+$0x0], $0xffff  }
0x2c8: {  	v47 =	vmul.f32 v19, v9;
	v19 =	vld.idx.msk [tilespmem:v58+s4+$0x0], $0xffff  }
0x2c9: {  	[tilespmem:$0x1FB90] =	vst v5;
	v5 =	vld.idx.msk [tilespmem:v39+s4+$0x0], $0xffff  }
0x2ca: {  	[tilespmem:$0x1FBE0] =	vst v6;
	v6 =	vld.idx.msk [tilespmem:v40+s4+$0x0], $0xffff;
	v40 =	vmul.f32 v11, v7;
	v11 =	vmul.f32 v28, v7  }
0x2cb: {  	[tilespmem:$0x1FBA0] =	vst v2;
	v2 =	vld [tilespmem:s30+$0x60]  }
0x2cc: {  	v39 =	vmul.f32 v8, v7;
	v8 =	vld.idx.msk [tilespmem:v41+s4+$0x0], $0xffff;
	[tilespmem:$0x1FC70] =	vst v11;
	v11 =	vmul.f32 v29, v7  }
0x2cd: {  	v28 =	vld.idx.msk [tilespmem:v63+s4+$0x0], $0xffff  }
0x2ce: {  	[tilespmem:$0x1FC90] =	vst v11;
	v11 =	vld.idx.msk [tilespmem:v46+s4+$0x0], $0xffff  }
0x2cf: {  	v46 =	vmul.f32 v18, v9;
	v18 =	vld.idx.msk [tilespmem:v57+s4+$0x0], $0xffff  }
0x2d0: {  	v41 =	vmul.f32 v14, v7;
	v14 =	vmul.f32 v22, v9;
	[tilespmem:$0x1FBF0] =	vst v2;
	v2 =	vld [tilespmem:s30+$0x70]  }
0x2d1: {  	v29 =	vld.idx.msk [tilespmem:v23+s4+$0x0], $0xffff  }
0x2d2: {  	[tilespmem:$0x1FD10] =	vst v14;
	v14 =	vmul.f32 v10, v25;
	v23 =	vld.idx.msk [tilespmem:v3+s4+$0x0], $0xffff  }
0x2d3: {  	v63 =	vmul.f32 v1, v16;
	v1 =	vmul.f32 v5, v16;
	v3 =	vld [tilespmem:$0x1FA40]  }
0x2d4: {  	v10 =	vmul.f32 v11, v25;
	v11 =	vmul.f32 v18, v27;
	v18 =	vld [tilespmem:$0x1FA20]  }
0x2d5: {  	v5 =	vmul.f32 v6, v21;
	v6 =	vmul.f32 v8, v21;
	[tilespmem:$0x1FC20] =	vst v2;
	v2 =	vld [tilespmem:s30+$0xFFFFFFE0]  }
0x2d6: {  	v13 =	vld [tilespmem:s30+$0xFFFFFE40];
	v8 =	vmul.f32 v17, v27;
	v17 =	vmul.f32 v19, v27  }
0x2d7: {  	v38 =	vmul.f32 v24, v7;
	v24 =	vld.idx.msk [tilespmem:v59+s4+$0x0], $0xffff  }
0x2d8: {  	v3 =	vadd.f32 v17, v3;
	v17 =	vld [tilespmem:$0x1FA50]  }
0x2d9: {  	v8 =	vadd.f32 v8, v18;
	v18 =	vld [tilespmem:$0x1FA30]  }
0x2da: {  	p1 =	sne.s32 s31, $0xA0;
	v60 =	vmul.f32 v30, v15;
	[tilespmem:$0x1FC50] =	vst v2;
	v2 =	vld [tilespmem:s30+$0xFFFFFFF0]  }
.Ltmp1:
0x2db: {  	v4 =	vld [tilespmem:s30+$0xFFFFFE70];
	v48 =	vmul.f32 v20, v9;
	v58 =	vmul.f32 v26, v15;
	(pc) =	sbr.rel @p1 .LBB2_5-.Ltmp1, $4  }
0x2dc: {  	v26 =	vmul.f32 v31, v15;
	v31 =	vld [tilespmem:$0x1FA00];
	v19 =	vmul.f32 v24, v27  }
0x2dd: {  	v20 =	vmul.f32 v36, v9;
	v22 =	vmul.f32 v32, v15;
	v32 =	vmov v34;
	v34 =	vld.idx.msk [tilespmem:v12+s4+$0x0], $0xffff  }
0x2de: {  	v59 =	vmul.f32 v43, v15;
	v24 =	vld [tilespmem:$0x1FA10];
	v57 =	vmul.f32 v37, v15;
	v17 =	vadd.f32 v19, v17  }
0x2df: {  	s31 =	sadd.s32 $0x20, s31;
	v19 =	vmul.f32 v29, v25;
	v11 =	vadd.f32 v11, v18;
	v18 =	vmul.f32 v28, v25;
	[tilespmem:$0x1FCA0] =	vst v2;
	v2 =	vld [tilespmem:s30+$0xFFFFFE60]  }
0x2e0: {  	_ =	sdelay $0x7  }
0x2e1: {  	v28 =	vld.idx.msk [tilespmem:v2+s4+$0x0], $0xffff  }
0x2e2: {  	v2 =	vld [tilespmem:$0x1FC50];
	_ =	sdelay $0x6  }
0x2e3: {  	v36 =	vld.idx.msk [tilespmem:v53+s4+$0x0], $0xffff  }
0x2e4: {  	v53 =	vld.idx.msk [tilespmem:v2+s4+$0x0], $0xffff  }
0x2e5: {  	v2 =	vld [tilespmem:$0x1FCA0];
	_ =	sdelay $0x6  }
0x2e6: {  	v43 =	vld.idx.msk [tilespmem:v42+s4+$0x0], $0xffff  }
0x2e7: {  	v42 =	vld.idx.msk [tilespmem:v2+s4+$0x0], $0xffff  }
0x2e8: {  	v2 =	vld [tilespmem:$0x1FBF0];
	_ =	sdelay $0x6  }
0x2e9: {  	v37 =	vld.idx.msk [tilespmem:v54+s4+$0x0], $0xffff  }
0x2ea: {  	v54 =	vld.idx.msk [tilespmem:v2+s4+$0x0], $0xffff  }
0x2eb: {  	v2 =	vld [tilespmem:$0x1FC20];
	_ =	sdelay $0x5  }
0x2ec: {  	v12 =	vld.idx.msk [tilespmem:v55+s4+$0x0], $0xffff  }
0x2ed: {  	v55 =	vld.idx.msk [tilespmem:v61+s4+$0x0], $0xffff  }
0x2ee: {  	v61 =	vld.idx.msk [tilespmem:v2+s4+$0x0], $0xffff  }
0x2ef: {  	v2 =	vld [tilespmem:$0x1FB50];
	_ =	sdelay $0x7  }
0x2f0: {  	v2 =	vld.idx.msk [tilespmem:v2+s4+$0x0], $0xffff;
	_ =	sdelay $0x4  }
0x2f1: {  	[tilespmem:$0x1F6B0] =	vst v2;
	v2 =	vld [tilespmem:$0x1FBA0];
	_ =	sdelay $0x5  }
0x2f2: {  	[tilespmem:$0x1F690] =	vst v12;
	v12 =	vld.idx.msk [tilespmem:v56+s4+$0x0], $0xffff  }
0x2f3: {  	v56 =	vld.idx.msk [tilespmem:v62+s4+$0x0], $0xffff  }
0x2f4: {  	v62 =	vld.idx.msk [tilespmem:v2+s4+$0x0], $0xffff  }
0x2f5: {  	v2 =	vld [tilespmem:$0x1FB10];
	_ =	sdelay $0x7  }
0x2f6: {  	v2 =	vld.idx.msk [tilespmem:v2+s4+$0x0], $0xffff;
	_ =	sdelay $0x4  }
0x2f7: {  	[tilespmem:$0x1F6C0] =	vst v2;
	v2 =	vld.idx.msk [tilespmem:v24+s4+$0x0], $0xffff;
	_ =	sdelay $0x4  }
0x2f8: {  	[tilespmem:$0x1F6D0] =	vst v2;
	v2 =	vld.idx.msk [tilespmem:v31+s4+$0x0], $0xffff;
	_ =	sdelay $0x4  }
0x2f9: {  	[tilespmem:$0x1F6E0] =	vst v2;
	v2 =	vld.idx.msk [tilespmem:v32+s4+$0x0], $0xffff  }
0x2fa: {  	v30 =	vld.idx.msk [tilespmem:v13+s4+$0x0], $0xffff  }
0x2fb: {  	v35 =	vld.idx.msk [tilespmem:v35+s4+$0x0], $0xffff  }
0x2fc: {  	v29 =	vld.idx.msk [tilespmem:v4+s4+$0x0], $0xffff;
	s0 =	sadd.s32 s29, s11  }
0x2fd: {  	[tilespmem:$0x1F6A0] =	vst v12;
	v44 =	vld.idx.msk [tilespmem:v44+s4+$0x0], $0xffff;
	[tilespmem:s19], [sflag:$0x2] =	stream.strided.gather [hbm4b:s0+s16], $0x1C00, s17, s16, $0x38  }
0x2fe: {  	[tilespmem:$0x1F6F0] =	vst v2  }
0x2ff: {  	_ =	strace $0x8000004B  }
0x300: {  	_ =	swait.ge [sflag:s22], $0x1800  }
0x301: {  	[sflag:s22] =	ssyncset.done $0x0  }
0x302: {  	[sflag:s22] =	ssyncadd.s32 $0xFFFFE800  }
0x303: {  	s29 =	simm.s32 $0x18900;
	_ =	strace $0x9000004B  }
0x304: {  	v31 =	vld [tilespmem:s29+$0x180];
	_ =	sdelay $0x1  }
0x305: {  	v2 =	vld [tilespmem:s29+$0x1A0];
	_ =	sdelay $0x2  }
0x306: {  	v32 =	vld [tilespmem:s29+$0x190];
	_ =	sdelay $0x2  }
0x307: {  	v4 =	vld.idx.msk [tilespmem:v31+s4+$0x0], $0xffff;
	_ =	sdelay $0x1  }
0x308: {  	v2 =	vld.idx.msk [tilespmem:v2+s4+$0x0], $0xffff;
	_ =	sdelay $0x2  }
0x309: {  	[tilespmem:$0x1F700] =	vst v4;
	v4 =	vld.idx.msk [tilespmem:v32+s4+$0x0], $0xffff;
	_ =	sdelay $0x1  }
0x30a: {  	[tilespmem:$0x1F740] =	vst v2;
	v2 =	vld [tilespmem:s29+$0x100];
	_ =	sdelay $0x2  }
0x30b: {  	[tilespmem:$0x1F720] =	vst v4;
	v4 =	vld [tilespmem:s29+$0x1D0];
	_ =	sdelay $0x1  }
0x30c: {  	v12 =	vld [tilespmem:s29+$0x110];
	_ =	sdelay $0x2  }
0x30d: {  	v2 =	vld.idx.msk [tilespmem:v2+s4+$0x0], $0xffff;
	_ =	sdelay $0x1  }
0x30e: {  	v13 =	vld [tilespmem:s29+$0x120]  }
0x30f: {  	v4 =	vld.idx.msk [tilespmem:v4+s4+$0x0], $0xffff;
	_ =	sdelay $0x1  }
0x310: {  	[tilespmem:$0x1F7D0] =	vst v2;
	v2 =	vld.idx.msk [tilespmem:v12+s4+$0x0], $0xffff;
	_ =	sdelay $0x1  }
0x311: {  	v24 =	vld [tilespmem:s29+$0x130]  }
0x312: {  	[tilespmem:$0x1F7B0] =	vst v4;
	v4 =	vld [tilespmem:s29+$0x140];
	_ =	sdelay $0x1  }
0x313: {  	[tilespmem:$0x1F7E0] =	vst v2;
	v2 =	vld.idx.msk [tilespmem:v13+s4+$0x0], $0xffff  }
0x314: {  	v31 =	vld [tilespmem:s29+$0x1B0];
	_ =	sdelay $0x2  }
0x315: {  	v32 =	vld [tilespmem:s29+$0x1C0]  }
0x316: {  	[tilespmem:$0x1F800] =	vst v2;
	v2 =	vld.idx.msk [tilespmem:v24+s4+$0x0], $0xffff  }
0x317: {  	v4 =	vld.idx.msk [tilespmem:v4+s4+$0x0], $0xffff;
	_ =	sdelay $0x2  }
0x318: {  	v31 =	vld.idx.msk [tilespmem:v31+s4+$0x0], $0xffff  }
0x319: {  	[tilespmem:$0x1F810] =	vst v2;
	v2 =	vld [tilespmem:s29+$0x150]  }
0x31a: {  	[tilespmem:$0x1F820] =	vst v4;
	v4 =	vld [tilespmem:s29+$0xA0];
	_ =	sdelay $0x2  }
0x31b: {  	[tilespmem:$0x1F760] =	vst v31;
	v31 =	vld.idx.msk [tilespmem:v32+s4+$0x0], $0xffff  }
0x31c: {  	v12 =	vld [tilespmem:s29+$0x80]  }
0x31d: {  	v24 =	vld [tilespmem:s29+$0xB0];
	_ =	sdelay $0x1  }
0x31e: {  	v2 =	vld.idx.msk [tilespmem:v2+s4+$0x0], $0xffff  }
0x31f: {  	v4 =	vld.idx.msk [tilespmem:v4+s4+$0x0], $0xffff  }
0x320: {  	v13 =	vld [tilespmem:s29+$0x90]  }
0x321: {  	[tilespmem:$0x1F790] =	vst v31;
	v31 =	vld [tilespmem:s29+$0xC0];
	_ =	sdelay $0x1  }
0x322: {  	[tilespmem:$0x1F840] =	vst v2;
	v2 =	vld.idx.msk [tilespmem:v12+s4+$0x0], $0xffff  }
0x323: {  	[tilespmem:$0x1F880] =	vst v4;
	v4 =	vld.idx.msk [tilespmem:v24+s4+$0x0], $0xffff;
	_ =	sdelay $0x1  }
0x324: {  	v32 =	vld [tilespmem:s29+$0xD0];
	_ =	sdelay $0x1  }
0x325: {  	[tilespmem:$0x1F860] =	vst v2;
	v2 =	vld.idx.msk [tilespmem:v13+s4+$0x0], $0xffff  }
0x326: {  	[tilespmem:$0x1F890] =	vst v4;
	v4 =	vld.idx.msk [tilespmem:v31+s4+$0x0], $0xffff;
	_ =	sdelay $0x3  }
0x327: {  	[tilespmem:$0x1F870] =	vst v2;
	v2 =	vld [tilespmem:s29+$0x0]  }
0x328: {  	[tilespmem:$0x1F8A0] =	vst v4;
	v4 =	vld.idx.msk [tilespmem:v32+s4+$0x0], $0xffff;
	_ =	sdelay $0x4  }
0x329: {  	[tilespmem:$0x1F8B0] =	vst v4;
	v4 =	vld [tilespmem:s29+$0x10];
	_ =	sdelay $0x1  }
0x32a: {  	v2 =	vld.idx.msk [tilespmem:v2+s4+$0x0], $0xffff;
	_ =	sdelay $0x2  }
0x32b: {  	v12 =	vld [tilespmem:s29+$0x20];
	_ =	sdelay $0x1  }
0x32c: {  	[tilespmem:$0x1F8C0] =	vst v2;
	v2 =	vld [tilespmem:s29+$0x40]  }
0x32d: {  	v4 =	vld.idx.msk [tilespmem:v4+s4+$0x0], $0xffff;
	_ =	sdelay $0x1  }
0x32e: {  	v13 =	vld [tilespmem:s29+$0x30];
	_ =	sdelay $0x1  }
0x32f: {  	v24 =	vld [tilespmem:s29+$0x50]  }
0x330: {  	[tilespmem:$0x1F8D0] =	vst v4;
	v4 =	vld.idx.msk [tilespmem:v12+s4+$0x0], $0xffff;
	_ =	sdelay $0x1  }
0x331: {  	v2 =	vld.idx.msk [tilespmem:v2+s4+$0x0], $0xffff;
	_ =	sdelay $0x1  }
0x332: {  	v31 =	vld [tilespmem:s29+$0xFFFFFF80]  }
0x333: {  	[tilespmem:$0x1F8F0] =	vst v4;
	v4 =	vld.idx.msk [tilespmem:v13+s4+$0x0], $0xffff;
	_ =	sdelay $0x1  }
0x334: {  	[tilespmem:$0x1F920] =	vst v2;
	v2 =	vld.idx.msk [tilespmem:v24+s4+$0x0], $0xffff;
	_ =	sdelay $0x1  }
0x335: {  	v32 =	vld [tilespmem:s29+$0xFFFFFF90]  }
0x336: {  	[tilespmem:$0x1F900] =	vst v4;
	v4 =	vld [tilespmem:s29+$0xFFFFFF00];
	_ =	sdelay $0x1  }
0x337: {  	[tilespmem:$0x1F930] =	vst v2;
	v2 =	vld.idx.msk [tilespmem:v31+s4+$0x0], $0xffff;
	_ =	sdelay $0x3  }
0x338: {  	v13 =	vld [tilespmem:s29+$0xFFFFFE90]  }
0x339: {  	[tilespmem:$0x1F950] =	vst v2;
	v2 =	vld.idx.msk [tilespmem:v32+s4+$0x0], $0xffff  }
0x33a: {  	v4 =	vld.idx.msk [tilespmem:v4+s4+$0x0], $0xffff;
	_ =	sdelay $0x2  }
0x33b: {  	v10 =	vadd.f32 v10, v11  }
0x33c: {  	[tilespmem:$0x1F970] =	vst v2;
	v2 =	vld [tilespmem:s29+$0xFFFFFF10]  }
0x33d: {  	v6 =	vadd.f32 v6, v10;
	[tilespmem:$0x1F980] =	vst v4;
	v4 =	vld [tilespmem:s29+$0xFFFFFE00]  }
0x33e: {  	v8 =	vadd.f32 v14, v8;
	v17 =	vadd.f32 v19, v17;
	v19 =	vld [tilespmem:s29+$0xFFFFFE30]  }
0x33f: {  	v1 =	vadd.f32 v1, v6;
	v6 =	vld.idx.msk [tilespmem:v13+s4+$0x0], $0xffff  }
0x340: {  	v5 =	vadd.f32 v5, v8;
	_ =	sdelay $0x1  }
0x341: {  	v5 =	vadd.f32 v63, v5;
	_ =	sdelay $0x1  }
0x342: {  	[tilespmem:$0x1F9D0] =	vst v6;
	v6 =	vadd.f32 v57, v5;
	v2 =	vld.idx.msk [tilespmem:v2+s4+$0x0], $0xffff  }
0x343: {  	v57 =	vld.idx.msk [tilespmem:v4+s4+$0x0], $0xffff  }
0x344: {  	v4 =	vadd.f32 v45, v6;
	v6 =	vld.idx.msk [tilespmem:v19+s4+$0x0], $0xffff  }
0x345: {  	v1 =	vadd.f32 v58, v1  }
0x346: {  	v3 =	vadd.f32 v18, v3;
	v11 =	vmul.f32 v49, v21  }
0x347: {  	v8 =	vmul.f32 v50, v21;
	v1 =	vadd.f32 v46, v1  }
0x348: {  	v3 =	vadd.f32 v11, v3;
	v10 =	vmul.f32 v52, v16;
	[tilespmem:$0x1F990] =	vst v2  }
0x349: {  	v2 =	vadd.f32 v8, v17;
	v8 =	vmul.f32 v51, v16;
	[tilespmem:$0x1F9A0] =	vst v6;
	v6 =	vadd.f32 v39, v1;
	v1 =	vld [tilespmem:$0x1FB30];
	_ =	sdelay $0x1  }
0x34a: {  	v3 =	vadd.f32 v8, v3;
	v2 =	vadd.f32 v10, v2;
	v10 =	vld [tilespmem:s29+$0xFFFFFEA0]  }
0x34b: {  	v4 =	vadd.f32 v38, v4  }
0x34c: {  	v3 =	vadd.f32 v59, v3  }
0x34d: {  	v1 =	vadd.f32 v1, v4;
	v4 =	vld [tilespmem:$0x1FB70]  }
0x34e: {  	v3 =	vadd.f32 v47, v3;
	_ =	sdelay $0x1  }
0x34f: {  	v3 =	vadd.f32 v40, v3;
	_ =	sdelay $0x1  }
0x350: {  	v3 =	vadd.f32 v4, v3;
	v4 =	vld.idx.msk [tilespmem:v10+s4+$0x0], $0xffff;
	_ =	sdelay $0x3  }
0x351: {  	v2 =	vadd.f32 v60, v2  }
0x352: {  	[tilespmem:$0x1F9F0] =	vst v4;
	v4 =	vld [tilespmem:$0x1FB90]  }
0x353: {  	v2 =	vadd.f32 v48, v2;
	_ =	sdelay $0x1  }
0x354: {  	v2 =	vadd.f32 v41, v2;
	_ =	sdelay $0x1  }
0x355: {  	v2 =	vadd.f32 v4, v2;
	v4 =	vld [tilespmem:$0x1FD70];
	_ =	sdelay $0x2  }
0x356: {  	[tilespmem:$0x1F9B0] =	vst v3;
	v3 =	vmul.f32 v35, v27;
	_ =	sdelay $0x1  }
0x357: {  	v3 =	vadd.f32 v3, v4;
	v4 =	vld [tilespmem:$0x1FDA0];
	_ =	sdelay $0x2  }
0x358: {  	v12 =	vld [tilespmem:s29+$0xFFFFFE80];
	v17 =	vmul.f32 v28, v27  }
0x359: {  	v14 =	vld [tilespmem:s29+$0xFFFFFE10]  }
0x35a: {  	v17 =	vadd.f32 v17, v4;
	v4 =	vld [tilespmem:$0x1FDC0];
	_ =	sdelay $0x2  }
0x35b: {  	v10 =	vmul.f32 v29, v27  }
0x35c: {  	v18 =	vld [tilespmem:s29+$0xFFFFFE20]  }
0x35d: {  	v10 =	vadd.f32 v10, v4;
	v4 =	vld [tilespmem:$0x1F690]  }
0x35e: {  	v11 =	vld.idx.msk [tilespmem:v12+s4+$0x0], $0xffff  }
0x35f: {  	v5 =	vld.idx.msk [tilespmem:v14+s4+$0x0], $0xffff  }
0x360: {  	v19 =	vmul.f32 v56, v25;
	[tilespmem:$0x1F9E0] =	vst v2;
	v2 =	vld [tilespmem:$0x1FD40]  }
0x361: {  	v14 =	vld [tilespmem:s29+$0xFFFFFF30]  }
0x362: {  	v3 =	vadd.f32 v19, v3;
	v19 =	vmul.f32 v4, v21;
	v4 =	vld [tilespmem:$0x1F6A0]  }
0x363: {  	v13 =	vmul.f32 v30, v27  }
0x364: {  	[tilespmem:$0x1F9C0] =	vst v11;
	v11 =	vld [tilespmem:s29+$0xFFFFFEB0]  }
0x365: {  	v8 =	vld.idx.msk [tilespmem:v18+s4+$0x0], $0xffff;
	v18 =	vmul.f32 v55, v25;
	v27 =	vmul.f32 v36, v25;
	v2 =	vadd.f32 v13, v2  }
0x366: {  	v12 =	vld [tilespmem:s29+$0xFFFFFF20]  }
0x367: {  	v2 =	vadd.f32 v18, v2;
	v17 =	vadd.f32 v27, v17;
	v27 =	vmul.f32 v4, v21;
	_ =	sdelay $0x1  }
0x368: {  	v2 =	vadd.f32 v19, v2;
	v19 =	vmul.f32 v34, v16;
	v3 =	vadd.f32 v27, v3  }
0x369: {  	v49 =	vld.idx.msk [tilespmem:v14+s4+$0x0], $0xffff  }
0x36a: {  	v19 =	vadd.f32 v19, v3;
	v3 =	vld [tilespmem:$0x1F6E0]  }
0x36b: {  	v4 =	vld.idx.msk [tilespmem:v11+s4+$0x0], $0xffff;
	v11 =	vmul.f32 v43, v21  }
0x36c: {  	v13 =	vld [tilespmem:s29+$0xFFFFFFA0]  }
0x36d: {  	s31 =	simm.s32 $0x0;
	v14 =	vmul.f32 v53, v16;
	v48 =	vld.idx.msk [tilespmem:v12+s4+$0x0], $0xffff;
	v11 =	vadd.f32 v11, v17  }
0x36e: {  	v12 =	vmul.f32 v23, v16;
	v23 =	vld [tilespmem:s31+$0x1C160]  }
0x36f: {  	v17 =	vmul.f32 v54, v15;
	v14 =	vadd.f32 v14, v11;
	v56 =	vmul.f32 v3, v0;
	v3 =	vld [tilespmem:$0x1F6F0];
	_ =	sdelay $0x1  }
0x370: {  	v14 =	vadd.f32 v17, v14;
	v17 =	vld [tilespmem:$0x1F700];
	_ =	sdelay $0x2  }
0x371: {  	v50 =	vld.idx.msk [tilespmem:v13+s4+$0x0], $0xffff;
	v0 =	vmul.f32 v3, v0;
	v3 =	vbroadcast v23, $0x7  }
0x372: {  	v13 =	vld [tilespmem:$0x1F6B0]  }
0x373: {  	v25 =	vmul.f32 v37, v25;
	v17 =	vmul.f32 v17, v3  }
0x374: {  	v2 =	vadd.f32 v12, v2;
	v12 =	vld [tilespmem:$0x1F6C0]  }
0x375: {  	v10 =	vadd.f32 v25, v10;
	v21 =	vmul.f32 v44, v21;
	[tilespmem:$0x1F710] =	vst v17;
	v17 =	vld [tilespmem:$0x1F720];
	_ =	sdelay $0x1  }
0x376: {  	v13 =	vmul.f32 v13, v9;
	v16 =	vmul.f32 v42, v16;
	v10 =	vadd.f32 v21, v10  }
0x377: {  	v18 =	vld [tilespmem:s29+$0xFFFFFFD0];
	v25 =	vmul.f32 v61, v15  }
0x378: {  	v28 =	vld [tilespmem:s29+$0xFFFFFFC0];
	v12 =	vmul.f32 v12, v7;
	v10 =	vadd.f32 v16, v10;
	v13 =	vadd.f32 v13, v14  }
0x379: {  	v15 =	vld [tilespmem:$0x1F6D0];
	v17 =	vmul.f32 v17, v3  }
0x37a: {  	v9 =	vmul.f32 v62, v9;
	v10 =	vadd.f32 v25, v10;
	v12 =	vadd.f32 v12, v13;
	v13 =	vld [tilespmem:$0x1F8A0]  }
0x37b: {  	[tilespmem:$0x1F730] =	vst v17;
	v17 =	vld [tilespmem:$0x1F740]  }
0x37c: {  	v9 =	vadd.f32 v9, v10;
	v10 =	vld [tilespmem:$0x1F820];
	_ =	sdelay $0x1  }
0x37d: {  	v11 =	vbroadcast v23, $0x5  }
0x37e: {  	v34 =	vld.idx.msk [tilespmem:v18+s4+$0x0], $0xffff;
	v63 =	vmul.f32 v15, v7;
	v7 =	vbroadcast v23, $0x6  }
0x37f: {  	v18 =	vadd.f32 v22, v19;
	v19 =	vmul.f32 v13, v11;
	v13 =	vld [tilespmem:$0x1F8B0];
	v17 =	vmul.f32 v17, v3  }
0x380: {  	v10 =	vmul.f32 v10, v7  }
0x381: {  	[tilespmem:$0x1F750] =	vst v17;
	v17 =	vld [tilespmem:$0x1F760]  }
0x382: {  	[tilespmem:$0x1F830] =	vst v10;
	v10 =	vld [tilespmem:$0x1F840]  }
0x383: {  	v6 =	vadd.f32 v33, v6;
	v33 =	vld.idx.msk [tilespmem:v28+s4+$0x0], $0xffff  }
0x384: {  	v28 =	vmul.f32 v13, v11;
	v13 =	vld [tilespmem:$0x1F8C0];
	_ =	sdelay $0x1  }
0x385: {  	v17 =	vmul.f32 v17, v3  }
0x386: {  	v15 =	vbroadcast v23, $0x4;
	v27 =	vmul.f32 v10, v7;
	v10 =	vld [tilespmem:s29+$0xFFFFFFF0]  }
0x387: {  	[tilespmem:$0x1F770] =	vst v17;
	v17 =	vld [tilespmem:s29+$0xF0]  }
0x388: {  	v52 =	vmul.f32 v13, v15;
	v13 =	vld [tilespmem:$0x1F8D0];
	_ =	sdelay $0x2  }
0x389: {  	[tilespmem:$0x1F850] =	vst v10;
	v10 =	vld [tilespmem:$0x1FC70]  }
0x38a: {  	v2 =	vadd.f32 v26, v2;
	[tilespmem:$0x1F780] =	vst v17;
	v17 =	vld [tilespmem:$0x1F790]  }
0x38b: {  	v53 =	vmul.f32 v13, v15;
	v13 =	vld [tilespmem:$0x1FBC0]  }
0x38c: {  	v2 =	vadd.f32 v20, v2;
	_ =	sdelay $0x1  }
0x38d: {  	v2 =	vadd.f32 v10, v2  }
0x38e: {  	v17 =	vmul.f32 v17, v3  }
0x38f: {  	v10 =	vld [tilespmem:$0x1F860];
	v2 =	vadd.f32 v13, v2  }
0x390: {  	[tilespmem:$0x1F7A0] =	vst v17;
	v17 =	vld [tilespmem:$0x1F7B0]  }
0x391: {  	[tilespmem:$0x1F8E0] =	vst v2;
	v2 =	vld [tilespmem:$0x1F8F0];
	_ =	sdelay $0x2  }
0x392: {  	v44 =	vmul.f32 v10, v11;
	v10 =	vld [tilespmem:$0x1F870]  }
0x393: {  	v17 =	vmul.f32 v17, v3  }
0x394: {  	v54 =	vmul.f32 v2, v15;
	v2 =	vld [tilespmem:$0x1F900]  }
0x395: {  	[tilespmem:$0x1F7C0] =	vst v17;
	v17 =	vld [tilespmem:$0x1FD10];
	_ =	sdelay $0x1  }
0x396: {  	v45 =	vmul.f32 v10, v11;
	v10 =	vld [tilespmem:$0x1FC90];
	_ =	sdelay $0x1  }
0x397: {  	v55 =	vmul.f32 v2, v15;
	v2 =	vld [tilespmem:$0x1FBE0]  }
0x398: {  	v17 =	vadd.f32 v17, v18  }
0x399: {  	v24 =	vld [tilespmem:s29+$0xFFFFFFB0]  }
0x39a: {  	v10 =	vadd.f32 v10, v17;
	_ =	sdelay $0x1  }
0x39b: {  	v58 =	vld [tilespmem:s29+$0xFFFFFF40];
	v2 =	vadd.f32 v2, v10  }
0x39c: {  	v31 =	vld [tilespmem:s29+$0x160]  }
0x39d: {  	[tilespmem:$0x1F910] =	vst v2;
	v2 =	vld [tilespmem:$0x1F920]  }
0x39e: {  	v30 =	vld [tilespmem:s29+$0x1F0]  }
0x39f: {  	v32 =	vld [tilespmem:s29+$0x170]  }
0x3a0: {  	v51 =	vld.idx.msk [tilespmem:v24+s4+$0x0], $0xffff  }
0x3a1: {  	v14 =	vld [tilespmem:$0x1F800]  }
0x3a2: {  	v20 =	vmul.f32 v2, v15;
	v2 =	vld [tilespmem:$0x1F930]  }
0x3a3: {  	v59 =	vld [tilespmem:s29+$0xFFFFFF50];
	v9 =	vadd.f32 v63, v9  }
0x3a4: {  	v60 =	vld [tilespmem:s29+$0xFFFFFEC0]  }
0x3a5: {  	v29 =	vld [tilespmem:s29+$0x1E0];
	v0 =	vadd.f32 v0, v9  }
0x3a6: {  	v40 =	vmul.f32 v14, v7;
	v14 =	vld [tilespmem:$0x1F810]  }
0x3a7: {  	[tilespmem:$0x1F960] =	vst v0;
	v0 =	vld [tilespmem:$0x1F970];
	v25 =	vmul.f32 v2, v15;
	v2 =	vadd.f32 v56, v12  }
0x3a8: {  	v37 =	vld [tilespmem:s29+$0x60]  }
0x3a9: {  	[tilespmem:$0x1F940] =	vst v2;
	v2 =	vld [tilespmem:$0x1F950]  }
0x3aa: {  	v36 =	vld [tilespmem:s29+$0xFFFFFFE0];
	v26 =	vbroadcast v23, $0x0;
	v16 =	vbroadcast v23, $0x3  }
0x3ab: {  	v35 =	vld [tilespmem:s29+$0xFFFFFE50];
	v41 =	vmul.f32 v14, v7  }
0x3ac: {  	v14 =	vld [tilespmem:$0x1F880];
	v63 =	vmul.f32 v0, v16;
	v0 =	vmul.f32 v5, v26  }
0x3ad: {  	v61 =	vld [tilespmem:s29+$0xFFFFFED0]  }
0x3ae: {  	v13 =	vadd.f32 v0, v6;
	v0 =	vld [tilespmem:$0x1F990];
	v62 =	vmul.f32 v2, v16;
	v2 =	vmul.f32 v57, v26  }
0x3af: {  	v18 =	vld [tilespmem:$0x1F7D0]  }
0x3b0: {  	v12 =	vadd.f32 v2, v1;
	v1 =	vld [tilespmem:$0x1F980]  }
0x3b1: {  	v21 =	vbroadcast v23, $0x2;
	v46 =	vmul.f32 v14, v11;
	v14 =	vld [tilespmem:$0x1F890]  }
0x3b2: {  	v2 =	vld [tilespmem:$0x1F9B0]  }
0x3b3: {  	v6 =	vmul.f32 v0, v21;
	v0 =	vld [tilespmem:$0x1F9A0]  }
0x3b4: {  	v38 =	vmul.f32 v18, v7;
	v18 =	vld [tilespmem:$0x1F7E0]  }
0x3b5: {  	v42 =	vld [tilespmem:s29+$0xFFFFFF60];
	v5 =	vmul.f32 v1, v21;
	v1 =	vmul.f32 v8, v26  }
0x3b6: {  	v47 =	vmul.f32 v14, v11;
	v14 =	vld [tilespmem:$0x1F9E0]  }
0x3b7: {  	v2 =	vadd.f32 v1, v2;
	v1 =	vld [tilespmem:$0x1F9C0]  }
0x3b8: {  	v43 =	vld [tilespmem:s29+$0xFFFFFF70]  }
0x3b9: {  	v0 =	vmul.f32 v0, v26;
	v39 =	vmul.f32 v18, v7;
	v18 =	vld [tilespmem:s29+$0x70]  }
0x3ba: {  	v24 =	vbroadcast v23, $0x1;
	v23 =	vld [tilespmem:s29+$0xE0]  }
0x3bb: {  	v17 =	vadd.f32 v0, v14;
	v0 =	vld [tilespmem:$0x1F9F0]  }
0x3bc: {  	v9 =	vmul.f32 v1, v24;
	v1 =	vld [tilespmem:$0x1F9D0]  }
0x3bd: {  	v10 =	vld [tilespmem:s29+$0xFFFFFE40]  }
0x3be: {  	[tilespmem:$0x1F7F0] =	vst v18;
	v18 =	vmul.f32 v4, v24;
	v4 =	vld [tilespmem:s29+$0xFFFFFE70]  }
0x3bf: {  	v56 =	vld [tilespmem:s29+$0xFFFFFEE0]  }
0x3c0: {  	v57 =	vld [tilespmem:s29+$0xFFFFFEF0]  }
0x3c1: {  	s30 =	simm.s32 $0x20;
	v14 =	vmul.f32 v0, v24;
	v8 =	vmul.f32 v1, v24;
	v1 =	vld [tilespmem:s29+$0xFFFFFE60]  }
.LBB2_7:
0x3c2: {  	v36 =	vld.idx.msk [tilespmem:v36+s4+$0x0], $0xffff  }
0x3c3: {  	v22 =	vld [tilespmem:$0x1F710]  }
0x3c4: {  	v0 =	vadd.f32 v9, v12;
	v12 =	vld.idx.msk [tilespmem:v58+s4+$0x0], $0xffff  }
0x3c5: {  	v8 =	vadd.f32 v8, v13;
	v13 =	vadd.f32 v18, v17;
	v17 =	vld.idx.msk [tilespmem:v59+s4+$0x0], $0xffff  }
0x3c6: {  	v18 =	vld.idx.msk [tilespmem:v60+s4+$0x0], $0xffff  }
0x3c7: {  	v0 =	vadd.f32 v5, v0;
	v5 =	vadd.f32 v6, v8;
	v8 =	vld.idx.msk [tilespmem:v61+s4+$0x0], $0xffff  }
0x3c8: {  	v10 =	vld.idx.msk [tilespmem:v10+s4+$0x0], $0xffff  }
0x3c9: {  	v60 =	vld.idx.msk [tilespmem:v35+s4+$0x0], $0xffff  }
0x3ca: {  	v1 =	vld.idx.msk [tilespmem:v1+s4+$0x0], $0xffff  }
0x3cb: {  	v4 =	vld.idx.msk [tilespmem:v4+s4+$0x0], $0xffff  }
0x3cc: {  	v61 =	vld.idx.msk [tilespmem:v57+s4+$0x0], $0xffff  }
0x3cd: {  	v42 =	vld.idx.msk [tilespmem:v42+s4+$0x0], $0xffff  }
0x3ce: {  	s29 =	sadd.s32 $0x400, s29;
	v5 =	vadd.f32 v63, v5;
	v63 =	vld.idx.msk [tilespmem:v43+s4+$0x0], $0xffff  }
0x3cf: {  	v6 =	vmul.f32 v50, v16;
	v50 =	vld [tilespmem:s29+$0xFFFFFFA0]  }
0x3d0: {  	v9 =	vmul.f32 v48, v21;
	v48 =	vld [tilespmem:s29+$0xFFFFFF20]  }
0x3d1: {  	v2 =	vadd.f32 v14, v2;
	v14 =	vmul.f32 v49, v21;
	v49 =	vld [tilespmem:s29+$0xFFFFFF30]  }
0x3d2: {  	v58 =	vld [tilespmem:s29+$0xFFFFFF40]  }
0x3d3: {  	v59 =	vld [tilespmem:s29+$0xFFFFFF50]  }
0x3d4: {  	v43 =	vld [tilespmem:s29+$0xFFFFFF70]  }
0x3d5: {  	v57 =	vld [tilespmem:s29+$0xFFFFFEF0]  }
0x3d6: {  	v0 =	vadd.f32 v62, v0;
	v35 =	vld [tilespmem:s29+$0xFFFFFE50]  }
0x3d7: {  	v2 =	vadd.f32 v9, v2;
	v9 =	vadd.f32 v14, v13;
	v14 =	vmul.f32 v33, v16;
	v33 =	vld [tilespmem:s29+$0x60]  }
0x3d8: {  	v13 =	vmul.f32 v51, v16;
	v0 =	vadd.f32 v52, v0;
	v51 =	vld [tilespmem:s29+$0xFFFFFFB0]  }
0x3d9: {  	v52 =	vld [tilespmem:s29+$0xFFFFFE10]  }
0x3da: {  	v5 =	vadd.f32 v53, v5;
	v53 =	vld [tilespmem:s29+$0xFFFFFE20];
	v0 =	vadd.f32 v44, v0  }
0x3db: {  	v2 =	vadd.f32 v6, v2;
	v6 =	vadd.f32 v13, v9;
	v9 =	vmul.f32 v34, v16;
	v34 =	vld [tilespmem:s29+$0xFFFFFFC0]  }
0x3dc: {  	v44 =	vld [tilespmem:s29+$0xFFFFFF10];
	v0 =	vadd.f32 v38, v0  }
0x3dd: {  	v5 =	vadd.f32 v45, v5;
	v45 =	vld [tilespmem:s29+$0xFFFFFE80]  }
0x3de: {  	v13 =	vmul.f32 v17, v21;
	v17 =	vmul.f32 v18, v24;
	v18 =	vld.idx.msk [tilespmem:v56+s4+$0x0], $0xffff;
	v0 =	vadd.f32 v22, v0  }
0x3df: {  	v62 =	vmul.f32 v60, v26;
	v60 =	vld [tilespmem:s29+$0xFFFFFEC0]  }
0x3e0: {  	[tilespmem:$0x1F630] =	vst v0;
	v0 =	vld [tilespmem:$0x1F730]  }
0x3e1: {  	s0 =	sshra.s32 s30, $0x2;
	v56 =	vld [tilespmem:s29+$0xFFFFFEE0]  }
0x3e2: {  	v38 =	vld [tilespmem:s0+$0x1C160]  }
0x3e3: {  	v5 =	vadd.f32 v39, v5;
	v39 =	vld [tilespmem:s29+$0xFFFFFF80]  }
0x3e4: {  	v2 =	vadd.f32 v54, v2;
	v54 =	vld [tilespmem:s29+$0xFFFFFE30]  }
0x3e5: {  	v0 =	vadd.f32 v0, v5;
	v5 =	vld [tilespmem:$0x1F750]  }
0x3e6: {  	v6 =	vadd.f32 v55, v6;
	v2 =	vadd.f32 v46, v2;
	v22 =	vld [tilespmem:$0x1F7F0]  }
0x3e7: {  	v46 =	vld [tilespmem:s29+$0xFFFFFE90]  }
0x3e8: {  	v6 =	vadd.f32 v47, v6;
	v47 =	vld [tilespmem:s29+$0xFFFFFE00];
	v2 =	vadd.f32 v40, v2  }
0x3e9: {  	v48 =	vld.idx.msk [tilespmem:v48+s4+$0x0], $0xffff  }
0x3ea: {  	v49 =	vld.idx.msk [tilespmem:v49+s4+$0x0], $0xffff;
	v2 =	vadd.f32 v5, v2  }
0x3eb: {  	[tilespmem:$0x1F640] =	vst v0;
	v0 =	vmul.f32 v4, v26;
	v4 =	vld [tilespmem:$0x1F850]  }
0x3ec: {  	[tilespmem:$0x1F650] =	vst v2;
	v2 =	vld [tilespmem:$0x1F770]  }
0x3ed: {  	v50 =	vld.idx.msk [tilespmem:v50+s4+$0x0], $0xffff  }
0x3ee: {  	v40 =	vld [tilespmem:s29+$0xFFFFFF90]  }
0x3ef: {  	v6 =	vadd.f32 v41, v6;
	v41 =	vld [tilespmem:s29+$0xFFFFFF00]  }
0x3f0: {  	v5 =	vld [tilespmem:$0x1F910]  }
0x3f1: {  	v2 =	vadd.f32 v2, v6;
	v6 =	vmul.f32 v18, v24;
	v18 =	vld [tilespmem:$0x1F940]  }
0x3f2: {  	v51 =	vld.idx.msk [tilespmem:v51+s4+$0x0], $0xffff  }
0x3f3: {  	v10 =	vmul.f32 v10, v26;
	v1 =	vmul.f32 v1, v26;
	v26 =	vld [tilespmem:s29+$0x10]  }
0x3f4: {  	v4 =	vld.idx.msk [tilespmem:v4+s4+$0x0], $0xffff  }
0x3f5: {  	v8 =	vmul.f32 v8, v24;
	v5 =	vadd.f32 v62, v5;
	[tilespmem:$0x1F660] =	vst v2;
	v2 =	vld [tilespmem:$0x1F8E0]  }
0x3f6: {  	v1 =	vadd.f32 v1, v18;
	v18 =	vld [tilespmem:$0x1F960]  }
0x3f7: {  	v62 =	vld [tilespmem:s29+$0xFFFFFEA0];
	v5 =	vadd.f32 v8, v5  }
0x3f8: {  	v8 =	vmul.f32 v42, v21;
	v42 =	vld [tilespmem:s29+$0xFFFFFF60]  }
0x3f9: {  	v5 =	vadd.f32 v13, v5;
	v13 =	vld.idx.msk [tilespmem:v31+s4+$0x0], $0xffff  }
0x3fa: {  	v31 =	vld [tilespmem:s29+$0x40]  }
0x3fb: {  	v2 =	vadd.f32 v10, v2;
	v10 =	vld.idx.msk [tilespmem:v37+s4+$0x0], $0xffff;
	v0 =	vadd.f32 v0, v18;
	v18 =	vmul.f32 v61, v24  }
0x3fc: {  	v12 =	vmul.f32 v12, v21;
	v1 =	vadd.f32 v6, v1;
	v6 =	vmul.f32 v63, v21;
	v21 =	vld [tilespmem:s29+$0xC0]  }
0x3fd: {  	v0 =	vadd.f32 v18, v0;
	v18 =	vld [tilespmem:$0x1F780]  }
0x3fe: {  	v63 =	vld [tilespmem:s29+$0xFFFFFEB0]  }
0x3ff: {  	v37 =	vld.idx.msk [tilespmem:v26+s4+$0x0], $0xffff  }
0x400: {  	v2 =	vadd.f32 v17, v2;
	v17 =	vld.idx.msk [tilespmem:v23+s4+$0x0], $0xffff  }
0x401: {  	v1 =	vadd.f32 v8, v1;
	v8 =	vld.idx.msk [tilespmem:v32+s4+$0x0], $0xffff  }
0x402: {  	v32 =	vld [tilespmem:s29+$0x50]  }
0x403: {  	v24 =	vld.idx.msk [tilespmem:v22+s4+$0x0], $0xffff  }
0x404: {  	v61 =	vld [tilespmem:s29+$0xFFFFFED0]  }
0x405: {  	v4 =	vmul.f32 v4, v16;
	v18 =	vld.idx.msk [tilespmem:v18+s4+$0x0], $0xffff  }
0x406: {  	v31 =	vld.idx.msk [tilespmem:v31+s4+$0x0], $0xffff;
	v2 =	vadd.f32 v12, v2;
	v12 =	vmul.f32 v36, v16;
	v0 =	vadd.f32 v6, v0  }
0x407: {  	v16 =	vld [tilespmem:s29+$0x150]  }
0x408: {  	v1 =	vadd.f32 v12, v1;
	v12 =	vld.idx.msk [tilespmem:v30+s4+$0x0], $0xffff;
	v0 =	vadd.f32 v4, v0;
	v4 =	vmul.f32 v24, v15  }
0x409: {  	v6 =	vadd.f32 v9, v5;
	v9 =	vmul.f32 v10, v15;
	v10 =	vld.idx.msk [tilespmem:v29+s4+$0x0], $0xffff  }
0x40a: {  	v30 =	vld [tilespmem:s29+$0x30];
	v0 =	vadd.f32 v4, v0;
	v4 =	vmul.f32 v18, v11  }
0x40b: {  	v2 =	vadd.f32 v14, v2;
	v5 =	vld [tilespmem:s29+$0x180]  }
0x40c: {  	v29 =	vld [tilespmem:s29+$0x20];
	v0 =	vadd.f32 v4, v0;
	v4 =	vmul.f32 v8, v7  }
0x40d: {  	v2 =	vadd.f32 v20, v2;
	v14 =	vadd.f32 v25, v6;
	v15 =	vmul.f32 v17, v11;
	v6 =	vld [tilespmem:s29+$0x190]  }
0x40e: {  	v17 =	vld [tilespmem:s29+$0x80];
	v10 =	vmul.f32 v10, v3;
	v3 =	vmul.f32 v12, v3;
	v0 =	vadd.f32 v4, v0  }
0x40f: {  	v24 =	vld [tilespmem:s29+$0xD0]  }
0x410: {  	v2 =	vadd.f32 v19, v2;
	v19 =	vld [tilespmem:s29+$0xA0];
	v0 =	vadd.f32 v3, v0  }
0x411: {  	v1 =	vadd.f32 v9, v1;
	v9 =	vadd.f32 v28, v14;
	v14 =	vld [tilespmem:s29+$0x1B0]  }
0x412: {  	[tilespmem:$0x1F960] =	vst v0;
	v0 =	vld [tilespmem:s29+$0x160]  }
0x413: {  	v1 =	vadd.f32 v15, v1;
	v15 =	vld [tilespmem:s29+$0x140]  }
0x414: {  	v13 =	vmul.f32 v13, v7;
	v28 =	vld.idx.msk [tilespmem:v21+s4+$0x0], $0xffff  }
0x415: {  	v12 =	vld [tilespmem:s29+$0x120]  }
0x416: {  	v1 =	vadd.f32 v13, v1;
	v13 =	vld [tilespmem:s29+$0x130]  }
0x417: {  	[tilespmem:$0x1F610] =	vst v0;
	v0 =	vld [tilespmem:s29+$0x170]  }
0x418: {  	v9 =	vadd.f32 v27, v9;
	v27 =	vld.idx.msk [tilespmem:v16+s4+$0x0], $0xffff  }
0x419: {  	v5 =	vld.idx.msk [tilespmem:v5+s4+$0x0], $0xffff  }
0x41a: {  	v6 =	vld.idx.msk [tilespmem:v6+s4+$0x0], $0xffff  }
0x41b: {  	v36 =	vld.idx.msk [tilespmem:v24+s4+$0x0], $0xffff  }
0x41c: {  	[tilespmem:$0x1F620] =	vst v0;
	v0 =	vld [tilespmem:s29+$0xE0]  }
0x41d: {  	v11 =	vld [tilespmem:s29+$0x1A0]  }
0x41e: {  	v4 =	vld [tilespmem:s29+$0x1E0]  }
0x41f: {  	v8 =	vld [tilespmem:$0x1F830]  }
0x420: {  	v3 =	vld [tilespmem:s29+$0x100]  }
0x421: {  	[tilespmem:$0x1F670] =	vst v0;
	v0 =	vld [tilespmem:s29+$0xF0]  }
0x422: {  	v18 =	vld [tilespmem:s29+$0x90]  }
0x423: {  	[tilespmem:$0x1F5F0] =	vst v4;
	v4 =	vld [tilespmem:$0x1F7A0]  }
0x424: {  	v19 =	vld.idx.msk [tilespmem:v19+s4+$0x0], $0xffff  }
0x425: {  	v2 =	vadd.f32 v8, v2;
	v8 =	vld [tilespmem:s29+$0x1D0]  }
0x426: {  	[tilespmem:$0x1F780] =	vst v0;
	v0 =	vld [tilespmem:s29+$0x70]  }
0x427: {  	v14 =	vld.idx.msk [tilespmem:v14+s4+$0x0], $0xffff  }
0x428: {  	v7 =	vld [tilespmem:s29+$0x1C0];
	v2 =	vadd.f32 v4, v2  }
0x429: {  	v23 =	vld.idx.msk [tilespmem:v3+s4+$0x0], $0xffff  }
0x42a: {  	[tilespmem:$0x1F8E0] =	vst v2;
	v2 =	vld [tilespmem:$0x1F7C0]  }
0x42b: {  	v3 =	vbroadcast v38, $0x7;
	[tilespmem:$0x1F7F0] =	vst v0;
	v0 =	vld [tilespmem:s29+$0xFFFFFFD0]  }
0x42c: {  	v55 =	vld.idx.msk [tilespmem:v11+s4+$0x0], $0xffff  }
0x42d: {  	v12 =	vld.idx.msk [tilespmem:v12+s4+$0x0], $0xffff;
	v5 =	vmul.f32 v5, v3  }
0x42e: {  	v8 =	vld.idx.msk [tilespmem:v8+s4+$0x0], $0xffff  }
0x42f: {  	[tilespmem:$0x1F710] =	vst v5;
	v2 =	vadd.f32 v2, v9;
	v9 =	vld [tilespmem:s29+$0x110]  }
0x430: {  	v5 =	vmul.f32 v6, v3;
	[tilespmem:$0x1F680] =	vst v0;
	v0 =	vld [tilespmem:s29+$0xFFFFFFF0]  }
0x431: {  	v13 =	vld.idx.msk [tilespmem:v13+s4+$0x0], $0xffff;
	v6 =	vmul.f32 v55, v3  }
0x432: {  	v22 =	vld.idx.msk [tilespmem:v7+s4+$0x0], $0xffff;
	[tilespmem:$0x1F730] =	vst v5  }
0x433: {  	v5 =	vld.idx.msk [tilespmem:v39+s4+$0x0], $0xffff;
	[tilespmem:$0x1F750] =	vst v6  }
0x434: {  	v6 =	vmul.f32 v14, v3;
	[tilespmem:$0x1F910] =	vst v2;
	v2 =	vld [tilespmem:s29+$0x1F0]  }
0x435: {  	v8 =	vmul.f32 v8, v3;
	[tilespmem:$0x1F850] =	vst v0;
	v0 =	vld.idx.msk [tilespmem:v15+s4+$0x0], $0xffff  }
0x436: {  	[tilespmem:$0x1F770] =	vst v6;
	v6 =	vld.idx.msk [tilespmem:v40+s4+$0x0], $0xffff  }
0x437: {  	[tilespmem:$0x1F7C0] =	vst v8;
	v8 =	vld.idx.msk [tilespmem:v41+s4+$0x0], $0xffff  }
0x438: {  	v7 =	vbroadcast v38, $0x6;
	v9 =	vld.idx.msk [tilespmem:v9+s4+$0x0], $0xffff  }
0x439: {  	v26 =	vbroadcast v38, $0x0;
	v21 =	vbroadcast v38, $0x2;
	[tilespmem:$0x1F600] =	vst v2;
	v2 =	vld [tilespmem:s29+$0xFFFFFFE0]  }
0x43a: {  	v40 =	vmul.f32 v12, v7;
	v12 =	vld.idx.msk [tilespmem:v45+s4+$0x0], $0xffff;
	v0 =	vmul.f32 v0, v7  }
0x43b: {  	v11 =	vbroadcast v38, $0x5;
	v41 =	vmul.f32 v13, v7;
	v13 =	vld.idx.msk [tilespmem:v47+s4+$0x0], $0xffff  }
0x43c: {  	v16 =	vbroadcast v38, $0x3;
	v24 =	vbroadcast v38, $0x1;
	[tilespmem:$0x1F830] =	vst v0;
	v0 =	vld.idx.msk [tilespmem:v46+s4+$0x0], $0xffff  }
0x43d: {  	v39 =	vmul.f32 v9, v7;
	v9 =	vld.idx.msk [tilespmem:v44+s4+$0x0], $0xffff;
	v46 =	vmul.f32 v19, v11  }
0x43e: {  	v19 =	vmul.f32 v28, v11;
	v28 =	vmul.f32 v36, v11;
	v36 =	vmov v2;
	v2 =	vld [tilespmem:$0x1F630]  }
0x43f: {  	v14 =	vmul.f32 v22, v3;
	v22 =	vld.idx.msk [tilespmem:v62+s4+$0x0], $0xffff;
	v62 =	vmul.f32 v5, v16  }
0x440: {  	v17 =	vld.idx.msk [tilespmem:v17+s4+$0x0], $0xffff;
	v5 =	vmul.f32 v8, v21;
	v15 =	vbroadcast v38, $0x4  }
0x441: {  	[tilespmem:$0x1F7A0] =	vst v14;
	v14 =	vld.idx.msk [tilespmem:v52+s4+$0x0], $0xffff;
	v8 =	vmul.f32 v0, v24;
	v0 =	vmul.f32 v13, v26  }
0x442: {  	v38 =	vmul.f32 v23, v7;
	v23 =	vld.idx.msk [tilespmem:v63+s4+$0x0], $0xffff;
	v63 =	vmul.f32 v6, v16  }
0x443: {  	v6 =	vmul.f32 v9, v21;
	v9 =	vmul.f32 v12, v24;
	v12 =	vadd.f32 v0, v2;
	v0 =	vld [tilespmem:$0x1F640]  }
0x444: {  	v20 =	vld [tilespmem:s29+$0xB0]  }
0x445: {  	v18 =	vld.idx.msk [tilespmem:v18+s4+$0x0], $0xffff  }
0x446: {  	v44 =	vmul.f32 v17, v11;
	v17 =	vld.idx.msk [tilespmem:v53+s4+$0x0], $0xffff;
	v13 =	vmul.f32 v14, v26  }
0x447: {  	v25 =	vld [tilespmem:s29+$0x0]  }
0x448: {  	v13 =	vadd.f32 v13, v0;
	v0 =	vld [tilespmem:$0x1F650]  }
0x449: {  	v32 =	vld.idx.msk [tilespmem:v32+s4+$0x0], $0xffff  }
0x44a: {  	v30 =	vld.idx.msk [tilespmem:v30+s4+$0x0], $0xffff  }
0x44b: {  	v45 =	vmul.f32 v18, v11;
	v18 =	vld.idx.msk [tilespmem:v54+s4+$0x0], $0xffff;
	v17 =	vmul.f32 v17, v26  }
0x44c: {  	v1 =	vadd.f32 v10, v1;
	v10 =	vld [tilespmem:s29+$0xFFFFFE40]  }
0x44d: {  	v2 =	vadd.f32 v17, v0;
	v0 =	vld [tilespmem:$0x1F660]  }
0x44e: {  	v29 =	vld.idx.msk [tilespmem:v29+s4+$0x0], $0xffff  }
0x44f: {  	v20 =	vld.idx.msk [tilespmem:v20+s4+$0x0], $0xffff  }
0x450: {  	[tilespmem:$0x1F940] =	vst v1;
	v1 =	vld [tilespmem:s29+$0xFFFFFE60];
	v18 =	vmul.f32 v18, v26  }
0x451: {  	v25 =	vld.idx.msk [tilespmem:v25+s4+$0x0], $0xffff  }
0x452: {  	v17 =	vadd.f32 v18, v0;
	v0 =	vld [tilespmem:$0x1F680]  }
0x453: {  	v4 =	vld [tilespmem:s29+$0xFFFFFE70]  }
0x454: {  	v54 =	vmul.f32 v29, v15;
	v29 =	vld [tilespmem:$0x1F5F0]  }
0x455: {  	p1 =	sne.s32 s30, $0xA0;
	v55 =	vmul.f32 v30, v15;
	v30 =	vld [tilespmem:$0x1F600]  }
.Ltmp2:
0x456: {  	v47 =	vmul.f32 v20, v11;
	v20 =	vmul.f32 v31, v15;
	v31 =	vld [tilespmem:$0x1F610];
	(pc) =	sbr.rel @p1 .LBB2_7-.Ltmp2, $4  }
0x457: {  	v52 =	vmul.f32 v25, v15;
	v25 =	vmul.f32 v32, v15;
	v32 =	vld [tilespmem:$0x1F620]  }
0x458: {  	v53 =	vmul.f32 v37, v15;
	v37 =	vmov v33;
	v33 =	vld.idx.msk [tilespmem:v34+s4+$0x0], $0xffff  }
0x459: {  	v18 =	vmul.f32 v23, v24;
	v23 =	vld [tilespmem:$0x1F670]  }
0x45a: {  	s30 =	sadd.s32 $0x20, s30;
	v27 =	vmul.f32 v27, v7;
	v14 =	vmul.f32 v22, v24;
	v34 =	vld.idx.msk [tilespmem:v0+s4+$0x0], $0xffff  }
0x45b: {  	_ =	sdelay $0x3  }
0x45c: {  	v0 =	vld.idx.msk [tilespmem:v58+s4+$0x0], $0xffff;
	_ =	sdelay $0x4  }
0x45d: {  	[tilespmem:$0x1F280] =	vst v0;
	v0 =	vld.idx.msk [tilespmem:v59+s4+$0x0], $0xffff;
	_ =	sdelay $0x4  }
0x45e: {  	[tilespmem:$0x1F290] =	vst v0;
	v0 =	vld [tilespmem:$0x1F850];
	_ =	sdelay $0x5  }
0x45f: {  	v58 =	vld.idx.msk [tilespmem:v60+s4+$0x0], $0xffff  }
0x460: {  	v60 =	vld.idx.msk [tilespmem:v36+s4+$0x0], $0xffff  }
0x461: {  	v36 =	vld.idx.msk [tilespmem:v0+s4+$0x0], $0xffff  }
0x462: {  	v0 =	vld [tilespmem:$0x1F7F0];
	_ =	sdelay $0x7  }
0x463: {  	[tilespmem:$0x1F460] =	vst v27;
	v27 =	vld.idx.msk [tilespmem:v0+s4+$0x0], $0xffff  }
0x464: {  	v0 =	vld [tilespmem:$0x1F780];
	_ =	sdelay $0x6  }
0x465: {  	[tilespmem:$0x1F390] =	vst v28;
	v28 =	vld.idx.msk [tilespmem:v23+s4+$0x0], $0xffff  }
0x466: {  	v23 =	vld.idx.msk [tilespmem:v0+s4+$0x0], $0xffff  }
0x467: {  	v0 =	vld.idx.msk [tilespmem:v31+s4+$0x0], $0xffff;
	_ =	sdelay $0x4  }
0x468: {  	[tilespmem:$0x1F2A0] =	vst v0;
	v0 =	vld.idx.msk [tilespmem:v32+s4+$0x0], $0xffff;
	_ =	sdelay $0x2  }
0x469: {  	v10 =	vld.idx.msk [tilespmem:v10+s4+$0x0], $0xffff  }
0x46a: {  	v22 =	vld.idx.msk [tilespmem:v35+s4+$0x0], $0xffff  }
0x46b: {  	[tilespmem:$0x1F2B0] =	vst v0;
	v0 =	vld.idx.msk [tilespmem:v29+s4+$0x0], $0xffff  }
0x46c: {  	v1 =	vld.idx.msk [tilespmem:v1+s4+$0x0], $0xffff  }
0x46d: {  	v4 =	vld.idx.msk [tilespmem:v4+s4+$0x0], $0xffff  }
0x46e: {  	v56 =	vld.idx.msk [tilespmem:v56+s4+$0x0], $0xffff  }
0x46f: {  	v57 =	vld.idx.msk [tilespmem:v57+s4+$0x0], $0xffff  }
0x470: {  	[tilespmem:$0x1F2C0] =	vst v0;
	v0 =	vld.idx.msk [tilespmem:v30+s4+$0x0], $0xffff  }
0x471: {  	v42 =	vld.idx.msk [tilespmem:v42+s4+$0x0], $0xffff;
	p1 =	seq.s32 s26, $0x3  }
0x472: {  	v43 =	vld.idx.msk [tilespmem:v43+s4+$0x0], $0xffff;
	s0 =	sadd.s32 @!p1 s28, s12  }
0x473: {  	v37 =	vld.idx.msk [tilespmem:v37+s4+$0x0], $0xffff;
	s29 =	simm.s32 @!p1 $0x400;
	s30 =	simm.s32 @!p1 $0x20000;
	s31 =	simm.s32 @!p1 $0x18700  }
0x474: {  	v59 =	vld.idx.msk [tilespmem:v61+s4+$0x0], $0xffff;
	[tilespmem:s31], [sflag:$0x1] =	stream.strided.gather @!p1 [hbm4b:s0+s29], $0x1800, s30, s29, $0x38  }
0x475: {  	[tilespmem:$0x1F2D0] =	vst v0  }
0x476: {  	_ =	strace $0x8000004C  }
0x477: {  	_ =	swait.ge [sflag:s23], $0x1C00  }
0x478: {  	[sflag:s23] =	ssyncset.done $0x0  }
0x479: {  	[sflag:s23] =	ssyncadd.s32 $0xFFFFE400  }
0x47a: {  	s29 =	simm.s32 $0x1A500;
	_ =	strace $0x9000004C  }
0x47b: {  	v29 =	vld [tilespmem:s29+$0x180];
	_ =	sdelay $0x4  }
0x47c: {  	v30 =	vld [tilespmem:s29+$0x190];
	_ =	sdelay $0x2  }
0x47d: {  	v0 =	vld.idx.msk [tilespmem:v29+s4+$0x0], $0xffff;
	_ =	sdelay $0x1  }
0x47e: {  	v31 =	vld [tilespmem:s29+$0x1A0];
	_ =	sdelay $0x1  }
0x47f: {  	v29 =	vld [tilespmem:s29+$0x1B0]  }
0x480: {  	[tilespmem:$0x1F2E0] =	vst v0;
	v0 =	vld.idx.msk [tilespmem:v30+s4+$0x0], $0xffff;
	_ =	sdelay $0x3  }
0x481: {  	v30 =	vld [tilespmem:s29+$0x1C0]  }
0x482: {  	[tilespmem:$0x1F2F0] =	vst v0;
	v0 =	vld.idx.msk [tilespmem:v31+s4+$0x0], $0xffff  }
0x483: {  	v31 =	vld [tilespmem:s29+$0x100];
	_ =	sdelay $0x1  }
0x484: {  	v29 =	vld.idx.msk [tilespmem:v29+s4+$0x0], $0xffff;
	_ =	sdelay $0x1  }
0x485: {  	v32 =	vld [tilespmem:s29+$0x1D0]  }
0x486: {  	v35 =	vld [tilespmem:s29+$0x110]  }
0x487: {  	[tilespmem:$0x1F310] =	vst v0;
	v0 =	vld [tilespmem:s29+$0x130]  }
0x488: {  	[tilespmem:$0x1F330] =	vst v29;
	v29 =	vld.idx.msk [tilespmem:v30+s4+$0x0], $0xffff  }
0x489: {  	v30 =	vld.idx.msk [tilespmem:v31+s4+$0x0], $0xffff;
	_ =	sdelay $0x1  }
0x48a: {  	v61 =	vld [tilespmem:s29+$0x120];
	_ =	sdelay $0x2  }
0x48b: {  	[tilespmem:$0x1F3A0] =	vst v30;
	v30 =	vld.idx.msk [tilespmem:v35+s4+$0x0], $0xffff  }
0x48c: {  	v0 =	vld.idx.msk [tilespmem:v0+s4+$0x0], $0xffff;
	_ =	sdelay $0x1  }
0x48d: {  	[tilespmem:$0x1F350] =	vst v29;
	v29 =	vld.idx.msk [tilespmem:v32+s4+$0x0], $0xffff;
	_ =	sdelay $0x1  }
0x48e: {  	[tilespmem:$0x1F3B0] =	vst v30;
	v30 =	vld.idx.msk [tilespmem:v61+s4+$0x0], $0xffff  }
0x48f: {  	[tilespmem:$0x1F3E0] =	vst v0;
	v0 =	vld [tilespmem:s29+$0x150];
	_ =	sdelay $0x1  }
0x490: {  	[tilespmem:$0x1F370] =	vst v29;
	v29 =	vld [tilespmem:s29+$0x140];
	_ =	sdelay $0x2  }
0x491: {  	[tilespmem:$0x1F3D0] =	vst v30;
	v30 =	vld [tilespmem:s29+$0x80];
	_ =	sdelay $0x2  }
0x492: {  	v0 =	vld.idx.msk [tilespmem:v0+s4+$0x0], $0xffff  }
0x493: {  	v31 =	vld [tilespmem:s29+$0x90]  }
0x494: {  	v29 =	vld.idx.msk [tilespmem:v29+s4+$0x0], $0xffff;
	_ =	sdelay $0x2  }
0x495: {  	[tilespmem:$0x1F420] =	vst v0;
	v0 =	vld.idx.msk [tilespmem:v30+s4+$0x0], $0xffff;
	_ =	sdelay $0x1  }
0x496: {  	[tilespmem:$0x1F400] =	vst v29;
	v29 =	vld [tilespmem:s29+$0xA0];
	_ =	sdelay $0x2  }
0x497: {  	[tilespmem:$0x1F440] =	vst v0;
	v0 =	vld.idx.msk [tilespmem:v31+s4+$0x0], $0xffff;
	_ =	sdelay $0x1  }
0x498: {  	v32 =	vld [tilespmem:s29+$0xB0];
	_ =	sdelay $0x2  }
0x499: {  	[tilespmem:$0x1F450] =	vst v0;
	v0 =	vld.idx.msk [tilespmem:v29+s4+$0x0], $0xffff;
	_ =	sdelay $0x1  }
0x49a: {  	v35 =	vld [tilespmem:s29+$0xC0];
	_ =	sdelay $0x2  }
0x49b: {  	[tilespmem:$0x1F470] =	vst v0;
	v0 =	vld.idx.msk [tilespmem:v32+s4+$0x0], $0xffff;
	_ =	sdelay $0x1  }
0x49c: {  	v61 =	vld [tilespmem:s29+$0xD0];
	_ =	sdelay $0x2  }
0x49d: {  	[tilespmem:$0x1F480] =	vst v0;
	v0 =	vld.idx.msk [tilespmem:v35+s4+$0x0], $0xffff;
	_ =	sdelay $0x1  }
0x49e: {  	v30 =	vld [tilespmem:s29+$0x0];
	_ =	sdelay $0x2  }
0x49f: {  	[tilespmem:$0x1F490] =	vst v0;
	v0 =	vld.idx.msk [tilespmem:v61+s4+$0x0], $0xffff;
	_ =	sdelay $0x4  }
0x4a0: {  	[tilespmem:$0x1F4A0] =	vst v0;
	v0 =	vld.idx.msk [tilespmem:v30+s4+$0x0], $0xffff;
	_ =	sdelay $0x4  }
0x4a1: {  	[tilespmem:$0x1F4B0] =	vst v0;
	v0 =	vld [tilespmem:s29+$0xFFFFFF90];
	_ =	sdelay $0x7  }
0x4a2: {  	v0 =	vld.idx.msk [tilespmem:v0+s4+$0x0], $0xffff;
	_ =	sdelay $0x4  }
0x4a3: {  	[tilespmem:$0x1F560] =	vst v0;
	v0 =	vld [tilespmem:s29+$0xFFFFFF10];
	_ =	sdelay $0x6  }
0x4a4: {  	v17 =	vadd.f32 v18, v17;
	v18 =	vld [tilespmem:s29+$0xFFFFFE30]  }
0x4a5: {  	v0 =	vld.idx.msk [tilespmem:v0+s4+$0x0], $0xffff  }
0x4a6: {  	v9 =	vadd.f32 v9, v12;
	_ =	sdelay $0x1  }
0x4a7: {  	v5 =	vadd.f32 v5, v9;
	v9 =	vmul.f32 v49, v21;
	_ =	sdelay $0x1  }
0x4a8: {  	v5 =	vadd.f32 v62, v5;
	[tilespmem:$0x1F580] =	vst v0;
	v0 =	vadd.f32 v9, v17;
	v9 =	vmul.f32 v51, v16  }
0x4a9: {  	v8 =	vadd.f32 v8, v13;
	v13 =	vmul.f32 v48, v21;
	v2 =	vadd.f32 v14, v2;
	v30 =	vld [tilespmem:s29+$0x40]  }
0x4aa: {  	v0 =	vadd.f32 v9, v0;
	v9 =	vadd.f32 v52, v5;
	v5 =	vld.idx.msk [tilespmem:v18+s4+$0x0], $0xffff  }
0x4ab: {  	v6 =	vadd.f32 v6, v8;
	v8 =	vmul.f32 v50, v16;
	v2 =	vadd.f32 v13, v2;
	v12 =	vld [tilespmem:s29+$0xFFFFFE10];
	_ =	sdelay $0x1  }
0x4ac: {  	v2 =	vadd.f32 v8, v2;
	v8 =	vld [tilespmem:s29+$0xFFFFFEA0]  }
0x4ad: {  	v6 =	vadd.f32 v63, v6;
	v29 =	vld [tilespmem:s29+$0x10]  }
0x4ae: {  	[tilespmem:$0x1F590] =	vst v5;
	v5 =	vld [tilespmem:$0x1F710]  }
0x4af: {  	v6 =	vadd.f32 v53, v6;
	v35 =	vld [tilespmem:s29+$0x50];
	v9 =	vadd.f32 v44, v9  }
0x4b0: {  	v31 =	vld [tilespmem:s29+$0x20]  }
0x4b1: {  	v6 =	vadd.f32 v45, v6;
	v30 =	vld.idx.msk [tilespmem:v30+s4+$0x0], $0xffff;
	v9 =	vadd.f32 v38, v9  }
0x4b2: {  	v52 =	vld.idx.msk [tilespmem:v12+s4+$0x0], $0xffff  }
0x4b3: {  	v12 =	vadd.f32 v39, v6;
	v6 =	vadd.f32 v5, v9;
	v5 =	vld [tilespmem:$0x1F730]  }
0x4b4: {  	v61 =	vld [tilespmem:s29+$0xFFFFFF80];
	_ =	sdelay $0x1  }
0x4b5: {  	v29 =	vld.idx.msk [tilespmem:v29+s4+$0x0], $0xffff  }
0x4b6: {  	[tilespmem:$0x1F510] =	vst v30;
	v30 =	vld.idx.msk [tilespmem:v35+s4+$0x0], $0xffff  }
0x4b7: {  	v35 =	vadd.f32 v5, v12;
	v12 =	vmul.f32 v1, v26;
	v1 =	vld.idx.msk [tilespmem:v8+s4+$0x0], $0xffff  }
0x4b8: {  	v32 =	vld [tilespmem:s29+$0x30];
	_ =	sdelay $0x1  }
0x4b9: {  	[tilespmem:$0x1F4C0] =	vst v29;
	v29 =	vld.idx.msk [tilespmem:v31+s4+$0x0], $0xffff  }
0x4ba: {  	[tilespmem:$0x1F520] =	vst v30;
	v30 =	vld.idx.msk [tilespmem:v61+s4+$0x0], $0xffff;
	v0 =	vadd.f32 v55, v0  }
0x4bb: {  	v2 =	vadd.f32 v54, v2;
	[tilespmem:$0x1F5E0] =	vst v1;
	v1 =	vld [tilespmem:$0x1F770]  }
0x4bc: {  	v0 =	vadd.f32 v47, v0;
	v5 =	vld [tilespmem:$0x1F750]  }
0x4bd: {  	v2 =	vadd.f32 v46, v2  }
0x4be: {  	v0 =	vadd.f32 v41, v0  }
0x4bf: {  	v2 =	vadd.f32 v40, v2;
	[tilespmem:$0x1F4E0] =	vst v29;
	v29 =	vld.idx.msk [tilespmem:v32+s4+$0x0], $0xffff  }
0x4c0: {  	v0 =	vadd.f32 v1, v0;
	v1 =	vld [tilespmem:$0x1F910]  }
0x4c1: {  	[tilespmem:$0x1F540] =	vst v30;
	v30 =	vld [tilespmem:s29+$0xFFFFFE80];
	v2 =	vadd.f32 v5, v2;
	_ =	sdelay $0x1  }
0x4c2: {  	v14 =	vld [tilespmem:s29+$0xFFFFFE20];
	[tilespmem:$0x1F5A0] =	vst v2;
	v2 =	vmul.f32 v22, v26  }
0x4c3: {  	[tilespmem:$0x1F4F0] =	vst v29;
	v29 =	vld [tilespmem:s29+$0xFFFFFF00]  }
0x4c4: {  	v2 =	vadd.f32 v2, v1;
	v1 =	vld [tilespmem:$0x1F940]  }
0x4c5: {  	v31 =	vld [tilespmem:s29+$0xFFFFFE90];
	_ =	sdelay $0x2  }
0x4c6: {  	v13 =	vld.idx.msk [tilespmem:v30+s4+$0x0], $0xffff  }
0x4c7: {  	v12 =	vadd.f32 v12, v1;
	v1 =	vld [tilespmem:$0x1F960]  }
0x4c8: {  	v63 =	vld.idx.msk [tilespmem:v14+s4+$0x0], $0xffff  }
0x4c9: {  	v29 =	vld.idx.msk [tilespmem:v29+s4+$0x0], $0xffff  }
0x4ca: {  	v4 =	vmul.f32 v4, v26;
	v14 =	vld [tilespmem:s29+$0xFFFFFF20]  }
0x4cb: {  	[tilespmem:$0x1F5B0] =	vst v13;
	v13 =	vld.idx.msk [tilespmem:v31+s4+$0x0], $0xffff  }
0x4cc: {  	v4 =	vadd.f32 v4, v1;
	v1 =	vld [tilespmem:$0x1F280]  }
0x4cd: {  	[tilespmem:$0x1F5D0] =	vst v0;
	v0 =	vld [tilespmem:$0x1F8E0]  }
0x4ce: {  	[tilespmem:$0x1F570] =	vst v29;
	v29 =	vld [tilespmem:s29+$0xFFFFFE00]  }
0x4cf: {  	v17 =	vmul.f32 v59, v24;
	v9 =	vmul.f32 v10, v26;
	v10 =	vld [tilespmem:s29+$0xFFFFFF30]  }
0x4d0: {  	[tilespmem:$0x1F5C0] =	vst v13;
	v13 =	vld [tilespmem:s29+$0xFFFFFEB0]  }
0x4d1: {  	v2 =	vadd.f32 v17, v2;
	v17 =	vmul.f32 v1, v21;
	v1 =	vld [tilespmem:$0x1F290]  }
0x4d2: {  	v0 =	vadd.f32 v9, v0;
	v9 =	vmul.f32 v58, v24  }
0x4d3: {  	v8 =	vld [tilespmem:s29+$0xFFFFFFA0]  }
0x4d4: {  	v22 =	vmul.f32 v56, v24;
	v0 =	vadd.f32 v9, v0;
	v9 =	vld [tilespmem:s29+$0xFFFFFFD0]  }
0x4d5: {  	v48 =	vld.idx.msk [tilespmem:v14+s4+$0x0], $0xffff  }
0x4d6: {  	v51 =	vld.idx.msk [tilespmem:v29+s4+$0x0], $0xffff;
	v12 =	vadd.f32 v22, v12;
	v22 =	vmul.f32 v1, v21  }
0x4d7: {  	v49 =	vld.idx.msk [tilespmem:v10+s4+$0x0], $0xffff  }
0x4d8: {  	v5 =	vld [tilespmem:$0x1F2A0];
	v0 =	vadd.f32 v17, v0;
	v17 =	vmul.f32 v34, v16;
	v2 =	vadd.f32 v22, v2  }
0x4d9: {  	v1 =	vld.idx.msk [tilespmem:v13+s4+$0x0], $0xffff;
	v13 =	vmul.f32 v42, v21  }
0x4da: {  	v17 =	vadd.f32 v17, v2;
	v2 =	vld [tilespmem:$0x1F2C0]  }
0x4db: {  	v14 =	vmul.f32 v33, v16;
	v10 =	vmul.f32 v60, v16;
	v50 =	vld.idx.msk [tilespmem:v8+s4+$0x0], $0xffff;
	v12 =	vadd.f32 v13, v12  }
0x4dc: {  	v29 =	vmul.f32 v37, v15;
	v33 =	vld.idx.msk [tilespmem:v9+s4+$0x0], $0xffff  }
0x4dd: {  	s31 =	simm.s32 $0x0;
	v0 =	vadd.f32 v14, v0;
	v14 =	vmul.f32 v5, v7;
	v5 =	vld [tilespmem:$0x1F2B0];
	v9 =	vadd.f32 v10, v12  }
0x4de: {  	v22 =	vld [tilespmem:s31+$0x1C190]  }
0x4df: {  	v8 =	vmul.f32 v28, v11;
	v9 =	vadd.f32 v29, v9;
	v34 =	vmul.f32 v2, v3;
	v2 =	vld [tilespmem:$0x1F2D0];
	_ =	sdelay $0x1  }
0x4e0: {  	v8 =	vadd.f32 v8, v9;
	v9 =	vld [tilespmem:$0x1F3D0];
	_ =	sdelay $0x1  }
0x4e1: {  	v7 =	vmul.f32 v5, v7;
	v12 =	vld [tilespmem:$0x1F2E0]  }
0x4e2: {  	v5 =	vmul.f32 v2, v3;
	v3 =	vbroadcast v22, $0x6;
	_ =	sdelay $0x1  }
0x4e3: {  	v2 =	vbroadcast v22, $0x7;
	v40 =	vmul.f32 v9, v3;
	v9 =	vld [tilespmem:$0x1F3E0];
	_ =	sdelay $0x1  }
0x4e4: {  	v28 =	vmul.f32 v12, v2;
	v12 =	vld [tilespmem:$0x1F2F0]  }
0x4e5: {  	v24 =	vmul.f32 v57, v24;
	_ =	sdelay $0x1  }
0x4e6: {  	v4 =	vadd.f32 v24, v4;
	v21 =	vmul.f32 v43, v21;
	v41 =	vmul.f32 v9, v3;
	v9 =	vld [tilespmem:s29+$0xFFFFFFE0];
	_ =	sdelay $0x1  }
0x4e7: {  	v16 =	vmul.f32 v36, v16;
	v4 =	vadd.f32 v21, v4;
	v12 =	vmul.f32 v12, v2;
	_ =	sdelay $0x1  }
0x4e8: {  	v15 =	vmul.f32 v27, v15;
	v4 =	vadd.f32 v16, v4;
	[tilespmem:$0x1F300] =	vst v12;
	v12 =	vld [tilespmem:$0x1F310]  }
0x4e9: {  	[tilespmem:$0x1F3F0] =	vst v9;
	v9 =	vld [tilespmem:$0x1F400]  }
0x4ea: {  	v21 =	vmul.f32 v23, v11;
	v4 =	vadd.f32 v15, v4;
	_ =	sdelay $0x1  }
0x4eb: {  	v4 =	vadd.f32 v21, v4  }
0x4ec: {  	v12 =	vmul.f32 v12, v2  }
0x4ed: {  	v7 =	vadd.f32 v7, v4;
	v4 =	vld [tilespmem:$0x1F4B0];
	v9 =	vmul.f32 v9, v3  }
0x4ee: {  	[tilespmem:$0x1F320] =	vst v12;
	v12 =	vld [tilespmem:$0x1F330]  }
0x4ef: {  	[tilespmem:$0x1F410] =	vst v9;
	v9 =	vld [tilespmem:$0x1F420];
	_ =	sdelay $0x1  }
0x4f0: {  	v13 =	vbroadcast v22, $0x4;
	_ =	sdelay $0x1  }
0x4f1: {  	v56 =	vmul.f32 v4, v13;
	v4 =	vld [tilespmem:$0x1F4C0];
	v12 =	vmul.f32 v12, v2  }
0x4f2: {  	v9 =	vmul.f32 v9, v3  }
0x4f3: {  	[tilespmem:$0x1F340] =	vst v12;
	v12 =	vld [tilespmem:$0x1F350]  }
0x4f4: {  	[tilespmem:$0x1F430] =	vst v9;
	v9 =	vld [tilespmem:$0x1F830]  }
0x4f5: {  	v0 =	vadd.f32 v20, v0  }
0x4f6: {  	v57 =	vmul.f32 v4, v13;
	v4 =	vld [tilespmem:$0x1F7A0]  }
0x4f7: {  	v0 =	vadd.f32 v19, v0  }
0x4f8: {  	v12 =	vmul.f32 v12, v2  }
0x4f9: {  	v0 =	vadd.f32 v9, v0  }
0x4fa: {  	[tilespmem:$0x1F360] =	vst v12;
	v12 =	vld [tilespmem:$0x1F370]  }
0x4fb: {  	v9 =	vld [tilespmem:$0x1F440];
	v0 =	vadd.f32 v4, v0;
	_ =	sdelay $0x1  }
0x4fc: {  	[tilespmem:$0x1F4D0] =	vst v0;
	v0 =	vld [tilespmem:$0x1F4E0]  }
0x4fd: {  	v11 =	vbroadcast v22, $0x5  }
0x4fe: {  	v12 =	vmul.f32 v12, v2  }
0x4ff: {  	v44 =	vmul.f32 v9, v11;
	v9 =	vld [tilespmem:$0x1F450]  }
0x500: {  	[tilespmem:$0x1F380] =	vst v12;
	v12 =	vld [tilespmem:$0x1F390]  }
0x501: {  	v58 =	vmul.f32 v0, v13;
	v0 =	vld [tilespmem:$0x1F4F0];
	_ =	sdelay $0x1  }
0x502: {  	v10 =	vadd.f32 v25, v17  }
0x503: {  	v45 =	vmul.f32 v9, v11;
	v9 =	vld [tilespmem:$0x1F460]  }
0x504: {  	v10 =	vadd.f32 v12, v10;
	v12 =	vld [tilespmem:$0x1F3A0]  }
0x505: {  	v59 =	vmul.f32 v0, v13;
	v0 =	vld [tilespmem:$0x1F7C0];
	_ =	sdelay $0x2  }
0x506: {  	v54 =	vld [tilespmem:s29+$0xFFFFFF40];
	v10 =	vadd.f32 v9, v10  }
0x507: {  	v61 =	vld [tilespmem:s29+$0xFFFFFED0]  }
0x508: {  	v38 =	vmul.f32 v12, v3;
	v12 =	vld [tilespmem:$0x1F3B0];
	v0 =	vadd.f32 v0, v10  }
0x509: {  	v27 =	vld [tilespmem:s29+$0x1F0]  }
0x50a: {  	[tilespmem:$0x1F500] =	vst v0;
	v0 =	vld [tilespmem:$0x1F510]  }
0x50b: {  	v18 =	vld [tilespmem:s29+$0xFFFFFFB0]  }
0x50c: {  	v26 =	vld [tilespmem:s29+$0xFFFFFFC0]  }
0x50d: {  	v39 =	vmul.f32 v12, v3;
	v12 =	vld [tilespmem:s29+$0x70]  }
0x50e: {  	v30 =	vld [tilespmem:s29+$0x160]  }
0x50f: {  	v25 =	vmul.f32 v0, v13;
	v0 =	vld [tilespmem:$0x1F520]  }
0x510: {  	v37 =	vld [tilespmem:s29+$0xFFFFFFF0]  }
0x511: {  	v55 =	vld [tilespmem:s29+$0xFFFFFF50]  }
0x512: {  	v31 =	vld [tilespmem:s29+$0xF0];
	[tilespmem:$0x1F3C0] =	vst v12;
	v12 =	vadd.f32 v14, v8  }
0x513: {  	v53 =	vld.idx.msk [tilespmem:v18+s4+$0x0], $0xffff  }
0x514: {  	v60 =	vld [tilespmem:s29+$0xFFFFFEC0];
	v62 =	vmul.f32 v0, v13;
	v0 =	vadd.f32 v34, v12  }
0x515: {  	v32 =	vld.idx.msk [tilespmem:v26+s4+$0x0], $0xffff  }
0x516: {  	[tilespmem:$0x1F530] =	vst v0;
	v0 =	vld [tilespmem:$0x1F540]  }
0x517: {  	v26 =	vld [tilespmem:s29+$0x1E0]  }
0x518: {  	v42 =	vld [tilespmem:s29+$0xFFFFFF60]  }
0x519: {  	v43 =	vld [tilespmem:s29+$0xFFFFFF70];
	v18 =	vbroadcast v22, $0x3;
	v24 =	vbroadcast v22, $0x0  }
0x51a: {  	v10 =	vld [tilespmem:$0x1F590]  }
0x51b: {  	v19 =	vld [tilespmem:s29+$0x60];
	v4 =	vmul.f32 v0, v18;
	v0 =	vmul.f32 v51, v24  }
0x51c: {  	v29 =	vld [tilespmem:s29+$0xE0]  }
0x51d: {  	v14 =	vadd.f32 v0, v6;
	v0 =	vld [tilespmem:$0x1F570]  }
0x51e: {  	v9 =	vld [tilespmem:$0x1F470]  }
0x51f: {  	v23 =	vbroadcast v22, $0x1;
	v16 =	vmul.f32 v10, v24;
	v10 =	vld [tilespmem:$0x1F5A0]  }
0x520: {  	v17 =	vld [tilespmem:$0x1F5D0];
	v20 =	vbroadcast v22, $0x2  }
0x521: {  	v21 =	vmul.f32 v1, v23;
	v1 =	vld [tilespmem:s29+$0xFFFFFE70]  }
0x522: {  	v22 =	vld [tilespmem:s29+$0x170];
	v6 =	vmul.f32 v0, v20;
	v0 =	vmul.f32 v63, v24  }
0x523: {  	v46 =	vmul.f32 v9, v11;
	v9 =	vld [tilespmem:$0x1F480]  }
0x524: {  	v5 =	vadd.f32 v5, v7;
	v0 =	vadd.f32 v0, v10;
	v10 =	vld [tilespmem:$0x1F5B0]  }
0x525: {  	v7 =	vmul.f32 v52, v24;
	v8 =	vld [tilespmem:$0x1F490]  }
0x526: {  	[tilespmem:$0x1F550] =	vst v5;
	v5 =	vld [tilespmem:$0x1F560]  }
0x527: {  	v15 =	vadd.f32 v7, v35;
	v7 =	vld [tilespmem:$0x1F580]  }
0x528: {  	v16 =	vadd.f32 v16, v17;
	v17 =	vld [tilespmem:$0x1F5E0]  }
0x529: {  	v12 =	vmul.f32 v10, v23;
	v10 =	vld [tilespmem:$0x1F5C0]  }
0x52a: {  	v47 =	vmul.f32 v9, v11;
	v9 =	vmul.f32 v8, v11;
	v8 =	vld [tilespmem:$0x1F4A0]  }
0x52b: {  	v52 =	vld [tilespmem:s29+$0xFFFFFEF0]  }
0x52c: {  	v34 =	vld [tilespmem:s29+$0xFFFFFE50]  }
0x52d: {  	v35 =	vld [tilespmem:s29+$0xFFFFFE60];
	v5 =	vmul.f32 v5, v18  }
0x52e: {  	v7 =	vmul.f32 v7, v20;
	v51 =	vld [tilespmem:s29+$0xFFFFFEE0];
	v10 =	vmul.f32 v10, v23  }
0x52f: {  	s30 =	simm.s32 $0x20;
	v17 =	vmul.f32 v17, v23;
	v8 =	vmul.f32 v8, v11;
	v63 =	vld [tilespmem:s29+$0xFFFFFE40]  }
.LBB2_9:
0x530: {  	v12 =	vadd.f32 v12, v14;
	v10 =	vadd.f32 v10, v15;
	v15 =	vld.idx.msk [tilespmem:v54+s4+$0x0], $0xffff  }
0x531: {  	v16 =	vadd.f32 v21, v16;
	v21 =	vld.idx.msk [tilespmem:v55+s4+$0x0], $0xffff  }
0x532: {  	v6 =	vadd.f32 v6, v12;
	v7 =	vadd.f32 v7, v10;
	v55 =	vld.idx.msk [tilespmem:v60+s4+$0x0], $0xffff  }
0x533: {  	v12 =	vld.idx.msk [tilespmem:v61+s4+$0x0], $0xffff  }
0x534: {  	v4 =	vadd.f32 v4, v6;
	v5 =	vadd.f32 v5, v7;
	v7 =	vld.idx.msk [tilespmem:v34+s4+$0x0], $0xffff  }
0x535: {  	v1 =	vld.idx.msk [tilespmem:v1+s4+$0x0], $0xffff  }
0x536: {  	v60 =	vld.idx.msk [tilespmem:v52+s4+$0x0], $0xffff;
	v4 =	vadd.f32 v56, v4  }
0x537: {  	v42 =	vld.idx.msk [tilespmem:v42+s4+$0x0], $0xffff  }
0x538: {  	s29 =	sadd.s32 $0x400, s29;
	v61 =	vld.idx.msk [tilespmem:v43+s4+$0x0], $0xffff;
	v4 =	vadd.f32 v44, v4  }
0x539: {  	v6 =	vmul.f32 v32, v18;
	v32 =	vld [tilespmem:s29+$0xF0]  }
0x53a: {  	v10 =	vmul.f32 v50, v18;
	v50 =	vld [tilespmem:s29+$0xFFFFFFA0];
	v4 =	vadd.f32 v38, v4  }
0x53b: {  	v14 =	vmul.f32 v48, v20;
	v48 =	vld [tilespmem:s29+$0xFFFFFF20]  }
0x53c: {  	v0 =	vadd.f32 v17, v0;
	v17 =	vmul.f32 v49, v20;
	v49 =	vld [tilespmem:s29+$0xFFFFFF30];
	v4 =	vadd.f32 v28, v4  }
0x53d: {  	v54 =	vld [tilespmem:s29+$0xFFFFFF40];
	v5 =	vadd.f32 v57, v5  }
0x53e: {  	v0 =	vadd.f32 v14, v0;
	[tilespmem:$0x1F210] =	vst v4;
	v4 =	vld [tilespmem:$0x1F300]  }
0x53f: {  	v43 =	vld [tilespmem:s29+$0xFFFFFF70];
	v5 =	vadd.f32 v45, v5  }
0x540: {  	v52 =	vld [tilespmem:s29+$0xFFFFFEF0];
	v0 =	vadd.f32 v10, v0  }
0x541: {  	v34 =	vld [tilespmem:s29+$0xFFFFFE50];
	v5 =	vadd.f32 v39, v5  }
0x542: {  	v14 =	vadd.f32 v17, v16;
	v17 =	vld.idx.msk [tilespmem:v63+s4+$0x0], $0xffff;
	v0 =	vadd.f32 v58, v0  }
0x543: {  	v4 =	vadd.f32 v4, v5;
	v5 =	vld [tilespmem:$0x1F320]  }
0x544: {  	v63 =	vld [tilespmem:$0x1F3F0];
	v0 =	vadd.f32 v46, v0  }
0x545: {  	v16 =	vmul.f32 v53, v18;
	v53 =	vld [tilespmem:s29+$0xFFFFFFB0]  }
0x546: {  	v56 =	vld [tilespmem:s29+$0xFFFFFE10];
	v0 =	vadd.f32 v40, v0  }
0x547: {  	v57 =	vld [tilespmem:s29+$0xFFFFFE20];
	v10 =	vadd.f32 v16, v14  }
0x548: {  	v16 =	vld.idx.msk [tilespmem:v35+s4+$0x0], $0xffff;
	v0 =	vadd.f32 v5, v0  }
0x549: {  	v14 =	vmul.f32 v33, v18;
	v33 =	vld [tilespmem:s29+$0xFFFFFFC0];
	v10 =	vadd.f32 v59, v10  }
0x54a: {  	[tilespmem:$0x1F230] =	vst v0;
	v0 =	vld [tilespmem:$0x1F340]  }
0x54b: {  	v44 =	vld [tilespmem:s29+$0xFFFFFE80];
	v10 =	vadd.f32 v47, v10  }
0x54c: {  	v45 =	vld [tilespmem:s29+$0xFFFFFE90]  }
0x54d: {  	v35 =	vld [tilespmem:s29+$0xFFFFFE60];
	v10 =	vadd.f32 v41, v10  }
0x54e: {  	v59 =	vld.idx.msk [tilespmem:v51+s4+$0x0], $0xffff  }
0x54f: {  	v38 =	vld [tilespmem:s29+$0xFFFFFF80];
	v0 =	vadd.f32 v0, v10  }
0x550: {  	v39 =	vld [tilespmem:s29+$0xFFFFFF90]  }
0x551: {  	[tilespmem:$0x1F240] =	vst v0;
	v0 =	vld [tilespmem:$0x1F4D0]  }
0x552: {  	v58 =	vmul.f32 v55, v23;
	v55 =	vld [tilespmem:s29+$0xFFFFFF50]  }
0x553: {  	v51 =	vld [tilespmem:s29+$0xFFFFFEE0]  }
0x554: {  	v17 =	vmul.f32 v17, v24;
	v28 =	vld [tilespmem:s29+$0x50]  }
0x555: {  	v46 =	vld [tilespmem:s29+$0xFFFFFE00]  }
0x556: {  	v0 =	vadd.f32 v17, v0;
	v17 =	vld [tilespmem:$0x1F530]  }
0x557: {  	v48 =	vld.idx.msk [tilespmem:v48+s4+$0x0], $0xffff  }
0x558: {  	v10 =	vld.idx.msk [tilespmem:v19+s4+$0x0], $0xffff  }
0x559: {  	v16 =	vmul.f32 v16, v24;
	v19 =	vld [tilespmem:$0x1F3C0]  }
0x55a: {  	v5 =	vld [tilespmem:$0x1F500]  }
0x55b: {  	v16 =	vadd.f32 v16, v17;
	v17 =	vld [tilespmem:$0x1F550]  }
0x55c: {  	v49 =	vld.idx.msk [tilespmem:v49+s4+$0x0], $0xffff  }
0x55d: {  	v7 =	vmul.f32 v7, v24;
	v50 =	vld.idx.msk [tilespmem:v50+s4+$0x0], $0xffff  }
0x55e: {  	v1 =	vmul.f32 v1, v24;
	v24 =	vld [tilespmem:s29+$0x20]  }
0x55f: {  	[tilespmem:$0x1F220] =	vst v4;
	v4 =	vld.idx.msk [tilespmem:v37+s4+$0x0], $0xffff;
	v5 =	vadd.f32 v7, v5  }
0x560: {  	v36 =	vld.idx.msk [tilespmem:v63+s4+$0x0], $0xffff;
	v7 =	vmul.f32 v59, v23;
	v1 =	vadd.f32 v1, v17;
	v17 =	vmul.f32 v60, v23  }
0x561: {  	v15 =	vmul.f32 v15, v20;
	v12 =	vmul.f32 v12, v23;
	v19 =	vld.idx.msk [tilespmem:v19+s4+$0x0], $0xffff;
	v0 =	vadd.f32 v58, v0  }
0x562: {  	v40 =	vld [tilespmem:s29+$0xFFFFFF00];
	v7 =	vadd.f32 v7, v16;
	v16 =	vmul.f32 v61, v20;
	v1 =	vadd.f32 v17, v1  }
0x563: {  	v5 =	vadd.f32 v12, v5;
	v12 =	vmul.f32 v42, v20;
	v0 =	vadd.f32 v15, v0;
	v17 =	vld.idx.msk [tilespmem:v31+s4+$0x0], $0xffff  }
0x564: {  	v41 =	vld [tilespmem:s29+$0xFFFFFF10];
	v4 =	vmul.f32 v4, v18;
	v1 =	vadd.f32 v16, v1  }
0x565: {  	v0 =	vadd.f32 v6, v0;
	v7 =	vadd.f32 v12, v7;
	v12 =	vld.idx.msk [tilespmem:v22+s4+$0x0], $0xffff  }
0x566: {  	v63 =	vld [tilespmem:s29+$0xFFFFFE40];
	v6 =	vmul.f32 v10, v13;
	v13 =	vmul.f32 v19, v13;
	v1 =	vadd.f32 v4, v1  }
0x567: {  	v21 =	vmul.f32 v21, v20;
	v53 =	vld.idx.msk [tilespmem:v53+s4+$0x0], $0xffff  }
0x568: {  	v23 =	vld.idx.msk [tilespmem:v29+s4+$0x0], $0xffff;
	v1 =	vadd.f32 v13, v1;
	v13 =	vmul.f32 v17, v11  }
0x569: {  	v37 =	vld [tilespmem:s29+$0xFFFFFFF0];
	v5 =	vadd.f32 v21, v5;
	v15 =	vmul.f32 v36, v18  }
0x56a: {  	v21 =	vld [tilespmem:s29+$0x0];
	v12 =	vmul.f32 v12, v3;
	v1 =	vadd.f32 v13, v1  }
0x56b: {  	v42 =	vld [tilespmem:s29+$0xFFFFFF60];
	v5 =	vadd.f32 v14, v5;
	v7 =	vadd.f32 v15, v7  }
0x56c: {  	v1 =	vadd.f32 v12, v1;
	v12 =	vld [tilespmem:s29+$0x1E0]  }
0x56d: {  	v14 =	vld.idx.msk [tilespmem:v27+s4+$0x0], $0xffff;
	v15 =	vadd.f32 v62, v5;
	v7 =	vadd.f32 v6, v7;
	v16 =	vmul.f32 v23, v11  }
0x56e: {  	v27 =	vld [tilespmem:s29+$0x40]  }
0x56f: {  	v8 =	vadd.f32 v8, v15;
	v15 =	vadd.f32 v16, v7;
	v7 =	vld [tilespmem:$0x1F410]  }
0x570: {  	v58 =	vld [tilespmem:s29+$0xFFFFFE30];
	v0 =	vadd.f32 v25, v0  }
0x571: {  	[tilespmem:$0x1F1E0] =	vst v12;
	v12 =	vld [tilespmem:$0x1F360]  }
0x572: {  	v21 =	vld.idx.msk [tilespmem:v21+s4+$0x0], $0xffff;
	v0 =	vadd.f32 v9, v0  }
0x573: {  	v18 =	vld [tilespmem:s29+$0xC0]  }
0x574: {  	v36 =	vld.idx.msk [tilespmem:v24+s4+$0x0], $0xffff;
	v0 =	vadd.f32 v7, v0  }
0x575: {  	v10 =	vld.idx.msk [tilespmem:v26+s4+$0x0], $0xffff  }
0x576: {  	v7 =	vld [tilespmem:$0x1F430];
	v0 =	vadd.f32 v12, v0  }
0x577: {  	v26 =	vld [tilespmem:s29+$0x30]  }
0x578: {  	[tilespmem:$0x1F4D0] =	vst v0;
	v0 =	vld [tilespmem:$0x1F380]  }
0x579: {  	v20 =	vld.idx.msk [tilespmem:v30+s4+$0x0], $0xffff  }
0x57a: {  	v61 =	vld [tilespmem:s29+$0xFFFFFED0]  }
0x57b: {  	s0 =	sshra.s32 s30, $0x2;
	v22 =	vld [tilespmem:s29+$0xFFFFFEA0];
	v8 =	vadd.f32 v7, v8  }
0x57c: {  	v29 =	vld [tilespmem:s0+$0x1C190]  }
0x57d: {  	v60 =	vld [tilespmem:s29+$0xFFFFFEC0];
	v0 =	vadd.f32 v0, v8  }
0x57e: {  	v5 =	vld [tilespmem:s29+$0x190]  }
0x57f: {  	v10 =	vmul.f32 v10, v2;
	[tilespmem:$0x1F500] =	vst v0;
	v0 =	vld [tilespmem:s29+$0x1F0]  }
0x580: {  	v2 =	vmul.f32 v14, v2;
	v14 =	vld [tilespmem:s29+$0x80];
	v9 =	vmul.f32 v20, v3  }
0x581: {  	v20 =	vld [tilespmem:s29+$0xD0]  }
0x582: {  	v25 =	vld.idx.msk [tilespmem:v18+s4+$0x0], $0xffff;
	v9 =	vadd.f32 v9, v15  }
0x583: {  	v6 =	vld [tilespmem:s29+$0x1B0]  }
0x584: {  	v3 =	vld [tilespmem:s29+$0x1C0];
	[tilespmem:$0x1F200] =	vst v0;
	v0 =	vadd.f32 v10, v9  }
0x585: {  	v26 =	vld.idx.msk [tilespmem:v26+s4+$0x0], $0xffff  }
0x586: {  	v23 =	vld [tilespmem:s29+$0x10];
	[tilespmem:$0x1F530] =	vst v0;
	v0 =	vadd.f32 v2, v1  }
0x587: {  	v4 =	vld [tilespmem:s29+$0x180]  }
0x588: {  	[tilespmem:$0x1F550] =	vst v0;
	v0 =	vld [tilespmem:s29+$0x160]  }
0x589: {  	v16 =	vld [tilespmem:s29+$0xA0]  }
0x58a: {  	v11 =	vld [tilespmem:s29+$0x1A0]  }
0x58b: {  	v17 =	vld [tilespmem:s29+$0xB0]  }
0x58c: {  	v15 =	vld [tilespmem:s29+$0x90]  }
0x58d: {  	[tilespmem:$0x1F1D0] =	vst v0;
	v0 =	vld [tilespmem:s29+$0x170]  }
0x58e: {  	v5 =	vld.idx.msk [tilespmem:v5+s4+$0x0], $0xffff  }
0x58f: {  	v14 =	vld.idx.msk [tilespmem:v14+s4+$0x0], $0xffff  }
0x590: {  	v13 =	vld [tilespmem:s29+$0x150]  }
0x591: {  	v30 =	vld.idx.msk [tilespmem:v20+s4+$0x0], $0xffff  }
0x592: {  	[tilespmem:$0x1F260] =	vst v0;
	v0 =	vld [tilespmem:s29+$0xE0]  }
0x593: {  	v6 =	vld.idx.msk [tilespmem:v6+s4+$0x0], $0xffff  }
0x594: {  	v59 =	vld.idx.msk [tilespmem:v3+s4+$0x0], $0xffff  }
0x595: {  	v31 =	vld.idx.msk [tilespmem:v23+s4+$0x0], $0xffff  }
0x596: {  	v4 =	vld.idx.msk [tilespmem:v4+s4+$0x0], $0xffff  }
0x597: {  	[tilespmem:$0x1F1F0] =	vst v0;
	v0 =	vld [tilespmem:s29+$0x60]  }
0x598: {  	v16 =	vld.idx.msk [tilespmem:v16+s4+$0x0], $0xffff  }
0x599: {  	v47 =	vld.idx.msk [tilespmem:v11+s4+$0x0], $0xffff  }
0x59a: {  	v7 =	vld [tilespmem:s29+$0x1D0]  }
0x59b: {  	v2 =	vld [tilespmem:s29+$0x100]  }
0x59c: {  	[tilespmem:$0x1F250] =	vst v0;
	v0 =	vld [tilespmem:s29+$0x70]  }
0x59d: {  	v17 =	vld.idx.msk [tilespmem:v17+s4+$0x0], $0xffff  }
0x59e: {  	v15 =	vld.idx.msk [tilespmem:v15+s4+$0x0], $0xffff  }
0x59f: {  	v62 =	vld.idx.msk [tilespmem:v13+s4+$0x0], $0xffff  }
0x5a0: {  	v10 =	vld [tilespmem:s29+$0x130]  }
0x5a1: {  	[tilespmem:$0x1F3C0] =	vst v0;
	v0 =	vld [tilespmem:s29+$0xFFFFFFD0]  }
0x5a2: {  	v18 =	vbroadcast v29, $0x3;
	v24 =	vbroadcast v29, $0x0;
	v12 =	vld [tilespmem:s29+$0x140]  }
0x5a3: {  	v20 =	vbroadcast v29, $0x2;
	v3 =	vbroadcast v29, $0x6;
	v7 =	vld.idx.msk [tilespmem:v7+s4+$0x0], $0xffff  }
0x5a4: {  	v23 =	vbroadcast v29, $0x1;
	v11 =	vbroadcast v29, $0x5;
	v19 =	vld.idx.msk [tilespmem:v2+s4+$0x0], $0xffff  }
0x5a5: {  	v13 =	vbroadcast v29, $0x4;
	v2 =	vbroadcast v29, $0x7;
	v29 =	vld.idx.msk [tilespmem:v27+s4+$0x0], $0xffff  }
0x5a6: {  	[tilespmem:$0x1F270] =	vst v0;
	v0 =	vld [tilespmem:s29+$0xFFFFFFE0]  }
0x5a7: {  	v27 =	vld.idx.msk [tilespmem:v28+s4+$0x0], $0xffff;
	v28 =	vmul.f32 v4, v2  }
0x5a8: {  	v8 =	vld [tilespmem:s29+$0x110];
	v4 =	vmul.f32 v5, v2;
	v5 =	vmul.f32 v47, v2  }
0x5a9: {  	v10 =	vld.idx.msk [tilespmem:v10+s4+$0x0], $0xffff  }
0x5aa: {  	v9 =	vld [tilespmem:s29+$0x120];
	[tilespmem:$0x1F320] =	vst v5  }
0x5ab: {  	v5 =	vmul.f32 v6, v2;
	v6 =	vmul.f32 v59, v2;
	[tilespmem:$0x1F3F0] =	vst v0;
	v0 =	vld [tilespmem:s29+$0xFFFFFEB0]  }
0x5ac: {  	[tilespmem:$0x1F300] =	vst v4;
	v4 =	vld.idx.msk [tilespmem:v38+s4+$0x0], $0xffff  }
0x5ad: {  	[tilespmem:$0x1F360] =	vst v6;
	v6 =	vmul.f32 v7, v2;
	v7 =	vld.idx.msk [tilespmem:v41+s4+$0x0], $0xffff  }
0x5ae: {  	v41 =	vmul.f32 v10, v3;
	v10 =	vld.idx.msk [tilespmem:v44+s4+$0x0], $0xffff  }
0x5af: {  	v44 =	vmul.f32 v14, v11;
	v14 =	vld.idx.msk [tilespmem:v46+s4+$0x0], $0xffff  }
0x5b0: {  	v38 =	vmul.f32 v19, v3;
	v19 =	vld.idx.msk [tilespmem:v45+s4+$0x0], $0xffff  }
0x5b1: {  	v45 =	vmul.f32 v15, v11;
	v15 =	vld.idx.msk [tilespmem:v56+s4+$0x0], $0xffff  }
0x5b2: {  	v56 =	vmul.f32 v21, v13;
	v21 =	vld.idx.msk [tilespmem:v22+s4+$0x0], $0xffff  }
0x5b3: {  	v22 =	vld.idx.msk [tilespmem:v0+s4+$0x0], $0xffff  }
0x5b4: {  	v0 =	vmul.f32 v14, v24;
	v14 =	vld [tilespmem:$0x1F210]  }
0x5b5: {  	v12 =	vld.idx.msk [tilespmem:v12+s4+$0x0], $0xffff  }
0x5b6: {  	v8 =	vld.idx.msk [tilespmem:v8+s4+$0x0], $0xffff  }
0x5b7: {  	v1 =	vld [tilespmem:s29+$0xFFFFFE70]  }
0x5b8: {  	v9 =	vld.idx.msk [tilespmem:v9+s4+$0x0], $0xffff  }
0x5b9: {  	v14 =	vadd.f32 v0, v14;
	v0 =	vld [tilespmem:$0x1F220]  }
0x5ba: {  	v47 =	vmul.f32 v17, v11;
	v17 =	vld.idx.msk [tilespmem:v58+s4+$0x0], $0xffff  }
0x5bb: {  	v59 =	vmul.f32 v26, v13;
	v26 =	vld [tilespmem:$0x1F1E0]  }
0x5bc: {  	v46 =	vmul.f32 v16, v11;
	v16 =	vld.idx.msk [tilespmem:v57+s4+$0x0], $0xffff;
	v15 =	vmul.f32 v15, v24  }
0x5bd: {  	v58 =	vmul.f32 v36, v13;
	v36 =	vld [tilespmem:$0x1F270]  }
0x5be: {  	v15 =	vadd.f32 v15, v0;
	v0 =	vld [tilespmem:$0x1F230]  }
0x5bf: {  	[tilespmem:$0x1F340] =	vst v5;
	v5 =	vld.idx.msk [tilespmem:v39+s4+$0x0], $0xffff;
	v39 =	vmul.f32 v8, v3  }
0x5c0: {  	v8 =	vmul.f32 v12, v3;
	v57 =	vmul.f32 v31, v13;
	v31 =	vmov v32;
	v32 =	vld.idx.msk [tilespmem:v33+s4+$0x0], $0xffff  }
0x5c1: {  	[tilespmem:$0x1F380] =	vst v6;
	v6 =	vld.idx.msk [tilespmem:v40+s4+$0x0], $0xffff;
	v40 =	vmul.f32 v9, v3;
	v16 =	vmul.f32 v16, v24  }
0x5c2: {  	[tilespmem:$0x1F410] =	vst v8;
	v8 =	vmul.f32 v62, v3;
	v62 =	vmul.f32 v27, v13;
	v27 =	vld [tilespmem:$0x1F200]  }
0x5c3: {  	p2 =	sne.s32 s30, $0xA0;
	v9 =	vmul.f32 v25, v11;
	v25 =	vmul.f32 v29, v13;
	v0 =	vadd.f32 v16, v0;
	v16 =	vld [tilespmem:$0x1F240]  }
.Ltmp3:
0x5c4: {  	v4 =	vmul.f32 v4, v18;
	[tilespmem:$0x1F430] =	vst v8;
	v8 =	vmul.f32 v30, v11;
	v30 =	vld [tilespmem:$0x1F1D0];
	(pc) =	sbr.rel @p2 .LBB2_9-.Ltmp3, $4  }
0x5c5: {  	v29 =	vld [tilespmem:$0x1F1F0];
	v5 =	vmul.f32 v5, v18;
	v12 =	vmul.f32 v10, v23  }
0x5c6: {  	v10 =	vmul.f32 v19, v23;
	v19 =	vmul.f32 v17, v24;
	v33 =	vld.idx.msk [tilespmem:v36+s4+$0x0], $0xffff  }
0x5c7: {  	v17 =	vmul.f32 v21, v23;
	v21 =	vmul.f32 v22, v23;
	v22 =	vld [tilespmem:$0x1F260]  }
0x5c8: {  	s30 =	sadd.s32 $0x20, s30;
	v7 =	vmul.f32 v7, v20;
	v6 =	vmul.f32 v6, v20;
	v16 =	vadd.f32 v19, v16;
	v19 =	vld [tilespmem:$0x1F250]  }
0x5c9: {  	_ =	sdelay $0x3  }
0x5ca: {  	v36 =	vld.idx.msk [tilespmem:v54+s4+$0x0], $0xffff  }
0x5cb: {  	v55 =	vld.idx.msk [tilespmem:v55+s4+$0x0], $0xffff  }
0x5cc: {  	v54 =	vld.idx.msk [tilespmem:v34+s4+$0x0], $0xffff  }
0x5cd: {  	v34 =	vld.idx.msk [tilespmem:v35+s4+$0x0], $0xffff  }
0x5ce: {  	v35 =	vld.idx.msk [tilespmem:v1+s4+$0x0], $0xffff  }
0x5cf: {  	v51 =	vld.idx.msk [tilespmem:v51+s4+$0x0], $0xffff  }
0x5d0: {  	v52 =	vld.idx.msk [tilespmem:v52+s4+$0x0], $0xffff  }
0x5d1: {  	v42 =	vld.idx.msk [tilespmem:v42+s4+$0x0], $0xffff  }
0x5d2: {  	v43 =	vld.idx.msk [tilespmem:v43+s4+$0x0], $0xffff  }
0x5d3: {  	v31 =	vld.idx.msk [tilespmem:v31+s4+$0x0], $0xffff  }
0x5d4: {  	v29 =	vld.idx.msk [tilespmem:v29+s4+$0x0], $0xffff  }
0x5d5: {  	v37 =	vld.idx.msk [tilespmem:v37+s4+$0x0], $0xffff  }
0x5d6: {  	[tilespmem:$0x1EF80] =	vst v36;
	v36 =	vld.idx.msk [tilespmem:v63+s4+$0x0], $0xffff  }
0x5d7: {  	v63 =	vld [tilespmem:$0x1F3F0]  }
0x5d8: {  	[tilespmem:$0x1EFC0] =	vst v31;
	v31 =	vld.idx.msk [tilespmem:v27+s4+$0x0], $0xffff  }
0x5d9: {  	[tilespmem:$0x1EFB0] =	vst v29;
	v29 =	vld.idx.msk [tilespmem:v22+s4+$0x0], $0xffff  }
0x5da: {  	v27 =	vld [tilespmem:$0x1BB50]  }
0x5db: {  	[tilespmem:$0x1EF90] =	vst v55;
	v55 =	vld.idx.msk [tilespmem:v60+s4+$0x0], $0xffff  }
0x5dc: {  	v22 =	vld [tilespmem:$0x1BB30]  }
0x5dd: {  	v60 =	vld.idx.msk [tilespmem:v61+s4+$0x0], $0xffff  }
0x5de: {  	[tilespmem:$0x1EFE0] =	vst v29;
	v29 =	vld [tilespmem:$0x1BB60]  }
0x5df: {  	v61 =	vld.idx.msk [tilespmem:v63+s4+$0x0], $0xffff  }
0x5e0: {  	v63 =	vld.idx.msk [tilespmem:v19+s4+$0x0], $0xffff  }
0x5e1: {  	v19 =	vld [tilespmem:$0x1F3C0]  }
0x5e2: {  	v27 =	vld.idx.msk [tilespmem:v27+s4+$0x0], $0xffff  }
0x5e3: {  	v10 =	vadd.f32 v10, v15;
	v15 =	vld [tilespmem:$0x1BD50]  }
0x5e4: {  	v22 =	vld.idx.msk [tilespmem:v22+s4+$0x0], $0xffff  }
0x5e5: {  	v7 =	vadd.f32 v7, v10;
	v10 =	vld [tilespmem:$0x1BD20]  }
0x5e6: {  	[tilespmem:$0x1F000] =	vst v31;
	v31 =	vld [tilespmem:$0x1BB00]  }
0x5e7: {  	[tilespmem:$0x1F060] =	vst v27;
	v27 =	vld [tilespmem:$0x1BBC0]  }
0x5e8: {  	v29 =	vld.idx.msk [tilespmem:v29+s4+$0x0], $0xffff  }
0x5e9: {  	[tilespmem:$0x1F040] =	vst v22;
	v22 =	vld [tilespmem:$0x1BBA0]  }
0x5ea: {  	v1 =	vld.idx.msk [tilespmem:v19+s4+$0x0], $0xffff  }
0x5eb: {  	v19 =	vld.idx.msk [tilespmem:v30+s4+$0x0], $0xffff  }
0x5ec: {  	v30 =	vld.idx.msk [tilespmem:v26+s4+$0x0], $0xffff  }
0x5ed: {  	v26 =	vld [tilespmem:$0x1BB40]  }
0x5ee: {  	[tilespmem:$0x1F070] =	vst v29;
	v29 =	vld [tilespmem:$0x1BBD0]  }
0x5ef: {  	[tilespmem:$0x1EFA0] =	vst v1;
	v1 =	vld [tilespmem:$0x1BB10]  }
0x5f0: {  	[tilespmem:$0x1EFD0] =	vst v19;
	v19 =	vld [tilespmem:$0x1BB20]  }
0x5f1: {  	v27 =	vld.idx.msk [tilespmem:v27+s4+$0x0], $0xffff  }
0x5f2: {  	[tilespmem:$0x1EFF0] =	vst v30;
	v30 =	vld [tilespmem:$0x1BB70]  }
0x5f3: {  	v22 =	vld.idx.msk [tilespmem:v22+s4+$0x0], $0xffff  }
0x5f4: {  	v31 =	vld.idx.msk [tilespmem:v31+s4+$0x0], $0xffff  }
0x5f5: {  	v26 =	vld.idx.msk [tilespmem:v26+s4+$0x0], $0xffff  }
0x5f6: {  	[tilespmem:$0x1F0D0] =	vst v27;
	v27 =	vld [tilespmem:$0x1BC40]  }
0x5f7: {  	v29 =	vld.idx.msk [tilespmem:v29+s4+$0x0], $0xffff  }
0x5f8: {  	[tilespmem:$0x1F0B0] =	vst v22;
	v22 =	vld [tilespmem:$0x1BC20]  }
0x5f9: {  	v1 =	vld.idx.msk [tilespmem:v1+s4+$0x0], $0xffff  }
0x5fa: {  	v19 =	vld.idx.msk [tilespmem:v19+s4+$0x0], $0xffff  }
0x5fb: {  	[tilespmem:$0x1F010] =	vst v31;
	v31 =	vld.idx.msk [tilespmem:v30+s4+$0x0], $0xffff  }
0x5fc: {  	[tilespmem:$0x1F050] =	vst v26;
	v26 =	vld [tilespmem:$0x1BBB0]  }
0x5fd: {  	v30 =	vld [tilespmem:$0x1BBE0]  }
0x5fe: {  	[tilespmem:$0x1F0E0] =	vst v29;
	v29 =	vld [tilespmem:$0x1BC50]  }
0x5ff: {  	[tilespmem:$0x1F020] =	vst v1;
	v1 =	vld [tilespmem:$0x1BB80]  }
0x600: {  	[tilespmem:$0x1F030] =	vst v19;
	v19 =	vld [tilespmem:$0x1BB90]  }
0x601: {  	[tilespmem:$0x1F080] =	vst v31;
	v31 =	vld [tilespmem:$0x1BBF0]  }
0x602: {  	v22 =	vld.idx.msk [tilespmem:v22+s4+$0x0], $0xffff  }
0x603: {  	v27 =	vld.idx.msk [tilespmem:v27+s4+$0x0], $0xffff  }
0x604: {  	v26 =	vld.idx.msk [tilespmem:v26+s4+$0x0], $0xffff  }
0x605: {  	v30 =	vld.idx.msk [tilespmem:v30+s4+$0x0], $0xffff  }
0x606: {  	v29 =	vld.idx.msk [tilespmem:v29+s4+$0x0], $0xffff  }
0x607: {  	[tilespmem:$0x1F130] =	vst v22;
	v22 =	vld [tilespmem:$0x1BCA0]  }
0x608: {  	v19 =	vld.idx.msk [tilespmem:v19+s4+$0x0], $0xffff  }
0x609: {  	[tilespmem:$0x1F0C0] =	vst v26;
	v26 =	vld [tilespmem:$0x1BC30]  }
0x60a: {  	v1 =	vld.idx.msk [tilespmem:v1+s4+$0x0], $0xffff  }
0x60b: {  	v31 =	vld.idx.msk [tilespmem:v31+s4+$0x0], $0xffff  }
0x60c: {  	[tilespmem:$0x1F0F0] =	vst v30;
	v30 =	vld [tilespmem:$0x1BC60]  }
0x60d: {  	[tilespmem:$0x1F0A0] =	vst v19;
	v19 =	vld [tilespmem:$0x1BC10]  }
0x60e: {  	[tilespmem:$0x1F150] =	vst v27;
	v27 =	vld [tilespmem:$0x1BCC0]  }
0x60f: {  	[tilespmem:$0x1F090] =	vst v1;
	v1 =	vld [tilespmem:$0x1BC00]  }
0x610: {  	[tilespmem:$0x1F160] =	vst v29;
	v29 =	vld [tilespmem:$0x1BCD0]  }
0x611: {  	v26 =	vld.idx.msk [tilespmem:v26+s4+$0x0], $0xffff  }
0x612: {  	[tilespmem:$0x1F100] =	vst v31;
	v31 =	vld [tilespmem:$0x1BC70]  }
0x613: {  	v0 =	vadd.f32 v17, v0;
	v17 =	vld.idx.msk [tilespmem:v22+s4+$0x0], $0xffff  }
0x614: {  	v30 =	vld.idx.msk [tilespmem:v30+s4+$0x0], $0xffff  }
0x615: {  	v19 =	vld.idx.msk [tilespmem:v19+s4+$0x0], $0xffff  }
0x616: {  	v48 =	vmul.f32 v48, v20;
	[tilespmem:$0x1F140] =	vst v26;
	v26 =	vld [tilespmem:$0x1BCB0]  }
0x617: {  	v1 =	vld.idx.msk [tilespmem:v1+s4+$0x0], $0xffff  }
0x618: {  	v0 =	vadd.f32 v48, v0;
	v48 =	vld.idx.msk [tilespmem:v29+s4+$0x0], $0xffff  }
0x619: {  	[tilespmem:$0x1F170] =	vst v30;
	v30 =	vld [tilespmem:$0x1BCE0]  }
0x61a: {  	v31 =	vld.idx.msk [tilespmem:v31+s4+$0x0], $0xffff  }
0x61b: {  	[tilespmem:$0x1F120] =	vst v19;
	v19 =	vld [tilespmem:$0x1BC90]  }
0x61c: {  	[tilespmem:$0x1F110] =	vst v1;
	v1 =	vld [tilespmem:$0x1BC80]  }
0x61d: {  	v29 =	vadd.f32 v5, v7;
	v7 =	vld [tilespmem:$0x1BD10]  }
0x61e: {  	v22 =	vld.idx.msk [tilespmem:v26+s4+$0x0], $0xffff;
	v26 =	vmul.f32 v50, v18  }
0x61f: {  	[tilespmem:$0x1F1B0] =	vst v17;
	v17 =	vld [tilespmem:$0x1BD60]  }
0x620: {  	[tilespmem:$0x1F180] =	vst v31;
	v31 =	vld [tilespmem:$0x1BCF0];
	v0 =	vadd.f32 v26, v0  }
0x621: {  	v50 =	vld.idx.msk [tilespmem:v30+s4+$0x0], $0xffff  }
0x622: {  	v0 =	vadd.f32 v58, v0;
	v58 =	vmul.f32 v54, v24;
	v54 =	vld [tilespmem:$0x1EF90]  }
0x623: {  	v19 =	vld.idx.msk [tilespmem:v19+s4+$0x0], $0xffff  }
0x624: {  	v1 =	vld.idx.msk [tilespmem:v1+s4+$0x0], $0xffff  }
0x625: {  	[tilespmem:$0x1F1C0] =	vst v22;
	v22 =	vld [tilespmem:$0x1EFA0];
	v0 =	vadd.f32 v46, v0  }
0x626: {  	v46 =	vld [tilespmem:$0x1F550]  }
0x627: {  	v0 =	vadd.f32 v40, v0;
	v40 =	vld [tilespmem:$0x1F500]  }
0x628: {  	[tilespmem:$0x1F1A0] =	vst v19;
	v19 =	vadd.f32 v21, v16;
	v21 =	vmul.f32 v49, v20;
	v49 =	vld.idx.msk [tilespmem:v27+s4+$0x0], $0xffff  }
0x629: {  	[tilespmem:$0x1F190] =	vst v1;
	v1 =	vadd.f32 v12, v14;
	v27 =	vmul.f32 v53, v18;
	v53 =	vld.idx.msk [tilespmem:v31+s4+$0x0], $0xffff  }
0x62a: {  	v31 =	vld [tilespmem:$0x1BD00]  }
0x62b: {  	v12 =	vld [tilespmem:$0x1BD30];
	v1 =	vadd.f32 v6, v1  }
0x62c: {  	v14 =	vld [tilespmem:$0x1BD40];
	v6 =	vadd.f32 v21, v19  }
0x62d: {  	v1 =	vadd.f32 v4, v1;
	v4 =	vadd.f32 v57, v29;
	v57 =	vld [tilespmem:$0x1F320]  }
0x62e: {  	v30 =	vadd.f32 v27, v6;
	v6 =	vadd.f32 v58, v40;
	v58 =	vmul.f32 v33, v18;
	v33 =	vld [tilespmem:$0x1EFB0]  }
0x62f: {  	v40 =	vld [tilespmem:$0x1EFE0]  }
0x630: {  	v5 =	vadd.f32 v59, v30;
	v59 =	vmul.f32 v34, v24;
	v34 =	vld [tilespmem:$0x1BD70]  }
0x631: {  	v1 =	vadd.f32 v56, v1;
	v56 =	vmul.f32 v36, v24;
	v36 =	vmul.f32 v35, v24;
	v24 =	vld.idx.msk [tilespmem:v7+s4+$0x0], $0xffff  }
0x632: {  	v4 =	vadd.f32 v45, v4;
	v45 =	vld [tilespmem:$0x1F530]  }
0x633: {  	v30 =	vld.idx.msk [tilespmem:v17+s4+$0x0], $0xffff  }
0x634: {  	v35 =	vld [tilespmem:$0x1EFC0]  }
0x635: {  	v5 =	vadd.f32 v47, v5;
	v47 =	vld [tilespmem:$0x1F300]  }
0x636: {  	v4 =	vadd.f32 v39, v4;
	v39 =	vld [tilespmem:$0x1F4D0]  }
0x637: {  	v29 =	vld.idx.msk [tilespmem:v14+s4+$0x0], $0xffff  }
0x638: {  	v1 =	vadd.f32 v44, v1;
	v44 =	vmul.f32 v60, v23;
	v60 =	vmul.f32 v37, v18;
	v37 =	vld [tilespmem:$0x1BDB0]  }
0x639: {  	v21 =	vadd.f32 v36, v46;
	v46 =	vld [tilespmem:$0x1BDE0]  }
0x63a: {  	v0 =	vadd.f32 v57, v0;
	v57 =	vmul.f32 v32, v18;
	v32 =	vld [tilespmem:$0x1BD90]  }
0x63b: {  	v1 =	vadd.f32 v38, v1;
	v38 =	vld [tilespmem:$0x1F340]  }
0x63c: {  	v5 =	vadd.f32 v41, v5;
	v41 =	vmul.f32 v55, v23;
	v55 =	vmul.f32 v42, v20;
	v42 =	vld [tilespmem:$0x1BDD0]  }
0x63d: {  	v6 =	vadd.f32 v44, v6;
	v44 =	vld [tilespmem:$0x1F430]  }
0x63e: {  	v7 =	vadd.f32 v59, v45;
	v59 =	vmul.f32 v61, v18;
	v61 =	vmul.f32 v63, v13;
	v63 =	vld [tilespmem:$0x1BD80]  }
0x63f: {  	v36 =	vmul.f32 v35, v11;
	v35 =	vld [tilespmem:$0x1F080]  }
0x640: {  	v19 =	vmul.f32 v54, v20;
	v1 =	vadd.f32 v28, v1;
	v28 =	vld.idx.msk [tilespmem:v10+s4+$0x0], $0xffff  }
0x641: {  	v16 =	vadd.f32 v47, v4;
	v47 =	vmul.f32 v51, v23;
	v51 =	vmul.f32 v52, v23;
	v23 =	vld.idx.msk [tilespmem:v12+s4+$0x0], $0xffff  }
0x642: {  	v52 =	vld [tilespmem:$0x1EF80]  }
0x643: {  	v6 =	vadd.f32 v19, v6;
	v4 =	vadd.f32 v56, v39;
	v39 =	vld [tilespmem:$0x1EFD0]  }
0x644: {  	v56 =	vmul.f32 v43, v20;
	v43 =	vld [tilespmem:$0x1F410]  }
0x645: {  	v6 =	vadd.f32 v58, v6;
	v58 =	vld [tilespmem:$0x1F020]  }
0x646: {  	v27 =	vadd.f32 v38, v5;
	v5 =	vld.idx.msk [tilespmem:v31+s4+$0x0], $0xffff  }
0x647: {  	v31 =	vld.idx.msk [tilespmem:v34+s4+$0x0], $0xffff  }
0x648: {  	v34 =	vld [tilespmem:$0x1BDA0]  }
0x649: {  	v38 =	vld [tilespmem:$0x1BDC0]  }
0x64a: {  	v7 =	vadd.f32 v47, v7;
	v47 =	vld [tilespmem:$0x1EFF0]  }
0x64b: {  	v10 =	vadd.f32 v51, v21;
	v51 =	vld [tilespmem:$0x1BDF0]  }
0x64c: {  	v4 =	vadd.f32 v41, v4;
	v41 =	vmul.f32 v40, v3;
	v40 =	vld [tilespmem:$0x1F0D0]  }
0x64d: {  	v6 =	vadd.f32 v62, v6;
	v62 =	vld [tilespmem:$0x1F060]  }
0x64e: {  	v19 =	vld.idx.msk [tilespmem:v46+s4+$0x0], $0xffff  }
0x64f: {  	v46 =	vld [tilespmem:$0x1F100]  }
0x650: {  	v7 =	vadd.f32 v55, v7;
	v55 =	vld [tilespmem:$0x1F360]  }
0x651: {  	v10 =	vadd.f32 v56, v10;
	v56 =	vld [tilespmem:$0x1F010]  }
0x652: {  	v17 =	vld.idx.msk [tilespmem:v32+s4+$0x0], $0xffff  }
0x653: {  	v12 =	vmul.f32 v52, v20;
	v20 =	vld.idx.msk [tilespmem:v15+s4+$0x0], $0xffff  }
0x654: {  	v52 =	vld [tilespmem:$0x1F000]  }
0x655: {  	v26 =	vmul.f32 v22, v13;
	v13 =	vld.idx.msk [tilespmem:v42+s4+$0x0], $0xffff  }
0x656: {  	v14 =	vmul.f32 v33, v11;
	v11 =	vmul.f32 v39, v3;
	v39 =	vld [tilespmem:$0x1F0C0]  }
0x657: {  	v42 =	vld [tilespmem:$0x1F0E0]  }
0x658: {  	v15 =	vld.idx.msk [tilespmem:v63+s4+$0x0], $0xffff  }
0x659: {  	v6 =	vadd.f32 v8, v6;
	v7 =	vadd.f32 v59, v7;
	v59 =	vld [tilespmem:$0x1F030]  }
0x65a: {  	v10 =	vadd.f32 v60, v10;
	v60 =	vld [tilespmem:$0x1F040]  }
0x65b: {  	v4 =	vadd.f32 v12, v4;
	v6 =	vadd.f32 v44, v6;
	v44 =	vld [tilespmem:$0x1BE20]  }
0x65c: {  	v7 =	vadd.f32 v61, v7;
	v61 =	vld [tilespmem:$0x1F050]  }
0x65d: {  	v12 =	vadd.f32 v57, v4;
	v4 =	vld [tilespmem:$0x1C1B8]  }
0x65e: {  	v57 =	vld [tilespmem:$0x1F380]  }
0x65f: {  	v18 =	vld.idx.msk [tilespmem:v34+s4+$0x0], $0xffff  }
0x660: {  	v10 =	vadd.f32 v26, v10;
	v8 =	vld.idx.msk [tilespmem:v38+s4+$0x0], $0xffff  }
0x661: {  	v34 =	vld [tilespmem:$0x1F070]  }
0x662: {  	v10 =	vadd.f32 v36, v10;
	v36 =	vld [tilespmem:$0x1F090]  }
0x663: {  	v38 =	vld [tilespmem:$0x1F0B0]  }
0x664: {  	v54 =	vmul.f32 v52, v2;
	v52 =	vld [tilespmem:$0x1F120]  }
0x665: {  	v7 =	vadd.f32 v14, v7;
	v3 =	vadd.f32 v41, v10;
	v10 =	vld.idx.msk [tilespmem:v51+s4+$0x0], $0xffff  }
0x666: {  	v12 =	vadd.f32 v25, v12;
	v41 =	vld [tilespmem:$0x1BE10]  }
0x667: {  	v7 =	vadd.f32 v11, v7;
	v11 =	vmul.f32 v47, v2;
	v47 =	vld [tilespmem:$0x1BE30]  }
0x668: {  	v51 =	vld [tilespmem:$0x1F110];
	v9 =	vadd.f32 v9, v12  }
0x669: {  	v12 =	vld.idx.msk [tilespmem:v37+s4+$0x0], $0xffff;
	v45 =	vbroadcast v4, $0x8;
	v7 =	vadd.f32 v11, v7  }
0x66a: {  	v37 =	vld [tilespmem:$0x1F0A0];
	v63 =	vbroadcast v4, $0x9;
	v9 =	vadd.f32 v43, v9;
	v43 =	vbroadcast v4, $0xA  }
0x66b: {  	v2 =	vadd.f32 v54, v3;
	v54 =	vld [tilespmem:$0x1BE40];
	v21 =	vmul.f32 v56, v45;
	v11 =	vmul.f32 v58, v45  }
0x66c: {  	v6 =	vadd.f32 v57, v6;
	v57 =	vld [tilespmem:$0x1F140];
	v3 =	vmul.f32 v59, v45;
	v14 =	vmul.f32 v36, v63  }
0x66d: {  	v25 =	vmul.f32 v38, v63;
	v22 =	vmul.f32 v46, v63;
	v56 =	vld [tilespmem:$0x1BE50]  }
0x66e: {  	v58 =	vld [tilespmem:$0x1BE60];
	v9 =	vadd.f32 v55, v9;
	v1 =	vadd.f32 v21, v1;
	v21 =	vmul.f32 v61, v45  }
0x66f: {  	v59 =	vld [tilespmem:$0x1F150];
	v33 =	vmul.f32 v52, v43;
	v0 =	vadd.f32 v3, v0;
	v3 =	vmul.f32 v62, v45  }
0x670: {  	v11 =	vadd.f32 v11, v16;
	v61 =	vld [tilespmem:$0x1BE70];
	v9 =	vadd.f32 v21, v9;
	v21 =	vmul.f32 v34, v45  }
0x671: {  	v38 =	vld [tilespmem:$0x1F180];
	v16 =	vmul.f32 v60, v45;
	v3 =	vadd.f32 v3, v6;
	v6 =	vmul.f32 v35, v45  }
0x672: {  	v60 =	vbroadcast v4, $0xB;
	v45 =	vld [tilespmem:$0x1F0F0];
	v7 =	vadd.f32 v21, v7;
	v21 =	vmul.f32 v37, v63  }
0x673: {  	v55 =	vld [tilespmem:$0x1F130];
	v16 =	vadd.f32 v16, v27;
	v2 =	vadd.f32 v6, v2;
	v6 =	vmul.f32 v39, v63  }
0x674: {  	v27 =	vld.idx.msk [tilespmem:v44+s4+$0x0], $0xffff;
	v44 =	vmul.f32 v48, v60;
	v11 =	vadd.f32 v21, v11;
	v21 =	vmul.f32 v40, v63  }
0x675: {  	v46 =	vmul.f32 v50, v60;
	v39 =	vld [tilespmem:$0x1F190];
	v6 =	vadd.f32 v6, v16;
	v16 =	vmul.f32 v42, v63  }
0x676: {  	v2 =	vadd.f32 v22, v2;
	v22 =	vld.idx.msk [tilespmem:v56+s4+$0x0], $0xffff;
	v56 =	vbroadcast v4, $0xD;
	v9 =	vadd.f32 v21, v9  }
0x677: {  	v52 =	vld [tilespmem:$0x1BE90];
	v21 =	vmul.f32 v45, v63;
	v3 =	vadd.f32 v16, v3;
	v16 =	vmul.f32 v51, v43  }
0x678: {  	v11 =	vadd.f32 v33, v11;
	v45 =	vbroadcast v4, $0xC;
	v33 =	vld.idx.msk [tilespmem:v61+s4+$0x0], $0xffff;
	v61 =	vmul.f32 v15, v56  }
0x679: {  	v62 =	vld [tilespmem:$0x1F160];
	v1 =	vadd.f32 v14, v1;
	v36 =	vmul.f32 v12, v56;
	v8 =	vmul.f32 v8, v56  }
0x67a: {  	v14 =	vld [tilespmem:$0x1BE00];
	v0 =	vadd.f32 v25, v0;
	v13 =	vmul.f32 v13, v56;
	v26 =	vmul.f32 v39, v60  }
0x67b: {  	v25 =	vld.idx.msk [tilespmem:v41+s4+$0x0], $0xffff;
	v39 =	vmul.f32 v19, v56;
	v7 =	vadd.f32 v21, v7;
	v21 =	vmul.f32 v55, v43  }
0x67c: {  	v40 =	vld [tilespmem:$0x1F1A0];
	v1 =	vadd.f32 v16, v1;
	v16 =	vmul.f32 v57, v43;
	v5 =	vmul.f32 v5, v45  }
0x67d: {  	v63 =	vld [tilespmem:$0x1F170];
	v48 =	vmul.f32 v24, v45;
	v51 =	vmul.f32 v23, v45  }
0x67e: {  	v32 =	vld.idx.msk [tilespmem:v58+s4+$0x0], $0xffff;
	v55 =	vmul.f32 v20, v45;
	v58 =	vmul.f32 v30, v45;
	v0 =	vadd.f32 v21, v0  }
0x67f: {  	v41 =	vld [tilespmem:$0x1F1B0];
	v21 =	vmul.f32 v59, v43;
	v6 =	vadd.f32 v16, v6;
	v16 =	vmul.f32 v62, v43  }
0x680: {  	v1 =	vadd.f32 v26, v1;
	v26 =	vld.idx.msk [tilespmem:v47+s4+$0x0], $0xffff;
	v47 =	vmul.f32 v53, v60;
	v53 =	vmul.f32 v29, v45  }
0x681: {  	v50 =	vld [tilespmem:$0x1BE80];
	v59 =	vmul.f32 v31, v45;
	v62 =	vmul.f32 v17, v56  }
0x682: {  	v42 =	vld [tilespmem:$0x1F1C0];
	v29 =	vmul.f32 v18, v56;
	v37 =	vmul.f32 v63, v43;
	v9 =	vadd.f32 v21, v9  }
0x683: {  	v34 =	vld.idx.msk [tilespmem:v54+s4+$0x0], $0xffff;
	v21 =	vmul.f32 v38, v43;
	v3 =	vadd.f32 v16, v3;
	v16 =	vmul.f32 v40, v60  }
0x684: {  	v54 =	vld [tilespmem:$0x1BEA0];
	v43 =	vmul.f32 v49, v60;
	v49 =	vmul.f32 v28, v45  }
0x685: {  	v14 =	vld.idx.msk [tilespmem:v14+s4+$0x0], $0xffff;
	v1 =	vadd.f32 v5, v1;
	v40 =	vbroadcast v4, $0xE;
	v7 =	vadd.f32 v37, v7  }
0x686: {  	v57 =	vld [tilespmem:$0x1BEB0];
	v2 =	vadd.f32 v21, v2;
	v21 =	vmul.f32 v41, v60;
	v11 =	vadd.f32 v16, v11  }
0x687: {  	v31 =	vld [tilespmem:$0x1BEE0];
	v16 =	vmul.f32 v42, v60;
	v9 =	vadd.f32 v43, v9;
	v3 =	vadd.f32 v44, v3  }
0x688: {  	v63 =	vld [tilespmem:$0x1BED0];
	v4 =	vbroadcast v4, $0xF;
	v1 =	vadd.f32 v61, v1;
	v7 =	vadd.f32 v46, v7  }
0x689: {  	v38 =	vld.idx.msk [tilespmem:v50+s4+$0x0], $0xffff;
	v42 =	vmul.f32 v10, v56;
	v0 =	vadd.f32 v21, v0;
	v6 =	vadd.f32 v16, v6  }
0x68a: {  	v60 =	vld [tilespmem:$0x1BEC0];
	v44 =	vmul.f32 v14, v40;
	v2 =	vadd.f32 v47, v2;
	v11 =	vadd.f32 v48, v11  }
0x68b: {  	v37 =	vld [tilespmem:$0x1BEF0];
	v45 =	vmul.f32 v25, v40;
	v9 =	vadd.f32 v53, v9;
	v3 =	vadd.f32 v55, v3  }
0x68c: {  	v41 =	vld.idx.msk [tilespmem:v52+s4+$0x0], $0xffff;
	v47 =	vmul.f32 v27, v40;
	v1 =	vadd.f32 v44, v1;
	v7 =	vadd.f32 v58, v7  }
0x68d: {  	v43 =	vld.idx.msk [tilespmem:v54+s4+$0x0], $0xffff;
	v53 =	vmul.f32 v22, v40;
	v0 =	vadd.f32 v49, v0;
	v5 =	vadd.f32 v51, v6  }
0x68e: {  	v46 =	vld.idx.msk [tilespmem:v57+s4+$0x0], $0xffff;
	v57 =	vmul.f32 v32, v40;
	v2 =	vadd.f32 v59, v2;
	v35 =	vadd.f32 v62, v11  }
0x68f: {  	v15 =	vmul.f32 v38, v4;
	v8 =	vadd.f32 v8, v9;
	v3 =	vadd.f32 v13, v3  }
0x690: {  	v49 =	vmul.f32 v26, v40;
	v51 =	vmul.f32 v34, v40;
	v7 =	vadd.f32 v39, v7;
	v50 =	vld.idx.msk [tilespmem:v63+s4+$0x0], $0xffff  }
0x691: {  	s0 =	sadd.s32 @!p1 s28, s13;
	v52 =	vld.idx.msk [tilespmem:v31+s4+$0x0], $0xffff;
	v59 =	vmul.f32 v33, v40;
	v1 =	vadd.f32 v15, v1;
	v0 =	vadd.f32 v29, v0  }
0x692: {  	s29 =	simm.s32 @!p1 $0x400;
	s30 =	simm.s32 @!p1 $0x20000;
	s31 =	simm.s32 @!p1 $0x1A300;
	v54 =	vmul.f32 v41, v4;
	v5 =	vadd.f32 v36, v5;
	v6 =	vadd.f32 v45, v35;
	v48 =	vld.idx.msk [tilespmem:v60+s4+$0x0], $0xffff  }
0x693: {  	v55 =	vmul.f32 v43, v4;
	v2 =	vadd.f32 v42, v2;
	v12 =	vld.idx.msk [tilespmem:v37+s4+$0x0], $0xffff;
	v0 =	vadd.f32 v47, v0;
	[tilespmem:s31], [sflag:$0x2] =	stream.strided.gather @!p1 [hbm4b:s0+s29], $0x1800, s30, s29, $0x38  }
0x694: {  	v56 =	vmul.f32 v46, v4;
	v5 =	vadd.f32 v49, v5;
	v6 =	vadd.f32 v54, v6;
	s31 =	sand.u32 $0x3FFFFF80, s28  }
0x695: {  	v3 =	vadd.f32 v53, v3;
	[tilespmem:s31+$0x1BF00] =	vst v1;
	v0 =	vadd.f32 v55, v0;
	v60 =	vmul.f32 v50, v4  }
0x696: {  	s26 =	sadd.s32 $0x1, s26;
	v1 =	vadd.f32 v57, v7;
	v62 =	vmul.f32 v52, v4;
	v5 =	vadd.f32 v56, v5;
	[tilespmem:s31+$0x1BF10] =	vst v6  }
0x697: {  	v8 =	vadd.f32 v51, v8;
	p1 =	sne.s32 s26, $0x4;
	[tilespmem:s31+$0x1BF20] =	vst v0;
	v3 =	vadd.f32 v60, v3;
	v58 =	vmul.f32 v48, v4  }
.Ltmp4:
0x698: {  	v2 =	vadd.f32 v59, v2;
	[tilespmem:s31+$0x1BF30] =	vst v5;
	v0 =	vadd.f32 v62, v1;
	v4 =	vmul.f32 v12, v4;
	(pc) =	sbr.rel @p1 .LBB2_2-.Ltmp4, $4  }
0x699: {  	[tilespmem:s31+$0x1BF50] =	vst v3;
	v61 =	vadd.f32 v58, v8  }
0x69a: {  	[tilespmem:s31+$0x1BF60] =	vst v0;
	v63 =	vadd.f32 v4, v2  }
0x69b: {  	[tilespmem:s31+$0x1BF40] =	vst v61  }
0x69c: {  	[tilespmem:s31+$0x1BF70] =	vst v63  }
0x69d: {  	s25 =	sadd.s32 $0x1, s25  }
0x69e: {  	p1 =	sne.s32 s25, s15  }
.Ltmp5:
0x69f: {  	_ = 	snop;
	(pc) =	sbr.rel @p1 .LBB2_1-.Ltmp5, $4  }
0x6a0: {  	[hbm4b:s14+s4] =	stream.linear.scatter [tilespmem:s24], [sflag:$0x3], $0x200, $0x38;
	[tilespmem:$0x1C400] =	vst v63  }
0x6a1: {  	_ =	swait.ge [sflag:s20], $0x200  }
0x6a2: {  	[sflag:s20] =	ssyncset.done $0x0  }
0x6a3: {  	[sflag:s20] =	ssyncadd.s32 $0xFFFFFE00  }
0x6a4: {  	_ =	sfence.sel $0x180000  }
0x6a5: {  	[bflag:$0x0] =	sbarrier.arrive $0xFFFF  }
0x6a6: {  	_ =	strace $0x90000047  }
0x6a7: {  	[bflag:$0x2] =	sbarrier.arrive $0xFFFF  }
0x6a8: {  	p0 =	sne.s32 s2, $0x0;
	s0 =	rddreg [dreg:$0x5]  }
0x6a9: {  	s0 =	sadd.s32 @!p0 $0x100000, s0  }
0x6aa: {  	[sflag:s0] =	ssyncadd.tile.s32 @!p0 $0x1;
	_ =	shalt  }
.Lfunc_end2:
_tile_overlayer_lowered:
.L_overlay_start_2:
0x6ab: {  	(tag) =	ssettag $0x2  }
0x6ac: {  	s0 =	rddreg [dreg:$0x0];
	s2 =	stileid.u32  }
0x6ad: {  	s1 =	rddreg [dreg:$0x1];
	p0 =	sne.s32 s2, $0x0  }
0x6ae: {  	s3 =	rddreg [dreg:$0x2];
	[bflag:$0x3] =	sbarrier.arrive $0xFFFF;
	s2 =	simm.s32 @!p0 $0x1C03  }
0x6af: {  	[timem:s3], [sflag:s2] =	dma.local @!p0 [hbm:s0], s1  }
0x6b0: {  	s0 =	simm.s32 @!p0 $0x3  }
0x6b1: {  	_ =	swait.ge @!p0 [sflag:s0], s1  }
0x6b2: {  	s1 =	ssub.s32 @!p0 $0x0, s1;
	[sflag:s0] =	ssyncset.done @!p0 $0x0  }
0x6b3: {  	[sflag:s0] =	ssyncadd.s32 @!p0 s1  }
0x6b4: {  	[bflag:$0x3] =	sbarrier.arrive $0xFFFF  }
0x6b5: {  	_ =	shalt  }

</sc_bundles>
